<compile_context>
chip_gen: v7x
topology: tpu7x:2x2x1
jax: 0.10.2.dev20260603
libtpu: 0.0.44.dev20260713+nightly
codegen_flags: <defaults>
</compile_context>

<pallas_src>
import functools

import jax
import jax.numpy as jnp
from jax import lax
from jax.experimental import pallas as pl
from jax.experimental.pallas import tpu as pltpu
from jax.experimental.pallas import tpu_sc as plsc

NC = 2
NS = 16
NW = NC * NS
LANES = 128


def _chunks(total, step):
    out = []
    s = 0
    while s < total:
        out.append((s, min(step, total - s)))
        s += step
    return out


def _sc_aggregate(bn, d, kch0, kch1, x_hbm, src_hbm, dst_hbm, agg_out,
                  deg_out, src_v, dst_v, rows_v, sem0, sem1, shared_acc):
    nrow = shared_acc.shape[0]
    c = lax.axis_index("c")
    s = lax.axis_index("s")
    wid = s * NC + c

    rz = nrow // NS
    zbase = pl.multiple_of(s * rz, 8)
    ro = -(-(bn // NS) // 8) * 8
    obase = pl.multiple_of(jnp.minimum(s * ro, bn - ro), 8)
    kchc = jnp.where(c == 0, kch0, kch1)
    ibase = c * (NS * kch0) + s * kchc

    def _fill_rows(val):
        def _f(i, _):
            r = i // 8
            j = i % 8
            rows_v[r, pl.ds(j * 16, 16)] = jnp.full((16,), val, jnp.float32)
            return _
        lax.fori_loop(0, LANES * 8, _f, None)

    def _zero_acc():
        for (off, size) in _chunks(rz, LANES):
            pltpu.sync_copy(rows_v.at[pl.ds(0, size)],
                            shared_acc.at[pl.ds(zbase + off, size)])

    def _write_out(out_hbm):
        for (off, size) in _chunks(ro, LANES):
            pltpu.sync_copy(shared_acc.at[pl.ds(obase + off, size)],
                            rows_v.at[pl.ds(0, size)])
            pltpu.sync_copy(rows_v.at[pl.ds(0, size)],
                            out_hbm.at[c, pl.ds(obase + off, size)])

    _fill_rows(0.0)
    _zero_acc()
    plsc.subcore_barrier()

    def _gather_half(h, b):
        j, hh = h // 2, h % 2
        return pltpu.async_copy(
            x_hbm.at[src_v.at[j, pl.ds(64 * hh, 64)]],
            rows_v.at[pl.ds(64 * b, 64)], sem1 if b else sem0)

    def _outer1(kb, _):
        g8 = pl.multiple_of(ibase + kb * 8, 8)
        pltpu.sync_copy(src_hbm.at[pl.ds(g8, 8)], src_v)
        pltpu.sync_copy(dst_hbm.at[pl.ds(g8, 8)], dst_v)
        cp = _gather_half(0, 0)
        for h in range(16):
            b = h % 2
            cp.wait()
            if h < 15:
                cp = _gather_half(h + 1, 1 - b)
            j, hh = h // 2, h % 2
            pltpu.sync_copy(rows_v.at[pl.ds(64 * b, 64)],
                            shared_acc.at[dst_v.at[j, pl.ds(64 * hh, 64)]],
                            add=True)
        return _
    lax.fori_loop(0, kchc // 8, _outer1, None)
    plsc.subcore_barrier()
    _write_out(agg_out)
    plsc.subcore_barrier()

    _fill_rows(0.0)
    _zero_acc()
    plsc.subcore_barrier()
    _fill_rows(1.0)

    def _outer2(kb, _):
        g8 = pl.multiple_of(ibase + kb * 8, 8)
        pltpu.sync_copy(dst_hbm.at[pl.ds(g8, 8)], dst_v)
        cps = [pltpu.async_copy(rows_v, shared_acc.at[dst_v.at[j]], sem0,
                                add=True) for j in range(8)]
        for cp in cps:
            cp.wait()
        return _
    lax.fori_loop(0, kchc // 8, _outer2, None)
    plsc.subcore_barrier()
    _write_out(deg_out)


def _tc_body(x_ref, aggp_ref, degp_ref, wsT_ref, wnT_ref, b_ref, g_ref,
             be_ref, o_ref):
    agg = aggp_ref[0] + aggp_ref[1]
    deg = degp_ref[0, :, 0:1] + degp_ref[1, :, 0:1]
    neigh = agg / jnp.maximum(deg, 1.0)
    out = jnp.dot(x_ref[...], wsT_ref[...], preferred_element_type=jnp.float32)
    out = out + jnp.dot(neigh, wnT_ref[...],
                        preferred_element_type=jnp.float32)
    out = out + b_ref[...]
    mean = jnp.mean(out, axis=-1, keepdims=True)
    var = jnp.mean((out - mean) ** 2, axis=-1, keepdims=True)
    out = (out - mean) * lax.rsqrt(var + 1e-5) * g_ref[...] + be_ref[...]
    o_ref[...] = jnp.maximum(out, 0.0)


def kernel(x, edge_index, batch_size, W_self, W_neigh, bias, ln_gamma,
           ln_beta):
    B, N, D = x.shape
    bn = B * N
    dout = W_self.shape[0]

    src, dst = edge_index[0], edge_index[1]
    zero = jnp.asarray(batch_size, src.dtype) - B
    offsets = (jnp.arange(B, dtype=src.dtype)[:, None] + zero) * N
    src_e = (src[None, :] + offsets).reshape(-1).astype(jnp.int32)
    dst_e = (dst[None, :] + offsets).reshape(-1).astype(jnp.int32)
    e_tot = src_e.shape[0]

    e_pad = -(-e_tot // (NW * LANES * 8)) * (NW * LANES * 8)
    kp = e_pad // (NS * LANES)
    kch0 = min(max(8, int(kp * 0.85) // 8 * 8), kp - 8)
    kch1 = kp - kch0
    pad = e_pad - e_tot
    nrow = -(-(bn + 1) // (NS * 8)) * (NS * 8)
    pad_dst = bn + jnp.arange(pad, dtype=jnp.int32) % (nrow - bn)
    src_p = jnp.concatenate(
        [src_e, jnp.zeros((pad,), jnp.int32)]).reshape(-1, LANES)
    dst_p = jnp.concatenate([dst_e, pad_dst]).reshape(-1, LANES)

    x_flat = x.reshape(bn, D)

    mesh = plsc.VectorSubcoreMesh(core_axis_name="c", subcore_axis_name="s",
                                  num_cores=NC, num_subcores=NS)
    agg_part, deg_part = pl.kernel(
        functools.partial(_sc_aggregate, bn, D, kch0, kch1),
        out_type=(
            jax.ShapeDtypeStruct((NC, bn, D), jnp.float32),
            jax.ShapeDtypeStruct((NC, bn, D), jnp.float32),
        ),
        mesh=mesh,
        scratch_types=[
            pltpu.VMEM((8, LANES), jnp.int32),
            pltpu.VMEM((8, LANES), jnp.int32),
            pltpu.VMEM((LANES, D), jnp.float32),
            pltpu.SemaphoreType.DMA,
            pltpu.SemaphoreType.DMA,
            pltpu.VMEM_SHARED((nrow, D), jnp.float32),
        ],
    )(x_flat, src_p, dst_p)

    r_blk = 1000
    grid = bn // r_blk
    out = pl.pallas_call(
        _tc_body,
        grid=(grid,),
        in_specs=[
            pl.BlockSpec((r_blk, D), lambda i: (i, 0)),
            pl.BlockSpec((NC, r_blk, D), lambda i: (0, i, 0)),
            pl.BlockSpec((NC, r_blk, D), lambda i: (0, i, 0)),
            pl.BlockSpec((D, dout), lambda i: (0, 0)),
            pl.BlockSpec((D, dout), lambda i: (0, 0)),
            pl.BlockSpec((1, dout), lambda i: (0, 0)),
            pl.BlockSpec((1, dout), lambda i: (0, 0)),
            pl.BlockSpec((1, dout), lambda i: (0, 0)),
        ],
        out_specs=pl.BlockSpec((r_blk, dout), lambda i: (i, 0)),
        out_shape=jax.ShapeDtypeStruct((bn, dout), jnp.float32),
    )(x_flat, agg_part, deg_part, W_self.T, W_neigh.T,
      bias.reshape(1, dout), ln_gamma.reshape(1, dout),
      ln_beta.reshape(1, dout))
    return out.reshape(B, N, dout)

# --- scband reference (transcript-rebuilt; emitter-appended) ---
"""Pipeline reference for scband-graph-sagelayer-37254546326038 (READ-ONLY COPY).

The authoritative reference and input builder live on the scoring server;
editing this copy changes nothing except your own understanding.
"""

import jax, jax.numpy as jnp
import numpy as np


def setup_inputs(seed: int = 0) -> dict:
    key = jax.random.key(seed)
    ks = jax.random.split(key, 8)
    B, N, D, E, DOUT = 1, 10000, 128, 320000, 128
    x = jax.random.normal(ks[0], (B, N, D), dtype=jnp.float32)
    edge_index = jax.random.randint(ks[1], (2, E), 0, N)
    W_self = jax.random.normal(ks[2], (DOUT, D), dtype=jnp.float32) * (1.0 / np.sqrt(D))
    W_neigh = jax.random.normal(ks[3], (DOUT, D), dtype=jnp.float32) * (1.0 / np.sqrt(D))
    bias = jnp.zeros((DOUT,), dtype=jnp.float32)
    ln_gamma = jnp.ones((DOUT,), dtype=jnp.float32)
    ln_beta = jnp.zeros((DOUT,), dtype=jnp.float32)
    return {"x": x, "edge_index": edge_index, "batch_size": B,
            "W_self": W_self, "W_neigh": W_neigh, "bias": bias,
            "ln_gamma": ln_gamma, "ln_beta": ln_beta}


def reference(x, edge_index, batch_size, W_self, W_neigh, bias, ln_gamma, ln_beta):
    B = x.shape[0]
    N = x.shape[1]
    src, dst = edge_index[0], edge_index[1]
    # expand edge index for batched disjoint graphs
    zero = jnp.asarray(batch_size, src.dtype) - B
    offsets = (jnp.arange(B, dtype=src.dtype)[:, None] + zero) * N
    src_e = (src[None, :] + offsets).reshape(-1)
    dst_e = (dst[None, :] + offsets).reshape(-1)
    x_flat = x.reshape(B * N, -1)
    gathered = x_flat[src_e]
    agg = jax.ops.segment_sum(gathered, dst_e, num_segments=B * N)
    deg = jax.ops.segment_sum(jnp.ones((src_e.shape[0], 1), dtype=x_flat.dtype), dst_e, num_segments=B * N)
    neigh = agg / jnp.clip(deg, 1.0, None)
    out = x_flat @ W_self.T + neigh @ W_neigh.T + bias
    # LayerNorm (eps = 1e-5, elementwise affine)
    mean = out.mean(axis=-1, keepdims=True)
    var = ((out - mean) ** 2).mean(axis=-1, keepdims=True)
    out = (out - mean) / jnp.sqrt(var + 1e-5) * ln_gamma + ln_beta
    out = jax.nn.relu(out)
    # dropout = 0.0 -> identity
    return out.reshape(B, N, -1)

if __name__ == "__main__":
    import jax
    _d = setup_inputs()
    print(jax.jit(kernel)(*tuple(_d.values())))

</pallas_src>

<mosaic_0001>
#map = affine_map<(d0, d1) -> (0, 0)>
#map1 = affine_map<(d0, d1) -> (0, 0, 0)>
module attributes {stable_mosaic.version = 14 : i64} {
  func.func @_sc_aggregate(%arg0: i32, %arg1: i32, %arg2: memref<10000x128xf32, #tpu.memory_space<hbm>>, %arg3: memref<2560x128xi32, #tpu.memory_space<hbm>>, %arg4: memref<2560x128xi32, #tpu.memory_space<hbm>>, %arg5: memref<2x10000x128xf32, #tpu.memory_space<hbm>>, %arg6: memref<2x10000x128xf32, #tpu.memory_space<hbm>>, %arg7: memref<8x128xi32, #tpu.memory_space<vmem>>, %arg8: memref<8x128xi32, #tpu.memory_space<vmem>>, %arg9: memref<128x128xf32, #tpu.memory_space<vmem>>, %arg10: memref<!tpu.dma_semaphore, #tpu.memory_space<semaphore_mem>>, %arg11: memref<!tpu.dma_semaphore, #tpu.memory_space<semaphore_mem>>, %arg12: memref<10112x128xf32, #tpu.memory_space<vmem_shared>>) attributes {dimension_semantics = [#tpu.dimension_semantics<core_parallel>, #tpu.dimension_semantics<subcore_parallel>], iteration_bounds = array<i64: 2, 16>, scalar_prefetch = 0 : i64, scratch_operands = 6 : i64, tpu.core_type = #tpu.core_type<sc_vector_subcore>, window_params = [{transform_indices = #map}, {transform_indices = #map}, {transform_indices = #map}, {transform_indices = #map1}, {transform_indices = #map1}]} {
    %mul3A = arith.constant 2 : i32
    %mul3A_0 = arith.muli %arg1, %mul3A : i32
    %add3A = arith.addi %mul3A_0, %arg0 : i32
    %mul3A_1 = arith.constant 632 : i32
    %mul3A_2 = arith.muli %arg1, %mul3A_1 : i32
    %multiple_of3A = tpu.assume_multiple %mul3A_2, 8 : i32
    %mul3A_3 = arith.constant 632 : i32
    %mul3A_4 = arith.muli %arg1, %mul3A_3 : i32
    %min3A = arith.constant 9368 : i32
    %min3A_5 = arith.minsi %mul3A_4, %min3A : i32
    %multiple_of3A_6 = tpu.assume_multiple %min3A_5, 8 : i32
    %eq3A = arith.constant 0 : i32
    %eq3A_7 = arith.cmpi eq, %arg0, %eq3A : i32
    %jit3A = arith.constant 136 : i32
    %jit3A_8 = arith.constant 24 : i32
    %select_n3A = arith.select %eq3A_7, %jit3A, %jit3A_8 : i32
    %mul3A_9 = arith.constant 2176 : i32
    %mul3A_10 = arith.muli %arg0, %mul3A_9 : i32
    %mul3A_11 = arith.muli %arg1, %select_n3A : i32
    %add3A_12 = arith.addi %mul3A_10, %mul3A_11 : i32
    %scan3A = arith.constant 0 : i32
    %scan3A_13 = arith.constant 1024 : i32
    %scan3A_14 = arith.addi %scan3A, %scan3A_13 : i32
    %scan3A_15 = arith.constant 1 : i32
    scf.for %scan3A_150 = %scan3A to %scan3A_14 step %scan3A_15  : i32 {
      %jit3A_151 = arith.constant 8 : i32
      %div3A_152 = arith.divsi %scan3A_150, %jit3A_151 : i32
      %sign3A_153 = arith.constant 0 : i32
      %sign3A_154 = arith.cmpi sgt, %scan3A_150, %sign3A_153 : i32
      %sign3A_155 = arith.extui %sign3A_154 : i1 to i32
      %sign3A_156 = arith.constant 0 : i32
      %sign3A_157 = arith.cmpi slt, %scan3A_150, %sign3A_156 : i32
      %sign3A_158 = arith.extui %sign3A_157 : i1 to i32
      %sign3A_159 = arith.subi %sign3A_155, %sign3A_158 : i32
      %sign3A_160 = arith.constant 0 : i32
      %sign3A_161 = arith.cmpi sgt, %jit3A_151, %sign3A_160 : i32
      %sign3A_162 = arith.extui %sign3A_161 : i1 to i32
      %sign3A_163 = arith.constant 0 : i32
      %sign3A_164 = arith.cmpi slt, %jit3A_151, %sign3A_163 : i32
      %sign3A_165 = arith.extui %sign3A_164 : i1 to i32
      %sign3A_166 = arith.subi %sign3A_162, %sign3A_165 : i32
      %ne3A_167 = arith.cmpi ne, %sign3A_159, %sign3A_166 : i32
      %rem3A_168 = arith.remsi %scan3A_150, %jit3A_151 : i32
      %ne3A_169 = arith.constant 0 : i32
      %ne3A_170 = arith.cmpi ne, %rem3A_168, %ne3A_169 : i32
      %and3A_171 = arith.andi %ne3A_167, %ne3A_170 : i1
      %sub3A_172 = arith.constant 1 : i32
      %sub3A_173 = arith.subi %div3A_152, %sub3A_172 : i32
      %select_n3A_174 = arith.select %and3A_171, %sub3A_173, %div3A_152 : i32
      %jit3A_175 = arith.constant 8 : i32
      %eq3A_176 = arith.constant 0 : i32
      %eq3A_177 = arith.cmpi eq, %jit3A_175, %eq3A_176 : i32
      %jit3A_178 = arith.constant 1 : i32
      %select_n3A_179 = arith.select %eq3A_177, %jit3A_178, %jit3A_175 : i32
      %rem3A_180 = arith.remsi %scan3A_150, %select_n3A_179 : i32
      %ne3A_181 = arith.constant 0 : i32
      %ne3A_182 = arith.cmpi ne, %rem3A_180, %ne3A_181 : i32
      %lt3A = arith.constant 0 : i32
      %lt3A_183 = arith.cmpi slt, %rem3A_180, %lt3A : i32
      %lt3A_184 = arith.constant 0 : i32
      %lt3A_185 = arith.cmpi slt, %select_n3A_179, %lt3A_184 : i32
      %ne3A_186 = arith.xori %lt3A_183, %lt3A_185 : i1
      %and3A_187 = arith.andi %ne3A_186, %ne3A_182 : i1
      %add3A_188 = arith.addi %rem3A_180, %select_n3A_179 : i32
      %select_n3A_189 = arith.select %and3A_187, %add3A_188, %rem3A_180 : i32
      %broadcast_in_dim3A = arith.constant 0.000000e+00 : f32
      %broadcast_in_dim3A_190 = vector.broadcast %broadcast_in_dim3A : f32 to vector<16xf32>
      %mul3A_191 = arith.constant 16 : i32
      %mul3A_192 = arith.muli %select_n3A_189, %mul3A_191 : i32
      %swap3A = arith.index_cast %select_n3A_174 : i32 to index
      %swap3A_193 = arith.index_cast %mul3A_192 : i32 to index
      %swap3A_194 = tpu.vector_load %arg9[%swap3A, %swap3A_193] {strides = array<i32>} : memref<128x128xf32, #tpu.memory_space<vmem>>, vector<1x16xf32>,
      %swap3A_195 = vector.shape_cast %swap3A_194 : vector<1x16xf32> to vector<16xf32>
      %swap3A_196 = vector.shape_cast %broadcast_in_dim3A_190 : vector<16xf32> to vector<1x16xf32>
      tpu.vector_store %arg9[%swap3A, %swap3A_193], %swap3A_196 {strides = array<i32>} : memref<128x128xf32, #tpu.memory_space<vmem>>, vector<1x16xf32>,
    }
    %scan3A_16 = arith.constant 1024 : i32
    %add3A_17 = arith.constant 0 : i32
    %add3A_18 = arith.addi %multiple_of3A, %add3A_17 : i32
    "tpu.region"() ({
      %run_scoped3A = tpu.sem_alloc : memref<!tpu.dma_semaphore, #tpu.memory_space<semaphore_mem>>
      %dma_start3A = arith.constant 0 : i32
      %dma_start3A_150 = arith.constant 0 : i32
      %dma_start3A_151 = tpu.memref_slice %arg9[%dma_start3A, %dma_start3A_150] : memref<128x128xf32, #tpu.memory_space<vmem>> -> memref<128x128xf32, #tpu.memory_space<vmem>>
      %dma_start3A_152 = arith.constant 0 : i32
      %dma_start3A_153 = tpu.memref_slice %arg12[%add3A_18, %dma_start3A_152] : memref<10112x128xf32, #tpu.memory_space<vmem_shared>> -> memref<128x128xf32, #tpu.memory_space<vmem_shared>>
      %dma_start3A_154 = arith.constant 0 : i32
      %dma_start3A_155 = tpu.memref_slice %arg12[%add3A_18, %dma_start3A_154] : memref<10112x128xf32, #tpu.memory_space<vmem_shared>> -> memref<128x128xf32, #tpu.memory_space<vmem_shared>>
      %dma_start3A_156 = arith.constant 0 : i32
      %dma_start3A_157 = arith.constant 0 : i32
      %dma_start3A_158 = tpu.memref_slice %arg9[%dma_start3A_156, %dma_start3A_157] : memref<128x128xf32, #tpu.memory_space<vmem>> -> memref<128x128xf32, #tpu.memory_space<vmem>>
      tpu.enqueue_dma source(%dma_start3A_158 : memref<128x128xf32, #tpu.memory_space<vmem>>) target(%dma_start3A_155 : memref<128x128xf32, #tpu.memory_space<vmem_shared>>) target_semaphore(%run_scoped3A : memref<!tpu.dma_semaphore, #tpu.memory_space<semaphore_mem>>)
      %dma_wait3A = arith.constant 0 : i32
      %dma_wait3A_159 = arith.constant 0 : i32
      %dma_wait3A_160 = tpu.memref_slice %arg9[%dma_wait3A, %dma_wait3A_159] : memref<128x128xf32, #tpu.memory_space<vmem>> -> memref<128x128xf32, #tpu.memory_space<vmem>>
      %dma_wait3A_161 = arith.constant 0 : i32
      %dma_wait3A_162 = tpu.memref_slice %arg12[%add3A_18, %dma_wait3A_161] : memref<10112x128xf32, #tpu.memory_space<vmem_shared>> -> memref<128x128xf32, #tpu.memory_space<vmem_shared>>
      %dma_wait3A_163 = arith.constant 0 : i32
      %dma_wait3A_164 = tpu.memref_slice %arg12[%add3A_18, %dma_wait3A_163] : memref<10112x128xf32, #tpu.memory_space<vmem_shared>> -> memref<128x128xf32, #tpu.memory_space<vmem_shared>>
      %dma_wait3A_165 = arith.constant 0 : i32
      %dma_wait3A_166 = arith.constant 0 : i32
      %dma_wait3A_167 = tpu.memref_slice %arg9[%dma_wait3A_165, %dma_wait3A_166] : memref<128x128xf32, #tpu.memory_space<vmem>> -> memref<128x128xf32, #tpu.memory_space<vmem>>
      tpu.wait_dma2 semaphore(%run_scoped3A : memref<!tpu.dma_semaphore, #tpu.memory_space<semaphore_mem>>) src(%dma_wait3A_167 : memref<128x128xf32, #tpu.memory_space<vmem>>) dst(%dma_wait3A_164 : memref<128x128xf32, #tpu.memory_space<vmem_shared>>)
      tpu.yield
    }) : () -> ()
    %add3A_19 = arith.constant 128 : i32
    %add3A_20 = arith.addi %multiple_of3A, %add3A_19 : i32
    "tpu.region"() ({
      %run_scoped3A = tpu.sem_alloc : memref<!tpu.dma_semaphore, #tpu.memory_space<semaphore_mem>>
      %dma_start3A = arith.constant 0 : i32
      %dma_start3A_150 = arith.constant 0 : i32
      %dma_start3A_151 = tpu.memref_slice %arg9[%dma_start3A, %dma_start3A_150] : memref<128x128xf32, #tpu.memory_space<vmem>> -> memref<128x128xf32, #tpu.memory_space<vmem>>
      %dma_start3A_152 = arith.constant 0 : i32
      %dma_start3A_153 = tpu.memref_slice %arg12[%add3A_20, %dma_start3A_152] : memref<10112x128xf32, #tpu.memory_space<vmem_shared>> -> memref<128x128xf32, #tpu.memory_space<vmem_shared>>
      %dma_start3A_154 = arith.constant 0 : i32
      %dma_start3A_155 = tpu.memref_slice %arg12[%add3A_20, %dma_start3A_154] : memref<10112x128xf32, #tpu.memory_space<vmem_shared>> -> memref<128x128xf32, #tpu.memory_space<vmem_shared>>
      %dma_start3A_156 = arith.constant 0 : i32
      %dma_start3A_157 = arith.constant 0 : i32
      %dma_start3A_158 = tpu.memref_slice %arg9[%dma_start3A_156, %dma_start3A_157] : memref<128x128xf32, #tpu.memory_space<vmem>> -> memref<128x128xf32, #tpu.memory_space<vmem>>
      tpu.enqueue_dma source(%dma_start3A_158 : memref<128x128xf32, #tpu.memory_space<vmem>>) target(%dma_start3A_155 : memref<128x128xf32, #tpu.memory_space<vmem_shared>>) target_semaphore(%run_scoped3A : memref<!tpu.dma_semaphore, #tpu.memory_space<semaphore_mem>>)
      %dma_wait3A = arith.constant 0 : i32
      %dma_wait3A_159 = arith.constant 0 : i32
      %dma_wait3A_160 = tpu.memref_slice %arg9[%dma_wait3A, %dma_wait3A_159] : memref<128x128xf32, #tpu.memory_space<vmem>> -> memref<128x128xf32, #tpu.memory_space<vmem>>
      %dma_wait3A_161 = arith.constant 0 : i32
      %dma_wait3A_162 = tpu.memref_slice %arg12[%add3A_20, %dma_wait3A_161] : memref<10112x128xf32, #tpu.memory_space<vmem_shared>> -> memref<128x128xf32, #tpu.memory_space<vmem_shared>>
      %dma_wait3A_163 = arith.constant 0 : i32
      %dma_wait3A_164 = tpu.memref_slice %arg12[%add3A_20, %dma_wait3A_163] : memref<10112x128xf32, #tpu.memory_space<vmem_shared>> -> memref<128x128xf32, #tpu.memory_space<vmem_shared>>
      %dma_wait3A_165 = arith.constant 0 : i32
      %dma_wait3A_166 = arith.constant 0 : i32
      %dma_wait3A_167 = tpu.memref_slice %arg9[%dma_wait3A_165, %dma_wait3A_166] : memref<128x128xf32, #tpu.memory_space<vmem>> -> memref<128x128xf32, #tpu.memory_space<vmem>>
      tpu.wait_dma2 semaphore(%run_scoped3A : memref<!tpu.dma_semaphore, #tpu.memory_space<semaphore_mem>>) src(%dma_wait3A_167 : memref<128x128xf32, #tpu.memory_space<vmem>>) dst(%dma_wait3A_164 : memref<128x128xf32, #tpu.memory_space<vmem_shared>>)
      tpu.yield
    }) : () -> ()
    %add3A_21 = arith.constant 256 : i32
    %add3A_22 = arith.addi %multiple_of3A, %add3A_21 : i32
    "tpu.region"() ({
      %run_scoped3A = tpu.sem_alloc : memref<!tpu.dma_semaphore, #tpu.memory_space<semaphore_mem>>
      %dma_start3A = arith.constant 0 : i32
      %dma_start3A_150 = arith.constant 0 : i32
      %dma_start3A_151 = tpu.memref_slice %arg9[%dma_start3A, %dma_start3A_150] : memref<128x128xf32, #tpu.memory_space<vmem>> -> memref<128x128xf32, #tpu.memory_space<vmem>>
      %dma_start3A_152 = arith.constant 0 : i32
      %dma_start3A_153 = tpu.memref_slice %arg12[%add3A_22, %dma_start3A_152] : memref<10112x128xf32, #tpu.memory_space<vmem_shared>> -> memref<128x128xf32, #tpu.memory_space<vmem_shared>>
      %dma_start3A_154 = arith.constant 0 : i32
      %dma_start3A_155 = tpu.memref_slice %arg12[%add3A_22, %dma_start3A_154] : memref<10112x128xf32, #tpu.memory_space<vmem_shared>> -> memref<128x128xf32, #tpu.memory_space<vmem_shared>>
      %dma_start3A_156 = arith.constant 0 : i32
      %dma_start3A_157 = arith.constant 0 : i32
      %dma_start3A_158 = tpu.memref_slice %arg9[%dma_start3A_156, %dma_start3A_157] : memref<128x128xf32, #tpu.memory_space<vmem>> -> memref<128x128xf32, #tpu.memory_space<vmem>>
      tpu.enqueue_dma source(%dma_start3A_158 : memref<128x128xf32, #tpu.memory_space<vmem>>) target(%dma_start3A_155 : memref<128x128xf32, #tpu.memory_space<vmem_shared>>) target_semaphore(%run_scoped3A : memref<!tpu.dma_semaphore, #tpu.memory_space<semaphore_mem>>)
      %dma_wait3A = arith.constant 0 : i32
      %dma_wait3A_159 = arith.constant 0 : i32
      %dma_wait3A_160 = tpu.memref_slice %arg9[%dma_wait3A, %dma_wait3A_159] : memref<128x128xf32, #tpu.memory_space<vmem>> -> memref<128x128xf32, #tpu.memory_space<vmem>>
      %dma_wait3A_161 = arith.constant 0 : i32
      %dma_wait3A_162 = tpu.memref_slice %arg12[%add3A_22, %dma_wait3A_161] : memref<10112x128xf32, #tpu.memory_space<vmem_shared>> -> memref<128x128xf32, #tpu.memory_space<vmem_shared>>
      %dma_wait3A_163 = arith.constant 0 : i32
      %dma_wait3A_164 = tpu.memref_slice %arg12[%add3A_22, %dma_wait3A_163] : memref<10112x128xf32, #tpu.memory_space<vmem_shared>> -> memref<128x128xf32, #tpu.memory_space<vmem_shared>>
      %dma_wait3A_165 = arith.constant 0 : i32
      %dma_wait3A_166 = arith.constant 0 : i32
      %dma_wait3A_167 = tpu.memref_slice %arg9[%dma_wait3A_165, %dma_wait3A_166] : memref<128x128xf32, #tpu.memory_space<vmem>> -> memref<128x128xf32, #tpu.memory_space<vmem>>
      tpu.wait_dma2 semaphore(%run_scoped3A : memref<!tpu.dma_semaphore, #tpu.memory_space<semaphore_mem>>) src(%dma_wait3A_167 : memref<128x128xf32, #tpu.memory_space<vmem>>) dst(%dma_wait3A_164 : memref<128x128xf32, #tpu.memory_space<vmem_shared>>)
      tpu.yield
    }) : () -> ()
    %add3A_23 = arith.constant 384 : i32
    %add3A_24 = arith.addi %multiple_of3A, %add3A_23 : i32
    "tpu.region"() ({
      %run_scoped3A = tpu.sem_alloc : memref<!tpu.dma_semaphore, #tpu.memory_space<semaphore_mem>>
      %dma_start3A = arith.constant 0 : i32
      %dma_start3A_150 = arith.constant 0 : i32
      %dma_start3A_151 = tpu.memref_slice %arg9[%dma_start3A, %dma_start3A_150] : memref<128x128xf32, #tpu.memory_space<vmem>> -> memref<128x128xf32, #tpu.memory_space<vmem>>
      %dma_start3A_152 = arith.constant 0 : i32
      %dma_start3A_153 = tpu.memref_slice %arg12[%add3A_24, %dma_start3A_152] : memref<10112x128xf32, #tpu.memory_space<vmem_shared>> -> memref<128x128xf32, #tpu.memory_space<vmem_shared>>
      %dma_start3A_154 = arith.constant 0 : i32
      %dma_start3A_155 = tpu.memref_slice %arg12[%add3A_24, %dma_start3A_154] : memref<10112x128xf32, #tpu.memory_space<vmem_shared>> -> memref<128x128xf32, #tpu.memory_space<vmem_shared>>
      %dma_start3A_156 = arith.constant 0 : i32
      %dma_start3A_157 = arith.constant 0 : i32
      %dma_start3A_158 = tpu.memref_slice %arg9[%dma_start3A_156, %dma_start3A_157] : memref<128x128xf32, #tpu.memory_space<vmem>> -> memref<128x128xf32, #tpu.memory_space<vmem>>
      tpu.enqueue_dma source(%dma_start3A_158 : memref<128x128xf32, #tpu.memory_space<vmem>>) target(%dma_start3A_155 : memref<128x128xf32, #tpu.memory_space<vmem_shared>>) target_semaphore(%run_scoped3A : memref<!tpu.dma_semaphore, #tpu.memory_space<semaphore_mem>>)
      %dma_wait3A = arith.constant 0 : i32
      %dma_wait3A_159 = arith.constant 0 : i32
      %dma_wait3A_160 = tpu.memref_slice %arg9[%dma_wait3A, %dma_wait3A_159] : memref<128x128xf32, #tpu.memory_space<vmem>> -> memref<128x128xf32, #tpu.memory_space<vmem>>
      %dma_wait3A_161 = arith.constant 0 : i32
      %dma_wait3A_162 = tpu.memref_slice %arg12[%add3A_24, %dma_wait3A_161] : memref<10112x128xf32, #tpu.memory_space<vmem_shared>> -> memref<128x128xf32, #tpu.memory_space<vmem_shared>>
      %dma_wait3A_163 = arith.constant 0 : i32
      %dma_wait3A_164 = tpu.memref_slice %arg12[%add3A_24, %dma_wait3A_163] : memref<10112x128xf32, #tpu.memory_space<vmem_shared>> -> memref<128x128xf32, #tpu.memory_space<vmem_shared>>
      %dma_wait3A_165 = arith.constant 0 : i32
      %dma_wait3A_166 = arith.constant 0 : i32
      %dma_wait3A_167 = tpu.memref_slice %arg9[%dma_wait3A_165, %dma_wait3A_166] : memref<128x128xf32, #tpu.memory_space<vmem>> -> memref<128x128xf32, #tpu.memory_space<vmem>>
      tpu.wait_dma2 semaphore(%run_scoped3A : memref<!tpu.dma_semaphore, #tpu.memory_space<semaphore_mem>>) src(%dma_wait3A_167 : memref<128x128xf32, #tpu.memory_space<vmem>>) dst(%dma_wait3A_164 : memref<128x128xf32, #tpu.memory_space<vmem_shared>>)
      tpu.yield
    }) : () -> ()
    %add3A_25 = arith.constant 512 : i32
    %add3A_26 = arith.addi %multiple_of3A, %add3A_25 : i32
    "tpu.region"() ({
      %run_scoped3A = tpu.sem_alloc : memref<!tpu.dma_semaphore, #tpu.memory_space<semaphore_mem>>
      %dma_start3A = arith.constant 0 : i32
      %dma_start3A_150 = arith.constant 0 : i32
      %dma_start3A_151 = tpu.memref_slice %arg9[%dma_start3A, %dma_start3A_150] : memref<128x128xf32, #tpu.memory_space<vmem>> -> memref<120x128xf32, #tpu.memory_space<vmem>>
      %dma_start3A_152 = arith.constant 0 : i32
      %dma_start3A_153 = tpu.memref_slice %arg12[%add3A_26, %dma_start3A_152] : memref<10112x128xf32, #tpu.memory_space<vmem_shared>> -> memref<120x128xf32, #tpu.memory_space<vmem_shared>>
      %dma_start3A_154 = arith.constant 0 : i32
      %dma_start3A_155 = tpu.memref_slice %arg12[%add3A_26, %dma_start3A_154] : memref<10112x128xf32, #tpu.memory_space<vmem_shared>> -> memref<120x128xf32, #tpu.memory_space<vmem_shared>>
      %dma_start3A_156 = arith.constant 0 : i32
      %dma_start3A_157 = arith.constant 0 : i32
      %dma_start3A_158 = tpu.memref_slice %arg9[%dma_start3A_156, %dma_start3A_157] : memref<128x128xf32, #tpu.memory_space<vmem>> -> memref<120x128xf32, #tpu.memory_space<vmem>>
      tpu.enqueue_dma source(%dma_start3A_158 : memref<120x128xf32, #tpu.memory_space<vmem>>) target(%dma_start3A_155 : memref<120x128xf32, #tpu.memory_space<vmem_shared>>) target_semaphore(%run_scoped3A : memref<!tpu.dma_semaphore, #tpu.memory_space<semaphore_mem>>)
      %dma_wait3A = arith.constant 0 : i32
      %dma_wait3A_159 = arith.constant 0 : i32
      %dma_wait3A_160 = tpu.memref_slice %arg9[%dma_wait3A, %dma_wait3A_159] : memref<128x128xf32, #tpu.memory_space<vmem>> -> memref<120x128xf32, #tpu.memory_space<vmem>>
      %dma_wait3A_161 = arith.constant 0 : i32
      %dma_wait3A_162 = tpu.memref_slice %arg12[%add3A_26, %dma_wait3A_161] : memref<10112x128xf32, #tpu.memory_space<vmem_shared>> -> memref<120x128xf32, #tpu.memory_space<vmem_shared>>
      %dma_wait3A_163 = arith.constant 0 : i32
      %dma_wait3A_164 = tpu.memref_slice %arg12[%add3A_26, %dma_wait3A_163] : memref<10112x128xf32, #tpu.memory_space<vmem_shared>> -> memref<120x128xf32, #tpu.memory_space<vmem_shared>>
      %dma_wait3A_165 = arith.constant 0 : i32
      %dma_wait3A_166 = arith.constant 0 : i32
      %dma_wait3A_167 = tpu.memref_slice %arg9[%dma_wait3A_165, %dma_wait3A_166] : memref<128x128xf32, #tpu.memory_space<vmem>> -> memref<120x128xf32, #tpu.memory_space<vmem>>
      tpu.wait_dma2 semaphore(%run_scoped3A : memref<!tpu.dma_semaphore, #tpu.memory_space<semaphore_mem>>) src(%dma_wait3A_167 : memref<120x128xf32, #tpu.memory_space<vmem>>) dst(%dma_wait3A_164 : memref<120x128xf32, #tpu.memory_space<vmem_shared>>)
      tpu.yield
    }) : () -> ()
    %barrier3A = arith.constant 0 : index
    tpu.barrier barrier_id(%barrier3A)
    %jit3A_27 = arith.constant 8 : i32
    %div3A = arith.divsi %select_n3A, %jit3A_27 : i32
    %sign3A = arith.constant 0 : i32
    %sign3A_28 = arith.cmpi sgt, %select_n3A, %sign3A : i32
    %sign3A_29 = arith.extui %sign3A_28 : i1 to i32
    %sign3A_30 = arith.constant 0 : i32
    %sign3A_31 = arith.cmpi slt, %select_n3A, %sign3A_30 : i32
    %sign3A_32 = arith.extui %sign3A_31 : i1 to i32
    %sign3A_33 = arith.subi %sign3A_29, %sign3A_32 : i32
    %sign3A_34 = arith.constant 0 : i32
    %sign3A_35 = arith.cmpi sgt, %jit3A_27, %sign3A_34 : i32
    %sign3A_36 = arith.extui %sign3A_35 : i1 to i32
    %sign3A_37 = arith.constant 0 : i32
    %sign3A_38 = arith.cmpi slt, %jit3A_27, %sign3A_37 : i32
    %sign3A_39 = arith.extui %sign3A_38 : i1 to i32
    %sign3A_40 = arith.subi %sign3A_36, %sign3A_39 : i32
    %ne3A = arith.cmpi ne, %sign3A_33, %sign3A_40 : i32
    %rem3A = arith.remsi %select_n3A, %jit3A_27 : i32
    %ne3A_41 = arith.constant 0 : i32
    %ne3A_42 = arith.cmpi ne, %rem3A, %ne3A_41 : i32
    %and3A = arith.andi %ne3A, %ne3A_42 : i1
    %sub3A = arith.constant 1 : i32
    %sub3A_43 = arith.subi %div3A, %sub3A : i32
    %select_n3A_44 = arith.select %and3A, %sub3A_43, %div3A : i32
    %while3A = arith.constant 0 : i32
    %while3A_45 = arith.subi %select_n3A_44, %while3A : i32
    %while3A_46 = arith.addi %while3A, %while3A_45 : i32
    %while3A_47 = arith.constant 1 : i32
    %while3A_48 = arith.divsi %while3A_45, %while3A_47 : i32
    %while3A_49 = arith.muli %while3A_48, %while3A_47 : i32
    %while3A_50 = arith.addi %while3A, %while3A_49 : i32
    %while3A_51 = arith.constant 1 : i32
    scf.for %while3A_150 = %while3A to %while3A_50 step %while3A_51  : i32 {
      %mul3A_151 = arith.constant 8 : i32
      %mul3A_152 = arith.muli %while3A_150, %mul3A_151 : i32
      %add3A_153 = arith.addi %add3A_12, %mul3A_152 : i32
      %multiple_of3A_154 = tpu.assume_multiple %add3A_153, 8 : i32
      "tpu.region"() ({
        %run_scoped3A_488 = tpu.sem_alloc : memref<!tpu.dma_semaphore, #tpu.memory_space<semaphore_mem>>
        %dma_start3A_489 = arith.constant 0 : i32
        %dma_start3A_490 = tpu.memref_slice %arg3[%multiple_of3A_154, %dma_start3A_489] : memref<2560x128xi32, #tpu.memory_space<hbm>> -> memref<8x128xi32, #tpu.memory_space<hbm>>
        %dma_start3A_491 = arith.constant 0 : i32
        %dma_start3A_492 = tpu.memref_slice %arg3[%multiple_of3A_154, %dma_start3A_491] : memref<2560x128xi32, #tpu.memory_space<hbm>> -> memref<8x128xi32, #tpu.memory_space<hbm>>
        tpu.enqueue_dma source(%dma_start3A_492 : memref<8x128xi32, #tpu.memory_space<hbm>>) target(%arg7 : memref<8x128xi32, #tpu.memory_space<vmem>>) target_semaphore(%run_scoped3A_488 : memref<!tpu.dma_semaphore, #tpu.memory_space<semaphore_mem>>)
        %dma_wait3A_493 = arith.constant 0 : i32
        %dma_wait3A_494 = tpu.memref_slice %arg3[%multiple_of3A_154, %dma_wait3A_493] : memref<2560x128xi32, #tpu.memory_space<hbm>> -> memref<8x128xi32, #tpu.memory_space<hbm>>
        %dma_wait3A_495 = arith.constant 0 : i32
        %dma_wait3A_496 = tpu.memref_slice %arg3[%multiple_of3A_154, %dma_wait3A_495] : memref<2560x128xi32, #tpu.memory_space<hbm>> -> memref<8x128xi32, #tpu.memory_space<hbm>>
        tpu.wait_dma2 semaphore(%run_scoped3A_488 : memref<!tpu.dma_semaphore, #tpu.memory_space<semaphore_mem>>) src(%dma_wait3A_496 : memref<8x128xi32, #tpu.memory_space<hbm>>) dst(%arg7 : memref<8x128xi32, #tpu.memory_space<vmem>>)
        tpu.yield
      }) : () -> ()
      "tpu.region"() ({
        %run_scoped3A_488 = tpu.sem_alloc : memref<!tpu.dma_semaphore, #tpu.memory_space<semaphore_mem>>
        %dma_start3A_489 = arith.constant 0 : i32
        %dma_start3A_490 = tpu.memref_slice %arg4[%multiple_of3A_154, %dma_start3A_489] : memref<2560x128xi32, #tpu.memory_space<hbm>> -> memref<8x128xi32, #tpu.memory_space<hbm>>
        %dma_start3A_491 = arith.constant 0 : i32
        %dma_start3A_492 = tpu.memref_slice %arg4[%multiple_of3A_154, %dma_start3A_491] : memref<2560x128xi32, #tpu.memory_space<hbm>> -> memref<8x128xi32, #tpu.memory_space<hbm>>
        tpu.enqueue_dma source(%dma_start3A_492 : memref<8x128xi32, #tpu.memory_space<hbm>>) target(%arg8 : memref<8x128xi32, #tpu.memory_space<vmem>>) target_semaphore(%run_scoped3A_488 : memref<!tpu.dma_semaphore, #tpu.memory_space<semaphore_mem>>)
        %dma_wait3A_493 = arith.constant 0 : i32
        %dma_wait3A_494 = tpu.memref_slice %arg4[%multiple_of3A_154, %dma_wait3A_493] : memref<2560x128xi32, #tpu.memory_space<hbm>> -> memref<8x128xi32, #tpu.memory_space<hbm>>
        %dma_wait3A_495 = arith.constant 0 : i32
        %dma_wait3A_496 = tpu.memref_slice %arg4[%multiple_of3A_154, %dma_wait3A_495] : memref<2560x128xi32, #tpu.memory_space<hbm>> -> memref<8x128xi32, #tpu.memory_space<hbm>>
        tpu.wait_dma2 semaphore(%run_scoped3A_488 : memref<!tpu.dma_semaphore, #tpu.memory_space<semaphore_mem>>) src(%dma_wait3A_496 : memref<8x128xi32, #tpu.memory_space<hbm>>) dst(%arg8 : memref<8x128xi32, #tpu.memory_space<vmem>>)
        tpu.yield
      }) : () -> ()
      %dma_start3A = arith.constant 0 : i32
      %dma_start3A_155 = arith.constant 0 : i32
      %dma_start3A_156 = arith.constant 0 : i32
      %dma_start3A_157 = tpu.memref_slice %arg9[%dma_start3A_155, %dma_start3A_156] : memref<128x128xf32, #tpu.memory_space<vmem>> -> memref<64x128xf32, #tpu.memory_space<vmem>>
      %dma_start3A_158 = arith.constant 0 : i32
      %dma_start3A_159 = tpu.memref_slice %arg7[%dma_start3A, %dma_start3A_158] : memref<8x128xi32, #tpu.memory_space<vmem>> -> memref<1x64xi32, #tpu.memory_space<vmem>>
      %dma_start3A_160 = tpu.memref_squeeze %dma_start3A_159 : memref<1x64xi32, #tpu.memory_space<vmem>> -> memref<64xi32, #tpu.memory_space<vmem>>
      %dma_start3A_161 = arith.constant 0 : i32
      %dma_start3A_162 = arith.constant 0 : i32
      %dma_start3A_163 = tpu.memref_slice %arg2[%dma_start3A_161, %dma_start3A_162] : memref<10000x128xf32, #tpu.memory_space<hbm>> -> memref<10000x128xf32, #tpu.memory_space<hbm>>
      tpu.enqueue_indirect_dma source(%dma_start3A_163 : memref<10000x128xf32, #tpu.memory_space<hbm>>) target(%dma_start3A_157 : memref<64x128xf32, #tpu.memory_space<vmem>>) offsets(%dma_start3A_160 : memref<64xi32, #tpu.memory_space<vmem>>) semaphore(%arg10 : memref<!tpu.dma_semaphore, #tpu.memory_space<semaphore_mem>>)
      %dma_wait3A = arith.constant 0 : i32
      %dma_wait3A_164 = arith.constant 0 : i32
      %dma_wait3A_165 = arith.constant 0 : i32
      %dma_wait3A_166 = tpu.memref_slice %arg9[%dma_wait3A_164, %dma_wait3A_165] : memref<128x128xf32, #tpu.memory_space<vmem>> -> memref<64x128xf32, #tpu.memory_space<vmem>>
      %dma_wait3A_167 = arith.constant 0 : i32
      %dma_wait3A_168 = tpu.memref_slice %arg7[%dma_wait3A, %dma_wait3A_167] : memref<8x128xi32, #tpu.memory_space<vmem>> -> memref<1x64xi32, #tpu.memory_space<vmem>>
      %dma_wait3A_169 = tpu.memref_squeeze %dma_wait3A_168 : memref<1x64xi32, #tpu.memory_space<vmem>> -> memref<64xi32, #tpu.memory_space<vmem>>
      %dma_wait3A_170 = arith.constant 0 : i32
      %dma_wait3A_171 = arith.constant 0 : i32
      %dma_wait3A_172 = tpu.memref_slice %arg2[%dma_wait3A_170, %dma_wait3A_171] : memref<10000x128xf32, #tpu.memory_space<hbm>> -> memref<10000x128xf32, #tpu.memory_space<hbm>>
      tpu.wait_indirect_dma semaphore(%arg10 : memref<!tpu.dma_semaphore, #tpu.memory_space<semaphore_mem>>) src(%dma_wait3A_172 : memref<10000x128xf32, #tpu.memory_space<hbm>>) dst(%dma_wait3A_166 : memref<64x128xf32, #tpu.memory_space<vmem>>)
      %dma_start3A_173 = arith.constant 0 : i32
      %dma_start3A_174 = arith.constant 64 : i32
      %dma_start3A_175 = arith.constant 0 : i32
      %dma_start3A_176 = tpu.memref_slice %arg9[%dma_start3A_174, %dma_start3A_175] : memref<128x128xf32, #tpu.memory_space<vmem>> -> memref<64x128xf32, #tpu.memory_space<vmem>>
      %dma_start3A_177 = arith.constant 64 : i32
      %dma_start3A_178 = tpu.memref_slice %arg7[%dma_start3A_173, %dma_start3A_177] : memref<8x128xi32, #tpu.memory_space<vmem>> -> memref<1x64xi32, #tpu.memory_space<vmem>>
      %dma_start3A_179 = tpu.memref_squeeze %dma_start3A_178 : memref<1x64xi32, #tpu.memory_space<vmem>> -> memref<64xi32, #tpu.memory_space<vmem>>
      %dma_start3A_180 = arith.constant 0 : i32
      %dma_start3A_181 = arith.constant 0 : i32
      %dma_start3A_182 = tpu.memref_slice %arg2[%dma_start3A_180, %dma_start3A_181] : memref<10000x128xf32, #tpu.memory_space<hbm>> -> memref<10000x128xf32, #tpu.memory_space<hbm>>
      tpu.enqueue_indirect_dma source(%dma_start3A_182 : memref<10000x128xf32, #tpu.memory_space<hbm>>) target(%dma_start3A_176 : memref<64x128xf32, #tpu.memory_space<vmem>>) offsets(%dma_start3A_179 : memref<64xi32, #tpu.memory_space<vmem>>) semaphore(%arg11 : memref<!tpu.dma_semaphore, #tpu.memory_space<semaphore_mem>>)
      %run_scoped3A = arith.constant 0 : i32
      "tpu.region"() ({
        %run_scoped3A_488 = tpu.sem_alloc : memref<!tpu.dma_semaphore, #tpu.memory_space<semaphore_mem>>
        %dma_start3A_489 = arith.constant 0 : i32
        %dma_start3A_490 = arith.constant 0 : i32
        %dma_start3A_491 = tpu.memref_slice %arg9[%dma_start3A_489, %dma_start3A_490] : memref<128x128xf32, #tpu.memory_space<vmem>> -> memref<64x128xf32, #tpu.memory_space<vmem>>
        %dma_start3A_492 = arith.constant 0 : i32
        %dma_start3A_493 = tpu.memref_slice %arg8[%run_scoped3A, %dma_start3A_492] : memref<8x128xi32, #tpu.memory_space<vmem>> -> memref<1x64xi32, #tpu.memory_space<vmem>>
        %dma_start3A_494 = tpu.memref_squeeze %dma_start3A_493 : memref<1x64xi32, #tpu.memory_space<vmem>> -> memref<64xi32, #tpu.memory_space<vmem>>
        %dma_start3A_495 = arith.constant 0 : i32
        %dma_start3A_496 = arith.constant 0 : i32
        %dma_start3A_497 = tpu.memref_slice %arg12[%dma_start3A_495, %dma_start3A_496] : memref<10112x128xf32, #tpu.memory_space<vmem_shared>> -> memref<10112x128xf32, #tpu.memory_space<vmem_shared>>
        tpu.enqueue_indirect_dma source(%dma_start3A_491 : memref<64x128xf32, #tpu.memory_space<vmem>>) target(%dma_start3A_497 : memref<10112x128xf32, #tpu.memory_space<vmem_shared>>) offsets(%dma_start3A_494 : memref<64xi32, #tpu.memory_space<vmem>>) semaphore(%run_scoped3A_488 : memref<!tpu.dma_semaphore, #tpu.memory_space<semaphore_mem>>) {add = true}
        %dma_wait3A_498 = arith.constant 0 : i32
        %dma_wait3A_499 = arith.constant 0 : i32
        %dma_wait3A_500 = tpu.memref_slice %arg9[%dma_wait3A_498, %dma_wait3A_499] : memref<128x128xf32, #tpu.memory_space<vmem>> -> memref<64x128xf32, #tpu.memory_space<vmem>>
        %dma_wait3A_501 = arith.constant 0 : i32
        %dma_wait3A_502 = tpu.memref_slice %arg8[%run_scoped3A, %dma_wait3A_501] : memref<8x128xi32, #tpu.memory_space<vmem>> -> memref<1x64xi32, #tpu.memory_space<vmem>>
        %dma_wait3A_503 = tpu.memref_squeeze %dma_wait3A_502 : memref<1x64xi32, #tpu.memory_space<vmem>> -> memref<64xi32, #tpu.memory_space<vmem>>
        %dma_wait3A_504 = arith.constant 0 : i32
        %dma_wait3A_505 = arith.constant 0 : i32
        %dma_wait3A_506 = tpu.memref_slice %arg12[%dma_wait3A_504, %dma_wait3A_505] : memref<10112x128xf32, #tpu.memory_space<vmem_shared>> -> memref<10112x128xf32, #tpu.memory_space<vmem_shared>>
        tpu.wait_indirect_dma semaphore(%run_scoped3A_488 : memref<!tpu.dma_semaphore, #tpu.memory_space<semaphore_mem>>) src(%dma_wait3A_500 : memref<64x128xf32, #tpu.memory_space<vmem>>) dst(%dma_wait3A_506 : memref<10112x128xf32, #tpu.memory_space<vmem_shared>>)
        tpu.yield
      }) : () -> ()
      %dma_wait3A_183 = arith.constant 0 : i32
      %dma_wait3A_184 = arith.constant 64 : i32
      %dma_wait3A_185 = arith.constant 0 : i32
      %dma_wait3A_186 = tpu.memref_slice %arg9[%dma_wait3A_184, %dma_wait3A_185] : memref<128x128xf32, #tpu.memory_space<vmem>> -> memref<64x128xf32, #tpu.memory_space<vmem>>
      %dma_wait3A_187 = arith.constant 64 : i32
      %dma_wait3A_188 = tpu.memref_slice %arg7[%dma_wait3A_183, %dma_wait3A_187] : memref<8x128xi32, #tpu.memory_space<vmem>> -> memref<1x64xi32, #tpu.memory_space<vmem>>
      %dma_wait3A_189 = tpu.memref_squeeze %dma_wait3A_188 : memref<1x64xi32, #tpu.memory_space<vmem>> -> memref<64xi32, #tpu.memory_space<vmem>>
      %dma_wait3A_190 = arith.constant 0 : i32
      %dma_wait3A_191 = arith.constant 0 : i32
      %dma_wait3A_192 = tpu.memref_slice %arg2[%dma_wait3A_190, %dma_wait3A_191] : memref<10000x128xf32, #tpu.memory_space<hbm>> -> memref<10000x128xf32, #tpu.memory_space<hbm>>
      tpu.wait_indirect_dma semaphore(%arg11 : memref<!tpu.dma_semaphore, #tpu.memory_space<semaphore_mem>>) src(%dma_wait3A_192 : memref<10000x128xf32, #tpu.memory_space<hbm>>) dst(%dma_wait3A_186 : memref<64x128xf32, #tpu.memory_space<vmem>>)
      %dma_start3A_193 = arith.constant 1 : i32
      %dma_start3A_194 = arith.constant 0 : i32
      %dma_start3A_195 = arith.constant 0 : i32
      %dma_start3A_196 = tpu.memref_slice %arg9[%dma_start3A_194, %dma_start3A_195] : memref<128x128xf32, #tpu.memory_space<vmem>> -> memref<64x128xf32, #tpu.memory_space<vmem>>
      %dma_start3A_197 = arith.constant 0 : i32
      %dma_start3A_198 = tpu.memref_slice %arg7[%dma_start3A_193, %dma_start3A_197] : memref<8x128xi32, #tpu.memory_space<vmem>> -> memref<1x64xi32, #tpu.memory_space<vmem>>
      %dma_start3A_199 = tpu.memref_squeeze %dma_start3A_198 : memref<1x64xi32, #tpu.memory_space<vmem>> -> memref<64xi32, #tpu.memory_space<vmem>>
      %dma_start3A_200 = arith.constant 0 : i32
      %dma_start3A_201 = arith.constant 0 : i32
      %dma_start3A_202 = tpu.memref_slice %arg2[%dma_start3A_200, %dma_start3A_201] : memref<10000x128xf32, #tpu.memory_space<hbm>> -> memref<10000x128xf32, #tpu.memory_space<hbm>>
      tpu.enqueue_indirect_dma source(%dma_start3A_202 : memref<10000x128xf32, #tpu.memory_space<hbm>>) target(%dma_start3A_196 : memref<64x128xf32, #tpu.memory_space<vmem>>) offsets(%dma_start3A_199 : memref<64xi32, #tpu.memory_space<vmem>>) semaphore(%arg10 : memref<!tpu.dma_semaphore, #tpu.memory_space<semaphore_mem>>)
      %run_scoped3A_203 = arith.constant 0 : i32
      "tpu.region"() ({
        %run_scoped3A_488 = tpu.sem_alloc : memref<!tpu.dma_semaphore, #tpu.memory_space<semaphore_mem>>
        %dma_start3A_489 = arith.constant 64 : i32
        %dma_start3A_490 = arith.constant 0 : i32
        %dma_start3A_491 = tpu.memref_slice %arg9[%dma_start3A_489, %dma_start3A_490] : memref<128x128xf32, #tpu.memory_space<vmem>> -> memref<64x128xf32, #tpu.memory_space<vmem>>
        %dma_start3A_492 = arith.constant 64 : i32
        %dma_start3A_493 = tpu.memref_slice %arg8[%run_scoped3A_203, %dma_start3A_492] : memref<8x128xi32, #tpu.memory_space<vmem>> -> memref<1x64xi32, #tpu.memory_space<vmem>>
        %dma_start3A_494 = tpu.memref_squeeze %dma_start3A_493 : memref<1x64xi32, #tpu.memory_space<vmem>> -> memref<64xi32, #tpu.memory_space<vmem>>
        %dma_start3A_495 = arith.constant 0 : i32
        %dma_start3A_496 = arith.constant 0 : i32
        %dma_start3A_497 = tpu.memref_slice %arg12[%dma_start3A_495, %dma_start3A_496] : memref<10112x128xf32, #tpu.memory_space<vmem_shared>> -> memref<10112x128xf32, #tpu.memory_space<vmem_shared>>
        tpu.enqueue_indirect_dma source(%dma_start3A_491 : memref<64x128xf32, #tpu.memory_space<vmem>>) target(%dma_start3A_497 : memref<10112x128xf32, #tpu.memory_space<vmem_shared>>) offsets(%dma_start3A_494 : memref<64xi32, #tpu.memory_space<vmem>>) semaphore(%run_scoped3A_488 : memref<!tpu.dma_semaphore, #tpu.memory_space<semaphore_mem>>) {add = true}
        %dma_wait3A_498 = arith.constant 64 : i32
        %dma_wait3A_499 = arith.constant 0 : i32
        %dma_wait3A_500 = tpu.memref_slice %arg9[%dma_wait3A_498, %dma_wait3A_499] : memref<128x128xf32, #tpu.memory_space<vmem>> -> memref<64x128xf32, #tpu.memory_space<vmem>>
        %dma_wait3A_501 = arith.constant 64 : i32
        %dma_wait3A_502 = tpu.memref_slice %arg8[%run_scoped3A_203, %dma_wait3A_501] : memref<8x128xi32, #tpu.memory_space<vmem>> -> memref<1x64xi32, #tpu.memory_space<vmem>>
        %dma_wait3A_503 = tpu.memref_squeeze %dma_wait3A_502 : memref<1x64xi32, #tpu.memory_space<vmem>> -> memref<64xi32, #tpu.memory_space<vmem>>
        %dma_wait3A_504 = arith.constant 0 : i32
        %dma_wait3A_505 = arith.constant 0 : i32
        %dma_wait3A_506 = tpu.memref_slice %arg12[%dma_wait3A_504, %dma_wait3A_505] : memref<10112x128xf32, #tpu.memory_space<vmem_shared>> -> memref<10112x128xf32, #tpu.memory_space<vmem_shared>>
        tpu.wait_indirect_dma semaphore(%run_scoped3A_488 : memref<!tpu.dma_semaphore, #tpu.memory_space<semaphore_mem>>) src(%dma_wait3A_500 : memref<64x128xf32, #tpu.memory_space<vmem>>) dst(%dma_wait3A_506 : memref<10112x128xf32, #tpu.memory_space<vmem_shared>>)
        tpu.yield
      }) : () -> ()
      %dma_wait3A_204 = arith.constant 1 : i32
      %dma_wait3A_205 = arith.constant 0 : i32
      %dma_wait3A_206 = arith.constant 0 : i32
      %dma_wait3A_207 = tpu.memref_slice %arg9[%dma_wait3A_205, %dma_wait3A_206] : memref<128x128xf32, #tpu.memory_space<vmem>> -> memref<64x128xf32, #tpu.memory_space<vmem>>
      %dma_wait3A_208 = arith.constant 0 : i32
      %dma_wait3A_209 = tpu.memref_slice %arg7[%dma_wait3A_204, %dma_wait3A_208] : memref<8x128xi32, #tpu.memory_space<vmem>> -> memref<1x64xi32, #tpu.memory_space<vmem>>
      %dma_wait3A_210 = tpu.memref_squeeze %dma_wait3A_209 : memref<1x64xi32, #tpu.memory_space<vmem>> -> memref<64xi32, #tpu.memory_space<vmem>>
      %dma_wait3A_211 = arith.constant 0 : i32
      %dma_wait3A_212 = arith.constant 0 : i32
      %dma_wait3A_213 = tpu.memref_slice %arg2[%dma_wait3A_211, %dma_wait3A_212] : memref<10000x128xf32, #tpu.memory_space<hbm>> -> memref<10000x128xf32, #tpu.memory_space<hbm>>
      tpu.wait_indirect_dma semaphore(%arg10 : memref<!tpu.dma_semaphore, #tpu.memory_space<semaphore_mem>>) src(%dma_wait3A_213 : memref<10000x128xf32, #tpu.memory_space<hbm>>) dst(%dma_wait3A_207 : memref<64x128xf32, #tpu.memory_space<vmem>>)
      %dma_start3A_214 = arith.constant 1 : i32
      %dma_start3A_215 = arith.constant 64 : i32
      %dma_start3A_216 = arith.constant 0 : i32
      %dma_start3A_217 = tpu.memref_slice %arg9[%dma_start3A_215, %dma_start3A_216] : memref<128x128xf32, #tpu.memory_space<vmem>> -> memref<64x128xf32, #tpu.memory_space<vmem>>
      %dma_start3A_218 = arith.constant 64 : i32
      %dma_start3A_219 = tpu.memref_slice %arg7[%dma_start3A_214, %dma_start3A_218] : memref<8x128xi32, #tpu.memory_space<vmem>> -> memref<1x64xi32, #tpu.memory_space<vmem>>
      %dma_start3A_220 = tpu.memref_squeeze %dma_start3A_219 : memref<1x64xi32, #tpu.memory_space<vmem>> -> memref<64xi32, #tpu.memory_space<vmem>>
      %dma_start3A_221 = arith.constant 0 : i32
      %dma_start3A_222 = arith.constant 0 : i32
      %dma_start3A_223 = tpu.memref_slice %arg2[%dma_start3A_221, %dma_start3A_222] : memref<10000x128xf32, #tpu.memory_space<hbm>> -> memref<10000x128xf32, #tpu.memory_space<hbm>>
      tpu.enqueue_indirect_dma source(%dma_start3A_223 : memref<10000x128xf32, #tpu.memory_space<hbm>>) target(%dma_start3A_217 : memref<64x128xf32, #tpu.memory_space<vmem>>) offsets(%dma_start3A_220 : memref<64xi32, #tpu.memory_space<vmem>>) semaphore(%arg11 : memref<!tpu.dma_semaphore, #tpu.memory_space<semaphore_mem>>)
      %run_scoped3A_224 = arith.constant 1 : i32
      "tpu.region"() ({
        %run_scoped3A_488 = tpu.sem_alloc : memref<!tpu.dma_semaphore, #tpu.memory_space<semaphore_mem>>
        %dma_start3A_489 = arith.constant 0 : i32
        %dma_start3A_490 = arith.constant 0 : i32
        %dma_start3A_491 = tpu.memref_slice %arg9[%dma_start3A_489, %dma_start3A_490] : memref<128x128xf32, #tpu.memory_space<vmem>> -> memref<64x128xf32, #tpu.memory_space<vmem>>
        %dma_start3A_492 = arith.constant 0 : i32
        %dma_start3A_493 = tpu.memref_slice %arg8[%run_scoped3A_224, %dma_start3A_492] : memref<8x128xi32, #tpu.memory_space<vmem>> -> memref<1x64xi32, #tpu.memory_space<vmem>>
        %dma_start3A_494 = tpu.memref_squeeze %dma_start3A_493 : memref<1x64xi32, #tpu.memory_space<vmem>> -> memref<64xi32, #tpu.memory_space<vmem>>
        %dma_start3A_495 = arith.constant 0 : i32
        %dma_start3A_496 = arith.constant 0 : i32
        %dma_start3A_497 = tpu.memref_slice %arg12[%dma_start3A_495, %dma_start3A_496] : memref<10112x128xf32, #tpu.memory_space<vmem_shared>> -> memref<10112x128xf32, #tpu.memory_space<vmem_shared>>
        tpu.enqueue_indirect_dma source(%dma_start3A_491 : memref<64x128xf32, #tpu.memory_space<vmem>>) target(%dma_start3A_497 : memref<10112x128xf32, #tpu.memory_space<vmem_shared>>) offsets(%dma_start3A_494 : memref<64xi32, #tpu.memory_space<vmem>>) semaphore(%run_scoped3A_488 : memref<!tpu.dma_semaphore, #tpu.memory_space<semaphore_mem>>) {add = true}
        %dma_wait3A_498 = arith.constant 0 : i32
        %dma_wait3A_499 = arith.constant 0 : i32
        %dma_wait3A_500 = tpu.memref_slice %arg9[%dma_wait3A_498, %dma_wait3A_499] : memref<128x128xf32, #tpu.memory_space<vmem>> -> memref<64x128xf32, #tpu.memory_space<vmem>>
        %dma_wait3A_501 = arith.constant 0 : i32
        %dma_wait3A_502 = tpu.memref_slice %arg8[%run_scoped3A_224, %dma_wait3A_501] : memref<8x128xi32, #tpu.memory_space<vmem>> -> memref<1x64xi32, #tpu.memory_space<vmem>>
        %dma_wait3A_503 = tpu.memref_squeeze %dma_wait3A_502 : memref<1x64xi32, #tpu.memory_space<vmem>> -> memref<64xi32, #tpu.memory_space<vmem>>
        %dma_wait3A_504 = arith.constant 0 : i32
        %dma_wait3A_505 = arith.constant 0 : i32
        %dma_wait3A_506 = tpu.memref_slice %arg12[%dma_wait3A_504, %dma_wait3A_505] : memref<10112x128xf32, #tpu.memory_space<vmem_shared>> -> memref<10112x128xf32, #tpu.memory_space<vmem_shared>>
        tpu.wait_indirect_dma semaphore(%run_scoped3A_488 : memref<!tpu.dma_semaphore, #tpu.memory_space<semaphore_mem>>) src(%dma_wait3A_500 : memref<64x128xf32, #tpu.memory_space<vmem>>) dst(%dma_wait3A_506 : memref<10112x128xf32, #tpu.memory_space<vmem_shared>>)
        tpu.yield
      }) : () -> ()
      %dma_wait3A_225 = arith.constant 1 : i32
      %dma_wait3A_226 = arith.constant 64 : i32
      %dma_wait3A_227 = arith.constant 0 : i32
      %dma_wait3A_228 = tpu.memref_slice %arg9[%dma_wait3A_226, %dma_wait3A_227] : memref<128x128xf32, #tpu.memory_space<vmem>> -> memref<64x128xf32, #tpu.memory_space<vmem>>
      %dma_wait3A_229 = arith.constant 64 : i32
      %dma_wait3A_230 = tpu.memref_slice %arg7[%dma_wait3A_225, %dma_wait3A_229] : memref<8x128xi32, #tpu.memory_space<vmem>> -> memref<1x64xi32, #tpu.memory_space<vmem>>
      %dma_wait3A_231 = tpu.memref_squeeze %dma_wait3A_230 : memref<1x64xi32, #tpu.memory_space<vmem>> -> memref<64xi32, #tpu.memory_space<vmem>>
      %dma_wait3A_232 = arith.constant 0 : i32
      %dma_wait3A_233 = arith.constant 0 : i32
      %dma_wait3A_234 = tpu.memref_slice %arg2[%dma_wait3A_232, %dma_wait3A_233] : memref<10000x128xf32, #tpu.memory_space<hbm>> -> memref<10000x128xf32, #tpu.memory_space<hbm>>
      tpu.wait_indirect_dma semaphore(%arg11 : memref<!tpu.dma_semaphore, #tpu.memory_space<semaphore_mem>>) src(%dma_wait3A_234 : memref<10000x128xf32, #tpu.memory_space<hbm>>) dst(%dma_wait3A_228 : memref<64x128xf32, #tpu.memory_space<vmem>>)
      %dma_start3A_235 = arith.constant 2 : i32
      %dma_start3A_236 = arith.constant 0 : i32
      %dma_start3A_237 = arith.constant 0 : i32
      %dma_start3A_238 = tpu.memref_slice %arg9[%dma_start3A_236, %dma_start3A_237] : memref<128x128xf32, #tpu.memory_space<vmem>> -> memref<64x128xf32, #tpu.memory_space<vmem>>
      %dma_start3A_239 = arith.constant 0 : i32
      %dma_start3A_240 = tpu.memref_slice %arg7[%dma_start3A_235, %dma_start3A_239] : memref<8x128xi32, #tpu.memory_space<vmem>> -> memref<1x64xi32, #tpu.memory_space<vmem>>
      %dma_start3A_241 = tpu.memref_squeeze %dma_start3A_240 : memref<1x64xi32, #tpu.memory_space<vmem>> -> memref<64xi32, #tpu.memory_space<vmem>>
      %dma_start3A_242 = arith.constant 0 : i32
      %dma_start3A_243 = arith.constant 0 : i32
      %dma_start3A_244 = tpu.memref_slice %arg2[%dma_start3A_242, %dma_start3A_243] : memref<10000x128xf32, #tpu.memory_space<hbm>> -> memref<10000x128xf32, #tpu.memory_space<hbm>>
      tpu.enqueue_indirect_dma source(%dma_start3A_244 : memref<10000x128xf32, #tpu.memory_space<hbm>>) target(%dma_start3A_238 : memref<64x128xf32, #tpu.memory_space<vmem>>) offsets(%dma_start3A_241 : memref<64xi32, #tpu.memory_space<vmem>>) semaphore(%arg10 : memref<!tpu.dma_semaphore, #tpu.memory_space<semaphore_mem>>)
      %run_scoped3A_245 = arith.constant 1 : i32
      "tpu.region"() ({
        %run_scoped3A_488 = tpu.sem_alloc : memref<!tpu.dma_semaphore, #tpu.memory_space<semaphore_mem>>
        %dma_start3A_489 = arith.constant 64 : i32
        %dma_start3A_490 = arith.constant 0 : i32
        %dma_start3A_491 = tpu.memref_slice %arg9[%dma_start3A_489, %dma_start3A_490] : memref<128x128xf32, #tpu.memory_space<vmem>> -> memref<64x128xf32, #tpu.memory_space<vmem>>
        %dma_start3A_492 = arith.constant 64 : i32
        %dma_start3A_493 = tpu.memref_slice %arg8[%run_scoped3A_245, %dma_start3A_492] : memref<8x128xi32, #tpu.memory_space<vmem>> -> memref<1x64xi32, #tpu.memory_space<vmem>>
        %dma_start3A_494 = tpu.memref_squeeze %dma_start3A_493 : memref<1x64xi32, #tpu.memory_space<vmem>> -> memref<64xi32, #tpu.memory_space<vmem>>
        %dma_start3A_495 = arith.constant 0 : i32
        %dma_start3A_496 = arith.constant 0 : i32
        %dma_start3A_497 = tpu.memref_slice %arg12[%dma_start3A_495, %dma_start3A_496] : memref<10112x128xf32, #tpu.memory_space<vmem_shared>> -> memref<10112x128xf32, #tpu.memory_space<vmem_shared>>
        tpu.enqueue_indirect_dma source(%dma_start3A_491 : memref<64x128xf32, #tpu.memory_space<vmem>>) target(%dma_start3A_497 : memref<10112x128xf32, #tpu.memory_space<vmem_shared>>) offsets(%dma_start3A_494 : memref<64xi32, #tpu.memory_space<vmem>>) semaphore(%run_scoped3A_488 : memref<!tpu.dma_semaphore, #tpu.memory_space<semaphore_mem>>) {add = true}
        %dma_wait3A_498 = arith.constant 64 : i32
        %dma_wait3A_499 = arith.constant 0 : i32
        %dma_wait3A_500 = tpu.memref_slice %arg9[%dma_wait3A_498, %dma_wait3A_499] : memref<128x128xf32, #tpu.memory_space<vmem>> -> memref<64x128xf32, #tpu.memory_space<vmem>>
        %dma_wait3A_501 = arith.constant 64 : i32
        %dma_wait3A_502 = tpu.memref_slice %arg8[%run_scoped3A_245, %dma_wait3A_501] : memref<8x128xi32, #tpu.memory_space<vmem>> -> memref<1x64xi32, #tpu.memory_space<vmem>>
        %dma_wait3A_503 = tpu.memref_squeeze %dma_wait3A_502 : memref<1x64xi32, #tpu.memory_space<vmem>> -> memref<64xi32, #tpu.memory_space<vmem>>
        %dma_wait3A_504 = arith.constant 0 : i32
        %dma_wait3A_505 = arith.constant 0 : i32
        %dma_wait3A_506 = tpu.memref_slice %arg12[%dma_wait3A_504, %dma_wait3A_505] : memref<10112x128xf32, #tpu.memory_space<vmem_shared>> -> memref<10112x128xf32, #tpu.memory_space<vmem_shared>>
        tpu.wait_indirect_dma semaphore(%run_scoped3A_488 : memref<!tpu.dma_semaphore, #tpu.memory_space<semaphore_mem>>) src(%dma_wait3A_500 : memref<64x128xf32, #tpu.memory_space<vmem>>) dst(%dma_wait3A_506 : memref<10112x128xf32, #tpu.memory_space<vmem_shared>>)
        tpu.yield
      }) : () -> ()
      %dma_wait3A_246 = arith.constant 2 : i32
      %dma_wait3A_247 = arith.constant 0 : i32
      %dma_wait3A_248 = arith.constant 0 : i32
      %dma_wait3A_249 = tpu.memref_slice %arg9[%dma_wait3A_247, %dma_wait3A_248] : memref<128x128xf32, #tpu.memory_space<vmem>> -> memref<64x128xf32, #tpu.memory_space<vmem>>
      %dma_wait3A_250 = arith.constant 0 : i32
      %dma_wait3A_251 = tpu.memref_slice %arg7[%dma_wait3A_246, %dma_wait3A_250] : memref<8x128xi32, #tpu.memory_space<vmem>> -> memref<1x64xi32, #tpu.memory_space<vmem>>
      %dma_wait3A_252 = tpu.memref_squeeze %dma_wait3A_251 : memref<1x64xi32, #tpu.memory_space<vmem>> -> memref<64xi32, #tpu.memory_space<vmem>>
      %dma_wait3A_253 = arith.constant 0 : i32
      %dma_wait3A_254 = arith.constant 0 : i32
      %dma_wait3A_255 = tpu.memref_slice %arg2[%dma_wait3A_253, %dma_wait3A_254] : memref<10000x128xf32, #tpu.memory_space<hbm>> -> memref<10000x128xf32, #tpu.memory_space<hbm>>
      tpu.wait_indirect_dma semaphore(%arg10 : memref<!tpu.dma_semaphore, #tpu.memory_space<semaphore_mem>>) src(%dma_wait3A_255 : memref<10000x128xf32, #tpu.memory_space<hbm>>) dst(%dma_wait3A_249 : memref<64x128xf32, #tpu.memory_space<vmem>>)
      %dma_start3A_256 = arith.constant 2 : i32
      %dma_start3A_257 = arith.constant 64 : i32
      %dma_start3A_258 = arith.constant 0 : i32
      %dma_start3A_259 = tpu.memref_slice %arg9[%dma_start3A_257, %dma_start3A_258] : memref<128x128xf32, #tpu.memory_space<vmem>> -> memref<64x128xf32, #tpu.memory_space<vmem>>
      %dma_start3A_260 = arith.constant 64 : i32
      %dma_start3A_261 = tpu.memref_slice %arg7[%dma_start3A_256, %dma_start3A_260] : memref<8x128xi32, #tpu.memory_space<vmem>> -> memref<1x64xi32, #tpu.memory_space<vmem>>
      %dma_start3A_262 = tpu.memref_squeeze %dma_start3A_261 : memref<1x64xi32, #tpu.memory_space<vmem>> -> memref<64xi32, #tpu.memory_space<vmem>>
      %dma_start3A_263 = arith.constant 0 : i32
      %dma_start3A_264 = arith.constant 0 : i32
      %dma_start3A_265 = tpu.memref_slice %arg2[%dma_start3A_263, %dma_start3A_264] : memref<10000x128xf32, #tpu.memory_space<hbm>> -> memref<10000x128xf32, #tpu.memory_space<hbm>>
      tpu.enqueue_indirect_dma source(%dma_start3A_265 : memref<10000x128xf32, #tpu.memory_space<hbm>>) target(%dma_start3A_259 : memref<64x128xf32, #tpu.memory_space<vmem>>) offsets(%dma_start3A_262 : memref<64xi32, #tpu.memory_space<vmem>>) semaphore(%arg11 : memref<!tpu.dma_semaphore, #tpu.memory_space<semaphore_mem>>)
      %run_scoped3A_266 = arith.constant 2 : i32
      "tpu.region"() ({
        %run_scoped3A_488 = tpu.sem_alloc : memref<!tpu.dma_semaphore, #tpu.memory_space<semaphore_mem>>
        %dma_start3A_489 = arith.constant 0 : i32
        %dma_start3A_490 = arith.constant 0 : i32
        %dma_start3A_491 = tpu.memref_slice %arg9[%dma_start3A_489, %dma_start3A_490] : memref<128x128xf32, #tpu.memory_space<vmem>> -> memref<64x128xf32, #tpu.memory_space<vmem>>
        %dma_start3A_492 = arith.constant 0 : i32
        %dma_start3A_493 = tpu.memref_slice %arg8[%run_scoped3A_266, %dma_start3A_492] : memref<8x128xi32, #tpu.memory_space<vmem>> -> memref<1x64xi32, #tpu.memory_space<vmem>>
        %dma_start3A_494 = tpu.memref_squeeze %dma_start3A_493 : memref<1x64xi32, #tpu.memory_space<vmem>> -> memref<64xi32, #tpu.memory_space<vmem>>
        %dma_start3A_495 = arith.constant 0 : i32
        %dma_start3A_496 = arith.constant 0 : i32
        %dma_start3A_497 = tpu.memref_slice %arg12[%dma_start3A_495, %dma_start3A_496] : memref<10112x128xf32, #tpu.memory_space<vmem_shared>> -> memref<10112x128xf32, #tpu.memory_space<vmem_shared>>
        tpu.enqueue_indirect_dma source(%dma_start3A_491 : memref<64x128xf32, #tpu.memory_space<vmem>>) target(%dma_start3A_497 : memref<10112x128xf32, #tpu.memory_space<vmem_shared>>) offsets(%dma_start3A_494 : memref<64xi32, #tpu.memory_space<vmem>>) semaphore(%run_scoped3A_488 : memref<!tpu.dma_semaphore, #tpu.memory_space<semaphore_mem>>) {add = true}
        %dma_wait3A_498 = arith.constant 0 : i32
        %dma_wait3A_499 = arith.constant 0 : i32
        %dma_wait3A_500 = tpu.memref_slice %arg9[%dma_wait3A_498, %dma_wait3A_499] : memref<128x128xf32, #tpu.memory_space<vmem>> -> memref<64x128xf32, #tpu.memory_space<vmem>>
        %dma_wait3A_501 = arith.constant 0 : i32
        %dma_wait3A_502 = tpu.memref_slice %arg8[%run_scoped3A_266, %dma_wait3A_501] : memref<8x128xi32, #tpu.memory_space<vmem>> -> memref<1x64xi32, #tpu.memory_space<vmem>>
        %dma_wait3A_503 = tpu.memref_squeeze %dma_wait3A_502 : memref<1x64xi32, #tpu.memory_space<vmem>> -> memref<64xi32, #tpu.memory_space<vmem>>
        %dma_wait3A_504 = arith.constant 0 : i32
        %dma_wait3A_505 = arith.constant 0 : i32
        %dma_wait3A_506 = tpu.memref_slice %arg12[%dma_wait3A_504, %dma_wait3A_505] : memref<10112x128xf32, #tpu.memory_space<vmem_shared>> -> memref<10112x128xf32, #tpu.memory_space<vmem_shared>>
        tpu.wait_indirect_dma semaphore(%run_scoped3A_488 : memref<!tpu.dma_semaphore, #tpu.memory_space<semaphore_mem>>) src(%dma_wait3A_500 : memref<64x128xf32, #tpu.memory_space<vmem>>) dst(%dma_wait3A_506 : memref<10112x128xf32, #tpu.memory_space<vmem_shared>>)
        tpu.yield
      }) : () -> ()
      %dma_wait3A_267 = arith.constant 2 : i32
      %dma_wait3A_268 = arith.constant 64 : i32
      %dma_wait3A_269 = arith.constant 0 : i32
      %dma_wait3A_270 = tpu.memref_slice %arg9[%dma_wait3A_268, %dma_wait3A_269] : memref<128x128xf32, #tpu.memory_space<vmem>> -> memref<64x128xf32, #tpu.memory_space<vmem>>
      %dma_wait3A_271 = arith.constant 64 : i32
      %dma_wait3A_272 = tpu.memref_slice %arg7[%dma_wait3A_267, %dma_wait3A_271] : memref<8x128xi32, #tpu.memory_space<vmem>> -> memref<1x64xi32, #tpu.memory_space<vmem>>
      %dma_wait3A_273 = tpu.memref_squeeze %dma_wait3A_272 : memref<1x64xi32, #tpu.memory_space<vmem>> -> memref<64xi32, #tpu.memory_space<vmem>>
      %dma_wait3A_274 = arith.constant 0 : i32
      %dma_wait3A_275 = arith.constant 0 : i32
      %dma_wait3A_276 = tpu.memref_slice %arg2[%dma_wait3A_274, %dma_wait3A_275] : memref<10000x128xf32, #tpu.memory_space<hbm>> -> memref<10000x128xf32, #tpu.memory_space<hbm>>
      tpu.wait_indirect_dma semaphore(%arg11 : memref<!tpu.dma_semaphore, #tpu.memory_space<semaphore_mem>>) src(%dma_wait3A_276 : memref<10000x128xf32, #tpu.memory_space<hbm>>) dst(%dma_wait3A_270 : memref<64x128xf32, #tpu.memory_space<vmem>>)
      %dma_start3A_277 = arith.constant 3 : i32
      %dma_start3A_278 = arith.constant 0 : i32
      %dma_start3A_279 = arith.constant 0 : i32
      %dma_start3A_280 = tpu.memref_slice %arg9[%dma_start3A_278, %dma_start3A_279] : memref<128x128xf32, #tpu.memory_space<vmem>> -> memref<64x128xf32, #tpu.memory_space<vmem>>
      %dma_start3A_281 = arith.constant 0 : i32
      %dma_start3A_282 = tpu.memref_slice %arg7[%dma_start3A_277, %dma_start3A_281] : memref<8x128xi32, #tpu.memory_space<vmem>> -> memref<1x64xi32, #tpu.memory_space<vmem>>
      %dma_start3A_283 = tpu.memref_squeeze %dma_start3A_282 : memref<1x64xi32, #tpu.memory_space<vmem>> -> memref<64xi32, #tpu.memory_space<vmem>>
      %dma_start3A_284 = arith.constant 0 : i32
      %dma_start3A_285 = arith.constant 0 : i32
      %dma_start3A_286 = tpu.memref_slice %arg2[%dma_start3A_284, %dma_start3A_285] : memref<10000x128xf32, #tpu.memory_space<hbm>> -> memref<10000x128xf32, #tpu.memory_space<hbm>>
      tpu.enqueue_indirect_dma source(%dma_start3A_286 : memref<10000x128xf32, #tpu.memory_space<hbm>>) target(%dma_start3A_280 : memref<64x128xf32, #tpu.memory_space<vmem>>) offsets(%dma_start3A_283 : memref<64xi32, #tpu.memory_space<vmem>>) semaphore(%arg10 : memref<!tpu.dma_semaphore, #tpu.memory_space<semaphore_mem>>)
      %run_scoped3A_287 = arith.constant 2 : i32
      "tpu.region"() ({
        %run_scoped3A_488 = tpu.sem_alloc : memref<!tpu.dma_semaphore, #tpu.memory_space<semaphore_mem>>
        %dma_start3A_489 = arith.constant 64 : i32
        %dma_start3A_490 = arith.constant 0 : i32
        %dma_start3A_491 = tpu.memref_slice %arg9[%dma_start3A_489, %dma_start3A_490] : memref<128x128xf32, #tpu.memory_space<vmem>> -> memref<64x128xf32, #tpu.memory_space<vmem>>
        %dma_start3A_492 = arith.constant 64 : i32
        %dma_start3A_493 = tpu.memref_slice %arg8[%run_scoped3A_287, %dma_start3A_492] : memref<8x128xi32, #tpu.memory_space<vmem>> -> memref<1x64xi32, #tpu.memory_space<vmem>>
        %dma_start3A_494 = tpu.memref_squeeze %dma_start3A_493 : memref<1x64xi32, #tpu.memory_space<vmem>> -> memref<64xi32, #tpu.memory_space<vmem>>
        %dma_start3A_495 = arith.constant 0 : i32
        %dma_start3A_496 = arith.constant 0 : i32
        %dma_start3A_497 = tpu.memref_slice %arg12[%dma_start3A_495, %dma_start3A_496] : memref<10112x128xf32, #tpu.memory_space<vmem_shared>> -> memref<10112x128xf32, #tpu.memory_space<vmem_shared>>
        tpu.enqueue_indirect_dma source(%dma_start3A_491 : memref<64x128xf32, #tpu.memory_space<vmem>>) target(%dma_start3A_497 : memref<10112x128xf32, #tpu.memory_space<vmem_shared>>) offsets(%dma_start3A_494 : memref<64xi32, #tpu.memory_space<vmem>>) semaphore(%run_scoped3A_488 : memref<!tpu.dma_semaphore, #tpu.memory_space<semaphore_mem>>) {add = true}
        %dma_wait3A_498 = arith.constant 64 : i32
        %dma_wait3A_499 = arith.constant 0 : i32
        %dma_wait3A_500 = tpu.memref_slice %arg9[%dma_wait3A_498, %dma_wait3A_499] : memref<128x128xf32, #tpu.memory_space<vmem>> -> memref<64x128xf32, #tpu.memory_space<vmem>>
        %dma_wait3A_501 = arith.constant 64 : i32
        %dma_wait3A_502 = tpu.memref_slice %arg8[%run_scoped3A_287, %dma_wait3A_501] : memref<8x128xi32, #tpu.memory_space<vmem>> -> memref<1x64xi32, #tpu.memory_space<vmem>>
        %dma_wait3A_503 = tpu.memref_squeeze %dma_wait3A_502 : memref<1x64xi32, #tpu.memory_space<vmem>> -> memref<64xi32, #tpu.memory_space<vmem>>
        %dma_wait3A_504 = arith.constant 0 : i32
        %dma_wait3A_505 = arith.constant 0 : i32
        %dma_wait3A_506 = tpu.memref_slice %arg12[%dma_wait3A_504, %dma_wait3A_505] : memref<10112x128xf32, #tpu.memory_space<vmem_shared>> -> memref<10112x128xf32, #tpu.memory_space<vmem_shared>>
        tpu.wait_indirect_dma semaphore(%run_scoped3A_488 : memref<!tpu.dma_semaphore, #tpu.memory_space<semaphore_mem>>) src(%dma_wait3A_500 : memref<64x128xf32, #tpu.memory_space<vmem>>) dst(%dma_wait3A_506 : memref<10112x128xf32, #tpu.memory_space<vmem_shared>>)
        tpu.yield
      }) : () -> ()
      %dma_wait3A_288 = arith.constant 3 : i32
      %dma_wait3A_289 = arith.constant 0 : i32
      %dma_wait3A_290 = arith.constant 0 : i32
      %dma_wait3A_291 = tpu.memref_slice %arg9[%dma_wait3A_289, %dma_wait3A_290] : memref<128x128xf32, #tpu.memory_space<vmem>> -> memref<64x128xf32, #tpu.memory_space<vmem>>
      %dma_wait3A_292 = arith.constant 0 : i32
      %dma_wait3A_293 = tpu.memref_slice %arg7[%dma_wait3A_288, %dma_wait3A_292] : memref<8x128xi32, #tpu.memory_space<vmem>> -> memref<1x64xi32, #tpu.memory_space<vmem>>
      %dma_wait3A_294 = tpu.memref_squeeze %dma_wait3A_293 : memref<1x64xi32, #tpu.memory_space<vmem>> -> memref<64xi32, #tpu.memory_space<vmem>>
      %dma_wait3A_295 = arith.constant 0 : i32
      %dma_wait3A_296 = arith.constant 0 : i32
      %dma_wait3A_297 = tpu.memref_slice %arg2[%dma_wait3A_295, %dma_wait3A_296] : memref<10000x128xf32, #tpu.memory_space<hbm>> -> memref<10000x128xf32, #tpu.memory_space<hbm>>
      tpu.wait_indirect_dma semaphore(%arg10 : memref<!tpu.dma_semaphore, #tpu.memory_space<semaphore_mem>>) src(%dma_wait3A_297 : memref<10000x128xf32, #tpu.memory_space<hbm>>) dst(%dma_wait3A_291 : memref<64x128xf32, #tpu.memory_space<vmem>>)
      %dma_start3A_298 = arith.constant 3 : i32
      %dma_start3A_299 = arith.constant 64 : i32
      %dma_start3A_300 = arith.constant 0 : i32
      %dma_start3A_301 = tpu.memref_slice %arg9[%dma_start3A_299, %dma_start3A_300] : memref<128x128xf32, #tpu.memory_space<vmem>> -> memref<64x128xf32, #tpu.memory_space<vmem>>
      %dma_start3A_302 = arith.constant 64 : i32
      %dma_start3A_303 = tpu.memref_slice %arg7[%dma_start3A_298, %dma_start3A_302] : memref<8x128xi32, #tpu.memory_space<vmem>> -> memref<1x64xi32, #tpu.memory_space<vmem>>
      %dma_start3A_304 = tpu.memref_squeeze %dma_start3A_303 : memref<1x64xi32, #tpu.memory_space<vmem>> -> memref<64xi32, #tpu.memory_space<vmem>>
      %dma_start3A_305 = arith.constant 0 : i32
      %dma_start3A_306 = arith.constant 0 : i32
      %dma_start3A_307 = tpu.memref_slice %arg2[%dma_start3A_305, %dma_start3A_306] : memref<10000x128xf32, #tpu.memory_space<hbm>> -> memref<10000x128xf32, #tpu.memory_space<hbm>>
      tpu.enqueue_indirect_dma source(%dma_start3A_307 : memref<10000x128xf32, #tpu.memory_space<hbm>>) target(%dma_start3A_301 : memref<64x128xf32, #tpu.memory_space<vmem>>) offsets(%dma_start3A_304 : memref<64xi32, #tpu.memory_space<vmem>>) semaphore(%arg11 : memref<!tpu.dma_semaphore, #tpu.memory_space<semaphore_mem>>)
      %run_scoped3A_308 = arith.constant 3 : i32
      "tpu.region"() ({
        %run_scoped3A_488 = tpu.sem_alloc : memref<!tpu.dma_semaphore, #tpu.memory_space<semaphore_mem>>
        %dma_start3A_489 = arith.constant 0 : i32
        %dma_start3A_490 = arith.constant 0 : i32
        %dma_start3A_491 = tpu.memref_slice %arg9[%dma_start3A_489, %dma_start3A_490] : memref<128x128xf32, #tpu.memory_space<vmem>> -> memref<64x128xf32, #tpu.memory_space<vmem>>
        %dma_start3A_492 = arith.constant 0 : i32
        %dma_start3A_493 = tpu.memref_slice %arg8[%run_scoped3A_308, %dma_start3A_492] : memref<8x128xi32, #tpu.memory_space<vmem>> -> memref<1x64xi32, #tpu.memory_space<vmem>>
        %dma_start3A_494 = tpu.memref_squeeze %dma_start3A_493 : memref<1x64xi32, #tpu.memory_space<vmem>> -> memref<64xi32, #tpu.memory_space<vmem>>
        %dma_start3A_495 = arith.constant 0 : i32
        %dma_start3A_496 = arith.constant 0 : i32
        %dma_start3A_497 = tpu.memref_slice %arg12[%dma_start3A_495, %dma_start3A_496] : memref<10112x128xf32, #tpu.memory_space<vmem_shared>> -> memref<10112x128xf32, #tpu.memory_space<vmem_shared>>
        tpu.enqueue_indirect_dma source(%dma_start3A_491 : memref<64x128xf32, #tpu.memory_space<vmem>>) target(%dma_start3A_497 : memref<10112x128xf32, #tpu.memory_space<vmem_shared>>) offsets(%dma_start3A_494 : memref<64xi32, #tpu.memory_space<vmem>>) semaphore(%run_scoped3A_488 : memref<!tpu.dma_semaphore, #tpu.memory_space<semaphore_mem>>) {add = true}
        %dma_wait3A_498 = arith.constant 0 : i32
        %dma_wait3A_499 = arith.constant 0 : i32
        %dma_wait3A_500 = tpu.memref_slice %arg9[%dma_wait3A_498, %dma_wait3A_499] : memref<128x128xf32, #tpu.memory_space<vmem>> -> memref<64x128xf32, #tpu.memory_space<vmem>>
        %dma_wait3A_501 = arith.constant 0 : i32
        %dma_wait3A_502 = tpu.memref_slice %arg8[%run_scoped3A_308, %dma_wait3A_501] : memref<8x128xi32, #tpu.memory_space<vmem>> -> memref<1x64xi32, #tpu.memory_space<vmem>>
        %dma_wait3A_503 = tpu.memref_squeeze %dma_wait3A_502 : memref<1x64xi32, #tpu.memory_space<vmem>> -> memref<64xi32, #tpu.memory_space<vmem>>
        %dma_wait3A_504 = arith.constant 0 : i32
        %dma_wait3A_505 = arith.constant 0 : i32
        %dma_wait3A_506 = tpu.memref_slice %arg12[%dma_wait3A_504, %dma_wait3A_505] : memref<10112x128xf32, #tpu.memory_space<vmem_shared>> -> memref<10112x128xf32, #tpu.memory_space<vmem_shared>>
        tpu.wait_indirect_dma semaphore(%run_scoped3A_488 : memref<!tpu.dma_semaphore, #tpu.memory_space<semaphore_mem>>) src(%dma_wait3A_500 : memref<64x128xf32, #tpu.memory_space<vmem>>) dst(%dma_wait3A_506 : memref<10112x128xf32, #tpu.memory_space<vmem_shared>>)
        tpu.yield
      }) : () -> ()
      %dma_wait3A_309 = arith.constant 3 : i32
      %dma_wait3A_310 = arith.constant 64 : i32
      %dma_wait3A_311 = arith.constant 0 : i32
      %dma_wait3A_312 = tpu.memref_slice %arg9[%dma_wait3A_310, %dma_wait3A_311] : memref<128x128xf32, #tpu.memory_space<vmem>> -> memref<64x128xf32, #tpu.memory_space<vmem>>
      %dma_wait3A_313 = arith.constant 64 : i32
      %dma_wait3A_314 = tpu.memref_slice %arg7[%dma_wait3A_309, %dma_wait3A_313] : memref<8x128xi32, #tpu.memory_space<vmem>> -> memref<1x64xi32, #tpu.memory_space<vmem>>
      %dma_wait3A_315 = tpu.memref_squeeze %dma_wait3A_314 : memref<1x64xi32, #tpu.memory_space<vmem>> -> memref<64xi32, #tpu.memory_space<vmem>>
      %dma_wait3A_316 = arith.constant 0 : i32
      %dma_wait3A_317 = arith.constant 0 : i32
      %dma_wait3A_318 = tpu.memref_slice %arg2[%dma_wait3A_316, %dma_wait3A_317] : memref<10000x128xf32, #tpu.memory_space<hbm>> -> memref<10000x128xf32, #tpu.memory_space<hbm>>
      tpu.wait_indirect_dma semaphore(%arg11 : memref<!tpu.dma_semaphore, #tpu.memory_space<semaphore_mem>>) src(%dma_wait3A_318 : memref<10000x128xf32, #tpu.memory_space<hbm>>) dst(%dma_wait3A_312 : memref<64x128xf32, #tpu.memory_space<vmem>>)
      %dma_start3A_319 = arith.constant 4 : i32
      %dma_start3A_320 = arith.constant 0 : i32
      %dma_start3A_321 = arith.constant 0 : i32
      %dma_start3A_322 = tpu.memref_slice %arg9[%dma_start3A_320, %dma_start3A_321] : memref<128x128xf32, #tpu.memory_space<vmem>> -> memref<64x128xf32, #tpu.memory_space<vmem>>
      %dma_start3A_323 = arith.constant 0 : i32
      %dma_start3A_324 = tpu.memref_slice %arg7[%dma_start3A_319, %dma_start3A_323] : memref<8x128xi32, #tpu.memory_space<vmem>> -> memref<1x64xi32, #tpu.memory_space<vmem>>
      %dma_start3A_325 = tpu.memref_squeeze %dma_start3A_324 : memref<1x64xi32, #tpu.memory_space<vmem>> -> memref<64xi32, #tpu.memory_space<vmem>>
      %dma_start3A_326 = arith.constant 0 : i32
      %dma_start3A_327 = arith.constant 0 : i32
      %dma_start3A_328 = tpu.memref_slice %arg2[%dma_start3A_326, %dma_start3A_327] : memref<10000x128xf32, #tpu.memory_space<hbm>> -> memref<10000x128xf32, #tpu.memory_space<hbm>>
      tpu.enqueue_indirect_dma source(%dma_start3A_328 : memref<10000x128xf32, #tpu.memory_space<hbm>>) target(%dma_start3A_322 : memref<64x128xf32, #tpu.memory_space<vmem>>) offsets(%dma_start3A_325 : memref<64xi32, #tpu.memory_space<vmem>>) semaphore(%arg10 : memref<!tpu.dma_semaphore, #tpu.memory_space<semaphore_mem>>)
      %run_scoped3A_329 = arith.constant 3 : i32
      "tpu.region"() ({
        %run_scoped3A_488 = tpu.sem_alloc : memref<!tpu.dma_semaphore, #tpu.memory_space<semaphore_mem>>
        %dma_start3A_489 = arith.constant 64 : i32
        %dma_start3A_490 = arith.constant 0 : i32
        %dma_start3A_491 = tpu.memref_slice %arg9[%dma_start3A_489, %dma_start3A_490] : memref<128x128xf32, #tpu.memory_space<vmem>> -> memref<64x128xf32, #tpu.memory_space<vmem>>
        %dma_start3A_492 = arith.constant 64 : i32
        %dma_start3A_493 = tpu.memref_slice %arg8[%run_scoped3A_329, %dma_start3A_492] : memref<8x128xi32, #tpu.memory_space<vmem>> -> memref<1x64xi32, #tpu.memory_space<vmem>>
        %dma_start3A_494 = tpu.memref_squeeze %dma_start3A_493 : memref<1x64xi32, #tpu.memory_space<vmem>> -> memref<64xi32, #tpu.memory_space<vmem>>
        %dma_start3A_495 = arith.constant 0 : i32
        %dma_start3A_496 = arith.constant 0 : i32
        %dma_start3A_497 = tpu.memref_slice %arg12[%dma_start3A_495, %dma_start3A_496] : memref<10112x128xf32, #tpu.memory_space<vmem_shared>> -> memref<10112x128xf32, #tpu.memory_space<vmem_shared>>
        tpu.enqueue_indirect_dma source(%dma_start3A_491 : memref<64x128xf32, #tpu.memory_space<vmem>>) target(%dma_start3A_497 : memref<10112x128xf32, #tpu.memory_space<vmem_shared>>) offsets(%dma_start3A_494 : memref<64xi32, #tpu.memory_space<vmem>>) semaphore(%run_scoped3A_488 : memref<!tpu.dma_semaphore, #tpu.memory_space<semaphore_mem>>) {add = true}
        %dma_wait3A_498 = arith.constant 64 : i32
        %dma_wait3A_499 = arith.constant 0 : i32
        %dma_wait3A_500 = tpu.memref_slice %arg9[%dma_wait3A_498, %dma_wait3A_499] : memref<128x128xf32, #tpu.memory_space<vmem>> -> memref<64x128xf32, #tpu.memory_space<vmem>>
        %dma_wait3A_501 = arith.constant 64 : i32
        %dma_wait3A_502 = tpu.memref_slice %arg8[%run_scoped3A_329, %dma_wait3A_501] : memref<8x128xi32, #tpu.memory_space<vmem>> -> memref<1x64xi32, #tpu.memory_space<vmem>>
        %dma_wait3A_503 = tpu.memref_squeeze %dma_wait3A_502 : memref<1x64xi32, #tpu.memory_space<vmem>> -> memref<64xi32, #tpu.memory_space<vmem>>
        %dma_wait3A_504 = arith.constant 0 : i32
        %dma_wait3A_505 = arith.constant 0 : i32
        %dma_wait3A_506 = tpu.memref_slice %arg12[%dma_wait3A_504, %dma_wait3A_505] : memref<10112x128xf32, #tpu.memory_space<vmem_shared>> -> memref<10112x128xf32, #tpu.memory_space<vmem_shared>>
        tpu.wait_indirect_dma semaphore(%run_scoped3A_488 : memref<!tpu.dma_semaphore, #tpu.memory_space<semaphore_mem>>) src(%dma_wait3A_500 : memref<64x128xf32, #tpu.memory_space<vmem>>) dst(%dma_wait3A_506 : memref<10112x128xf32, #tpu.memory_space<vmem_shared>>)
        tpu.yield
      }) : () -> ()
      %dma_wait3A_330 = arith.constant 4 : i32
      %dma_wait3A_331 = arith.constant 0 : i32
      %dma_wait3A_332 = arith.constant 0 : i32
      %dma_wait3A_333 = tpu.memref_slice %arg9[%dma_wait3A_331, %dma_wait3A_332] : memref<128x128xf32, #tpu.memory_space<vmem>> -> memref<64x128xf32, #tpu.memory_space<vmem>>
      %dma_wait3A_334 = arith.constant 0 : i32
      %dma_wait3A_335 = tpu.memref_slice %arg7[%dma_wait3A_330, %dma_wait3A_334] : memref<8x128xi32, #tpu.memory_space<vmem>> -> memref<1x64xi32, #tpu.memory_space<vmem>>
      %dma_wait3A_336 = tpu.memref_squeeze %dma_wait3A_335 : memref<1x64xi32, #tpu.memory_space<vmem>> -> memref<64xi32, #tpu.memory_space<vmem>>
      %dma_wait3A_337 = arith.constant 0 : i32
      %dma_wait3A_338 = arith.constant 0 : i32
      %dma_wait3A_339 = tpu.memref_slice %arg2[%dma_wait3A_337, %dma_wait3A_338] : memref<10000x128xf32, #tpu.memory_space<hbm>> -> memref<10000x128xf32, #tpu.memory_space<hbm>>
      tpu.wait_indirect_dma semaphore(%arg10 : memref<!tpu.dma_semaphore, #tpu.memory_space<semaphore_mem>>) src(%dma_wait3A_339 : memref<10000x128xf32, #tpu.memory_space<hbm>>) dst(%dma_wait3A_333 : memref<64x128xf32, #tpu.memory_space<vmem>>)
      %dma_start3A_340 = arith.constant 4 : i32
      %dma_start3A_341 = arith.constant 64 : i32
      %dma_start3A_342 = arith.constant 0 : i32
      %dma_start3A_343 = tpu.memref_slice %arg9[%dma_start3A_341, %dma_start3A_342] : memref<128x128xf32, #tpu.memory_space<vmem>> -> memref<64x128xf32, #tpu.memory_space<vmem>>
      %dma_start3A_344 = arith.constant 64 : i32
      %dma_start3A_345 = tpu.memref_slice %arg7[%dma_start3A_340, %dma_start3A_344] : memref<8x128xi32, #tpu.memory_space<vmem>> -> memref<1x64xi32, #tpu.memory_space<vmem>>
      %dma_start3A_346 = tpu.memref_squeeze %dma_start3A_345 : memref<1x64xi32, #tpu.memory_space<vmem>> -> memref<64xi32, #tpu.memory_space<vmem>>
      %dma_start3A_347 = arith.constant 0 : i32
      %dma_start3A_348 = arith.constant 0 : i32
      %dma_start3A_349 = tpu.memref_slice %arg2[%dma_start3A_347, %dma_start3A_348] : memref<10000x128xf32, #tpu.memory_space<hbm>> -> memref<10000x128xf32, #tpu.memory_space<hbm>>
      tpu.enqueue_indirect_dma source(%dma_start3A_349 : memref<10000x128xf32, #tpu.memory_space<hbm>>) target(%dma_start3A_343 : memref<64x128xf32, #tpu.memory_space<vmem>>) offsets(%dma_start3A_346 : memref<64xi32, #tpu.memory_space<vmem>>) semaphore(%arg11 : memref<!tpu.dma_semaphore, #tpu.memory_space<semaphore_mem>>)
      %run_scoped3A_350 = arith.constant 4 : i32
      "tpu.region"() ({
        %run_scoped3A_488 = tpu.sem_alloc : memref<!tpu.dma_semaphore, #tpu.memory_space<semaphore_mem>>
        %dma_start3A_489 = arith.constant 0 : i32
        %dma_start3A_490 = arith.constant 0 : i32
        %dma_start3A_491 = tpu.memref_slice %arg9[%dma_start3A_489, %dma_start3A_490] : memref<128x128xf32, #tpu.memory_space<vmem>> -> memref<64x128xf32, #tpu.memory_space<vmem>>
        %dma_start3A_492 = arith.constant 0 : i32
        %dma_start3A_493 = tpu.memref_slice %arg8[%run_scoped3A_350, %dma_start3A_492] : memref<8x128xi32, #tpu.memory_space<vmem>> -> memref<1x64xi32, #tpu.memory_space<vmem>>
        %dma_start3A_494 = tpu.memref_squeeze %dma_start3A_493 : memref<1x64xi32, #tpu.memory_space<vmem>> -> memref<64xi32, #tpu.memory_space<vmem>>
        %dma_start3A_495 = arith.constant 0 : i32
        %dma_start3A_496 = arith.constant 0 : i32
        %dma_start3A_497 = tpu.memref_slice %arg12[%dma_start3A_495, %dma_start3A_496] : memref<10112x128xf32, #tpu.memory_space<vmem_shared>> -> memref<10112x128xf32, #tpu.memory_space<vmem_shared>>
        tpu.enqueue_indirect_dma source(%dma_start3A_491 : memref<64x128xf32, #tpu.memory_space<vmem>>) target(%dma_start3A_497 : memref<10112x128xf32, #tpu.memory_space<vmem_shared>>) offsets(%dma_start3A_494 : memref<64xi32, #tpu.memory_space<vmem>>) semaphore(%run_scoped3A_488 : memref<!tpu.dma_semaphore, #tpu.memory_space<semaphore_mem>>) {add = true}
        %dma_wait3A_498 = arith.constant 0 : i32
        %dma_wait3A_499 = arith.constant 0 : i32
        %dma_wait3A_500 = tpu.memref_slice %arg9[%dma_wait3A_498, %dma_wait3A_499] : memref<128x128xf32, #tpu.memory_space<vmem>> -> memref<64x128xf32, #tpu.memory_space<vmem>>
        %dma_wait3A_501 = arith.constant 0 : i32
        %dma_wait3A_502 = tpu.memref_slice %arg8[%run_scoped3A_350, %dma_wait3A_501] : memref<8x128xi32, #tpu.memory_space<vmem>> -> memref<1x64xi32, #tpu.memory_space<vmem>>
        %dma_wait3A_503 = tpu.memref_squeeze %dma_wait3A_502 : memref<1x64xi32, #tpu.memory_space<vmem>> -> memref<64xi32, #tpu.memory_space<vmem>>
        %dma_wait3A_504 = arith.constant 0 : i32
        %dma_wait3A_505 = arith.constant 0 : i32
        %dma_wait3A_506 = tpu.memref_slice %arg12[%dma_wait3A_504, %dma_wait3A_505] : memref<10112x128xf32, #tpu.memory_space<vmem_shared>> -> memref<10112x128xf32, #tpu.memory_space<vmem_shared>>
        tpu.wait_indirect_dma semaphore(%run_scoped3A_488 : memref<!tpu.dma_semaphore, #tpu.memory_space<semaphore_mem>>) src(%dma_wait3A_500 : memref<64x128xf32, #tpu.memory_space<vmem>>) dst(%dma_wait3A_506 : memref<10112x128xf32, #tpu.memory_space<vmem_shared>>)
        tpu.yield
      }) : () -> ()
      %dma_wait3A_351 = arith.constant 4 : i32
      %dma_wait3A_352 = arith.constant 64 : i32
      %dma_wait3A_353 = arith.constant 0 : i32
      %dma_wait3A_354 = tpu.memref_slice %arg9[%dma_wait3A_352, %dma_wait3A_353] : memref<128x128xf32, #tpu.memory_space<vmem>> -> memref<64x128xf32, #tpu.memory_space<vmem>>
      %dma_wait3A_355 = arith.constant 64 : i32
      %dma_wait3A_356 = tpu.memref_slice %arg7[%dma_wait3A_351, %dma_wait3A_355] : memref<8x128xi32, #tpu.memory_space<vmem>> -> memref<1x64xi32, #tpu.memory_space<vmem>>
      %dma_wait3A_357 = tpu.memref_squeeze %dma_wait3A_356 : memref<1x64xi32, #tpu.memory_space<vmem>> -> memref<64xi32, #tpu.memory_space<vmem>>
      %dma_wait3A_358 = arith.constant 0 : i32
      %dma_wait3A_359 = arith.constant 0 : i32
      %dma_wait3A_360 = tpu.memref_slice %arg2[%dma_wait3A_358, %dma_wait3A_359] : memref<10000x128xf32, #tpu.memory_space<hbm>> -> memref<10000x128xf32, #tpu.memory_space<hbm>>
      tpu.wait_indirect_dma semaphore(%arg11 : memref<!tpu.dma_semaphore, #tpu.memory_space<semaphore_mem>>) src(%dma_wait3A_360 : memref<10000x128xf32, #tpu.memory_space<hbm>>) dst(%dma_wait3A_354 : memref<64x128xf32, #tpu.memory_space<vmem>>)
      %dma_start3A_361 = arith.constant 5 : i32
      %dma_start3A_362 = arith.constant 0 : i32
      %dma_start3A_363 = arith.constant 0 : i32
      %dma_start3A_364 = tpu.memref_slice %arg9[%dma_start3A_362, %dma_start3A_363] : memref<128x128xf32, #tpu.memory_space<vmem>> -> memref<64x128xf32, #tpu.memory_space<vmem>>
      %dma_start3A_365 = arith.constant 0 : i32
      %dma_start3A_366 = tpu.memref_slice %arg7[%dma_start3A_361, %dma_start3A_365] : memref<8x128xi32, #tpu.memory_space<vmem>> -> memref<1x64xi32, #tpu.memory_space<vmem>>
      %dma_start3A_367 = tpu.memref_squeeze %dma_start3A_366 : memref<1x64xi32, #tpu.memory_space<vmem>> -> memref<64xi32, #tpu.memory_space<vmem>>
      %dma_start3A_368 = arith.constant 0 : i32
      %dma_start3A_369 = arith.constant 0 : i32
      %dma_start3A_370 = tpu.memref_slice %arg2[%dma_start3A_368, %dma_start3A_369] : memref<10000x128xf32, #tpu.memory_space<hbm>> -> memref<10000x128xf32, #tpu.memory_space<hbm>>
      tpu.enqueue_indirect_dma source(%dma_start3A_370 : memref<10000x128xf32, #tpu.memory_space<hbm>>) target(%dma_start3A_364 : memref<64x128xf32, #tpu.memory_space<vmem>>) offsets(%dma_start3A_367 : memref<64xi32, #tpu.memory_space<vmem>>) semaphore(%arg10 : memref<!tpu.dma_semaphore, #tpu.memory_space<semaphore_mem>>)
      %run_scoped3A_371 = arith.constant 4 : i32
      "tpu.region"() ({
        %run_scoped3A_488 = tpu.sem_alloc : memref<!tpu.dma_semaphore, #tpu.memory_space<semaphore_mem>>
        %dma_start3A_489 = arith.constant 64 : i32
        %dma_start3A_490 = arith.constant 0 : i32
        %dma_start3A_491 = tpu.memref_slice %arg9[%dma_start3A_489, %dma_start3A_490] : memref<128x128xf32, #tpu.memory_space<vmem>> -> memref<64x128xf32, #tpu.memory_space<vmem>>
        %dma_start3A_492 = arith.constant 64 : i32
        %dma_start3A_493 = tpu.memref_slice %arg8[%run_scoped3A_371, %dma_start3A_492] : memref<8x128xi32, #tpu.memory_space<vmem>> -> memref<1x64xi32, #tpu.memory_space<vmem>>
        %dma_start3A_494 = tpu.memref_squeeze %dma_start3A_493 : memref<1x64xi32, #tpu.memory_space<vmem>> -> memref<64xi32, #tpu.memory_space<vmem>>
        %dma_start3A_495 = arith.constant 0 : i32
        %dma_start3A_496 = arith.constant 0 : i32
        %dma_start3A_497 = tpu.memref_slice %arg12[%dma_start3A_495, %dma_start3A_496] : memref<10112x128xf32, #tpu.memory_space<vmem_shared>> -> memref<10112x128xf32, #tpu.memory_space<vmem_shared>>
        tpu.enqueue_indirect_dma source(%dma_start3A_491 : memref<64x128xf32, #tpu.memory_space<vmem>>) target(%dma_start3A_497 : memref<10112x128xf32, #tpu.memory_space<vmem_shared>>) offsets(%dma_start3A_494 : memref<64xi32, #tpu.memory_space<vmem>>) semaphore(%run_scoped3A_488 : memref<!tpu.dma_semaphore, #tpu.memory_space<semaphore_mem>>) {add = true}
        %dma_wait3A_498 = arith.constant 64 : i32
        %dma_wait3A_499 = arith.constant 0 : i32
        %dma_wait3A_500 = tpu.memref_slice %arg9[%dma_wait3A_498, %dma_wait3A_499] : memref<128x128xf32, #tpu.memory_space<vmem>> -> memref<64x128xf32, #tpu.memory_space<vmem>>
        %dma_wait3A_501 = arith.constant 64 : i32
        %dma_wait3A_502 = tpu.memref_slice %arg8[%run_scoped3A_371, %dma_wait3A_501] : memref<8x128xi32, #tpu.memory_space<vmem>> -> memref<1x64xi32, #tpu.memory_space<vmem>>
        %dma_wait3A_503 = tpu.memref_squeeze %dma_wait3A_502 : memref<1x64xi32, #tpu.memory_space<vmem>> -> memref<64xi32, #tpu.memory_space<vmem>>
        %dma_wait3A_504 = arith.constant 0 : i32
        %dma_wait3A_505 = arith.constant 0 : i32
        %dma_wait3A_506 = tpu.memref_slice %arg12[%dma_wait3A_504, %dma_wait3A_505] : memref<10112x128xf32, #tpu.memory_space<vmem_shared>> -> memref<10112x128xf32, #tpu.memory_space<vmem_shared>>
        tpu.wait_indirect_dma semaphore(%run_scoped3A_488 : memref<!tpu.dma_semaphore, #tpu.memory_space<semaphore_mem>>) src(%dma_wait3A_500 : memref<64x128xf32, #tpu.memory_space<vmem>>) dst(%dma_wait3A_506 : memref<10112x128xf32, #tpu.memory_space<vmem_shared>>)
        tpu.yield
      }) : () -> ()
      %dma_wait3A_372 = arith.constant 5 : i32
      %dma_wait3A_373 = arith.constant 0 : i32
      %dma_wait3A_374 = arith.constant 0 : i32
      %dma_wait3A_375 = tpu.memref_slice %arg9[%dma_wait3A_373, %dma_wait3A_374] : memref<128x128xf32, #tpu.memory_space<vmem>> -> memref<64x128xf32, #tpu.memory_space<vmem>>
      %dma_wait3A_376 = arith.constant 0 : i32
      %dma_wait3A_377 = tpu.memref_slice %arg7[%dma_wait3A_372, %dma_wait3A_376] : memref<8x128xi32, #tpu.memory_space<vmem>> -> memref<1x64xi32, #tpu.memory_space<vmem>>
      %dma_wait3A_378 = tpu.memref_squeeze %dma_wait3A_377 : memref<1x64xi32, #tpu.memory_space<vmem>> -> memref<64xi32, #tpu.memory_space<vmem>>
      %dma_wait3A_379 = arith.constant 0 : i32
      %dma_wait3A_380 = arith.constant 0 : i32
      %dma_wait3A_381 = tpu.memref_slice %arg2[%dma_wait3A_379, %dma_wait3A_380] : memref<10000x128xf32, #tpu.memory_space<hbm>> -> memref<10000x128xf32, #tpu.memory_space<hbm>>
      tpu.wait_indirect_dma semaphore(%arg10 : memref<!tpu.dma_semaphore, #tpu.memory_space<semaphore_mem>>) src(%dma_wait3A_381 : memref<10000x128xf32, #tpu.memory_space<hbm>>) dst(%dma_wait3A_375 : memref<64x128xf32, #tpu.memory_space<vmem>>)
      %dma_start3A_382 = arith.constant 5 : i32
      %dma_start3A_383 = arith.constant 64 : i32
      %dma_start3A_384 = arith.constant 0 : i32
      %dma_start3A_385 = tpu.memref_slice %arg9[%dma_start3A_383, %dma_start3A_384] : memref<128x128xf32, #tpu.memory_space<vmem>> -> memref<64x128xf32, #tpu.memory_space<vmem>>
      %dma_start3A_386 = arith.constant 64 : i32
      %dma_start3A_387 = tpu.memref_slice %arg7[%dma_start3A_382, %dma_start3A_386] : memref<8x128xi32, #tpu.memory_space<vmem>> -> memref<1x64xi32, #tpu.memory_space<vmem>>
      %dma_start3A_388 = tpu.memref_squeeze %dma_start3A_387 : memref<1x64xi32, #tpu.memory_space<vmem>> -> memref<64xi32, #tpu.memory_space<vmem>>
      %dma_start3A_389 = arith.constant 0 : i32
      %dma_start3A_390 = arith.constant 0 : i32
      %dma_start3A_391 = tpu.memref_slice %arg2[%dma_start3A_389, %dma_start3A_390] : memref<10000x128xf32, #tpu.memory_space<hbm>> -> memref<10000x128xf32, #tpu.memory_space<hbm>>
      tpu.enqueue_indirect_dma source(%dma_start3A_391 : memref<10000x128xf32, #tpu.memory_space<hbm>>) target(%dma_start3A_385 : memref<64x128xf32, #tpu.memory_space<vmem>>) offsets(%dma_start3A_388 : memref<64xi32, #tpu.memory_space<vmem>>) semaphore(%arg11 : memref<!tpu.dma_semaphore, #tpu.memory_space<semaphore_mem>>)
      %run_scoped3A_392 = arith.constant 5 : i32
      "tpu.region"() ({
        %run_scoped3A_488 = tpu.sem_alloc : memref<!tpu.dma_semaphore, #tpu.memory_space<semaphore_mem>>
        %dma_start3A_489 = arith.constant 0 : i32
        %dma_start3A_490 = arith.constant 0 : i32
        %dma_start3A_491 = tpu.memref_slice %arg9[%dma_start3A_489, %dma_start3A_490] : memref<128x128xf32, #tpu.memory_space<vmem>> -> memref<64x128xf32, #tpu.memory_space<vmem>>
        %dma_start3A_492 = arith.constant 0 : i32
        %dma_start3A_493 = tpu.memref_slice %arg8[%run_scoped3A_392, %dma_start3A_492] : memref<8x128xi32, #tpu.memory_space<vmem>> -> memref<1x64xi32, #tpu.memory_space<vmem>>
        %dma_start3A_494 = tpu.memref_squeeze %dma_start3A_493 : memref<1x64xi32, #tpu.memory_space<vmem>> -> memref<64xi32, #tpu.memory_space<vmem>>
        %dma_start3A_495 = arith.constant 0 : i32
        %dma_start3A_496 = arith.constant 0 : i32
        %dma_start3A_497 = tpu.memref_slice %arg12[%dma_start3A_495, %dma_start3A_496] : memref<10112x128xf32, #tpu.memory_space<vmem_shared>> -> memref<10112x128xf32, #tpu.memory_space<vmem_shared>>
        tpu.enqueue_indirect_dma source(%dma_start3A_491 : memref<64x128xf32, #tpu.memory_space<vmem>>) target(%dma_start3A_497 : memref<10112x128xf32, #tpu.memory_space<vmem_shared>>) offsets(%dma_start3A_494 : memref<64xi32, #tpu.memory_space<vmem>>) semaphore(%run_scoped3A_488 : memref<!tpu.dma_semaphore, #tpu.memory_space<semaphore_mem>>) {add = true}
        %dma_wait3A_498 = arith.constant 0 : i32
        %dma_wait3A_499 = arith.constant 0 : i32
        %dma_wait3A_500 = tpu.memref_slice %arg9[%dma_wait3A_498, %dma_wait3A_499] : memref<128x128xf32, #tpu.memory_space<vmem>> -> memref<64x128xf32, #tpu.memory_space<vmem>>
        %dma_wait3A_501 = arith.constant 0 : i32
        %dma_wait3A_502 = tpu.memref_slice %arg8[%run_scoped3A_392, %dma_wait3A_501] : memref<8x128xi32, #tpu.memory_space<vmem>> -> memref<1x64xi32, #tpu.memory_space<vmem>>
        %dma_wait3A_503 = tpu.memref_squeeze %dma_wait3A_502 : memref<1x64xi32, #tpu.memory_space<vmem>> -> memref<64xi32, #tpu.memory_space<vmem>>
        %dma_wait3A_504 = arith.constant 0 : i32
        %dma_wait3A_505 = arith.constant 0 : i32
        %dma_wait3A_506 = tpu.memref_slice %arg12[%dma_wait3A_504, %dma_wait3A_505] : memref<10112x128xf32, #tpu.memory_space<vmem_shared>> -> memref<10112x128xf32, #tpu.memory_space<vmem_shared>>
        tpu.wait_indirect_dma semaphore(%run_scoped3A_488 : memref<!tpu.dma_semaphore, #tpu.memory_space<semaphore_mem>>) src(%dma_wait3A_500 : memref<64x128xf32, #tpu.memory_space<vmem>>) dst(%dma_wait3A_506 : memref<10112x128xf32, #tpu.memory_space<vmem_shared>>)
        tpu.yield
      }) : () -> ()
      %dma_wait3A_393 = arith.constant 5 : i32
      %dma_wait3A_394 = arith.constant 64 : i32
      %dma_wait3A_395 = arith.constant 0 : i32
      %dma_wait3A_396 = tpu.memref_slice %arg9[%dma_wait3A_394, %dma_wait3A_395] : memref<128x128xf32, #tpu.memory_space<vmem>> -> memref<64x128xf32, #tpu.memory_space<vmem>>
      %dma_wait3A_397 = arith.constant 64 : i32
      %dma_wait3A_398 = tpu.memref_slice %arg7[%dma_wait3A_393, %dma_wait3A_397] : memref<8x128xi32, #tpu.memory_space<vmem>> -> memref<1x64xi32, #tpu.memory_space<vmem>>
      %dma_wait3A_399 = tpu.memref_squeeze %dma_wait3A_398 : memref<1x64xi32, #tpu.memory_space<vmem>> -> memref<64xi32, #tpu.memory_space<vmem>>
      %dma_wait3A_400 = arith.constant 0 : i32
      %dma_wait3A_401 = arith.constant 0 : i32
      %dma_wait3A_402 = tpu.memref_slice %arg2[%dma_wait3A_400, %dma_wait3A_401] : memref<10000x128xf32, #tpu.memory_space<hbm>> -> memref<10000x128xf32, #tpu.memory_space<hbm>>
      tpu.wait_indirect_dma semaphore(%arg11 : memref<!tpu.dma_semaphore, #tpu.memory_space<semaphore_mem>>) src(%dma_wait3A_402 : memref<10000x128xf32, #tpu.memory_space<hbm>>) dst(%dma_wait3A_396 : memref<64x128xf32, #tpu.memory_space<vmem>>)
      %dma_start3A_403 = arith.constant 6 : i32
      %dma_start3A_404 = arith.constant 0 : i32
      %dma_start3A_405 = arith.constant 0 : i32
      %dma_start3A_406 = tpu.memref_slice %arg9[%dma_start3A_404, %dma_start3A_405] : memref<128x128xf32, #tpu.memory_space<vmem>> -> memref<64x128xf32, #tpu.memory_space<vmem>>
      %dma_start3A_407 = arith.constant 0 : i32
      %dma_start3A_408 = tpu.memref_slice %arg7[%dma_start3A_403, %dma_start3A_407] : memref<8x128xi32, #tpu.memory_space<vmem>> -> memref<1x64xi32, #tpu.memory_space<vmem>>
      %dma_start3A_409 = tpu.memref_squeeze %dma_start3A_408 : memref<1x64xi32, #tpu.memory_space<vmem>> -> memref<64xi32, #tpu.memory_space<vmem>>
      %dma_start3A_410 = arith.constant 0 : i32
      %dma_start3A_411 = arith.constant 0 : i32
      %dma_start3A_412 = tpu.memref_slice %arg2[%dma_start3A_410, %dma_start3A_411] : memref<10000x128xf32, #tpu.memory_space<hbm>> -> memref<10000x128xf32, #tpu.memory_space<hbm>>
      tpu.enqueue_indirect_dma source(%dma_start3A_412 : memref<10000x128xf32, #tpu.memory_space<hbm>>) target(%dma_start3A_406 : memref<64x128xf32, #tpu.memory_space<vmem>>) offsets(%dma_start3A_409 : memref<64xi32, #tpu.memory_space<vmem>>) semaphore(%arg10 : memref<!tpu.dma_semaphore, #tpu.memory_space<semaphore_mem>>)
      %run_scoped3A_413 = arith.constant 5 : i32
      "tpu.region"() ({
        %run_scoped3A_488 = tpu.sem_alloc : memref<!tpu.dma_semaphore, #tpu.memory_space<semaphore_mem>>
        %dma_start3A_489 = arith.constant 64 : i32
        %dma_start3A_490 = arith.constant 0 : i32
        %dma_start3A_491 = tpu.memref_slice %arg9[%dma_start3A_489, %dma_start3A_490] : memref<128x128xf32, #tpu.memory_space<vmem>> -> memref<64x128xf32, #tpu.memory_space<vmem>>
        %dma_start3A_492 = arith.constant 64 : i32
        %dma_start3A_493 = tpu.memref_slice %arg8[%run_scoped3A_413, %dma_start3A_492] : memref<8x128xi32, #tpu.memory_space<vmem>> -> memref<1x64xi32, #tpu.memory_space<vmem>>
        %dma_start3A_494 = tpu.memref_squeeze %dma_start3A_493 : memref<1x64xi32, #tpu.memory_space<vmem>> -> memref<64xi32, #tpu.memory_space<vmem>>
        %dma_start3A_495 = arith.constant 0 : i32
        %dma_start3A_496 = arith.constant 0 : i32
        %dma_start3A_497 = tpu.memref_slice %arg12[%dma_start3A_495, %dma_start3A_496] : memref<10112x128xf32, #tpu.memory_space<vmem_shared>> -> memref<10112x128xf32, #tpu.memory_space<vmem_shared>>
        tpu.enqueue_indirect_dma source(%dma_start3A_491 : memref<64x128xf32, #tpu.memory_space<vmem>>) target(%dma_start3A_497 : memref<10112x128xf32, #tpu.memory_space<vmem_shared>>) offsets(%dma_start3A_494 : memref<64xi32, #tpu.memory_space<vmem>>) semaphore(%run_scoped3A_488 : memref<!tpu.dma_semaphore, #tpu.memory_space<semaphore_mem>>) {add = true}
        %dma_wait3A_498 = arith.constant 64 : i32
        %dma_wait3A_499 = arith.constant 0 : i32
        %dma_wait3A_500 = tpu.memref_slice %arg9[%dma_wait3A_498, %dma_wait3A_499] : memref<128x128xf32, #tpu.memory_space<vmem>> -> memref<64x128xf32, #tpu.memory_space<vmem>>
        %dma_wait3A_501 = arith.constant 64 : i32
        %dma_wait3A_502 = tpu.memref_slice %arg8[%run_scoped3A_413, %dma_wait3A_501] : memref<8x128xi32, #tpu.memory_space<vmem>> -> memref<1x64xi32, #tpu.memory_space<vmem>>
        %dma_wait3A_503 = tpu.memref_squeeze %dma_wait3A_502 : memref<1x64xi32, #tpu.memory_space<vmem>> -> memref<64xi32, #tpu.memory_space<vmem>>
        %dma_wait3A_504 = arith.constant 0 : i32
        %dma_wait3A_505 = arith.constant 0 : i32
        %dma_wait3A_506 = tpu.memref_slice %arg12[%dma_wait3A_504, %dma_wait3A_505] : memref<10112x128xf32, #tpu.memory_space<vmem_shared>> -> memref<10112x128xf32, #tpu.memory_space<vmem_shared>>
        tpu.wait_indirect_dma semaphore(%run_scoped3A_488 : memref<!tpu.dma_semaphore, #tpu.memory_space<semaphore_mem>>) src(%dma_wait3A_500 : memref<64x128xf32, #tpu.memory_space<vmem>>) dst(%dma_wait3A_506 : memref<10112x128xf32, #tpu.memory_space<vmem_shared>>)
        tpu.yield
      }) : () -> ()
      %dma_wait3A_414 = arith.constant 6 : i32
      %dma_wait3A_415 = arith.constant 0 : i32
      %dma_wait3A_416 = arith.constant 0 : i32
      %dma_wait3A_417 = tpu.memref_slice %arg9[%dma_wait3A_415, %dma_wait3A_416] : memref<128x128xf32, #tpu.memory_space<vmem>> -> memref<64x128xf32, #tpu.memory_space<vmem>>
      %dma_wait3A_418 = arith.constant 0 : i32
      %dma_wait3A_419 = tpu.memref_slice %arg7[%dma_wait3A_414, %dma_wait3A_418] : memref<8x128xi32, #tpu.memory_space<vmem>> -> memref<1x64xi32, #tpu.memory_space<vmem>>
      %dma_wait3A_420 = tpu.memref_squeeze %dma_wait3A_419 : memref<1x64xi32, #tpu.memory_space<vmem>> -> memref<64xi32, #tpu.memory_space<vmem>>
      %dma_wait3A_421 = arith.constant 0 : i32
      %dma_wait3A_422 = arith.constant 0 : i32
      %dma_wait3A_423 = tpu.memref_slice %arg2[%dma_wait3A_421, %dma_wait3A_422] : memref<10000x128xf32, #tpu.memory_space<hbm>> -> memref<10000x128xf32, #tpu.memory_space<hbm>>
      tpu.wait_indirect_dma semaphore(%arg10 : memref<!tpu.dma_semaphore, #tpu.memory_space<semaphore_mem>>) src(%dma_wait3A_423 : memref<10000x128xf32, #tpu.memory_space<hbm>>) dst(%dma_wait3A_417 : memref<64x128xf32, #tpu.memory_space<vmem>>)
      %dma_start3A_424 = arith.constant 6 : i32
      %dma_start3A_425 = arith.constant 64 : i32
      %dma_start3A_426 = arith.constant 0 : i32
      %dma_start3A_427 = tpu.memref_slice %arg9[%dma_start3A_425, %dma_start3A_426] : memref<128x128xf32, #tpu.memory_space<vmem>> -> memref<64x128xf32, #tpu.memory_space<vmem>>
      %dma_start3A_428 = arith.constant 64 : i32
      %dma_start3A_429 = tpu.memref_slice %arg7[%dma_start3A_424, %dma_start3A_428] : memref<8x128xi32, #tpu.memory_space<vmem>> -> memref<1x64xi32, #tpu.memory_space<vmem>>
      %dma_start3A_430 = tpu.memref_squeeze %dma_start3A_429 : memref<1x64xi32, #tpu.memory_space<vmem>> -> memref<64xi32, #tpu.memory_space<vmem>>
      %dma_start3A_431 = arith.constant 0 : i32
      %dma_start3A_432 = arith.constant 0 : i32
      %dma_start3A_433 = tpu.memref_slice %arg2[%dma_start3A_431, %dma_start3A_432] : memref<10000x128xf32, #tpu.memory_space<hbm>> -> memref<10000x128xf32, #tpu.memory_space<hbm>>
      tpu.enqueue_indirect_dma source(%dma_start3A_433 : memref<10000x128xf32, #tpu.memory_space<hbm>>) target(%dma_start3A_427 : memref<64x128xf32, #tpu.memory_space<vmem>>) offsets(%dma_start3A_430 : memref<64xi32, #tpu.memory_space<vmem>>) semaphore(%arg11 : memref<!tpu.dma_semaphore, #tpu.memory_space<semaphore_mem>>)
      %run_scoped3A_434 = arith.constant 6 : i32
      "tpu.region"() ({
        %run_scoped3A_488 = tpu.sem_alloc : memref<!tpu.dma_semaphore, #tpu.memory_space<semaphore_mem>>
        %dma_start3A_489 = arith.constant 0 : i32
        %dma_start3A_490 = arith.constant 0 : i32
        %dma_start3A_491 = tpu.memref_slice %arg9[%dma_start3A_489, %dma_start3A_490] : memref<128x128xf32, #tpu.memory_space<vmem>> -> memref<64x128xf32, #tpu.memory_space<vmem>>
        %dma_start3A_492 = arith.constant 0 : i32
        %dma_start3A_493 = tpu.memref_slice %arg8[%run_scoped3A_434, %dma_start3A_492] : memref<8x128xi32, #tpu.memory_space<vmem>> -> memref<1x64xi32, #tpu.memory_space<vmem>>
        %dma_start3A_494 = tpu.memref_squeeze %dma_start3A_493 : memref<1x64xi32, #tpu.memory_space<vmem>> -> memref<64xi32, #tpu.memory_space<vmem>>
        %dma_start3A_495 = arith.constant 0 : i32
        %dma_start3A_496 = arith.constant 0 : i32
        %dma_start3A_497 = tpu.memref_slice %arg12[%dma_start3A_495, %dma_start3A_496] : memref<10112x128xf32, #tpu.memory_space<vmem_shared>> -> memref<10112x128xf32, #tpu.memory_space<vmem_shared>>
        tpu.enqueue_indirect_dma source(%dma_start3A_491 : memref<64x128xf32, #tpu.memory_space<vmem>>) target(%dma_start3A_497 : memref<10112x128xf32, #tpu.memory_space<vmem_shared>>) offsets(%dma_start3A_494 : memref<64xi32, #tpu.memory_space<vmem>>) semaphore(%run_scoped3A_488 : memref<!tpu.dma_semaphore, #tpu.memory_space<semaphore_mem>>) {add = true}
        %dma_wait3A_498 = arith.constant 0 : i32
        %dma_wait3A_499 = arith.constant 0 : i32
        %dma_wait3A_500 = tpu.memref_slice %arg9[%dma_wait3A_498, %dma_wait3A_499] : memref<128x128xf32, #tpu.memory_space<vmem>> -> memref<64x128xf32, #tpu.memory_space<vmem>>
        %dma_wait3A_501 = arith.constant 0 : i32
        %dma_wait3A_502 = tpu.memref_slice %arg8[%run_scoped3A_434, %dma_wait3A_501] : memref<8x128xi32, #tpu.memory_space<vmem>> -> memref<1x64xi32, #tpu.memory_space<vmem>>
        %dma_wait3A_503 = tpu.memref_squeeze %dma_wait3A_502 : memref<1x64xi32, #tpu.memory_space<vmem>> -> memref<64xi32, #tpu.memory_space<vmem>>
        %dma_wait3A_504 = arith.constant 0 : i32
        %dma_wait3A_505 = arith.constant 0 : i32
        %dma_wait3A_506 = tpu.memref_slice %arg12[%dma_wait3A_504, %dma_wait3A_505] : memref<10112x128xf32, #tpu.memory_space<vmem_shared>> -> memref<10112x128xf32, #tpu.memory_space<vmem_shared>>
        tpu.wait_indirect_dma semaphore(%run_scoped3A_488 : memref<!tpu.dma_semaphore, #tpu.memory_space<semaphore_mem>>) src(%dma_wait3A_500 : memref<64x128xf32, #tpu.memory_space<vmem>>) dst(%dma_wait3A_506 : memref<10112x128xf32, #tpu.memory_space<vmem_shared>>)
        tpu.yield
      }) : () -> ()
      %dma_wait3A_435 = arith.constant 6 : i32
      %dma_wait3A_436 = arith.constant 64 : i32
      %dma_wait3A_437 = arith.constant 0 : i32
      %dma_wait3A_438 = tpu.memref_slice %arg9[%dma_wait3A_436, %dma_wait3A_437] : memref<128x128xf32, #tpu.memory_space<vmem>> -> memref<64x128xf32, #tpu.memory_space<vmem>>
      %dma_wait3A_439 = arith.constant 64 : i32
      %dma_wait3A_440 = tpu.memref_slice %arg7[%dma_wait3A_435, %dma_wait3A_439] : memref<8x128xi32, #tpu.memory_space<vmem>> -> memref<1x64xi32, #tpu.memory_space<vmem>>
      %dma_wait3A_441 = tpu.memref_squeeze %dma_wait3A_440 : memref<1x64xi32, #tpu.memory_space<vmem>> -> memref<64xi32, #tpu.memory_space<vmem>>
      %dma_wait3A_442 = arith.constant 0 : i32
      %dma_wait3A_443 = arith.constant 0 : i32
      %dma_wait3A_444 = tpu.memref_slice %arg2[%dma_wait3A_442, %dma_wait3A_443] : memref<10000x128xf32, #tpu.memory_space<hbm>> -> memref<10000x128xf32, #tpu.memory_space<hbm>>
      tpu.wait_indirect_dma semaphore(%arg11 : memref<!tpu.dma_semaphore, #tpu.memory_space<semaphore_mem>>) src(%dma_wait3A_444 : memref<10000x128xf32, #tpu.memory_space<hbm>>) dst(%dma_wait3A_438 : memref<64x128xf32, #tpu.memory_space<vmem>>)
      %dma_start3A_445 = arith.constant 7 : i32
      %dma_start3A_446 = arith.constant 0 : i32
      %dma_start3A_447 = arith.constant 0 : i32
      %dma_start3A_448 = tpu.memref_slice %arg9[%dma_start3A_446, %dma_start3A_447] : memref<128x128xf32, #tpu.memory_space<vmem>> -> memref<64x128xf32, #tpu.memory_space<vmem>>
      %dma_start3A_449 = arith.constant 0 : i32
      %dma_start3A_450 = tpu.memref_slice %arg7[%dma_start3A_445, %dma_start3A_449] : memref<8x128xi32, #tpu.memory_space<vmem>> -> memref<1x64xi32, #tpu.memory_space<vmem>>
      %dma_start3A_451 = tpu.memref_squeeze %dma_start3A_450 : memref<1x64xi32, #tpu.memory_space<vmem>> -> memref<64xi32, #tpu.memory_space<vmem>>
      %dma_start3A_452 = arith.constant 0 : i32
      %dma_start3A_453 = arith.constant 0 : i32
      %dma_start3A_454 = tpu.memref_slice %arg2[%dma_start3A_452, %dma_start3A_453] : memref<10000x128xf32, #tpu.memory_space<hbm>> -> memref<10000x128xf32, #tpu.memory_space<hbm>>
      tpu.enqueue_indirect_dma source(%dma_start3A_454 : memref<10000x128xf32, #tpu.memory_space<hbm>>) target(%dma_start3A_448 : memref<64x128xf32, #tpu.memory_space<vmem>>) offsets(%dma_start3A_451 : memref<64xi32, #tpu.memory_space<vmem>>) semaphore(%arg10 : memref<!tpu.dma_semaphore, #tpu.memory_space<semaphore_mem>>)
      %run_scoped3A_455 = arith.constant 6 : i32
      "tpu.region"() ({
        %run_scoped3A_488 = tpu.sem_alloc : memref<!tpu.dma_semaphore, #tpu.memory_space<semaphore_mem>>
        %dma_start3A_489 = arith.constant 64 : i32
        %dma_start3A_490 = arith.constant 0 : i32
        %dma_start3A_491 = tpu.memref_slice %arg9[%dma_start3A_489, %dma_start3A_490] : memref<128x128xf32, #tpu.memory_space<vmem>> -> memref<64x128xf32, #tpu.memory_space<vmem>>
        %dma_start3A_492 = arith.constant 64 : i32
        %dma_start3A_493 = tpu.memref_slice %arg8[%run_scoped3A_455, %dma_start3A_492] : memref<8x128xi32, #tpu.memory_space<vmem>> -> memref<1x64xi32, #tpu.memory_space<vmem>>
        %dma_start3A_494 = tpu.memref_squeeze %dma_start3A_493 : memref<1x64xi32, #tpu.memory_space<vmem>> -> memref<64xi32, #tpu.memory_space<vmem>>
        %dma_start3A_495 = arith.constant 0 : i32
        %dma_start3A_496 = arith.constant 0 : i32
        %dma_start3A_497 = tpu.memref_slice %arg12[%dma_start3A_495, %dma_start3A_496] : memref<10112x128xf32, #tpu.memory_space<vmem_shared>> -> memref<10112x128xf32, #tpu.memory_space<vmem_shared>>
        tpu.enqueue_indirect_dma source(%dma_start3A_491 : memref<64x128xf32, #tpu.memory_space<vmem>>) target(%dma_start3A_497 : memref<10112x128xf32, #tpu.memory_space<vmem_shared>>) offsets(%dma_start3A_494 : memref<64xi32, #tpu.memory_space<vmem>>) semaphore(%run_scoped3A_488 : memref<!tpu.dma_semaphore, #tpu.memory_space<semaphore_mem>>) {add = true}
        %dma_wait3A_498 = arith.constant 64 : i32
        %dma_wait3A_499 = arith.constant 0 : i32
        %dma_wait3A_500 = tpu.memref_slice %arg9[%dma_wait3A_498, %dma_wait3A_499] : memref<128x128xf32, #tpu.memory_space<vmem>> -> memref<64x128xf32, #tpu.memory_space<vmem>>
        %dma_wait3A_501 = arith.constant 64 : i32
        %dma_wait3A_502 = tpu.memref_slice %arg8[%run_scoped3A_455, %dma_wait3A_501] : memref<8x128xi32, #tpu.memory_space<vmem>> -> memref<1x64xi32, #tpu.memory_space<vmem>>
        %dma_wait3A_503 = tpu.memref_squeeze %dma_wait3A_502 : memref<1x64xi32, #tpu.memory_space<vmem>> -> memref<64xi32, #tpu.memory_space<vmem>>
        %dma_wait3A_504 = arith.constant 0 : i32
        %dma_wait3A_505 = arith.constant 0 : i32
        %dma_wait3A_506 = tpu.memref_slice %arg12[%dma_wait3A_504, %dma_wait3A_505] : memref<10112x128xf32, #tpu.memory_space<vmem_shared>> -> memref<10112x128xf32, #tpu.memory_space<vmem_shared>>
        tpu.wait_indirect_dma semaphore(%run_scoped3A_488 : memref<!tpu.dma_semaphore, #tpu.memory_space<semaphore_mem>>) src(%dma_wait3A_500 : memref<64x128xf32, #tpu.memory_space<vmem>>) dst(%dma_wait3A_506 : memref<10112x128xf32, #tpu.memory_space<vmem_shared>>)
        tpu.yield
      }) : () -> ()
      %dma_wait3A_456 = arith.constant 7 : i32
      %dma_wait3A_457 = arith.constant 0 : i32
      %dma_wait3A_458 = arith.constant 0 : i32
      %dma_wait3A_459 = tpu.memref_slice %arg9[%dma_wait3A_457, %dma_wait3A_458] : memref<128x128xf32, #tpu.memory_space<vmem>> -> memref<64x128xf32, #tpu.memory_space<vmem>>
      %dma_wait3A_460 = arith.constant 0 : i32
      %dma_wait3A_461 = tpu.memref_slice %arg7[%dma_wait3A_456, %dma_wait3A_460] : memref<8x128xi32, #tpu.memory_space<vmem>> -> memref<1x64xi32, #tpu.memory_space<vmem>>
      %dma_wait3A_462 = tpu.memref_squeeze %dma_wait3A_461 : memref<1x64xi32, #tpu.memory_space<vmem>> -> memref<64xi32, #tpu.memory_space<vmem>>
      %dma_wait3A_463 = arith.constant 0 : i32
      %dma_wait3A_464 = arith.constant 0 : i32
      %dma_wait3A_465 = tpu.memref_slice %arg2[%dma_wait3A_463, %dma_wait3A_464] : memref<10000x128xf32, #tpu.memory_space<hbm>> -> memref<10000x128xf32, #tpu.memory_space<hbm>>
      tpu.wait_indirect_dma semaphore(%arg10 : memref<!tpu.dma_semaphore, #tpu.memory_space<semaphore_mem>>) src(%dma_wait3A_465 : memref<10000x128xf32, #tpu.memory_space<hbm>>) dst(%dma_wait3A_459 : memref<64x128xf32, #tpu.memory_space<vmem>>)
      %dma_start3A_466 = arith.constant 7 : i32
      %dma_start3A_467 = arith.constant 64 : i32
      %dma_start3A_468 = arith.constant 0 : i32
      %dma_start3A_469 = tpu.memref_slice %arg9[%dma_start3A_467, %dma_start3A_468] : memref<128x128xf32, #tpu.memory_space<vmem>> -> memref<64x128xf32, #tpu.memory_space<vmem>>
      %dma_start3A_470 = arith.constant 64 : i32
      %dma_start3A_471 = tpu.memref_slice %arg7[%dma_start3A_466, %dma_start3A_470] : memref<8x128xi32, #tpu.memory_space<vmem>> -> memref<1x64xi32, #tpu.memory_space<vmem>>
      %dma_start3A_472 = tpu.memref_squeeze %dma_start3A_471 : memref<1x64xi32, #tpu.memory_space<vmem>> -> memref<64xi32, #tpu.memory_space<vmem>>
      %dma_start3A_473 = arith.constant 0 : i32
      %dma_start3A_474 = arith.constant 0 : i32
      %dma_start3A_475 = tpu.memref_slice %arg2[%dma_start3A_473, %dma_start3A_474] : memref<10000x128xf32, #tpu.memory_space<hbm>> -> memref<10000x128xf32, #tpu.memory_space<hbm>>
      tpu.enqueue_indirect_dma source(%dma_start3A_475 : memref<10000x128xf32, #tpu.memory_space<hbm>>) target(%dma_start3A_469 : memref<64x128xf32, #tpu.memory_space<vmem>>) offsets(%dma_start3A_472 : memref<64xi32, #tpu.memory_space<vmem>>) semaphore(%arg11 : memref<!tpu.dma_semaphore, #tpu.memory_space<semaphore_mem>>)
      %run_scoped3A_476 = arith.constant 7 : i32
      "tpu.region"() ({
        %run_scoped3A_488 = tpu.sem_alloc : memref<!tpu.dma_semaphore, #tpu.memory_space<semaphore_mem>>
        %dma_start3A_489 = arith.constant 0 : i32
        %dma_start3A_490 = arith.constant 0 : i32
        %dma_start3A_491 = tpu.memref_slice %arg9[%dma_start3A_489, %dma_start3A_490] : memref<128x128xf32, #tpu.memory_space<vmem>> -> memref<64x128xf32, #tpu.memory_space<vmem>>
        %dma_start3A_492 = arith.constant 0 : i32
        %dma_start3A_493 = tpu.memref_slice %arg8[%run_scoped3A_476, %dma_start3A_492] : memref<8x128xi32, #tpu.memory_space<vmem>> -> memref<1x64xi32, #tpu.memory_space<vmem>>
        %dma_start3A_494 = tpu.memref_squeeze %dma_start3A_493 : memref<1x64xi32, #tpu.memory_space<vmem>> -> memref<64xi32, #tpu.memory_space<vmem>>
        %dma_start3A_495 = arith.constant 0 : i32
        %dma_start3A_496 = arith.constant 0 : i32
        %dma_start3A_497 = tpu.memref_slice %arg12[%dma_start3A_495, %dma_start3A_496] : memref<10112x128xf32, #tpu.memory_space<vmem_shared>> -> memref<10112x128xf32, #tpu.memory_space<vmem_shared>>
        tpu.enqueue_indirect_dma source(%dma_start3A_491 : memref<64x128xf32, #tpu.memory_space<vmem>>) target(%dma_start3A_497 : memref<10112x128xf32, #tpu.memory_space<vmem_shared>>) offsets(%dma_start3A_494 : memref<64xi32, #tpu.memory_space<vmem>>) semaphore(%run_scoped3A_488 : memref<!tpu.dma_semaphore, #tpu.memory_space<semaphore_mem>>) {add = true}
        %dma_wait3A_498 = arith.constant 0 : i32
        %dma_wait3A_499 = arith.constant 0 : i32
        %dma_wait3A_500 = tpu.memref_slice %arg9[%dma_wait3A_498, %dma_wait3A_499] : memref<128x128xf32, #tpu.memory_space<vmem>> -> memref<64x128xf32, #tpu.memory_space<vmem>>
        %dma_wait3A_501 = arith.constant 0 : i32
        %dma_wait3A_502 = tpu.memref_slice %arg8[%run_scoped3A_476, %dma_wait3A_501] : memref<8x128xi32, #tpu.memory_space<vmem>> -> memref<1x64xi32, #tpu.memory_space<vmem>>
        %dma_wait3A_503 = tpu.memref_squeeze %dma_wait3A_502 : memref<1x64xi32, #tpu.memory_space<vmem>> -> memref<64xi32, #tpu.memory_space<vmem>>
        %dma_wait3A_504 = arith.constant 0 : i32
        %dma_wait3A_505 = arith.constant 0 : i32
        %dma_wait3A_506 = tpu.memref_slice %arg12[%dma_wait3A_504, %dma_wait3A_505] : memref<10112x128xf32, #tpu.memory_space<vmem_shared>> -> memref<10112x128xf32, #tpu.memory_space<vmem_shared>>
        tpu.wait_indirect_dma semaphore(%run_scoped3A_488 : memref<!tpu.dma_semaphore, #tpu.memory_space<semaphore_mem>>) src(%dma_wait3A_500 : memref<64x128xf32, #tpu.memory_space<vmem>>) dst(%dma_wait3A_506 : memref<10112x128xf32, #tpu.memory_space<vmem_shared>>)
        tpu.yield
      }) : () -> ()
      %dma_wait3A_477 = arith.constant 7 : i32
      %dma_wait3A_478 = arith.constant 64 : i32
      %dma_wait3A_479 = arith.constant 0 : i32
      %dma_wait3A_480 = tpu.memref_slice %arg9[%dma_wait3A_478, %dma_wait3A_479] : memref<128x128xf32, #tpu.memory_space<vmem>> -> memref<64x128xf32, #tpu.memory_space<vmem>>
      %dma_wait3A_481 = arith.constant 64 : i32
      %dma_wait3A_482 = tpu.memref_slice %arg7[%dma_wait3A_477, %dma_wait3A_481] : memref<8x128xi32, #tpu.memory_space<vmem>> -> memref<1x64xi32, #tpu.memory_space<vmem>>
      %dma_wait3A_483 = tpu.memref_squeeze %dma_wait3A_482 : memref<1x64xi32, #tpu.memory_space<vmem>> -> memref<64xi32, #tpu.memory_space<vmem>>
      %dma_wait3A_484 = arith.constant 0 : i32
      %dma_wait3A_485 = arith.constant 0 : i32
      %dma_wait3A_486 = tpu.memref_slice %arg2[%dma_wait3A_484, %dma_wait3A_485] : memref<10000x128xf32, #tpu.memory_space<hbm>> -> memref<10000x128xf32, #tpu.memory_space<hbm>>
      tpu.wait_indirect_dma semaphore(%arg11 : memref<!tpu.dma_semaphore, #tpu.memory_space<semaphore_mem>>) src(%dma_wait3A_486 : memref<10000x128xf32, #tpu.memory_space<hbm>>) dst(%dma_wait3A_480 : memref<64x128xf32, #tpu.memory_space<vmem>>)
      %run_scoped3A_487 = arith.constant 7 : i32
      "tpu.region"() ({
        %run_scoped3A_488 = tpu.sem_alloc : memref<!tpu.dma_semaphore, #tpu.memory_space<semaphore_mem>>
        %dma_start3A_489 = arith.constant 64 : i32
        %dma_start3A_490 = arith.constant 0 : i32
        %dma_start3A_491 = tpu.memref_slice %arg9[%dma_start3A_489, %dma_start3A_490] : memref<128x128xf32, #tpu.memory_space<vmem>> -> memref<64x128xf32, #tpu.memory_space<vmem>>
        %dma_start3A_492 = arith.constant 64 : i32
        %dma_start3A_493 = tpu.memref_slice %arg8[%run_scoped3A_487, %dma_start3A_492] : memref<8x128xi32, #tpu.memory_space<vmem>> -> memref<1x64xi32, #tpu.memory_space<vmem>>
        %dma_start3A_494 = tpu.memref_squeeze %dma_start3A_493 : memref<1x64xi32, #tpu.memory_space<vmem>> -> memref<64xi32, #tpu.memory_space<vmem>>
        %dma_start3A_495 = arith.constant 0 : i32
        %dma_start3A_496 = arith.constant 0 : i32
        %dma_start3A_497 = tpu.memref_slice %arg12[%dma_start3A_495, %dma_start3A_496] : memref<10112x128xf32, #tpu.memory_space<vmem_shared>> -> memref<10112x128xf32, #tpu.memory_space<vmem_shared>>
        tpu.enqueue_indirect_dma source(%dma_start3A_491 : memref<64x128xf32, #tpu.memory_space<vmem>>) target(%dma_start3A_497 : memref<10112x128xf32, #tpu.memory_space<vmem_shared>>) offsets(%dma_start3A_494 : memref<64xi32, #tpu.memory_space<vmem>>) semaphore(%run_scoped3A_488 : memref<!tpu.dma_semaphore, #tpu.memory_space<semaphore_mem>>) {add = true}
        %dma_wait3A_498 = arith.constant 64 : i32
        %dma_wait3A_499 = arith.constant 0 : i32
        %dma_wait3A_500 = tpu.memref_slice %arg9[%dma_wait3A_498, %dma_wait3A_499] : memref<128x128xf32, #tpu.memory_space<vmem>> -> memref<64x128xf32, #tpu.memory_space<vmem>>
        %dma_wait3A_501 = arith.constant 64 : i32
        %dma_wait3A_502 = tpu.memref_slice %arg8[%run_scoped3A_487, %dma_wait3A_501] : memref<8x128xi32, #tpu.memory_space<vmem>> -> memref<1x64xi32, #tpu.memory_space<vmem>>
        %dma_wait3A_503 = tpu.memref_squeeze %dma_wait3A_502 : memref<1x64xi32, #tpu.memory_space<vmem>> -> memref<64xi32, #tpu.memory_space<vmem>>
        %dma_wait3A_504 = arith.constant 0 : i32
        %dma_wait3A_505 = arith.constant 0 : i32
        %dma_wait3A_506 = tpu.memref_slice %arg12[%dma_wait3A_504, %dma_wait3A_505] : memref<10112x128xf32, #tpu.memory_space<vmem_shared>> -> memref<10112x128xf32, #tpu.memory_space<vmem_shared>>
        tpu.wait_indirect_dma semaphore(%run_scoped3A_488 : memref<!tpu.dma_semaphore, #tpu.memory_space<semaphore_mem>>) src(%dma_wait3A_500 : memref<64x128xf32, #tpu.memory_space<vmem>>) dst(%dma_wait3A_506 : memref<10112x128xf32, #tpu.memory_space<vmem_shared>>)
        tpu.yield
      }) : () -> ()
    }
    %while3A_52 = arith.constant 1 : i32
    scf.for %while3A_150 = %while3A_50 to %while3A_46 step %while3A_52  : i32 {
      %mul3A_151 = arith.constant 8 : i32
      %mul3A_152 = arith.muli %while3A_150, %mul3A_151 : i32
      %add3A_153 = arith.addi %add3A_12, %mul3A_152 : i32
      %multiple_of3A_154 = tpu.assume_multiple %add3A_153, 8 : i32
      "tpu.region"() ({
        %run_scoped3A_488 = tpu.sem_alloc : memref<!tpu.dma_semaphore, #tpu.memory_space<semaphore_mem>>
        %dma_start3A_489 = arith.constant 0 : i32
        %dma_start3A_490 = tpu.memref_slice %arg3[%multiple_of3A_154, %dma_start3A_489] : memref<2560x128xi32, #tpu.memory_space<hbm>> -> memref<8x128xi32, #tpu.memory_space<hbm>>
        %dma_start3A_491 = arith.constant 0 : i32
        %dma_start3A_492 = tpu.memref_slice %arg3[%multiple_of3A_154, %dma_start3A_491] : memref<2560x128xi32, #tpu.memory_space<hbm>> -> memref<8x128xi32, #tpu.memory_space<hbm>>
        tpu.enqueue_dma source(%dma_start3A_492 : memref<8x128xi32, #tpu.memory_space<hbm>>) target(%arg7 : memref<8x128xi32, #tpu.memory_space<vmem>>) target_semaphore(%run_scoped3A_488 : memref<!tpu.dma_semaphore, #tpu.memory_space<semaphore_mem>>)
        %dma_wait3A_493 = arith.constant 0 : i32
        %dma_wait3A_494 = tpu.memref_slice %arg3[%multiple_of3A_154, %dma_wait3A_493] : memref<2560x128xi32, #tpu.memory_space<hbm>> -> memref<8x128xi32, #tpu.memory_space<hbm>>
        %dma_wait3A_495 = arith.constant 0 : i32
        %dma_wait3A_496 = tpu.memref_slice %arg3[%multiple_of3A_154, %dma_wait3A_495] : memref<2560x128xi32, #tpu.memory_space<hbm>> -> memref<8x128xi32, #tpu.memory_space<hbm>>
        tpu.wait_dma2 semaphore(%run_scoped3A_488 : memref<!tpu.dma_semaphore, #tpu.memory_space<semaphore_mem>>) src(%dma_wait3A_496 : memref<8x128xi32, #tpu.memory_space<hbm>>) dst(%arg7 : memref<8x128xi32, #tpu.memory_space<vmem>>)
        tpu.yield
      }) : () -> ()
      "tpu.region"() ({
        %run_scoped3A_488 = tpu.sem_alloc : memref<!tpu.dma_semaphore, #tpu.memory_space<semaphore_mem>>
        %dma_start3A_489 = arith.constant 0 : i32
        %dma_start3A_490 = tpu.memref_slice %arg4[%multiple_of3A_154, %dma_start3A_489] : memref<2560x128xi32, #tpu.memory_space<hbm>> -> memref<8x128xi32, #tpu.memory_space<hbm>>
        %dma_start3A_491 = arith.constant 0 : i32
        %dma_start3A_492 = tpu.memref_slice %arg4[%multiple_of3A_154, %dma_start3A_491] : memref<2560x128xi32, #tpu.memory_space<hbm>> -> memref<8x128xi32, #tpu.memory_space<hbm>>
        tpu.enqueue_dma source(%dma_start3A_492 : memref<8x128xi32, #tpu.memory_space<hbm>>) target(%arg8 : memref<8x128xi32, #tpu.memory_space<vmem>>) target_semaphore(%run_scoped3A_488 : memref<!tpu.dma_semaphore, #tpu.memory_space<semaphore_mem>>)
        %dma_wait3A_493 = arith.constant 0 : i32
        %dma_wait3A_494 = tpu.memref_slice %arg4[%multiple_of3A_154, %dma_wait3A_493] : memref<2560x128xi32, #tpu.memory_space<hbm>> -> memref<8x128xi32, #tpu.memory_space<hbm>>
        %dma_wait3A_495 = arith.constant 0 : i32
        %dma_wait3A_496 = tpu.memref_slice %arg4[%multiple_of3A_154, %dma_wait3A_495] : memref<2560x128xi32, #tpu.memory_space<hbm>> -> memref<8x128xi32, #tpu.memory_space<hbm>>
        tpu.wait_dma2 semaphore(%run_scoped3A_488 : memref<!tpu.dma_semaphore, #tpu.memory_space<semaphore_mem>>) src(%dma_wait3A_496 : memref<8x128xi32, #tpu.memory_space<hbm>>) dst(%arg8 : memref<8x128xi32, #tpu.memory_space<vmem>>)
        tpu.yield
      }) : () -> ()
      %dma_start3A = arith.constant 0 : i32
      %dma_start3A_155 = arith.constant 0 : i32
      %dma_start3A_156 = arith.constant 0 : i32
      %dma_start3A_157 = tpu.memref_slice %arg9[%dma_start3A_155, %dma_start3A_156] : memref<128x128xf32, #tpu.memory_space<vmem>> -> memref<64x128xf32, #tpu.memory_space<vmem>>
      %dma_start3A_158 = arith.constant 0 : i32
      %dma_start3A_159 = tpu.memref_slice %arg7[%dma_start3A, %dma_start3A_158] : memref<8x128xi32, #tpu.memory_space<vmem>> -> memref<1x64xi32, #tpu.memory_space<vmem>>
      %dma_start3A_160 = tpu.memref_squeeze %dma_start3A_159 : memref<1x64xi32, #tpu.memory_space<vmem>> -> memref<64xi32, #tpu.memory_space<vmem>>
      %dma_start3A_161 = arith.constant 0 : i32
      %dma_start3A_162 = arith.constant 0 : i32
      %dma_start3A_163 = tpu.memref_slice %arg2[%dma_start3A_161, %dma_start3A_162] : memref<10000x128xf32, #tpu.memory_space<hbm>> -> memref<10000x128xf32, #tpu.memory_space<hbm>>
      tpu.enqueue_indirect_dma source(%dma_start3A_163 : memref<10000x128xf32, #tpu.memory_space<hbm>>) target(%dma_start3A_157 : memref<64x128xf32, #tpu.memory_space<vmem>>) offsets(%dma_start3A_160 : memref<64xi32, #tpu.memory_space<vmem>>) semaphore(%arg10 : memref<!tpu.dma_semaphore, #tpu.memory_space<semaphore_mem>>)
      %dma_wait3A = arith.constant 0 : i32
      %dma_wait3A_164 = arith.constant 0 : i32
      %dma_wait3A_165 = arith.constant 0 : i32
      %dma_wait3A_166 = tpu.memref_slice %arg9[%dma_wait3A_164, %dma_wait3A_165] : memref<128x128xf32, #tpu.memory_space<vmem>> -> memref<64x128xf32, #tpu.memory_space<vmem>>
      %dma_wait3A_167 = arith.constant 0 : i32
      %dma_wait3A_168 = tpu.memref_slice %arg7[%dma_wait3A, %dma_wait3A_167] : memref<8x128xi32, #tpu.memory_space<vmem>> -> memref<1x64xi32, #tpu.memory_space<vmem>>
      %dma_wait3A_169 = tpu.memref_squeeze %dma_wait3A_168 : memref<1x64xi32, #tpu.memory_space<vmem>> -> memref<64xi32, #tpu.memory_space<vmem>>
      %dma_wait3A_170 = arith.constant 0 : i32
      %dma_wait3A_171 = arith.constant 0 : i32
      %dma_wait3A_172 = tpu.memref_slice %arg2[%dma_wait3A_170, %dma_wait3A_171] : memref<10000x128xf32, #tpu.memory_space<hbm>> -> memref<10000x128xf32, #tpu.memory_space<hbm>>
      tpu.wait_indirect_dma semaphore(%arg10 : memref<!tpu.dma_semaphore, #tpu.memory_space<semaphore_mem>>) src(%dma_wait3A_172 : memref<10000x128xf32, #tpu.memory_space<hbm>>) dst(%dma_wait3A_166 : memref<64x128xf32, #tpu.memory_space<vmem>>)
      %dma_start3A_173 = arith.constant 0 : i32
      %dma_start3A_174 = arith.constant 64 : i32
      %dma_start3A_175 = arith.constant 0 : i32
      %dma_start3A_176 = tpu.memref_slice %arg9[%dma_start3A_174, %dma_start3A_175] : memref<128x128xf32, #tpu.memory_space<vmem>> -> memref<64x128xf32, #tpu.memory_space<vmem>>
      %dma_start3A_177 = arith.constant 64 : i32
      %dma_start3A_178 = tpu.memref_slice %arg7[%dma_start3A_173, %dma_start3A_177] : memref<8x128xi32, #tpu.memory_space<vmem>> -> memref<1x64xi32, #tpu.memory_space<vmem>>
      %dma_start3A_179 = tpu.memref_squeeze %dma_start3A_178 : memref<1x64xi32, #tpu.memory_space<vmem>> -> memref<64xi32, #tpu.memory_space<vmem>>
      %dma_start3A_180 = arith.constant 0 : i32
      %dma_start3A_181 = arith.constant 0 : i32
      %dma_start3A_182 = tpu.memref_slice %arg2[%dma_start3A_180, %dma_start3A_181] : memref<10000x128xf32, #tpu.memory_space<hbm>> -> memref<10000x128xf32, #tpu.memory_space<hbm>>
      tpu.enqueue_indirect_dma source(%dma_start3A_182 : memref<10000x128xf32, #tpu.memory_space<hbm>>) target(%dma_start3A_176 : memref<64x128xf32, #tpu.memory_space<vmem>>) offsets(%dma_start3A_179 : memref<64xi32, #tpu.memory_space<vmem>>) semaphore(%arg11 : memref<!tpu.dma_semaphore, #tpu.memory_space<semaphore_mem>>)
      %run_scoped3A = arith.constant 0 : i32
      "tpu.region"() ({
        %run_scoped3A_488 = tpu.sem_alloc : memref<!tpu.dma_semaphore, #tpu.memory_space<semaphore_mem>>
        %dma_start3A_489 = arith.constant 0 : i32
        %dma_start3A_490 = arith.constant 0 : i32
        %dma_start3A_491 = tpu.memref_slice %arg9[%dma_start3A_489, %dma_start3A_490] : memref<128x128xf32, #tpu.memory_space<vmem>> -> memref<64x128xf32, #tpu.memory_space<vmem>>
        %dma_start3A_492 = arith.constant 0 : i32
        %dma_start3A_493 = tpu.memref_slice %arg8[%run_scoped3A, %dma_start3A_492] : memref<8x128xi32, #tpu.memory_space<vmem>> -> memref<1x64xi32, #tpu.memory_space<vmem>>
        %dma_start3A_494 = tpu.memref_squeeze %dma_start3A_493 : memref<1x64xi32, #tpu.memory_space<vmem>> -> memref<64xi32, #tpu.memory_space<vmem>>
        %dma_start3A_495 = arith.constant 0 : i32
        %dma_start3A_496 = arith.constant 0 : i32
        %dma_start3A_497 = tpu.memref_slice %arg12[%dma_start3A_495, %dma_start3A_496] : memref<10112x128xf32, #tpu.memory_space<vmem_shared>> -> memref<10112x128xf32, #tpu.memory_space<vmem_shared>>
        tpu.enqueue_indirect_dma source(%dma_start3A_491 : memref<64x128xf32, #tpu.memory_space<vmem>>) target(%dma_start3A_497 : memref<10112x128xf32, #tpu.memory_space<vmem_shared>>) offsets(%dma_start3A_494 : memref<64xi32, #tpu.memory_space<vmem>>) semaphore(%run_scoped3A_488 : memref<!tpu.dma_semaphore, #tpu.memory_space<semaphore_mem>>) {add = true}
        %dma_wait3A_498 = arith.constant 0 : i32
        %dma_wait3A_499 = arith.constant 0 : i32
        %dma_wait3A_500 = tpu.memref_slice %arg9[%dma_wait3A_498, %dma_wait3A_499] : memref<128x128xf32, #tpu.memory_space<vmem>> -> memref<64x128xf32, #tpu.memory_space<vmem>>
        %dma_wait3A_501 = arith.constant 0 : i32
        %dma_wait3A_502 = tpu.memref_slice %arg8[%run_scoped3A, %dma_wait3A_501] : memref<8x128xi32, #tpu.memory_space<vmem>> -> memref<1x64xi32, #tpu.memory_space<vmem>>
        %dma_wait3A_503 = tpu.memref_squeeze %dma_wait3A_502 : memref<1x64xi32, #tpu.memory_space<vmem>> -> memref<64xi32, #tpu.memory_space<vmem>>
        %dma_wait3A_504 = arith.constant 0 : i32
        %dma_wait3A_505 = arith.constant 0 : i32
        %dma_wait3A_506 = tpu.memref_slice %arg12[%dma_wait3A_504, %dma_wait3A_505] : memref<10112x128xf32, #tpu.memory_space<vmem_shared>> -> memref<10112x128xf32, #tpu.memory_space<vmem_shared>>
        tpu.wait_indirect_dma semaphore(%run_scoped3A_488 : memref<!tpu.dma_semaphore, #tpu.memory_space<semaphore_mem>>) src(%dma_wait3A_500 : memref<64x128xf32, #tpu.memory_space<vmem>>) dst(%dma_wait3A_506 : memref<10112x128xf32, #tpu.memory_space<vmem_shared>>)
        tpu.yield
      }) : () -> ()
      %dma_wait3A_183 = arith.constant 0 : i32
      %dma_wait3A_184 = arith.constant 64 : i32
      %dma_wait3A_185 = arith.constant 0 : i32
      %dma_wait3A_186 = tpu.memref_slice %arg9[%dma_wait3A_184, %dma_wait3A_185] : memref<128x128xf32, #tpu.memory_space<vmem>> -> memref<64x128xf32, #tpu.memory_space<vmem>>
      %dma_wait3A_187 = arith.constant 64 : i32
      %dma_wait3A_188 = tpu.memref_slice %arg7[%dma_wait3A_183, %dma_wait3A_187] : memref<8x128xi32, #tpu.memory_space<vmem>> -> memref<1x64xi32, #tpu.memory_space<vmem>>
      %dma_wait3A_189 = tpu.memref_squeeze %dma_wait3A_188 : memref<1x64xi32, #tpu.memory_space<vmem>> -> memref<64xi32, #tpu.memory_space<vmem>>
      %dma_wait3A_190 = arith.constant 0 : i32
      %dma_wait3A_191 = arith.constant 0 : i32
      %dma_wait3A_192 = tpu.memref_slice %arg2[%dma_wait3A_190, %dma_wait3A_191] : memref<10000x128xf32, #tpu.memory_space<hbm>> -> memref<10000x128xf32, #tpu.memory_space<hbm>>
      tpu.wait_indirect_dma semaphore(%arg11 : memref<!tpu.dma_semaphore, #tpu.memory_space<semaphore_mem>>) src(%dma_wait3A_192 : memref<10000x128xf32, #tpu.memory_space<hbm>>) dst(%dma_wait3A_186 : memref<64x128xf32, #tpu.memory_space<vmem>>)
      %dma_start3A_193 = arith.constant 1 : i32
      %dma_start3A_194 = arith.constant 0 : i32
      %dma_start3A_195 = arith.constant 0 : i32
      %dma_start3A_196 = tpu.memref_slice %arg9[%dma_start3A_194, %dma_start3A_195] : memref<128x128xf32, #tpu.memory_space<vmem>> -> memref<64x128xf32, #tpu.memory_space<vmem>>
      %dma_start3A_197 = arith.constant 0 : i32
      %dma_start3A_198 = tpu.memref_slice %arg7[%dma_start3A_193, %dma_start3A_197] : memref<8x128xi32, #tpu.memory_space<vmem>> -> memref<1x64xi32, #tpu.memory_space<vmem>>
      %dma_start3A_199 = tpu.memref_squeeze %dma_start3A_198 : memref<1x64xi32, #tpu.memory_space<vmem>> -> memref<64xi32, #tpu.memory_space<vmem>>
      %dma_start3A_200 = arith.constant 0 : i32
      %dma_start3A_201 = arith.constant 0 : i32
      %dma_start3A_202 = tpu.memref_slice %arg2[%dma_start3A_200, %dma_start3A_201] : memref<10000x128xf32, #tpu.memory_space<hbm>> -> memref<10000x128xf32, #tpu.memory_space<hbm>>
      tpu.enqueue_indirect_dma source(%dma_start3A_202 : memref<10000x128xf32, #tpu.memory_space<hbm>>) target(%dma_start3A_196 : memref<64x128xf32, #tpu.memory_space<vmem>>) offsets(%dma_start3A_199 : memref<64xi32, #tpu.memory_space<vmem>>) semaphore(%arg10 : memref<!tpu.dma_semaphore, #tpu.memory_space<semaphore_mem>>)
      %run_scoped3A_203 = arith.constant 0 : i32
      "tpu.region"() ({
        %run_scoped3A_488 = tpu.sem_alloc : memref<!tpu.dma_semaphore, #tpu.memory_space<semaphore_mem>>
        %dma_start3A_489 = arith.constant 64 : i32
        %dma_start3A_490 = arith.constant 0 : i32
        %dma_start3A_491 = tpu.memref_slice %arg9[%dma_start3A_489, %dma_start3A_490] : memref<128x128xf32, #tpu.memory_space<vmem>> -> memref<64x128xf32, #tpu.memory_space<vmem>>
        %dma_start3A_492 = arith.constant 64 : i32
        %dma_start3A_493 = tpu.memref_slice %arg8[%run_scoped3A_203, %dma_start3A_492] : memref<8x128xi32, #tpu.memory_space<vmem>> -> memref<1x64xi32, #tpu.memory_space<vmem>>
        %dma_start3A_494 = tpu.memref_squeeze %dma_start3A_493 : memref<1x64xi32, #tpu.memory_space<vmem>> -> memref<64xi32, #tpu.memory_space<vmem>>
        %dma_start3A_495 = arith.constant 0 : i32
        %dma_start3A_496 = arith.constant 0 : i32
        %dma_start3A_497 = tpu.memref_slice %arg12[%dma_start3A_495, %dma_start3A_496] : memref<10112x128xf32, #tpu.memory_space<vmem_shared>> -> memref<10112x128xf32, #tpu.memory_space<vmem_shared>>
        tpu.enqueue_indirect_dma source(%dma_start3A_491 : memref<64x128xf32, #tpu.memory_space<vmem>>) target(%dma_start3A_497 : memref<10112x128xf32, #tpu.memory_space<vmem_shared>>) offsets(%dma_start3A_494 : memref<64xi32, #tpu.memory_space<vmem>>) semaphore(%run_scoped3A_488 : memref<!tpu.dma_semaphore, #tpu.memory_space<semaphore_mem>>) {add = true}
        %dma_wait3A_498 = arith.constant 64 : i32
        %dma_wait3A_499 = arith.constant 0 : i32
        %dma_wait3A_500 = tpu.memref_slice %arg9[%dma_wait3A_498, %dma_wait3A_499] : memref<128x128xf32, #tpu.memory_space<vmem>> -> memref<64x128xf32, #tpu.memory_space<vmem>>
        %dma_wait3A_501 = arith.constant 64 : i32
        %dma_wait3A_502 = tpu.memref_slice %arg8[%run_scoped3A_203, %dma_wait3A_501] : memref<8x128xi32, #tpu.memory_space<vmem>> -> memref<1x64xi32, #tpu.memory_space<vmem>>
        %dma_wait3A_503 = tpu.memref_squeeze %dma_wait3A_502 : memref<1x64xi32, #tpu.memory_space<vmem>> -> memref<64xi32, #tpu.memory_space<vmem>>
        %dma_wait3A_504 = arith.constant 0 : i32
        %dma_wait3A_505 = arith.constant 0 : i32
        %dma_wait3A_506 = tpu.memref_slice %arg12[%dma_wait3A_504, %dma_wait3A_505] : memref<10112x128xf32, #tpu.memory_space<vmem_shared>> -> memref<10112x128xf32, #tpu.memory_space<vmem_shared>>
        tpu.wait_indirect_dma semaphore(%run_scoped3A_488 : memref<!tpu.dma_semaphore, #tpu.memory_space<semaphore_mem>>) src(%dma_wait3A_500 : memref<64x128xf32, #tpu.memory_space<vmem>>) dst(%dma_wait3A_506 : memref<10112x128xf32, #tpu.memory_space<vmem_shared>>)
        tpu.yield
      }) : () -> ()
      %dma_wait3A_204 = arith.constant 1 : i32
      %dma_wait3A_205 = arith.constant 0 : i32
      %dma_wait3A_206 = arith.constant 0 : i32
      %dma_wait3A_207 = tpu.memref_slice %arg9[%dma_wait3A_205, %dma_wait3A_206] : memref<128x128xf32, #tpu.memory_space<vmem>> -> memref<64x128xf32, #tpu.memory_space<vmem>>
      %dma_wait3A_208 = arith.constant 0 : i32
      %dma_wait3A_209 = tpu.memref_slice %arg7[%dma_wait3A_204, %dma_wait3A_208] : memref<8x128xi32, #tpu.memory_space<vmem>> -> memref<1x64xi32, #tpu.memory_space<vmem>>
      %dma_wait3A_210 = tpu.memref_squeeze %dma_wait3A_209 : memref<1x64xi32, #tpu.memory_space<vmem>> -> memref<64xi32, #tpu.memory_space<vmem>>
      %dma_wait3A_211 = arith.constant 0 : i32
      %dma_wait3A_212 = arith.constant 0 : i32
      %dma_wait3A_213 = tpu.memref_slice %arg2[%dma_wait3A_211, %dma_wait3A_212] : memref<10000x128xf32, #tpu.memory_space<hbm>> -> memref<10000x128xf32, #tpu.memory_space<hbm>>
      tpu.wait_indirect_dma semaphore(%arg10 : memref<!tpu.dma_semaphore, #tpu.memory_space<semaphore_mem>>) src(%dma_wait3A_213 : memref<10000x128xf32, #tpu.memory_space<hbm>>) dst(%dma_wait3A_207 : memref<64x128xf32, #tpu.memory_space<vmem>>)
      %dma_start3A_214 = arith.constant 1 : i32
      %dma_start3A_215 = arith.constant 64 : i32
      %dma_start3A_216 = arith.constant 0 : i32
      %dma_start3A_217 = tpu.memref_slice %arg9[%dma_start3A_215, %dma_start3A_216] : memref<128x128xf32, #tpu.memory_space<vmem>> -> memref<64x128xf32, #tpu.memory_space<vmem>>
      %dma_start3A_218 = arith.constant 64 : i32
      %dma_start3A_219 = tpu.memref_slice %arg7[%dma_start3A_214, %dma_start3A_218] : memref<8x128xi32, #tpu.memory_space<vmem>> -> memref<1x64xi32, #tpu.memory_space<vmem>>
      %dma_start3A_220 = tpu.memref_squeeze %dma_start3A_219 : memref<1x64xi32, #tpu.memory_space<vmem>> -> memref<64xi32, #tpu.memory_space<vmem>>
      %dma_start3A_221 = arith.constant 0 : i32
      %dma_start3A_222 = arith.constant 0 : i32
      %dma_start3A_223 = tpu.memref_slice %arg2[%dma_start3A_221, %dma_start3A_222] : memref<10000x128xf32, #tpu.memory_space<hbm>> -> memref<10000x128xf32, #tpu.memory_space<hbm>>
      tpu.enqueue_indirect_dma source(%dma_start3A_223 : memref<10000x128xf32, #tpu.memory_space<hbm>>) target(%dma_start3A_217 : memref<64x128xf32, #tpu.memory_space<vmem>>) offsets(%dma_start3A_220 : memref<64xi32, #tpu.memory_space<vmem>>) semaphore(%arg11 : memref<!tpu.dma_semaphore, #tpu.memory_space<semaphore_mem>>)
      %run_scoped3A_224 = arith.constant 1 : i32
      "tpu.region"() ({
        %run_scoped3A_488 = tpu.sem_alloc : memref<!tpu.dma_semaphore, #tpu.memory_space<semaphore_mem>>
        %dma_start3A_489 = arith.constant 0 : i32
        %dma_start3A_490 = arith.constant 0 : i32
        %dma_start3A_491 = tpu.memref_slice %arg9[%dma_start3A_489, %dma_start3A_490] : memref<128x128xf32, #tpu.memory_space<vmem>> -> memref<64x128xf32, #tpu.memory_space<vmem>>
        %dma_start3A_492 = arith.constant 0 : i32
        %dma_start3A_493 = tpu.memref_slice %arg8[%run_scoped3A_224, %dma_start3A_492] : memref<8x128xi32, #tpu.memory_space<vmem>> -> memref<1x64xi32, #tpu.memory_space<vmem>>
        %dma_start3A_494 = tpu.memref_squeeze %dma_start3A_493 : memref<1x64xi32, #tpu.memory_space<vmem>> -> memref<64xi32, #tpu.memory_space<vmem>>
        %dma_start3A_495 = arith.constant 0 : i32
        %dma_start3A_496 = arith.constant 0 : i32
        %dma_start3A_497 = tpu.memref_slice %arg12[%dma_start3A_495, %dma_start3A_496] : memref<10112x128xf32, #tpu.memory_space<vmem_shared>> -> memref<10112x128xf32, #tpu.memory_space<vmem_shared>>
        tpu.enqueue_indirect_dma source(%dma_start3A_491 : memref<64x128xf32, #tpu.memory_space<vmem>>) target(%dma_start3A_497 : memref<10112x128xf32, #tpu.memory_space<vmem_shared>>) offsets(%dma_start3A_494 : memref<64xi32, #tpu.memory_space<vmem>>) semaphore(%run_scoped3A_488 : memref<!tpu.dma_semaphore, #tpu.memory_space<semaphore_mem>>) {add = true}
        %dma_wait3A_498 = arith.constant 0 : i32
        %dma_wait3A_499 = arith.constant 0 : i32
        %dma_wait3A_500 = tpu.memref_slice %arg9[%dma_wait3A_498, %dma_wait3A_499] : memref<128x128xf32, #tpu.memory_space<vmem>> -> memref<64x128xf32, #tpu.memory_space<vmem>>
        %dma_wait3A_501 = arith.constant 0 : i32
        %dma_wait3A_502 = tpu.memref_slice %arg8[%run_scoped3A_224, %dma_wait3A_501] : memref<8x128xi32, #tpu.memory_space<vmem>> -> memref<1x64xi32, #tpu.memory_space<vmem>>
        %dma_wait3A_503 = tpu.memref_squeeze %dma_wait3A_502 : memref<1x64xi32, #tpu.memory_space<vmem>> -> memref<64xi32, #tpu.memory_space<vmem>>
        %dma_wait3A_504 = arith.constant 0 : i32
        %dma_wait3A_505 = arith.constant 0 : i32
        %dma_wait3A_506 = tpu.memref_slice %arg12[%dma_wait3A_504, %dma_wait3A_505] : memref<10112x128xf32, #tpu.memory_space<vmem_shared>> -> memref<10112x128xf32, #tpu.memory_space<vmem_shared>>
        tpu.wait_indirect_dma semaphore(%run_scoped3A_488 : memref<!tpu.dma_semaphore, #tpu.memory_space<semaphore_mem>>) src(%dma_wait3A_500 : memref<64x128xf32, #tpu.memory_space<vmem>>) dst(%dma_wait3A_506 : memref<10112x128xf32, #tpu.memory_space<vmem_shared>>)
        tpu.yield
      }) : () -> ()
      %dma_wait3A_225 = arith.constant 1 : i32
      %dma_wait3A_226 = arith.constant 64 : i32
      %dma_wait3A_227 = arith.constant 0 : i32
      %dma_wait3A_228 = tpu.memref_slice %arg9[%dma_wait3A_226, %dma_wait3A_227] : memref<128x128xf32, #tpu.memory_space<vmem>> -> memref<64x128xf32, #tpu.memory_space<vmem>>
      %dma_wait3A_229 = arith.constant 64 : i32
      %dma_wait3A_230 = tpu.memref_slice %arg7[%dma_wait3A_225, %dma_wait3A_229] : memref<8x128xi32, #tpu.memory_space<vmem>> -> memref<1x64xi32, #tpu.memory_space<vmem>>
      %dma_wait3A_231 = tpu.memref_squeeze %dma_wait3A_230 : memref<1x64xi32, #tpu.memory_space<vmem>> -> memref<64xi32, #tpu.memory_space<vmem>>
      %dma_wait3A_232 = arith.constant 0 : i32
      %dma_wait3A_233 = arith.constant 0 : i32
      %dma_wait3A_234 = tpu.memref_slice %arg2[%dma_wait3A_232, %dma_wait3A_233] : memref<10000x128xf32, #tpu.memory_space<hbm>> -> memref<10000x128xf32, #tpu.memory_space<hbm>>
      tpu.wait_indirect_dma semaphore(%arg11 : memref<!tpu.dma_semaphore, #tpu.memory_space<semaphore_mem>>) src(%dma_wait3A_234 : memref<10000x128xf32, #tpu.memory_space<hbm>>) dst(%dma_wait3A_228 : memref<64x128xf32, #tpu.memory_space<vmem>>)
      %dma_start3A_235 = arith.constant 2 : i32
      %dma_start3A_236 = arith.constant 0 : i32
      %dma_start3A_237 = arith.constant 0 : i32
      %dma_start3A_238 = tpu.memref_slice %arg9[%dma_start3A_236, %dma_start3A_237] : memref<128x128xf32, #tpu.memory_space<vmem>> -> memref<64x128xf32, #tpu.memory_space<vmem>>
      %dma_start3A_239 = arith.constant 0 : i32
      %dma_start3A_240 = tpu.memref_slice %arg7[%dma_start3A_235, %dma_start3A_239] : memref<8x128xi32, #tpu.memory_space<vmem>> -> memref<1x64xi32, #tpu.memory_space<vmem>>
      %dma_start3A_241 = tpu.memref_squeeze %dma_start3A_240 : memref<1x64xi32, #tpu.memory_space<vmem>> -> memref<64xi32, #tpu.memory_space<vmem>>
      %dma_start3A_242 = arith.constant 0 : i32
      %dma_start3A_243 = arith.constant 0 : i32
      %dma_start3A_244 = tpu.memref_slice %arg2[%dma_start3A_242, %dma_start3A_243] : memref<10000x128xf32, #tpu.memory_space<hbm>> -> memref<10000x128xf32, #tpu.memory_space<hbm>>
      tpu.enqueue_indirect_dma source(%dma_start3A_244 : memref<10000x128xf32, #tpu.memory_space<hbm>>) target(%dma_start3A_238 : memref<64x128xf32, #tpu.memory_space<vmem>>) offsets(%dma_start3A_241 : memref<64xi32, #tpu.memory_space<vmem>>) semaphore(%arg10 : memref<!tpu.dma_semaphore, #tpu.memory_space<semaphore_mem>>)
      %run_scoped3A_245 = arith.constant 1 : i32
      "tpu.region"() ({
        %run_scoped3A_488 = tpu.sem_alloc : memref<!tpu.dma_semaphore, #tpu.memory_space<semaphore_mem>>
        %dma_start3A_489 = arith.constant 64 : i32
        %dma_start3A_490 = arith.constant 0 : i32
        %dma_start3A_491 = tpu.memref_slice %arg9[%dma_start3A_489, %dma_start3A_490] : memref<128x128xf32, #tpu.memory_space<vmem>> -> memref<64x128xf32, #tpu.memory_space<vmem>>
        %dma_start3A_492 = arith.constant 64 : i32
        %dma_start3A_493 = tpu.memref_slice %arg8[%run_scoped3A_245, %dma_start3A_492] : memref<8x128xi32, #tpu.memory_space<vmem>> -> memref<1x64xi32, #tpu.memory_space<vmem>>
        %dma_start3A_494 = tpu.memref_squeeze %dma_start3A_493 : memref<1x64xi32, #tpu.memory_space<vmem>> -> memref<64xi32, #tpu.memory_space<vmem>>
        %dma_start3A_495 = arith.constant 0 : i32
        %dma_start3A_496 = arith.constant 0 : i32
        %dma_start3A_497 = tpu.memref_slice %arg12[%dma_start3A_495, %dma_start3A_496] : memref<10112x128xf32, #tpu.memory_space<vmem_shared>> -> memref<10112x128xf32, #tpu.memory_space<vmem_shared>>
        tpu.enqueue_indirect_dma source(%dma_start3A_491 : memref<64x128xf32, #tpu.memory_space<vmem>>) target(%dma_start3A_497 : memref<10112x128xf32, #tpu.memory_space<vmem_shared>>) offsets(%dma_start3A_494 : memref<64xi32, #tpu.memory_space<vmem>>) semaphore(%run_scoped3A_488 : memref<!tpu.dma_semaphore, #tpu.memory_space<semaphore_mem>>) {add = true}
        %dma_wait3A_498 = arith.constant 64 : i32
        %dma_wait3A_499 = arith.constant 0 : i32
        %dma_wait3A_500 = tpu.memref_slice %arg9[%dma_wait3A_498, %dma_wait3A_499] : memref<128x128xf32, #tpu.memory_space<vmem>> -> memref<64x128xf32, #tpu.memory_space<vmem>>
        %dma_wait3A_501 = arith.constant 64 : i32
        %dma_wait3A_502 = tpu.memref_slice %arg8[%run_scoped3A_245, %dma_wait3A_501] : memref<8x128xi32, #tpu.memory_space<vmem>> -> memref<1x64xi32, #tpu.memory_space<vmem>>
        %dma_wait3A_503 = tpu.memref_squeeze %dma_wait3A_502 : memref<1x64xi32, #tpu.memory_space<vmem>> -> memref<64xi32, #tpu.memory_space<vmem>>
        %dma_wait3A_504 = arith.constant 0 : i32
        %dma_wait3A_505 = arith.constant 0 : i32
        %dma_wait3A_506 = tpu.memref_slice %arg12[%dma_wait3A_504, %dma_wait3A_505] : memref<10112x128xf32, #tpu.memory_space<vmem_shared>> -> memref<10112x128xf32, #tpu.memory_space<vmem_shared>>
        tpu.wait_indirect_dma semaphore(%run_scoped3A_488 : memref<!tpu.dma_semaphore, #tpu.memory_space<semaphore_mem>>) src(%dma_wait3A_500 : memref<64x128xf32, #tpu.memory_space<vmem>>) dst(%dma_wait3A_506 : memref<10112x128xf32, #tpu.memory_space<vmem_shared>>)
        tpu.yield
      }) : () -> ()
      %dma_wait3A_246 = arith.constant 2 : i32
      %dma_wait3A_247 = arith.constant 0 : i32
      %dma_wait3A_248 = arith.constant 0 : i32
      %dma_wait3A_249 = tpu.memref_slice %arg9[%dma_wait3A_247, %dma_wait3A_248] : memref<128x128xf32, #tpu.memory_space<vmem>> -> memref<64x128xf32, #tpu.memory_space<vmem>>
      %dma_wait3A_250 = arith.constant 0 : i32
      %dma_wait3A_251 = tpu.memref_slice %arg7[%dma_wait3A_246, %dma_wait3A_250] : memref<8x128xi32, #tpu.memory_space<vmem>> -> memref<1x64xi32, #tpu.memory_space<vmem>>
      %dma_wait3A_252 = tpu.memref_squeeze %dma_wait3A_251 : memref<1x64xi32, #tpu.memory_space<vmem>> -> memref<64xi32, #tpu.memory_space<vmem>>
      %dma_wait3A_253 = arith.constant 0 : i32
      %dma_wait3A_254 = arith.constant 0 : i32
      %dma_wait3A_255 = tpu.memref_slice %arg2[%dma_wait3A_253, %dma_wait3A_254] : memref<10000x128xf32, #tpu.memory_space<hbm>> -> memref<10000x128xf32, #tpu.memory_space<hbm>>
      tpu.wait_indirect_dma semaphore(%arg10 : memref<!tpu.dma_semaphore, #tpu.memory_space<semaphore_mem>>) src(%dma_wait3A_255 : memref<10000x128xf32, #tpu.memory_space<hbm>>) dst(%dma_wait3A_249 : memref<64x128xf32, #tpu.memory_space<vmem>>)
      %dma_start3A_256 = arith.constant 2 : i32
      %dma_start3A_257 = arith.constant 64 : i32
      %dma_start3A_258 = arith.constant 0 : i32
      %dma_start3A_259 = tpu.memref_slice %arg9[%dma_start3A_257, %dma_start3A_258] : memref<128x128xf32, #tpu.memory_space<vmem>> -> memref<64x128xf32, #tpu.memory_space<vmem>>
      %dma_start3A_260 = arith.constant 64 : i32
      %dma_start3A_261 = tpu.memref_slice %arg7[%dma_start3A_256, %dma_start3A_260] : memref<8x128xi32, #tpu.memory_space<vmem>> -> memref<1x64xi32, #tpu.memory_space<vmem>>
      %dma_start3A_262 = tpu.memref_squeeze %dma_start3A_261 : memref<1x64xi32, #tpu.memory_space<vmem>> -> memref<64xi32, #tpu.memory_space<vmem>>
      %dma_start3A_263 = arith.constant 0 : i32
      %dma_start3A_264 = arith.constant 0 : i32
      %dma_start3A_265 = tpu.memref_slice %arg2[%dma_start3A_263, %dma_start3A_264] : memref<10000x128xf32, #tpu.memory_space<hbm>> -> memref<10000x128xf32, #tpu.memory_space<hbm>>
      tpu.enqueue_indirect_dma source(%dma_start3A_265 : memref<10000x128xf32, #tpu.memory_space<hbm>>) target(%dma_start3A_259 : memref<64x128xf32, #tpu.memory_space<vmem>>) offsets(%dma_start3A_262 : memref<64xi32, #tpu.memory_space<vmem>>) semaphore(%arg11 : memref<!tpu.dma_semaphore, #tpu.memory_space<semaphore_mem>>)
      %run_scoped3A_266 = arith.constant 2 : i32
      "tpu.region"() ({
        %run_scoped3A_488 = tpu.sem_alloc : memref<!tpu.dma_semaphore, #tpu.memory_space<semaphore_mem>>
        %dma_start3A_489 = arith.constant 0 : i32
        %dma_start3A_490 = arith.constant 0 : i32
        %dma_start3A_491 = tpu.memref_slice %arg9[%dma_start3A_489, %dma_start3A_490] : memref<128x128xf32, #tpu.memory_space<vmem>> -> memref<64x128xf32, #tpu.memory_space<vmem>>
        %dma_start3A_492 = arith.constant 0 : i32
        %dma_start3A_493 = tpu.memref_slice %arg8[%run_scoped3A_266, %dma_start3A_492] : memref<8x128xi32, #tpu.memory_space<vmem>> -> memref<1x64xi32, #tpu.memory_space<vmem>>
        %dma_start3A_494 = tpu.memref_squeeze %dma_start3A_493 : memref<1x64xi32, #tpu.memory_space<vmem>> -> memref<64xi32, #tpu.memory_space<vmem>>
        %dma_start3A_495 = arith.constant 0 : i32
        %dma_start3A_496 = arith.constant 0 : i32
        %dma_start3A_497 = tpu.memref_slice %arg12[%dma_start3A_495, %dma_start3A_496] : memref<10112x128xf32, #tpu.memory_space<vmem_shared>> -> memref<10112x128xf32, #tpu.memory_space<vmem_shared>>
        tpu.enqueue_indirect_dma source(%dma_start3A_491 : memref<64x128xf32, #tpu.memory_space<vmem>>) target(%dma_start3A_497 : memref<10112x128xf32, #tpu.memory_space<vmem_shared>>) offsets(%dma_start3A_494 : memref<64xi32, #tpu.memory_space<vmem>>) semaphore(%run_scoped3A_488 : memref<!tpu.dma_semaphore, #tpu.memory_space<semaphore_mem>>) {add = true}
        %dma_wait3A_498 = arith.constant 0 : i32
        %dma_wait3A_499 = arith.constant 0 : i32
        %dma_wait3A_500 = tpu.memref_slice %arg9[%dma_wait3A_498, %dma_wait3A_499] : memref<128x128xf32, #tpu.memory_space<vmem>> -> memref<64x128xf32, #tpu.memory_space<vmem>>
        %dma_wait3A_501 = arith.constant 0 : i32
        %dma_wait3A_502 = tpu.memref_slice %arg8[%run_scoped3A_266, %dma_wait3A_501] : memref<8x128xi32, #tpu.memory_space<vmem>> -> memref<1x64xi32, #tpu.memory_space<vmem>>
        %dma_wait3A_503 = tpu.memref_squeeze %dma_wait3A_502 : memref<1x64xi32, #tpu.memory_space<vmem>> -> memref<64xi32, #tpu.memory_space<vmem>>
        %dma_wait3A_504 = arith.constant 0 : i32
        %dma_wait3A_505 = arith.constant 0 : i32
        %dma_wait3A_506 = tpu.memref_slice %arg12[%dma_wait3A_504, %dma_wait3A_505] : memref<10112x128xf32, #tpu.memory_space<vmem_shared>> -> memref<10112x128xf32, #tpu.memory_space<vmem_shared>>
        tpu.wait_indirect_dma semaphore(%run_scoped3A_488 : memref<!tpu.dma_semaphore, #tpu.memory_space<semaphore_mem>>) src(%dma_wait3A_500 : memref<64x128xf32, #tpu.memory_space<vmem>>) dst(%dma_wait3A_506 : memref<10112x128xf32, #tpu.memory_space<vmem_shared>>)
        tpu.yield
      }) : () -> ()
      %dma_wait3A_267 = arith.constant 2 : i32
      %dma_wait3A_268 = arith.constant 64 : i32
      %dma_wait3A_269 = arith.constant 0 : i32
      %dma_wait3A_270 = tpu.memref_slice %arg9[%dma_wait3A_268, %dma_wait3A_269] : memref<128x128xf32, #tpu.memory_space<vmem>> -> memref<64x128xf32, #tpu.memory_space<vmem>>
      %dma_wait3A_271 = arith.constant 64 : i32
      %dma_wait3A_272 = tpu.memref_slice %arg7[%dma_wait3A_267, %dma_wait3A_271] : memref<8x128xi32, #tpu.memory_space<vmem>> -> memref<1x64xi32, #tpu.memory_space<vmem>>
      %dma_wait3A_273 = tpu.memref_squeeze %dma_wait3A_272 : memref<1x64xi32, #tpu.memory_space<vmem>> -> memref<64xi32, #tpu.memory_space<vmem>>
      %dma_wait3A_274 = arith.constant 0 : i32
      %dma_wait3A_275 = arith.constant 0 : i32
      %dma_wait3A_276 = tpu.memref_slice %arg2[%dma_wait3A_274, %dma_wait3A_275] : memref<10000x128xf32, #tpu.memory_space<hbm>> -> memref<10000x128xf32, #tpu.memory_space<hbm>>
      tpu.wait_indirect_dma semaphore(%arg11 : memref<!tpu.dma_semaphore, #tpu.memory_space<semaphore_mem>>) src(%dma_wait3A_276 : memref<10000x128xf32, #tpu.memory_space<hbm>>) dst(%dma_wait3A_270 : memref<64x128xf32, #tpu.memory_space<vmem>>)
      %dma_start3A_277 = arith.constant 3 : i32
      %dma_start3A_278 = arith.constant 0 : i32
      %dma_start3A_279 = arith.constant 0 : i32
      %dma_start3A_280 = tpu.memref_slice %arg9[%dma_start3A_278, %dma_start3A_279] : memref<128x128xf32, #tpu.memory_space<vmem>> -> memref<64x128xf32, #tpu.memory_space<vmem>>
      %dma_start3A_281 = arith.constant 0 : i32
      %dma_start3A_282 = tpu.memref_slice %arg7[%dma_start3A_277, %dma_start3A_281] : memref<8x128xi32, #tpu.memory_space<vmem>> -> memref<1x64xi32, #tpu.memory_space<vmem>>
      %dma_start3A_283 = tpu.memref_squeeze %dma_start3A_282 : memref<1x64xi32, #tpu.memory_space<vmem>> -> memref<64xi32, #tpu.memory_space<vmem>>
      %dma_start3A_284 = arith.constant 0 : i32
      %dma_start3A_285 = arith.constant 0 : i32
      %dma_start3A_286 = tpu.memref_slice %arg2[%dma_start3A_284, %dma_start3A_285] : memref<10000x128xf32, #tpu.memory_space<hbm>> -> memref<10000x128xf32, #tpu.memory_space<hbm>>
      tpu.enqueue_indirect_dma source(%dma_start3A_286 : memref<10000x128xf32, #tpu.memory_space<hbm>>) target(%dma_start3A_280 : memref<64x128xf32, #tpu.memory_space<vmem>>) offsets(%dma_start3A_283 : memref<64xi32, #tpu.memory_space<vmem>>) semaphore(%arg10 : memref<!tpu.dma_semaphore, #tpu.memory_space<semaphore_mem>>)
      %run_scoped3A_287 = arith.constant 2 : i32
      "tpu.region"() ({
        %run_scoped3A_488 = tpu.sem_alloc : memref<!tpu.dma_semaphore, #tpu.memory_space<semaphore_mem>>
        %dma_start3A_489 = arith.constant 64 : i32
        %dma_start3A_490 = arith.constant 0 : i32
        %dma_start3A_491 = tpu.memref_slice %arg9[%dma_start3A_489, %dma_start3A_490] : memref<128x128xf32, #tpu.memory_space<vmem>> -> memref<64x128xf32, #tpu.memory_space<vmem>>
        %dma_start3A_492 = arith.constant 64 : i32
        %dma_start3A_493 = tpu.memref_slice %arg8[%run_scoped3A_287, %dma_start3A_492] : memref<8x128xi32, #tpu.memory_space<vmem>> -> memref<1x64xi32, #tpu.memory_space<vmem>>
        %dma_start3A_494 = tpu.memref_squeeze %dma_start3A_493 : memref<1x64xi32, #tpu.memory_space<vmem>> -> memref<64xi32, #tpu.memory_space<vmem>>
        %dma_start3A_495 = arith.constant 0 : i32
        %dma_start3A_496 = arith.constant 0 : i32
        %dma_start3A_497 = tpu.memref_slice %arg12[%dma_start3A_495, %dma_start3A_496] : memref<10112x128xf32, #tpu.memory_space<vmem_shared>> -> memref<10112x128xf32, #tpu.memory_space<vmem_shared>>
        tpu.enqueue_indirect_dma source(%dma_start3A_491 : memref<64x128xf32, #tpu.memory_space<vmem>>) target(%dma_start3A_497 : memref<10112x128xf32, #tpu.memory_space<vmem_shared>>) offsets(%dma_start3A_494 : memref<64xi32, #tpu.memory_space<vmem>>) semaphore(%run_scoped3A_488 : memref<!tpu.dma_semaphore, #tpu.memory_space<semaphore_mem>>) {add = true}
        %dma_wait3A_498 = arith.constant 64 : i32
        %dma_wait3A_499 = arith.constant 0 : i32
        %dma_wait3A_500 = tpu.memref_slice %arg9[%dma_wait3A_498, %dma_wait3A_499] : memref<128x128xf32, #tpu.memory_space<vmem>> -> memref<64x128xf32, #tpu.memory_space<vmem>>
        %dma_wait3A_501 = arith.constant 64 : i32
        %dma_wait3A_502 = tpu.memref_slice %arg8[%run_scoped3A_287, %dma_wait3A_501] : memref<8x128xi32, #tpu.memory_space<vmem>> -> memref<1x64xi32, #tpu.memory_space<vmem>>
        %dma_wait3A_503 = tpu.memref_squeeze %dma_wait3A_502 : memref<1x64xi32, #tpu.memory_space<vmem>> -> memref<64xi32, #tpu.memory_space<vmem>>
        %dma_wait3A_504 = arith.constant 0 : i32
        %dma_wait3A_505 = arith.constant 0 : i32
        %dma_wait3A_506 = tpu.memref_slice %arg12[%dma_wait3A_504, %dma_wait3A_505] : memref<10112x128xf32, #tpu.memory_space<vmem_shared>> -> memref<10112x128xf32, #tpu.memory_space<vmem_shared>>
        tpu.wait_indirect_dma semaphore(%run_scoped3A_488 : memref<!tpu.dma_semaphore, #tpu.memory_space<semaphore_mem>>) src(%dma_wait3A_500 : memref<64x128xf32, #tpu.memory_space<vmem>>) dst(%dma_wait3A_506 : memref<10112x128xf32, #tpu.memory_space<vmem_shared>>)
        tpu.yield
      }) : () -> ()
      %dma_wait3A_288 = arith.constant 3 : i32
      %dma_wait3A_289 = arith.constant 0 : i32
      %dma_wait3A_290 = arith.constant 0 : i32
      %dma_wait3A_291 = tpu.memref_slice %arg9[%dma_wait3A_289, %dma_wait3A_290] : memref<128x128xf32, #tpu.memory_space<vmem>> -> memref<64x128xf32, #tpu.memory_space<vmem>>
      %dma_wait3A_292 = arith.constant 0 : i32
      %dma_wait3A_293 = tpu.memref_slice %arg7[%dma_wait3A_288, %dma_wait3A_292] : memref<8x128xi32, #tpu.memory_space<vmem>> -> memref<1x64xi32, #tpu.memory_space<vmem>>
      %dma_wait3A_294 = tpu.memref_squeeze %dma_wait3A_293 : memref<1x64xi32, #tpu.memory_space<vmem>> -> memref<64xi32, #tpu.memory_space<vmem>>
      %dma_wait3A_295 = arith.constant 0 : i32
      %dma_wait3A_296 = arith.constant 0 : i32
      %dma_wait3A_297 = tpu.memref_slice %arg2[%dma_wait3A_295, %dma_wait3A_296] : memref<10000x128xf32, #tpu.memory_space<hbm>> -> memref<10000x128xf32, #tpu.memory_space<hbm>>
      tpu.wait_indirect_dma semaphore(%arg10 : memref<!tpu.dma_semaphore, #tpu.memory_space<semaphore_mem>>) src(%dma_wait3A_297 : memref<10000x128xf32, #tpu.memory_space<hbm>>) dst(%dma_wait3A_291 : memref<64x128xf32, #tpu.memory_space<vmem>>)
      %dma_start3A_298 = arith.constant 3 : i32
      %dma_start3A_299 = arith.constant 64 : i32
      %dma_start3A_300 = arith.constant 0 : i32
      %dma_start3A_301 = tpu.memref_slice %arg9[%dma_start3A_299, %dma_start3A_300] : memref<128x128xf32, #tpu.memory_space<vmem>> -> memref<64x128xf32, #tpu.memory_space<vmem>>
      %dma_start3A_302 = arith.constant 64 : i32
      %dma_start3A_303 = tpu.memref_slice %arg7[%dma_start3A_298, %dma_start3A_302] : memref<8x128xi32, #tpu.memory_space<vmem>> -> memref<1x64xi32, #tpu.memory_space<vmem>>
      %dma_start3A_304 = tpu.memref_squeeze %dma_start3A_303 : memref<1x64xi32, #tpu.memory_space<vmem>> -> memref<64xi32, #tpu.memory_space<vmem>>
      %dma_start3A_305 = arith.constant 0 : i32
      %dma_start3A_306 = arith.constant 0 : i32
      %dma_start3A_307 = tpu.memref_slice %arg2[%dma_start3A_305, %dma_start3A_306] : memref<10000x128xf32, #tpu.memory_space<hbm>> -> memref<10000x128xf32, #tpu.memory_space<hbm>>
      tpu.enqueue_indirect_dma source(%dma_start3A_307 : memref<10000x128xf32, #tpu.memory_space<hbm>>) target(%dma_start3A_301 : memref<64x128xf32, #tpu.memory_space<vmem>>) offsets(%dma_start3A_304 : memref<64xi32, #tpu.memory_space<vmem>>) semaphore(%arg11 : memref<!tpu.dma_semaphore, #tpu.memory_space<semaphore_mem>>)
      %run_scoped3A_308 = arith.constant 3 : i32
      "tpu.region"() ({
        %run_scoped3A_488 = tpu.sem_alloc : memref<!tpu.dma_semaphore, #tpu.memory_space<semaphore_mem>>
        %dma_start3A_489 = arith.constant 0 : i32
        %dma_start3A_490 = arith.constant 0 : i32
        %dma_start3A_491 = tpu.memref_slice %arg9[%dma_start3A_489, %dma_start3A_490] : memref<128x128xf32, #tpu.memory_space<vmem>> -> memref<64x128xf32, #tpu.memory_space<vmem>>
        %dma_start3A_492 = arith.constant 0 : i32
        %dma_start3A_493 = tpu.memref_slice %arg8[%run_scoped3A_308, %dma_start3A_492] : memref<8x128xi32, #tpu.memory_space<vmem>> -> memref<1x64xi32, #tpu.memory_space<vmem>>
        %dma_start3A_494 = tpu.memref_squeeze %dma_start3A_493 : memref<1x64xi32, #tpu.memory_space<vmem>> -> memref<64xi32, #tpu.memory_space<vmem>>
        %dma_start3A_495 = arith.constant 0 : i32
        %dma_start3A_496 = arith.constant 0 : i32
        %dma_start3A_497 = tpu.memref_slice %arg12[%dma_start3A_495, %dma_start3A_496] : memref<10112x128xf32, #tpu.memory_space<vmem_shared>> -> memref<10112x128xf32, #tpu.memory_space<vmem_shared>>
        tpu.enqueue_indirect_dma source(%dma_start3A_491 : memref<64x128xf32, #tpu.memory_space<vmem>>) target(%dma_start3A_497 : memref<10112x128xf32, #tpu.memory_space<vmem_shared>>) offsets(%dma_start3A_494 : memref<64xi32, #tpu.memory_space<vmem>>) semaphore(%run_scoped3A_488 : memref<!tpu.dma_semaphore, #tpu.memory_space<semaphore_mem>>) {add = true}
        %dma_wait3A_498 = arith.constant 0 : i32
        %dma_wait3A_499 = arith.constant 0 : i32
        %dma_wait3A_500 = tpu.memref_slice %arg9[%dma_wait3A_498, %dma_wait3A_499] : memref<128x128xf32, #tpu.memory_space<vmem>> -> memref<64x128xf32, #tpu.memory_space<vmem>>
        %dma_wait3A_501 = arith.constant 0 : i32
        %dma_wait3A_502 = tpu.memref_slice %arg8[%run_scoped3A_308, %dma_wait3A_501] : memref<8x128xi32, #tpu.memory_space<vmem>> -> memref<1x64xi32, #tpu.memory_space<vmem>>
        %dma_wait3A_503 = tpu.memref_squeeze %dma_wait3A_502 : memref<1x64xi32, #tpu.memory_space<vmem>> -> memref<64xi32, #tpu.memory_space<vmem>>
        %dma_wait3A_504 = arith.constant 0 : i32
        %dma_wait3A_505 = arith.constant 0 : i32
        %dma_wait3A_506 = tpu.memref_slice %arg12[%dma_wait3A_504, %dma_wait3A_505] : memref<10112x128xf32, #tpu.memory_space<vmem_shared>> -> memref<10112x128xf32, #tpu.memory_space<vmem_shared>>
        tpu.wait_indirect_dma semaphore(%run_scoped3A_488 : memref<!tpu.dma_semaphore, #tpu.memory_space<semaphore_mem>>) src(%dma_wait3A_500 : memref<64x128xf32, #tpu.memory_space<vmem>>) dst(%dma_wait3A_506 : memref<10112x128xf32, #tpu.memory_space<vmem_shared>>)
        tpu.yield
      }) : () -> ()
      %dma_wait3A_309 = arith.constant 3 : i32
      %dma_wait3A_310 = arith.constant 64 : i32
      %dma_wait3A_311 = arith.constant 0 : i32
      %dma_wait3A_312 = tpu.memref_slice %arg9[%dma_wait3A_310, %dma_wait3A_311] : memref<128x128xf32, #tpu.memory_space<vmem>> -> memref<64x128xf32, #tpu.memory_space<vmem>>
      %dma_wait3A_313 = arith.constant 64 : i32
      %dma_wait3A_314 = tpu.memref_slice %arg7[%dma_wait3A_309, %dma_wait3A_313] : memref<8x128xi32, #tpu.memory_space<vmem>> -> memref<1x64xi32, #tpu.memory_space<vmem>>
      %dma_wait3A_315 = tpu.memref_squeeze %dma_wait3A_314 : memref<1x64xi32, #tpu.memory_space<vmem>> -> memref<64xi32, #tpu.memory_space<vmem>>
      %dma_wait3A_316 = arith.constant 0 : i32
      %dma_wait3A_317 = arith.constant 0 : i32
      %dma_wait3A_318 = tpu.memref_slice %arg2[%dma_wait3A_316, %dma_wait3A_317] : memref<10000x128xf32, #tpu.memory_space<hbm>> -> memref<10000x128xf32, #tpu.memory_space<hbm>>
      tpu.wait_indirect_dma semaphore(%arg11 : memref<!tpu.dma_semaphore, #tpu.memory_space<semaphore_mem>>) src(%dma_wait3A_318 : memref<10000x128xf32, #tpu.memory_space<hbm>>) dst(%dma_wait3A_312 : memref<64x128xf32, #tpu.memory_space<vmem>>)
      %dma_start3A_319 = arith.constant 4 : i32
      %dma_start3A_320 = arith.constant 0 : i32
      %dma_start3A_321 = arith.constant 0 : i32
      %dma_start3A_322 = tpu.memref_slice %arg9[%dma_start3A_320, %dma_start3A_321] : memref<128x128xf32, #tpu.memory_space<vmem>> -> memref<64x128xf32, #tpu.memory_space<vmem>>
      %dma_start3A_323 = arith.constant 0 : i32
      %dma_start3A_324 = tpu.memref_slice %arg7[%dma_start3A_319, %dma_start3A_323] : memref<8x128xi32, #tpu.memory_space<vmem>> -> memref<1x64xi32, #tpu.memory_space<vmem>>
      %dma_start3A_325 = tpu.memref_squeeze %dma_start3A_324 : memref<1x64xi32, #tpu.memory_space<vmem>> -> memref<64xi32, #tpu.memory_space<vmem>>
      %dma_start3A_326 = arith.constant 0 : i32
      %dma_start3A_327 = arith.constant 0 : i32
      %dma_start3A_328 = tpu.memref_slice %arg2[%dma_start3A_326, %dma_start3A_327] : memref<10000x128xf32, #tpu.memory_space<hbm>> -> memref<10000x128xf32, #tpu.memory_space<hbm>>
      tpu.enqueue_indirect_dma source(%dma_start3A_328 : memref<10000x128xf32, #tpu.memory_space<hbm>>) target(%dma_start3A_322 : memref<64x128xf32, #tpu.memory_space<vmem>>) offsets(%dma_start3A_325 : memref<64xi32, #tpu.memory_space<vmem>>) semaphore(%arg10 : memref<!tpu.dma_semaphore, #tpu.memory_space<semaphore_mem>>)
      %run_scoped3A_329 = arith.constant 3 : i32
      "tpu.region"() ({
        %run_scoped3A_488 = tpu.sem_alloc : memref<!tpu.dma_semaphore, #tpu.memory_space<semaphore_mem>>
        %dma_start3A_489 = arith.constant 64 : i32
        %dma_start3A_490 = arith.constant 0 : i32
        %dma_start3A_491 = tpu.memref_slice %arg9[%dma_start3A_489, %dma_start3A_490] : memref<128x128xf32, #tpu.memory_space<vmem>> -> memref<64x128xf32, #tpu.memory_space<vmem>>
        %dma_start3A_492 = arith.constant 64 : i32
        %dma_start3A_493 = tpu.memref_slice %arg8[%run_scoped3A_329, %dma_start3A_492] : memref<8x128xi32, #tpu.memory_space<vmem>> -> memref<1x64xi32, #tpu.memory_space<vmem>>
        %dma_start3A_494 = tpu.memref_squeeze %dma_start3A_493 : memref<1x64xi32, #tpu.memory_space<vmem>> -> memref<64xi32, #tpu.memory_space<vmem>>
        %dma_start3A_495 = arith.constant 0 : i32
        %dma_start3A_496 = arith.constant 0 : i32
        %dma_start3A_497 = tpu.memref_slice %arg12[%dma_start3A_495, %dma_start3A_496] : memref<10112x128xf32, #tpu.memory_space<vmem_shared>> -> memref<10112x128xf32, #tpu.memory_space<vmem_shared>>
        tpu.enqueue_indirect_dma source(%dma_start3A_491 : memref<64x128xf32, #tpu.memory_space<vmem>>) target(%dma_start3A_497 : memref<10112x128xf32, #tpu.memory_space<vmem_shared>>) offsets(%dma_start3A_494 : memref<64xi32, #tpu.memory_space<vmem>>) semaphore(%run_scoped3A_488 : memref<!tpu.dma_semaphore, #tpu.memory_space<semaphore_mem>>) {add = true}
        %dma_wait3A_498 = arith.constant 64 : i32
        %dma_wait3A_499 = arith.constant 0 : i32
        %dma_wait3A_500 = tpu.memref_slice %arg9[%dma_wait3A_498, %dma_wait3A_499] : memref<128x128xf32, #tpu.memory_space<vmem>> -> memref<64x128xf32, #tpu.memory_space<vmem>>
        %dma_wait3A_501 = arith.constant 64 : i32
        %dma_wait3A_502 = tpu.memref_slice %arg8[%run_scoped3A_329, %dma_wait3A_501] : memref<8x128xi32, #tpu.memory_space<vmem>> -> memref<1x64xi32, #tpu.memory_space<vmem>>
        %dma_wait3A_503 = tpu.memref_squeeze %dma_wait3A_502 : memref<1x64xi32, #tpu.memory_space<vmem>> -> memref<64xi32, #tpu.memory_space<vmem>>
        %dma_wait3A_504 = arith.constant 0 : i32
        %dma_wait3A_505 = arith.constant 0 : i32
        %dma_wait3A_506 = tpu.memref_slice %arg12[%dma_wait3A_504, %dma_wait3A_505] : memref<10112x128xf32, #tpu.memory_space<vmem_shared>> -> memref<10112x128xf32, #tpu.memory_space<vmem_shared>>
        tpu.wait_indirect_dma semaphore(%run_scoped3A_488 : memref<!tpu.dma_semaphore, #tpu.memory_space<semaphore_mem>>) src(%dma_wait3A_500 : memref<64x128xf32, #tpu.memory_space<vmem>>) dst(%dma_wait3A_506 : memref<10112x128xf32, #tpu.memory_space<vmem_shared>>)
        tpu.yield
      }) : () -> ()
      %dma_wait3A_330 = arith.constant 4 : i32
      %dma_wait3A_331 = arith.constant 0 : i32
      %dma_wait3A_332 = arith.constant 0 : i32
      %dma_wait3A_333 = tpu.memref_slice %arg9[%dma_wait3A_331, %dma_wait3A_332] : memref<128x128xf32, #tpu.memory_space<vmem>> -> memref<64x128xf32, #tpu.memory_space<vmem>>
      %dma_wait3A_334 = arith.constant 0 : i32
      %dma_wait3A_335 = tpu.memref_slice %arg7[%dma_wait3A_330, %dma_wait3A_334] : memref<8x128xi32, #tpu.memory_space<vmem>> -> memref<1x64xi32, #tpu.memory_space<vmem>>
      %dma_wait3A_336 = tpu.memref_squeeze %dma_wait3A_335 : memref<1x64xi32, #tpu.memory_space<vmem>> -> memref<64xi32, #tpu.memory_space<vmem>>
      %dma_wait3A_337 = arith.constant 0 : i32
      %dma_wait3A_338 = arith.constant 0 : i32
      %dma_wait3A_339 = tpu.memref_slice %arg2[%dma_wait3A_337, %dma_wait3A_338] : memref<10000x128xf32, #tpu.memory_space<hbm>> -> memref<10000x128xf32, #tpu.memory_space<hbm>>
      tpu.wait_indirect_dma semaphore(%arg10 : memref<!tpu.dma_semaphore, #tpu.memory_space<semaphore_mem>>) src(%dma_wait3A_339 : memref<10000x128xf32, #tpu.memory_space<hbm>>) dst(%dma_wait3A_333 : memref<64x128xf32, #tpu.memory_space<vmem>>)
      %dma_start3A_340 = arith.constant 4 : i32
      %dma_start3A_341 = arith.constant 64 : i32
      %dma_start3A_342 = arith.constant 0 : i32
      %dma_start3A_343 = tpu.memref_slice %arg9[%dma_start3A_341, %dma_start3A_342] : memref<128x128xf32, #tpu.memory_space<vmem>> -> memref<64x128xf32, #tpu.memory_space<vmem>>
      %dma_start3A_344 = arith.constant 64 : i32
      %dma_start3A_345 = tpu.memref_slice %arg7[%dma_start3A_340, %dma_start3A_344] : memref<8x128xi32, #tpu.memory_space<vmem>> -> memref<1x64xi32, #tpu.memory_space<vmem>>
      %dma_start3A_346 = tpu.memref_squeeze %dma_start3A_345 : memref<1x64xi32, #tpu.memory_space<vmem>> -> memref<64xi32, #tpu.memory_space<vmem>>
      %dma_start3A_347 = arith.constant 0 : i32
      %dma_start3A_348 = arith.constant 0 : i32
      %dma_start3A_349 = tpu.memref_slice %arg2[%dma_start3A_347, %dma_start3A_348] : memref<10000x128xf32, #tpu.memory_space<hbm>> -> memref<10000x128xf32, #tpu.memory_space<hbm>>
      tpu.enqueue_indirect_dma source(%dma_start3A_349 : memref<10000x128xf32, #tpu.memory_space<hbm>>) target(%dma_start3A_343 : memref<64x128xf32, #tpu.memory_space<vmem>>) offsets(%dma_start3A_346 : memref<64xi32, #tpu.memory_space<vmem>>) semaphore(%arg11 : memref<!tpu.dma_semaphore, #tpu.memory_space<semaphore_mem>>)
      %run_scoped3A_350 = arith.constant 4 : i32
      "tpu.region"() ({
        %run_scoped3A_488 = tpu.sem_alloc : memref<!tpu.dma_semaphore, #tpu.memory_space<semaphore_mem>>
        %dma_start3A_489 = arith.constant 0 : i32
        %dma_start3A_490 = arith.constant 0 : i32
        %dma_start3A_491 = tpu.memref_slice %arg9[%dma_start3A_489, %dma_start3A_490] : memref<128x128xf32, #tpu.memory_space<vmem>> -> memref<64x128xf32, #tpu.memory_space<vmem>>
        %dma_start3A_492 = arith.constant 0 : i32
        %dma_start3A_493 = tpu.memref_slice %arg8[%run_scoped3A_350, %dma_start3A_492] : memref<8x128xi32, #tpu.memory_space<vmem>> -> memref<1x64xi32, #tpu.memory_space<vmem>>
        %dma_start3A_494 = tpu.memref_squeeze %dma_start3A_493 : memref<1x64xi32, #tpu.memory_space<vmem>> -> memref<64xi32, #tpu.memory_space<vmem>>
        %dma_start3A_495 = arith.constant 0 : i32
        %dma_start3A_496 = arith.constant 0 : i32
        %dma_start3A_497 = tpu.memref_slice %arg12[%dma_start3A_495, %dma_start3A_496] : memref<10112x128xf32, #tpu.memory_space<vmem_shared>> -> memref<10112x128xf32, #tpu.memory_space<vmem_shared>>
        tpu.enqueue_indirect_dma source(%dma_start3A_491 : memref<64x128xf32, #tpu.memory_space<vmem>>) target(%dma_start3A_497 : memref<10112x128xf32, #tpu.memory_space<vmem_shared>>) offsets(%dma_start3A_494 : memref<64xi32, #tpu.memory_space<vmem>>) semaphore(%run_scoped3A_488 : memref<!tpu.dma_semaphore, #tpu.memory_space<semaphore_mem>>) {add = true}
        %dma_wait3A_498 = arith.constant 0 : i32
        %dma_wait3A_499 = arith.constant 0 : i32
        %dma_wait3A_500 = tpu.memref_slice %arg9[%dma_wait3A_498, %dma_wait3A_499] : memref<128x128xf32, #tpu.memory_space<vmem>> -> memref<64x128xf32, #tpu.memory_space<vmem>>
        %dma_wait3A_501 = arith.constant 0 : i32
        %dma_wait3A_502 = tpu.memref_slice %arg8[%run_scoped3A_350, %dma_wait3A_501] : memref<8x128xi32, #tpu.memory_space<vmem>> -> memref<1x64xi32, #tpu.memory_space<vmem>>
        %dma_wait3A_503 = tpu.memref_squeeze %dma_wait3A_502 : memref<1x64xi32, #tpu.memory_space<vmem>> -> memref<64xi32, #tpu.memory_space<vmem>>
        %dma_wait3A_504 = arith.constant 0 : i32
        %dma_wait3A_505 = arith.constant 0 : i32
        %dma_wait3A_506 = tpu.memref_slice %arg12[%dma_wait3A_504, %dma_wait3A_505] : memref<10112x128xf32, #tpu.memory_space<vmem_shared>> -> memref<10112x128xf32, #tpu.memory_space<vmem_shared>>
        tpu.wait_indirect_dma semaphore(%run_scoped3A_488 : memref<!tpu.dma_semaphore, #tpu.memory_space<semaphore_mem>>) src(%dma_wait3A_500 : memref<64x128xf32, #tpu.memory_space<vmem>>) dst(%dma_wait3A_506 : memref<10112x128xf32, #tpu.memory_space<vmem_shared>>)
        tpu.yield
      }) : () -> ()
      %dma_wait3A_351 = arith.constant 4 : i32
      %dma_wait3A_352 = arith.constant 64 : i32
      %dma_wait3A_353 = arith.constant 0 : i32
      %dma_wait3A_354 = tpu.memref_slice %arg9[%dma_wait3A_352, %dma_wait3A_353] : memref<128x128xf32, #tpu.memory_space<vmem>> -> memref<64x128xf32, #tpu.memory_space<vmem>>
      %dma_wait3A_355 = arith.constant 64 : i32
      %dma_wait3A_356 = tpu.memref_slice %arg7[%dma_wait3A_351, %dma_wait3A_355] : memref<8x128xi32, #tpu.memory_space<vmem>> -> memref<1x64xi32, #tpu.memory_space<vmem>>
      %dma_wait3A_357 = tpu.memref_squeeze %dma_wait3A_356 : memref<1x64xi32, #tpu.memory_space<vmem>> -> memref<64xi32, #tpu.memory_space<vmem>>
      %dma_wait3A_358 = arith.constant 0 : i32
      %dma_wait3A_359 = arith.constant 0 : i32
      %dma_wait3A_360 = tpu.memref_slice %arg2[%dma_wait3A_358, %dma_wait3A_359] : memref<10000x128xf32, #tpu.memory_space<hbm>> -> memref<10000x128xf32, #tpu.memory_space<hbm>>
      tpu.wait_indirect_dma semaphore(%arg11 : memref<!tpu.dma_semaphore, #tpu.memory_space<semaphore_mem>>) src(%dma_wait3A_360 : memref<10000x128xf32, #tpu.memory_space<hbm>>) dst(%dma_wait3A_354 : memref<64x128xf32, #tpu.memory_space<vmem>>)
      %dma_start3A_361 = arith.constant 5 : i32
      %dma_start3A_362 = arith.constant 0 : i32
      %dma_start3A_363 = arith.constant 0 : i32
      %dma_start3A_364 = tpu.memref_slice %arg9[%dma_start3A_362, %dma_start3A_363] : memref<128x128xf32, #tpu.memory_space<vmem>> -> memref<64x128xf32, #tpu.memory_space<vmem>>
      %dma_start3A_365 = arith.constant 0 : i32
      %dma_start3A_366 = tpu.memref_slice %arg7[%dma_start3A_361, %dma_start3A_365] : memref<8x128xi32, #tpu.memory_space<vmem>> -> memref<1x64xi32, #tpu.memory_space<vmem>>
      %dma_start3A_367 = tpu.memref_squeeze %dma_start3A_366 : memref<1x64xi32, #tpu.memory_space<vmem>> -> memref<64xi32, #tpu.memory_space<vmem>>
      %dma_start3A_368 = arith.constant 0 : i32
      %dma_start3A_369 = arith.constant 0 : i32
      %dma_start3A_370 = tpu.memref_slice %arg2[%dma_start3A_368, %dma_start3A_369] : memref<10000x128xf32, #tpu.memory_space<hbm>> -> memref<10000x128xf32, #tpu.memory_space<hbm>>
      tpu.enqueue_indirect_dma source(%dma_start3A_370 : memref<10000x128xf32, #tpu.memory_space<hbm>>) target(%dma_start3A_364 : memref<64x128xf32, #tpu.memory_space<vmem>>) offsets(%dma_start3A_367 : memref<64xi32, #tpu.memory_space<vmem>>) semaphore(%arg10 : memref<!tpu.dma_semaphore, #tpu.memory_space<semaphore_mem>>)
      %run_scoped3A_371 = arith.constant 4 : i32
      "tpu.region"() ({
        %run_scoped3A_488 = tpu.sem_alloc : memref<!tpu.dma_semaphore, #tpu.memory_space<semaphore_mem>>
        %dma_start3A_489 = arith.constant 64 : i32
        %dma_start3A_490 = arith.constant 0 : i32
        %dma_start3A_491 = tpu.memref_slice %arg9[%dma_start3A_489, %dma_start3A_490] : memref<128x128xf32, #tpu.memory_space<vmem>> -> memref<64x128xf32, #tpu.memory_space<vmem>>
        %dma_start3A_492 = arith.constant 64 : i32
        %dma_start3A_493 = tpu.memref_slice %arg8[%run_scoped3A_371, %dma_start3A_492] : memref<8x128xi32, #tpu.memory_space<vmem>> -> memref<1x64xi32, #tpu.memory_space<vmem>>
        %dma_start3A_494 = tpu.memref_squeeze %dma_start3A_493 : memref<1x64xi32, #tpu.memory_space<vmem>> -> memref<64xi32, #tpu.memory_space<vmem>>
        %dma_start3A_495 = arith.constant 0 : i32
        %dma_start3A_496 = arith.constant 0 : i32
        %dma_start3A_497 = tpu.memref_slice %arg12[%dma_start3A_495, %dma_start3A_496] : memref<10112x128xf32, #tpu.memory_space<vmem_shared>> -> memref<10112x128xf32, #tpu.memory_space<vmem_shared>>
        tpu.enqueue_indirect_dma source(%dma_start3A_491 : memref<64x128xf32, #tpu.memory_space<vmem>>) target(%dma_start3A_497 : memref<10112x128xf32, #tpu.memory_space<vmem_shared>>) offsets(%dma_start3A_494 : memref<64xi32, #tpu.memory_space<vmem>>) semaphore(%run_scoped3A_488 : memref<!tpu.dma_semaphore, #tpu.memory_space<semaphore_mem>>) {add = true}
        %dma_wait3A_498 = arith.constant 64 : i32
        %dma_wait3A_499 = arith.constant 0 : i32
        %dma_wait3A_500 = tpu.memref_slice %arg9[%dma_wait3A_498, %dma_wait3A_499] : memref<128x128xf32, #tpu.memory_space<vmem>> -> memref<64x128xf32, #tpu.memory_space<vmem>>
        %dma_wait3A_501 = arith.constant 64 : i32
        %dma_wait3A_502 = tpu.memref_slice %arg8[%run_scoped3A_371, %dma_wait3A_501] : memref<8x128xi32, #tpu.memory_space<vmem>> -> memref<1x64xi32, #tpu.memory_space<vmem>>
        %dma_wait3A_503 = tpu.memref_squeeze %dma_wait3A_502 : memref<1x64xi32, #tpu.memory_space<vmem>> -> memref<64xi32, #tpu.memory_space<vmem>>
        %dma_wait3A_504 = arith.constant 0 : i32
        %dma_wait3A_505 = arith.constant 0 : i32
        %dma_wait3A_506 = tpu.memref_slice %arg12[%dma_wait3A_504, %dma_wait3A_505] : memref<10112x128xf32, #tpu.memory_space<vmem_shared>> -> memref<10112x128xf32, #tpu.memory_space<vmem_shared>>
        tpu.wait_indirect_dma semaphore(%run_scoped3A_488 : memref<!tpu.dma_semaphore, #tpu.memory_space<semaphore_mem>>) src(%dma_wait3A_500 : memref<64x128xf32, #tpu.memory_space<vmem>>) dst(%dma_wait3A_506 : memref<10112x128xf32, #tpu.memory_space<vmem_shared>>)
        tpu.yield
      }) : () -> ()
      %dma_wait3A_372 = arith.constant 5 : i32
      %dma_wait3A_373 = arith.constant 0 : i32
      %dma_wait3A_374 = arith.constant 0 : i32
      %dma_wait3A_375 = tpu.memref_slice %arg9[%dma_wait3A_373, %dma_wait3A_374] : memref<128x128xf32, #tpu.memory_space<vmem>> -> memref<64x128xf32, #tpu.memory_space<vmem>>
      %dma_wait3A_376 = arith.constant 0 : i32
      %dma_wait3A_377 = tpu.memref_slice %arg7[%dma_wait3A_372, %dma_wait3A_376] : memref<8x128xi32, #tpu.memory_space<vmem>> -> memref<1x64xi32, #tpu.memory_space<vmem>>
      %dma_wait3A_378 = tpu.memref_squeeze %dma_wait3A_377 : memref<1x64xi32, #tpu.memory_space<vmem>> -> memref<64xi32, #tpu.memory_space<vmem>>
      %dma_wait3A_379 = arith.constant 0 : i32
      %dma_wait3A_380 = arith.constant 0 : i32
      %dma_wait3A_381 = tpu.memref_slice %arg2[%dma_wait3A_379, %dma_wait3A_380] : memref<10000x128xf32, #tpu.memory_space<hbm>> -> memref<10000x128xf32, #tpu.memory_space<hbm>>
      tpu.wait_indirect_dma semaphore(%arg10 : memref<!tpu.dma_semaphore, #tpu.memory_space<semaphore_mem>>) src(%dma_wait3A_381 : memref<10000x128xf32, #tpu.memory_space<hbm>>) dst(%dma_wait3A_375 : memref<64x128xf32, #tpu.memory_space<vmem>>)
      %dma_start3A_382 = arith.constant 5 : i32
      %dma_start3A_383 = arith.constant 64 : i32
      %dma_start3A_384 = arith.constant 0 : i32
      %dma_start3A_385 = tpu.memref_slice %arg9[%dma_start3A_383, %dma_start3A_384] : memref<128x128xf32, #tpu.memory_space<vmem>> -> memref<64x128xf32, #tpu.memory_space<vmem>>
      %dma_start3A_386 = arith.constant 64 : i32
      %dma_start3A_387 = tpu.memref_slice %arg7[%dma_start3A_382, %dma_start3A_386] : memref<8x128xi32, #tpu.memory_space<vmem>> -> memref<1x64xi32, #tpu.memory_space<vmem>>
      %dma_start3A_388 = tpu.memref_squeeze %dma_start3A_387 : memref<1x64xi32, #tpu.memory_space<vmem>> -> memref<64xi32, #tpu.memory_space<vmem>>
      %dma_start3A_389 = arith.constant 0 : i32
      %dma_start3A_390 = arith.constant 0 : i32
      %dma_start3A_391 = tpu.memref_slice %arg2[%dma_start3A_389, %dma_start3A_390] : memref<10000x128xf32, #tpu.memory_space<hbm>> -> memref<10000x128xf32, #tpu.memory_space<hbm>>
      tpu.enqueue_indirect_dma source(%dma_start3A_391 : memref<10000x128xf32, #tpu.memory_space<hbm>>) target(%dma_start3A_385 : memref<64x128xf32, #tpu.memory_space<vmem>>) offsets(%dma_start3A_388 : memref<64xi32, #tpu.memory_space<vmem>>) semaphore(%arg11 : memref<!tpu.dma_semaphore, #tpu.memory_space<semaphore_mem>>)
      %run_scoped3A_392 = arith.constant 5 : i32
      "tpu.region"() ({
        %run_scoped3A_488 = tpu.sem_alloc : memref<!tpu.dma_semaphore, #tpu.memory_space<semaphore_mem>>
        %dma_start3A_489 = arith.constant 0 : i32
        %dma_start3A_490 = arith.constant 0 : i32
        %dma_start3A_491 = tpu.memref_slice %arg9[%dma_start3A_489, %dma_start3A_490] : memref<128x128xf32, #tpu.memory_space<vmem>> -> memref<64x128xf32, #tpu.memory_space<vmem>>
        %dma_start3A_492 = arith.constant 0 : i32
        %dma_start3A_493 = tpu.memref_slice %arg8[%run_scoped3A_392, %dma_start3A_492] : memref<8x128xi32, #tpu.memory_space<vmem>> -> memref<1x64xi32, #tpu.memory_space<vmem>>
        %dma_start3A_494 = tpu.memref_squeeze %dma_start3A_493 : memref<1x64xi32, #tpu.memory_space<vmem>> -> memref<64xi32, #tpu.memory_space<vmem>>
        %dma_start3A_495 = arith.constant 0 : i32
        %dma_start3A_496 = arith.constant 0 : i32
        %dma_start3A_497 = tpu.memref_slice %arg12[%dma_start3A_495, %dma_start3A_496] : memref<10112x128xf32, #tpu.memory_space<vmem_shared>> -> memref<10112x128xf32, #tpu.memory_space<vmem_shared>>
        tpu.enqueue_indirect_dma source(%dma_start3A_491 : memref<64x128xf32, #tpu.memory_space<vmem>>) target(%dma_start3A_497 : memref<10112x128xf32, #tpu.memory_space<vmem_shared>>) offsets(%dma_start3A_494 : memref<64xi32, #tpu.memory_space<vmem>>) semaphore(%run_scoped3A_488 : memref<!tpu.dma_semaphore, #tpu.memory_space<semaphore_mem>>) {add = true}
        %dma_wait3A_498 = arith.constant 0 : i32
        %dma_wait3A_499 = arith.constant 0 : i32
        %dma_wait3A_500 = tpu.memref_slice %arg9[%dma_wait3A_498, %dma_wait3A_499] : memref<128x128xf32, #tpu.memory_space<vmem>> -> memref<64x128xf32, #tpu.memory_space<vmem>>
        %dma_wait3A_501 = arith.constant 0 : i32
        %dma_wait3A_502 = tpu.memref_slice %arg8[%run_scoped3A_392, %dma_wait3A_501] : memref<8x128xi32, #tpu.memory_space<vmem>> -> memref<1x64xi32, #tpu.memory_space<vmem>>
        %dma_wait3A_503 = tpu.memref_squeeze %dma_wait3A_502 : memref<1x64xi32, #tpu.memory_space<vmem>> -> memref<64xi32, #tpu.memory_space<vmem>>
        %dma_wait3A_504 = arith.constant 0 : i32
        %dma_wait3A_505 = arith.constant 0 : i32
        %dma_wait3A_506 = tpu.memref_slice %arg12[%dma_wait3A_504, %dma_wait3A_505] : memref<10112x128xf32, #tpu.memory_space<vmem_shared>> -> memref<10112x128xf32, #tpu.memory_space<vmem_shared>>
        tpu.wait_indirect_dma semaphore(%run_scoped3A_488 : memref<!tpu.dma_semaphore, #tpu.memory_space<semaphore_mem>>) src(%dma_wait3A_500 : memref<64x128xf32, #tpu.memory_space<vmem>>) dst(%dma_wait3A_506 : memref<10112x128xf32, #tpu.memory_space<vmem_shared>>)
        tpu.yield
      }) : () -> ()
      %dma_wait3A_393 = arith.constant 5 : i32
      %dma_wait3A_394 = arith.constant 64 : i32
      %dma_wait3A_395 = arith.constant 0 : i32
      %dma_wait3A_396 = tpu.memref_slice %arg9[%dma_wait3A_394, %dma_wait3A_395] : memref<128x128xf32, #tpu.memory_space<vmem>> -> memref<64x128xf32, #tpu.memory_space<vmem>>
      %dma_wait3A_397 = arith.constant 64 : i32
      %dma_wait3A_398 = tpu.memref_slice %arg7[%dma_wait3A_393, %dma_wait3A_397] : memref<8x128xi32, #tpu.memory_space<vmem>> -> memref<1x64xi32, #tpu.memory_space<vmem>>
      %dma_wait3A_399 = tpu.memref_squeeze %dma_wait3A_398 : memref<1x64xi32, #tpu.memory_space<vmem>> -> memref<64xi32, #tpu.memory_space<vmem>>
      %dma_wait3A_400 = arith.constant 0 : i32
      %dma_wait3A_401 = arith.constant 0 : i32
      %dma_wait3A_402 = tpu.memref_slice %arg2[%dma_wait3A_400, %dma_wait3A_401] : memref<10000x128xf32, #tpu.memory_space<hbm>> -> memref<10000x128xf32, #tpu.memory_space<hbm>>
      tpu.wait_indirect_dma semaphore(%arg11 : memref<!tpu.dma_semaphore, #tpu.memory_space<semaphore_mem>>) src(%dma_wait3A_402 : memref<10000x128xf32, #tpu.memory_space<hbm>>) dst(%dma_wait3A_396 : memref<64x128xf32, #tpu.memory_space<vmem>>)
      %dma_start3A_403 = arith.constant 6 : i32
      %dma_start3A_404 = arith.constant 0 : i32
      %dma_start3A_405 = arith.constant 0 : i32
      %dma_start3A_406 = tpu.memref_slice %arg9[%dma_start3A_404, %dma_start3A_405] : memref<128x128xf32, #tpu.memory_space<vmem>> -> memref<64x128xf32, #tpu.memory_space<vmem>>
      %dma_start3A_407 = arith.constant 0 : i32
      %dma_start3A_408 = tpu.memref_slice %arg7[%dma_start3A_403, %dma_start3A_407] : memref<8x128xi32, #tpu.memory_space<vmem>> -> memref<1x64xi32, #tpu.memory_space<vmem>>
      %dma_start3A_409 = tpu.memref_squeeze %dma_start3A_408 : memref<1x64xi32, #tpu.memory_space<vmem>> -> memref<64xi32, #tpu.memory_space<vmem>>
      %dma_start3A_410 = arith.constant 0 : i32
      %dma_start3A_411 = arith.constant 0 : i32
      %dma_start3A_412 = tpu.memref_slice %arg2[%dma_start3A_410, %dma_start3A_411] : memref<10000x128xf32, #tpu.memory_space<hbm>> -> memref<10000x128xf32, #tpu.memory_space<hbm>>
      tpu.enqueue_indirect_dma source(%dma_start3A_412 : memref<10000x128xf32, #tpu.memory_space<hbm>>) target(%dma_start3A_406 : memref<64x128xf32, #tpu.memory_space<vmem>>) offsets(%dma_start3A_409 : memref<64xi32, #tpu.memory_space<vmem>>) semaphore(%arg10 : memref<!tpu.dma_semaphore, #tpu.memory_space<semaphore_mem>>)
      %run_scoped3A_413 = arith.constant 5 : i32
      "tpu.region"() ({
        %run_scoped3A_488 = tpu.sem_alloc : memref<!tpu.dma_semaphore, #tpu.memory_space<semaphore_mem>>
        %dma_start3A_489 = arith.constant 64 : i32
        %dma_start3A_490 = arith.constant 0 : i32
        %dma_start3A_491 = tpu.memref_slice %arg9[%dma_start3A_489, %dma_start3A_490] : memref<128x128xf32, #tpu.memory_space<vmem>> -> memref<64x128xf32, #tpu.memory_space<vmem>>
        %dma_start3A_492 = arith.constant 64 : i32
        %dma_start3A_493 = tpu.memref_slice %arg8[%run_scoped3A_413, %dma_start3A_492] : memref<8x128xi32, #tpu.memory_space<vmem>> -> memref<1x64xi32, #tpu.memory_space<vmem>>
        %dma_start3A_494 = tpu.memref_squeeze %dma_start3A_493 : memref<1x64xi32, #tpu.memory_space<vmem>> -> memref<64xi32, #tpu.memory_space<vmem>>
        %dma_start3A_495 = arith.constant 0 : i32
        %dma_start3A_496 = arith.constant 0 : i32
        %dma_start3A_497 = tpu.memref_slice %arg12[%dma_start3A_495, %dma_start3A_496] : memref<10112x128xf32, #tpu.memory_space<vmem_shared>> -> memref<10112x128xf32, #tpu.memory_space<vmem_shared>>
        tpu.enqueue_indirect_dma source(%dma_start3A_491 : memref<64x128xf32, #tpu.memory_space<vmem>>) target(%dma_start3A_497 : memref<10112x128xf32, #tpu.memory_space<vmem_shared>>) offsets(%dma_start3A_494 : memref<64xi32, #tpu.memory_space<vmem>>) semaphore(%run_scoped3A_488 : memref<!tpu.dma_semaphore, #tpu.memory_space<semaphore_mem>>) {add = true}
        %dma_wait3A_498 = arith.constant 64 : i32
        %dma_wait3A_499 = arith.constant 0 : i32
        %dma_wait3A_500 = tpu.memref_slice %arg9[%dma_wait3A_498, %dma_wait3A_499] : memref<128x128xf32, #tpu.memory_space<vmem>> -> memref<64x128xf32, #tpu.memory_space<vmem>>
        %dma_wait3A_501 = arith.constant 64 : i32
        %dma_wait3A_502 = tpu.memref_slice %arg8[%run_scoped3A_413, %dma_wait3A_501] : memref<8x128xi32, #tpu.memory_space<vmem>> -> memref<1x64xi32, #tpu.memory_space<vmem>>
        %dma_wait3A_503 = tpu.memref_squeeze %dma_wait3A_502 : memref<1x64xi32, #tpu.memory_space<vmem>> -> memref<64xi32, #tpu.memory_space<vmem>>
        %dma_wait3A_504 = arith.constant 0 : i32
        %dma_wait3A_505 = arith.constant 0 : i32
        %dma_wait3A_506 = tpu.memref_slice %arg12[%dma_wait3A_504, %dma_wait3A_505] : memref<10112x128xf32, #tpu.memory_space<vmem_shared>> -> memref<10112x128xf32, #tpu.memory_space<vmem_shared>>
        tpu.wait_indirect_dma semaphore(%run_scoped3A_488 : memref<!tpu.dma_semaphore, #tpu.memory_space<semaphore_mem>>) src(%dma_wait3A_500 : memref<64x128xf32, #tpu.memory_space<vmem>>) dst(%dma_wait3A_506 : memref<10112x128xf32, #tpu.memory_space<vmem_shared>>)
        tpu.yield
      }) : () -> ()
      %dma_wait3A_414 = arith.constant 6 : i32
      %dma_wait3A_415 = arith.constant 0 : i32
      %dma_wait3A_416 = arith.constant 0 : i32
      %dma_wait3A_417 = tpu.memref_slice %arg9[%dma_wait3A_415, %dma_wait3A_416] : memref<128x128xf32, #tpu.memory_space<vmem>> -> memref<64x128xf32, #tpu.memory_space<vmem>>
      %dma_wait3A_418 = arith.constant 0 : i32
      %dma_wait3A_419 = tpu.memref_slice %arg7[%dma_wait3A_414, %dma_wait3A_418] : memref<8x128xi32, #tpu.memory_space<vmem>> -> memref<1x64xi32, #tpu.memory_space<vmem>>
      %dma_wait3A_420 = tpu.memref_squeeze %dma_wait3A_419 : memref<1x64xi32, #tpu.memory_space<vmem>> -> memref<64xi32, #tpu.memory_space<vmem>>
      %dma_wait3A_421 = arith.constant 0 : i32
      %dma_wait3A_422 = arith.constant 0 : i32
      %dma_wait3A_423 = tpu.memref_slice %arg2[%dma_wait3A_421, %dma_wait3A_422] : memref<10000x128xf32, #tpu.memory_space<hbm>> -> memref<10000x128xf32, #tpu.memory_space<hbm>>
      tpu.wait_indirect_dma semaphore(%arg10 : memref<!tpu.dma_semaphore, #tpu.memory_space<semaphore_mem>>) src(%dma_wait3A_423 : memref<10000x128xf32, #tpu.memory_space<hbm>>) dst(%dma_wait3A_417 : memref<64x128xf32, #tpu.memory_space<vmem>>)
      %dma_start3A_424 = arith.constant 6 : i32
      %dma_start3A_425 = arith.constant 64 : i32
      %dma_start3A_426 = arith.constant 0 : i32
      %dma_start3A_427 = tpu.memref_slice %arg9[%dma_start3A_425, %dma_start3A_426] : memref<128x128xf32, #tpu.memory_space<vmem>> -> memref<64x128xf32, #tpu.memory_space<vmem>>
      %dma_start3A_428 = arith.constant 64 : i32
      %dma_start3A_429 = tpu.memref_slice %arg7[%dma_start3A_424, %dma_start3A_428] : memref<8x128xi32, #tpu.memory_space<vmem>> -> memref<1x64xi32, #tpu.memory_space<vmem>>
      %dma_start3A_430 = tpu.memref_squeeze %dma_start3A_429 : memref<1x64xi32, #tpu.memory_space<vmem>> -> memref<64xi32, #tpu.memory_space<vmem>>
      %dma_start3A_431 = arith.constant 0 : i32
      %dma_start3A_432 = arith.constant 0 : i32
      %dma_start3A_433 = tpu.memref_slice %arg2[%dma_start3A_431, %dma_start3A_432] : memref<10000x128xf32, #tpu.memory_space<hbm>> -> memref<10000x128xf32, #tpu.memory_space<hbm>>
      tpu.enqueue_indirect_dma source(%dma_start3A_433 : memref<10000x128xf32, #tpu.memory_space<hbm>>) target(%dma_start3A_427 : memref<64x128xf32, #tpu.memory_space<vmem>>) offsets(%dma_start3A_430 : memref<64xi32, #tpu.memory_space<vmem>>) semaphore(%arg11 : memref<!tpu.dma_semaphore, #tpu.memory_space<semaphore_mem>>)
      %run_scoped3A_434 = arith.constant 6 : i32
      "tpu.region"() ({
        %run_scoped3A_488 = tpu.sem_alloc : memref<!tpu.dma_semaphore, #tpu.memory_space<semaphore_mem>>
        %dma_start3A_489 = arith.constant 0 : i32
        %dma_start3A_490 = arith.constant 0 : i32
        %dma_start3A_491 = tpu.memref_slice %arg9[%dma_start3A_489, %dma_start3A_490] : memref<128x128xf32, #tpu.memory_space<vmem>> -> memref<64x128xf32, #tpu.memory_space<vmem>>
        %dma_start3A_492 = arith.constant 0 : i32
        %dma_start3A_493 = tpu.memref_slice %arg8[%run_scoped3A_434, %dma_start3A_492] : memref<8x128xi32, #tpu.memory_space<vmem>> -> memref<1x64xi32, #tpu.memory_space<vmem>>
        %dma_start3A_494 = tpu.memref_squeeze %dma_start3A_493 : memref<1x64xi32, #tpu.memory_space<vmem>> -> memref<64xi32, #tpu.memory_space<vmem>>
        %dma_start3A_495 = arith.constant 0 : i32
        %dma_start3A_496 = arith.constant 0 : i32
        %dma_start3A_497 = tpu.memref_slice %arg12[%dma_start3A_495, %dma_start3A_496] : memref<10112x128xf32, #tpu.memory_space<vmem_shared>> -> memref<10112x128xf32, #tpu.memory_space<vmem_shared>>
        tpu.enqueue_indirect_dma source(%dma_start3A_491 : memref<64x128xf32, #tpu.memory_space<vmem>>) target(%dma_start3A_497 : memref<10112x128xf32, #tpu.memory_space<vmem_shared>>) offsets(%dma_start3A_494 : memref<64xi32, #tpu.memory_space<vmem>>) semaphore(%run_scoped3A_488 : memref<!tpu.dma_semaphore, #tpu.memory_space<semaphore_mem>>) {add = true}
        %dma_wait3A_498 = arith.constant 0 : i32
        %dma_wait3A_499 = arith.constant 0 : i32
        %dma_wait3A_500 = tpu.memref_slice %arg9[%dma_wait3A_498, %dma_wait3A_499] : memref<128x128xf32, #tpu.memory_space<vmem>> -> memref<64x128xf32, #tpu.memory_space<vmem>>
        %dma_wait3A_501 = arith.constant 0 : i32
        %dma_wait3A_502 = tpu.memref_slice %arg8[%run_scoped3A_434, %dma_wait3A_501] : memref<8x128xi32, #tpu.memory_space<vmem>> -> memref<1x64xi32, #tpu.memory_space<vmem>>
        %dma_wait3A_503 = tpu.memref_squeeze %dma_wait3A_502 : memref<1x64xi32, #tpu.memory_space<vmem>> -> memref<64xi32, #tpu.memory_space<vmem>>
        %dma_wait3A_504 = arith.constant 0 : i32
        %dma_wait3A_505 = arith.constant 0 : i32
        %dma_wait3A_506 = tpu.memref_slice %arg12[%dma_wait3A_504, %dma_wait3A_505] : memref<10112x128xf32, #tpu.memory_space<vmem_shared>> -> memref<10112x128xf32, #tpu.memory_space<vmem_shared>>
        tpu.wait_indirect_dma semaphore(%run_scoped3A_488 : memref<!tpu.dma_semaphore, #tpu.memory_space<semaphore_mem>>) src(%dma_wait3A_500 : memref<64x128xf32, #tpu.memory_space<vmem>>) dst(%dma_wait3A_506 : memref<10112x128xf32, #tpu.memory_space<vmem_shared>>)
        tpu.yield
      }) : () -> ()
      %dma_wait3A_435 = arith.constant 6 : i32
      %dma_wait3A_436 = arith.constant 64 : i32
      %dma_wait3A_437 = arith.constant 0 : i32
      %dma_wait3A_438 = tpu.memref_slice %arg9[%dma_wait3A_436, %dma_wait3A_437] : memref<128x128xf32, #tpu.memory_space<vmem>> -> memref<64x128xf32, #tpu.memory_space<vmem>>
      %dma_wait3A_439 = arith.constant 64 : i32
      %dma_wait3A_440 = tpu.memref_slice %arg7[%dma_wait3A_435, %dma_wait3A_439] : memref<8x128xi32, #tpu.memory_space<vmem>> -> memref<1x64xi32, #tpu.memory_space<vmem>>
      %dma_wait3A_441 = tpu.memref_squeeze %dma_wait3A_440 : memref<1x64xi32, #tpu.memory_space<vmem>> -> memref<64xi32, #tpu.memory_space<vmem>>
      %dma_wait3A_442 = arith.constant 0 : i32
      %dma_wait3A_443 = arith.constant 0 : i32
      %dma_wait3A_444 = tpu.memref_slice %arg2[%dma_wait3A_442, %dma_wait3A_443] : memref<10000x128xf32, #tpu.memory_space<hbm>> -> memref<10000x128xf32, #tpu.memory_space<hbm>>
      tpu.wait_indirect_dma semaphore(%arg11 : memref<!tpu.dma_semaphore, #tpu.memory_space<semaphore_mem>>) src(%dma_wait3A_444 : memref<10000x128xf32, #tpu.memory_space<hbm>>) dst(%dma_wait3A_438 : memref<64x128xf32, #tpu.memory_space<vmem>>)
      %dma_start3A_445 = arith.constant 7 : i32
      %dma_start3A_446 = arith.constant 0 : i32
      %dma_start3A_447 = arith.constant 0 : i32
      %dma_start3A_448 = tpu.memref_slice %arg9[%dma_start3A_446, %dma_start3A_447] : memref<128x128xf32, #tpu.memory_space<vmem>> -> memref<64x128xf32, #tpu.memory_space<vmem>>
      %dma_start3A_449 = arith.constant 0 : i32
      %dma_start3A_450 = tpu.memref_slice %arg7[%dma_start3A_445, %dma_start3A_449] : memref<8x128xi32, #tpu.memory_space<vmem>> -> memref<1x64xi32, #tpu.memory_space<vmem>>
      %dma_start3A_451 = tpu.memref_squeeze %dma_start3A_450 : memref<1x64xi32, #tpu.memory_space<vmem>> -> memref<64xi32, #tpu.memory_space<vmem>>
      %dma_start3A_452 = arith.constant 0 : i32
      %dma_start3A_453 = arith.constant 0 : i32
      %dma_start3A_454 = tpu.memref_slice %arg2[%dma_start3A_452, %dma_start3A_453] : memref<10000x128xf32, #tpu.memory_space<hbm>> -> memref<10000x128xf32, #tpu.memory_space<hbm>>
      tpu.enqueue_indirect_dma source(%dma_start3A_454 : memref<10000x128xf32, #tpu.memory_space<hbm>>) target(%dma_start3A_448 : memref<64x128xf32, #tpu.memory_space<vmem>>) offsets(%dma_start3A_451 : memref<64xi32, #tpu.memory_space<vmem>>) semaphore(%arg10 : memref<!tpu.dma_semaphore, #tpu.memory_space<semaphore_mem>>)
      %run_scoped3A_455 = arith.constant 6 : i32
      "tpu.region"() ({
        %run_scoped3A_488 = tpu.sem_alloc : memref<!tpu.dma_semaphore, #tpu.memory_space<semaphore_mem>>
        %dma_start3A_489 = arith.constant 64 : i32
        %dma_start3A_490 = arith.constant 0 : i32
        %dma_start3A_491 = tpu.memref_slice %arg9[%dma_start3A_489, %dma_start3A_490] : memref<128x128xf32, #tpu.memory_space<vmem>> -> memref<64x128xf32, #tpu.memory_space<vmem>>
        %dma_start3A_492 = arith.constant 64 : i32
        %dma_start3A_493 = tpu.memref_slice %arg8[%run_scoped3A_455, %dma_start3A_492] : memref<8x128xi32, #tpu.memory_space<vmem>> -> memref<1x64xi32, #tpu.memory_space<vmem>>
        %dma_start3A_494 = tpu.memref_squeeze %dma_start3A_493 : memref<1x64xi32, #tpu.memory_space<vmem>> -> memref<64xi32, #tpu.memory_space<vmem>>
        %dma_start3A_495 = arith.constant 0 : i32
        %dma_start3A_496 = arith.constant 0 : i32
        %dma_start3A_497 = tpu.memref_slice %arg12[%dma_start3A_495, %dma_start3A_496] : memref<10112x128xf32, #tpu.memory_space<vmem_shared>> -> memref<10112x128xf32, #tpu.memory_space<vmem_shared>>
        tpu.enqueue_indirect_dma source(%dma_start3A_491 : memref<64x128xf32, #tpu.memory_space<vmem>>) target(%dma_start3A_497 : memref<10112x128xf32, #tpu.memory_space<vmem_shared>>) offsets(%dma_start3A_494 : memref<64xi32, #tpu.memory_space<vmem>>) semaphore(%run_scoped3A_488 : memref<!tpu.dma_semaphore, #tpu.memory_space<semaphore_mem>>) {add = true}
        %dma_wait3A_498 = arith.constant 64 : i32
        %dma_wait3A_499 = arith.constant 0 : i32
        %dma_wait3A_500 = tpu.memref_slice %arg9[%dma_wait3A_498, %dma_wait3A_499] : memref<128x128xf32, #tpu.memory_space<vmem>> -> memref<64x128xf32, #tpu.memory_space<vmem>>
        %dma_wait3A_501 = arith.constant 64 : i32
        %dma_wait3A_502 = tpu.memref_slice %arg8[%run_scoped3A_455, %dma_wait3A_501] : memref<8x128xi32, #tpu.memory_space<vmem>> -> memref<1x64xi32, #tpu.memory_space<vmem>>
        %dma_wait3A_503 = tpu.memref_squeeze %dma_wait3A_502 : memref<1x64xi32, #tpu.memory_space<vmem>> -> memref<64xi32, #tpu.memory_space<vmem>>
        %dma_wait3A_504 = arith.constant 0 : i32
        %dma_wait3A_505 = arith.constant 0 : i32
        %dma_wait3A_506 = tpu.memref_slice %arg12[%dma_wait3A_504, %dma_wait3A_505] : memref<10112x128xf32, #tpu.memory_space<vmem_shared>> -> memref<10112x128xf32, #tpu.memory_space<vmem_shared>>
        tpu.wait_indirect_dma semaphore(%run_scoped3A_488 : memref<!tpu.dma_semaphore, #tpu.memory_space<semaphore_mem>>) src(%dma_wait3A_500 : memref<64x128xf32, #tpu.memory_space<vmem>>) dst(%dma_wait3A_506 : memref<10112x128xf32, #tpu.memory_space<vmem_shared>>)
        tpu.yield
      }) : () -> ()
      %dma_wait3A_456 = arith.constant 7 : i32
      %dma_wait3A_457 = arith.constant 0 : i32
      %dma_wait3A_458 = arith.constant 0 : i32
      %dma_wait3A_459 = tpu.memref_slice %arg9[%dma_wait3A_457, %dma_wait3A_458] : memref<128x128xf32, #tpu.memory_space<vmem>> -> memref<64x128xf32, #tpu.memory_space<vmem>>
      %dma_wait3A_460 = arith.constant 0 : i32
      %dma_wait3A_461 = tpu.memref_slice %arg7[%dma_wait3A_456, %dma_wait3A_460] : memref<8x128xi32, #tpu.memory_space<vmem>> -> memref<1x64xi32, #tpu.memory_space<vmem>>
      %dma_wait3A_462 = tpu.memref_squeeze %dma_wait3A_461 : memref<1x64xi32, #tpu.memory_space<vmem>> -> memref<64xi32, #tpu.memory_space<vmem>>
      %dma_wait3A_463 = arith.constant 0 : i32
      %dma_wait3A_464 = arith.constant 0 : i32
      %dma_wait3A_465 = tpu.memref_slice %arg2[%dma_wait3A_463, %dma_wait3A_464] : memref<10000x128xf32, #tpu.memory_space<hbm>> -> memref<10000x128xf32, #tpu.memory_space<hbm>>
      tpu.wait_indirect_dma semaphore(%arg10 : memref<!tpu.dma_semaphore, #tpu.memory_space<semaphore_mem>>) src(%dma_wait3A_465 : memref<10000x128xf32, #tpu.memory_space<hbm>>) dst(%dma_wait3A_459 : memref<64x128xf32, #tpu.memory_space<vmem>>)
      %dma_start3A_466 = arith.constant 7 : i32
      %dma_start3A_467 = arith.constant 64 : i32
      %dma_start3A_468 = arith.constant 0 : i32
      %dma_start3A_469 = tpu.memref_slice %arg9[%dma_start3A_467, %dma_start3A_468] : memref<128x128xf32, #tpu.memory_space<vmem>> -> memref<64x128xf32, #tpu.memory_space<vmem>>
      %dma_start3A_470 = arith.constant 64 : i32
      %dma_start3A_471 = tpu.memref_slice %arg7[%dma_start3A_466, %dma_start3A_470] : memref<8x128xi32, #tpu.memory_space<vmem>> -> memref<1x64xi32, #tpu.memory_space<vmem>>
      %dma_start3A_472 = tpu.memref_squeeze %dma_start3A_471 : memref<1x64xi32, #tpu.memory_space<vmem>> -> memref<64xi32, #tpu.memory_space<vmem>>
      %dma_start3A_473 = arith.constant 0 : i32
      %dma_start3A_474 = arith.constant 0 : i32
      %dma_start3A_475 = tpu.memref_slice %arg2[%dma_start3A_473, %dma_start3A_474] : memref<10000x128xf32, #tpu.memory_space<hbm>> -> memref<10000x128xf32, #tpu.memory_space<hbm>>
      tpu.enqueue_indirect_dma source(%dma_start3A_475 : memref<10000x128xf32, #tpu.memory_space<hbm>>) target(%dma_start3A_469 : memref<64x128xf32, #tpu.memory_space<vmem>>) offsets(%dma_start3A_472 : memref<64xi32, #tpu.memory_space<vmem>>) semaphore(%arg11 : memref<!tpu.dma_semaphore, #tpu.memory_space<semaphore_mem>>)
      %run_scoped3A_476 = arith.constant 7 : i32
      "tpu.region"() ({
        %run_scoped3A_488 = tpu.sem_alloc : memref<!tpu.dma_semaphore, #tpu.memory_space<semaphore_mem>>
        %dma_start3A_489 = arith.constant 0 : i32
        %dma_start3A_490 = arith.constant 0 : i32
        %dma_start3A_491 = tpu.memref_slice %arg9[%dma_start3A_489, %dma_start3A_490] : memref<128x128xf32, #tpu.memory_space<vmem>> -> memref<64x128xf32, #tpu.memory_space<vmem>>
        %dma_start3A_492 = arith.constant 0 : i32
        %dma_start3A_493 = tpu.memref_slice %arg8[%run_scoped3A_476, %dma_start3A_492] : memref<8x128xi32, #tpu.memory_space<vmem>> -> memref<1x64xi32, #tpu.memory_space<vmem>>
        %dma_start3A_494 = tpu.memref_squeeze %dma_start3A_493 : memref<1x64xi32, #tpu.memory_space<vmem>> -> memref<64xi32, #tpu.memory_space<vmem>>
        %dma_start3A_495 = arith.constant 0 : i32
        %dma_start3A_496 = arith.constant 0 : i32
        %dma_start3A_497 = tpu.memref_slice %arg12[%dma_start3A_495, %dma_start3A_496] : memref<10112x128xf32, #tpu.memory_space<vmem_shared>> -> memref<10112x128xf32, #tpu.memory_space<vmem_shared>>
        tpu.enqueue_indirect_dma source(%dma_start3A_491 : memref<64x128xf32, #tpu.memory_space<vmem>>) target(%dma_start3A_497 : memref<10112x128xf32, #tpu.memory_space<vmem_shared>>) offsets(%dma_start3A_494 : memref<64xi32, #tpu.memory_space<vmem>>) semaphore(%run_scoped3A_488 : memref<!tpu.dma_semaphore, #tpu.memory_space<semaphore_mem>>) {add = true}
        %dma_wait3A_498 = arith.constant 0 : i32
        %dma_wait3A_499 = arith.constant 0 : i32
        %dma_wait3A_500 = tpu.memref_slice %arg9[%dma_wait3A_498, %dma_wait3A_499] : memref<128x128xf32, #tpu.memory_space<vmem>> -> memref<64x128xf32, #tpu.memory_space<vmem>>
        %dma_wait3A_501 = arith.constant 0 : i32
        %dma_wait3A_502 = tpu.memref_slice %arg8[%run_scoped3A_476, %dma_wait3A_501] : memref<8x128xi32, #tpu.memory_space<vmem>> -> memref<1x64xi32, #tpu.memory_space<vmem>>
        %dma_wait3A_503 = tpu.memref_squeeze %dma_wait3A_502 : memref<1x64xi32, #tpu.memory_space<vmem>> -> memref<64xi32, #tpu.memory_space<vmem>>
        %dma_wait3A_504 = arith.constant 0 : i32
        %dma_wait3A_505 = arith.constant 0 : i32
        %dma_wait3A_506 = tpu.memref_slice %arg12[%dma_wait3A_504, %dma_wait3A_505] : memref<10112x128xf32, #tpu.memory_space<vmem_shared>> -> memref<10112x128xf32, #tpu.memory_space<vmem_shared>>
        tpu.wait_indirect_dma semaphore(%run_scoped3A_488 : memref<!tpu.dma_semaphore, #tpu.memory_space<semaphore_mem>>) src(%dma_wait3A_500 : memref<64x128xf32, #tpu.memory_space<vmem>>) dst(%dma_wait3A_506 : memref<10112x128xf32, #tpu.memory_space<vmem_shared>>)
        tpu.yield
      }) : () -> ()
      %dma_wait3A_477 = arith.constant 7 : i32
      %dma_wait3A_478 = arith.constant 64 : i32
      %dma_wait3A_479 = arith.constant 0 : i32
      %dma_wait3A_480 = tpu.memref_slice %arg9[%dma_wait3A_478, %dma_wait3A_479] : memref<128x128xf32, #tpu.memory_space<vmem>> -> memref<64x128xf32, #tpu.memory_space<vmem>>
      %dma_wait3A_481 = arith.constant 64 : i32
      %dma_wait3A_482 = tpu.memref_slice %arg7[%dma_wait3A_477, %dma_wait3A_481] : memref<8x128xi32, #tpu.memory_space<vmem>> -> memref<1x64xi32, #tpu.memory_space<vmem>>
      %dma_wait3A_483 = tpu.memref_squeeze %dma_wait3A_482 : memref<1x64xi32, #tpu.memory_space<vmem>> -> memref<64xi32, #tpu.memory_space<vmem>>
      %dma_wait3A_484 = arith.constant 0 : i32
      %dma_wait3A_485 = arith.constant 0 : i32
      %dma_wait3A_486 = tpu.memref_slice %arg2[%dma_wait3A_484, %dma_wait3A_485] : memref<10000x128xf32, #tpu.memory_space<hbm>> -> memref<10000x128xf32, #tpu.memory_space<hbm>>
      tpu.wait_indirect_dma semaphore(%arg11 : memref<!tpu.dma_semaphore, #tpu.memory_space<semaphore_mem>>) src(%dma_wait3A_486 : memref<10000x128xf32, #tpu.memory_space<hbm>>) dst(%dma_wait3A_480 : memref<64x128xf32, #tpu.memory_space<vmem>>)
      %run_scoped3A_487 = arith.constant 7 : i32
      "tpu.region"() ({
        %run_scoped3A_488 = tpu.sem_alloc : memref<!tpu.dma_semaphore, #tpu.memory_space<semaphore_mem>>
        %dma_start3A_489 = arith.constant 64 : i32
        %dma_start3A_490 = arith.constant 0 : i32
        %dma_start3A_491 = tpu.memref_slice %arg9[%dma_start3A_489, %dma_start3A_490] : memref<128x128xf32, #tpu.memory_space<vmem>> -> memref<64x128xf32, #tpu.memory_space<vmem>>
        %dma_start3A_492 = arith.constant 64 : i32
        %dma_start3A_493 = tpu.memref_slice %arg8[%run_scoped3A_487, %dma_start3A_492] : memref<8x128xi32, #tpu.memory_space<vmem>> -> memref<1x64xi32, #tpu.memory_space<vmem>>
        %dma_start3A_494 = tpu.memref_squeeze %dma_start3A_493 : memref<1x64xi32, #tpu.memory_space<vmem>> -> memref<64xi32, #tpu.memory_space<vmem>>
        %dma_start3A_495 = arith.constant 0 : i32
        %dma_start3A_496 = arith.constant 0 : i32
        %dma_start3A_497 = tpu.memref_slice %arg12[%dma_start3A_495, %dma_start3A_496] : memref<10112x128xf32, #tpu.memory_space<vmem_shared>> -> memref<10112x128xf32, #tpu.memory_space<vmem_shared>>
        tpu.enqueue_indirect_dma source(%dma_start3A_491 : memref<64x128xf32, #tpu.memory_space<vmem>>) target(%dma_start3A_497 : memref<10112x128xf32, #tpu.memory_space<vmem_shared>>) offsets(%dma_start3A_494 : memref<64xi32, #tpu.memory_space<vmem>>) semaphore(%run_scoped3A_488 : memref<!tpu.dma_semaphore, #tpu.memory_space<semaphore_mem>>) {add = true}
        %dma_wait3A_498 = arith.constant 64 : i32
        %dma_wait3A_499 = arith.constant 0 : i32
        %dma_wait3A_500 = tpu.memref_slice %arg9[%dma_wait3A_498, %dma_wait3A_499] : memref<128x128xf32, #tpu.memory_space<vmem>> -> memref<64x128xf32, #tpu.memory_space<vmem>>
        %dma_wait3A_501 = arith.constant 64 : i32
        %dma_wait3A_502 = tpu.memref_slice %arg8[%run_scoped3A_487, %dma_wait3A_501] : memref<8x128xi32, #tpu.memory_space<vmem>> -> memref<1x64xi32, #tpu.memory_space<vmem>>
        %dma_wait3A_503 = tpu.memref_squeeze %dma_wait3A_502 : memref<1x64xi32, #tpu.memory_space<vmem>> -> memref<64xi32, #tpu.memory_space<vmem>>
        %dma_wait3A_504 = arith.constant 0 : i32
        %dma_wait3A_505 = arith.constant 0 : i32
        %dma_wait3A_506 = tpu.memref_slice %arg12[%dma_wait3A_504, %dma_wait3A_505] : memref<10112x128xf32, #tpu.memory_space<vmem_shared>> -> memref<10112x128xf32, #tpu.memory_space<vmem_shared>>
        tpu.wait_indirect_dma semaphore(%run_scoped3A_488 : memref<!tpu.dma_semaphore, #tpu.memory_space<semaphore_mem>>) src(%dma_wait3A_500 : memref<64x128xf32, #tpu.memory_space<vmem>>) dst(%dma_wait3A_506 : memref<10112x128xf32, #tpu.memory_space<vmem_shared>>)
        tpu.yield
      }) : () -> ()
    }
    %barrier3A_53 = arith.constant 0 : index
    tpu.barrier barrier_id(%barrier3A_53)
    %add3A_54 = arith.constant 0 : i32
    %add3A_55 = arith.addi %multiple_of3A_6, %add3A_54 : i32
    "tpu.region"() ({
      %run_scoped3A = tpu.sem_alloc : memref<!tpu.dma_semaphore, #tpu.memory_space<semaphore_mem>>
      %dma_start3A = arith.constant 0 : i32
      %dma_start3A_150 = arith.constant 0 : i32
      %dma_start3A_151 = tpu.memref_slice %arg9[%dma_start3A, %dma_start3A_150] : memref<128x128xf32, #tpu.memory_space<vmem>> -> memref<128x128xf32, #tpu.memory_space<vmem>>
      %dma_start3A_152 = arith.constant 0 : i32
      %dma_start3A_153 = tpu.memref_slice %arg12[%add3A_55, %dma_start3A_152] : memref<10112x128xf32, #tpu.memory_space<vmem_shared>> -> memref<128x128xf32, #tpu.memory_space<vmem_shared>>
      %dma_start3A_154 = arith.constant 0 : i32
      %dma_start3A_155 = arith.constant 0 : i32
      %dma_start3A_156 = tpu.memref_slice %arg9[%dma_start3A_154, %dma_start3A_155] : memref<128x128xf32, #tpu.memory_space<vmem>> -> memref<128x128xf32, #tpu.memory_space<vmem>>
      %dma_start3A_157 = arith.constant 0 : i32
      %dma_start3A_158 = tpu.memref_slice %arg12[%add3A_55, %dma_start3A_157] : memref<10112x128xf32, #tpu.memory_space<vmem_shared>> -> memref<128x128xf32, #tpu.memory_space<vmem_shared>>
      tpu.enqueue_dma source(%dma_start3A_158 : memref<128x128xf32, #tpu.memory_space<vmem_shared>>) target(%dma_start3A_156 : memref<128x128xf32, #tpu.memory_space<vmem>>) target_semaphore(%run_scoped3A : memref<!tpu.dma_semaphore, #tpu.memory_space<semaphore_mem>>)
      %dma_wait3A = arith.constant 0 : i32
      %dma_wait3A_159 = arith.constant 0 : i32
      %dma_wait3A_160 = tpu.memref_slice %arg9[%dma_wait3A, %dma_wait3A_159] : memref<128x128xf32, #tpu.memory_space<vmem>> -> memref<128x128xf32, #tpu.memory_space<vmem>>
      %dma_wait3A_161 = arith.constant 0 : i32
      %dma_wait3A_162 = tpu.memref_slice %arg12[%add3A_55, %dma_wait3A_161] : memref<10112x128xf32, #tpu.memory_space<vmem_shared>> -> memref<128x128xf32, #tpu.memory_space<vmem_shared>>
      %dma_wait3A_163 = arith.constant 0 : i32
      %dma_wait3A_164 = arith.constant 0 : i32
      %dma_wait3A_165 = tpu.memref_slice %arg9[%dma_wait3A_163, %dma_wait3A_164] : memref<128x128xf32, #tpu.memory_space<vmem>> -> memref<128x128xf32, #tpu.memory_space<vmem>>
      %dma_wait3A_166 = arith.constant 0 : i32
      %dma_wait3A_167 = tpu.memref_slice %arg12[%add3A_55, %dma_wait3A_166] : memref<10112x128xf32, #tpu.memory_space<vmem_shared>> -> memref<128x128xf32, #tpu.memory_space<vmem_shared>>
      tpu.wait_dma2 semaphore(%run_scoped3A : memref<!tpu.dma_semaphore, #tpu.memory_space<semaphore_mem>>) src(%dma_wait3A_167 : memref<128x128xf32, #tpu.memory_space<vmem_shared>>) dst(%dma_wait3A_165 : memref<128x128xf32, #tpu.memory_space<vmem>>)
      tpu.yield
    }) : () -> ()
    %add3A_56 = arith.constant 0 : i32
    %add3A_57 = arith.addi %multiple_of3A_6, %add3A_56 : i32
    "tpu.region"() ({
      %run_scoped3A = tpu.sem_alloc : memref<!tpu.dma_semaphore, #tpu.memory_space<semaphore_mem>>
      %dma_start3A = arith.constant 0 : i32
      %dma_start3A_150 = arith.constant 0 : i32
      %dma_start3A_151 = tpu.memref_slice %arg9[%dma_start3A, %dma_start3A_150] : memref<128x128xf32, #tpu.memory_space<vmem>> -> memref<128x128xf32, #tpu.memory_space<vmem>>
      %dma_start3A_152 = arith.constant 0 : i32
      %dma_start3A_153 = tpu.memref_slice %arg5[%arg0, %add3A_57, %dma_start3A_152] : memref<2x10000x128xf32, #tpu.memory_space<hbm>> -> memref<1x128x128xf32, #tpu.memory_space<hbm>>
      %dma_start3A_154 = tpu.memref_squeeze %dma_start3A_153 : memref<1x128x128xf32, #tpu.memory_space<hbm>> -> memref<128x128xf32, #tpu.memory_space<hbm>>
      %dma_start3A_155 = arith.constant 0 : i32
      %dma_start3A_156 = tpu.memref_slice %arg5[%arg0, %add3A_57, %dma_start3A_155] : memref<2x10000x128xf32, #tpu.memory_space<hbm>> -> memref<1x128x128xf32, #tpu.memory_space<hbm>>
      %dma_start3A_157 = tpu.memref_squeeze %dma_start3A_156 : memref<1x128x128xf32, #tpu.memory_space<hbm>> -> memref<128x128xf32, #tpu.memory_space<hbm>>
      %dma_start3A_158 = arith.constant 0 : i32
      %dma_start3A_159 = arith.constant 0 : i32
      %dma_start3A_160 = tpu.memref_slice %arg9[%dma_start3A_158, %dma_start3A_159] : memref<128x128xf32, #tpu.memory_space<vmem>> -> memref<128x128xf32, #tpu.memory_space<vmem>>
      tpu.enqueue_dma source(%dma_start3A_160 : memref<128x128xf32, #tpu.memory_space<vmem>>) target(%dma_start3A_157 : memref<128x128xf32, #tpu.memory_space<hbm>>) target_semaphore(%run_scoped3A : memref<!tpu.dma_semaphore, #tpu.memory_space<semaphore_mem>>)
      %dma_wait3A = arith.constant 0 : i32
      %dma_wait3A_161 = arith.constant 0 : i32
      %dma_wait3A_162 = tpu.memref_slice %arg9[%dma_wait3A, %dma_wait3A_161] : memref<128x128xf32, #tpu.memory_space<vmem>> -> memref<128x128xf32, #tpu.memory_space<vmem>>
      %dma_wait3A_163 = arith.constant 0 : i32
      %dma_wait3A_164 = tpu.memref_slice %arg5[%arg0, %add3A_57, %dma_wait3A_163] : memref<2x10000x128xf32, #tpu.memory_space<hbm>> -> memref<1x128x128xf32, #tpu.memory_space<hbm>>
      %dma_wait3A_165 = tpu.memref_squeeze %dma_wait3A_164 : memref<1x128x128xf32, #tpu.memory_space<hbm>> -> memref<128x128xf32, #tpu.memory_space<hbm>>
      %dma_wait3A_166 = arith.constant 0 : i32
      %dma_wait3A_167 = tpu.memref_slice %arg5[%arg0, %add3A_57, %dma_wait3A_166] : memref<2x10000x128xf32, #tpu.memory_space<hbm>> -> memref<1x128x128xf32, #tpu.memory_space<hbm>>
      %dma_wait3A_168 = tpu.memref_squeeze %dma_wait3A_167 : memref<1x128x128xf32, #tpu.memory_space<hbm>> -> memref<128x128xf32, #tpu.memory_space<hbm>>
      %dma_wait3A_169 = arith.constant 0 : i32
      %dma_wait3A_170 = arith.constant 0 : i32
      %dma_wait3A_171 = tpu.memref_slice %arg9[%dma_wait3A_169, %dma_wait3A_170] : memref<128x128xf32, #tpu.memory_space<vmem>> -> memref<128x128xf32, #tpu.memory_space<vmem>>
      tpu.wait_dma2 semaphore(%run_scoped3A : memref<!tpu.dma_semaphore, #tpu.memory_space<semaphore_mem>>) src(%dma_wait3A_171 : memref<128x128xf32, #tpu.memory_space<vmem>>) dst(%dma_wait3A_168 : memref<128x128xf32, #tpu.memory_space<hbm>>)
      tpu.yield
    }) : () -> ()
    %add3A_58 = arith.constant 128 : i32
    %add3A_59 = arith.addi %multiple_of3A_6, %add3A_58 : i32
    "tpu.region"() ({
      %run_scoped3A = tpu.sem_alloc : memref<!tpu.dma_semaphore, #tpu.memory_space<semaphore_mem>>
      %dma_start3A = arith.constant 0 : i32
      %dma_start3A_150 = arith.constant 0 : i32
      %dma_start3A_151 = tpu.memref_slice %arg9[%dma_start3A, %dma_start3A_150] : memref<128x128xf32, #tpu.memory_space<vmem>> -> memref<128x128xf32, #tpu.memory_space<vmem>>
      %dma_start3A_152 = arith.constant 0 : i32
      %dma_start3A_153 = tpu.memref_slice %arg12[%add3A_59, %dma_start3A_152] : memref<10112x128xf32, #tpu.memory_space<vmem_shared>> -> memref<128x128xf32, #tpu.memory_space<vmem_shared>>
      %dma_start3A_154 = arith.constant 0 : i32
      %dma_start3A_155 = arith.constant 0 : i32
      %dma_start3A_156 = tpu.memref_slice %arg9[%dma_start3A_154, %dma_start3A_155] : memref<128x128xf32, #tpu.memory_space<vmem>> -> memref<128x128xf32, #tpu.memory_space<vmem>>
      %dma_start3A_157 = arith.constant 0 : i32
      %dma_start3A_158 = tpu.memref_slice %arg12[%add3A_59, %dma_start3A_157] : memref<10112x128xf32, #tpu.memory_space<vmem_shared>> -> memref<128x128xf32, #tpu.memory_space<vmem_shared>>
      tpu.enqueue_dma source(%dma_start3A_158 : memref<128x128xf32, #tpu.memory_space<vmem_shared>>) target(%dma_start3A_156 : memref<128x128xf32, #tpu.memory_space<vmem>>) target_semaphore(%run_scoped3A : memref<!tpu.dma_semaphore, #tpu.memory_space<semaphore_mem>>)
      %dma_wait3A = arith.constant 0 : i32
      %dma_wait3A_159 = arith.constant 0 : i32
      %dma_wait3A_160 = tpu.memref_slice %arg9[%dma_wait3A, %dma_wait3A_159] : memref<128x128xf32, #tpu.memory_space<vmem>> -> memref<128x128xf32, #tpu.memory_space<vmem>>
      %dma_wait3A_161 = arith.constant 0 : i32
      %dma_wait3A_162 = tpu.memref_slice %arg12[%add3A_59, %dma_wait3A_161] : memref<10112x128xf32, #tpu.memory_space<vmem_shared>> -> memref<128x128xf32, #tpu.memory_space<vmem_shared>>
      %dma_wait3A_163 = arith.constant 0 : i32
      %dma_wait3A_164 = arith.constant 0 : i32
      %dma_wait3A_165 = tpu.memref_slice %arg9[%dma_wait3A_163, %dma_wait3A_164] : memref<128x128xf32, #tpu.memory_space<vmem>> -> memref<128x128xf32, #tpu.memory_space<vmem>>
      %dma_wait3A_166 = arith.constant 0 : i32
      %dma_wait3A_167 = tpu.memref_slice %arg12[%add3A_59, %dma_wait3A_166] : memref<10112x128xf32, #tpu.memory_space<vmem_shared>> -> memref<128x128xf32, #tpu.memory_space<vmem_shared>>
      tpu.wait_dma2 semaphore(%run_scoped3A : memref<!tpu.dma_semaphore, #tpu.memory_space<semaphore_mem>>) src(%dma_wait3A_167 : memref<128x128xf32, #tpu.memory_space<vmem_shared>>) dst(%dma_wait3A_165 : memref<128x128xf32, #tpu.memory_space<vmem>>)
      tpu.yield
    }) : () -> ()
    %add3A_60 = arith.constant 128 : i32
    %add3A_61 = arith.addi %multiple_of3A_6, %add3A_60 : i32
    "tpu.region"() ({
      %run_scoped3A = tpu.sem_alloc : memref<!tpu.dma_semaphore, #tpu.memory_space<semaphore_mem>>
      %dma_start3A = arith.constant 0 : i32
      %dma_start3A_150 = arith.constant 0 : i32
      %dma_start3A_151 = tpu.memref_slice %arg9[%dma_start3A, %dma_start3A_150] : memref<128x128xf32, #tpu.memory_space<vmem>> -> memref<128x128xf32, #tpu.memory_space<vmem>>
      %dma_start3A_152 = arith.constant 0 : i32
      %dma_start3A_153 = tpu.memref_slice %arg5[%arg0, %add3A_61, %dma_start3A_152] : memref<2x10000x128xf32, #tpu.memory_space<hbm>> -> memref<1x128x128xf32, #tpu.memory_space<hbm>>
      %dma_start3A_154 = tpu.memref_squeeze %dma_start3A_153 : memref<1x128x128xf32, #tpu.memory_space<hbm>> -> memref<128x128xf32, #tpu.memory_space<hbm>>
      %dma_start3A_155 = arith.constant 0 : i32
      %dma_start3A_156 = tpu.memref_slice %arg5[%arg0, %add3A_61, %dma_start3A_155] : memref<2x10000x128xf32, #tpu.memory_space<hbm>> -> memref<1x128x128xf32, #tpu.memory_space<hbm>>
      %dma_start3A_157 = tpu.memref_squeeze %dma_start3A_156 : memref<1x128x128xf32, #tpu.memory_space<hbm>> -> memref<128x128xf32, #tpu.memory_space<hbm>>
      %dma_start3A_158 = arith.constant 0 : i32
      %dma_start3A_159 = arith.constant 0 : i32
      %dma_start3A_160 = tpu.memref_slice %arg9[%dma_start3A_158, %dma_start3A_159] : memref<128x128xf32, #tpu.memory_space<vmem>> -> memref<128x128xf32, #tpu.memory_space<vmem>>
      tpu.enqueue_dma source(%dma_start3A_160 : memref<128x128xf32, #tpu.memory_space<vmem>>) target(%dma_start3A_157 : memref<128x128xf32, #tpu.memory_space<hbm>>) target_semaphore(%run_scoped3A : memref<!tpu.dma_semaphore, #tpu.memory_space<semaphore_mem>>)
      %dma_wait3A = arith.constant 0 : i32
      %dma_wait3A_161 = arith.constant 0 : i32
      %dma_wait3A_162 = tpu.memref_slice %arg9[%dma_wait3A, %dma_wait3A_161] : memref<128x128xf32, #tpu.memory_space<vmem>> -> memref<128x128xf32, #tpu.memory_space<vmem>>
      %dma_wait3A_163 = arith.constant 0 : i32
      %dma_wait3A_164 = tpu.memref_slice %arg5[%arg0, %add3A_61, %dma_wait3A_163] : memref<2x10000x128xf32, #tpu.memory_space<hbm>> -> memref<1x128x128xf32, #tpu.memory_space<hbm>>
      %dma_wait3A_165 = tpu.memref_squeeze %dma_wait3A_164 : memref<1x128x128xf32, #tpu.memory_space<hbm>> -> memref<128x128xf32, #tpu.memory_space<hbm>>
      %dma_wait3A_166 = arith.constant 0 : i32
      %dma_wait3A_167 = tpu.memref_slice %arg5[%arg0, %add3A_61, %dma_wait3A_166] : memref<2x10000x128xf32, #tpu.memory_space<hbm>> -> memref<1x128x128xf32, #tpu.memory_space<hbm>>
      %dma_wait3A_168 = tpu.memref_squeeze %dma_wait3A_167 : memref<1x128x128xf32, #tpu.memory_space<hbm>> -> memref<128x128xf32, #tpu.memory_space<hbm>>
      %dma_wait3A_169 = arith.constant 0 : i32
      %dma_wait3A_170 = arith.constant 0 : i32
      %dma_wait3A_171 = tpu.memref_slice %arg9[%dma_wait3A_169, %dma_wait3A_170] : memref<128x128xf32, #tpu.memory_space<vmem>> -> memref<128x128xf32, #tpu.memory_space<vmem>>
      tpu.wait_dma2 semaphore(%run_scoped3A : memref<!tpu.dma_semaphore, #tpu.memory_space<semaphore_mem>>) src(%dma_wait3A_171 : memref<128x128xf32, #tpu.memory_space<vmem>>) dst(%dma_wait3A_168 : memref<128x128xf32, #tpu.memory_space<hbm>>)
      tpu.yield
    }) : () -> ()
    %add3A_62 = arith.constant 256 : i32
    %add3A_63 = arith.addi %multiple_of3A_6, %add3A_62 : i32
    "tpu.region"() ({
      %run_scoped3A = tpu.sem_alloc : memref<!tpu.dma_semaphore, #tpu.memory_space<semaphore_mem>>
      %dma_start3A = arith.constant 0 : i32
      %dma_start3A_150 = arith.constant 0 : i32
      %dma_start3A_151 = tpu.memref_slice %arg9[%dma_start3A, %dma_start3A_150] : memref<128x128xf32, #tpu.memory_space<vmem>> -> memref<128x128xf32, #tpu.memory_space<vmem>>
      %dma_start3A_152 = arith.constant 0 : i32
      %dma_start3A_153 = tpu.memref_slice %arg12[%add3A_63, %dma_start3A_152] : memref<10112x128xf32, #tpu.memory_space<vmem_shared>> -> memref<128x128xf32, #tpu.memory_space<vmem_shared>>
      %dma_start3A_154 = arith.constant 0 : i32
      %dma_start3A_155 = arith.constant 0 : i32
      %dma_start3A_156 = tpu.memref_slice %arg9[%dma_start3A_154, %dma_start3A_155] : memref<128x128xf32, #tpu.memory_space<vmem>> -> memref<128x128xf32, #tpu.memory_space<vmem>>
      %dma_start3A_157 = arith.constant 0 : i32
      %dma_start3A_158 = tpu.memref_slice %arg12[%add3A_63, %dma_start3A_157] : memref<10112x128xf32, #tpu.memory_space<vmem_shared>> -> memref<128x128xf32, #tpu.memory_space<vmem_shared>>
      tpu.enqueue_dma source(%dma_start3A_158 : memref<128x128xf32, #tpu.memory_space<vmem_shared>>) target(%dma_start3A_156 : memref<128x128xf32, #tpu.memory_space<vmem>>) target_semaphore(%run_scoped3A : memref<!tpu.dma_semaphore, #tpu.memory_space<semaphore_mem>>)
      %dma_wait3A = arith.constant 0 : i32
      %dma_wait3A_159 = arith.constant 0 : i32
      %dma_wait3A_160 = tpu.memref_slice %arg9[%dma_wait3A, %dma_wait3A_159] : memref<128x128xf32, #tpu.memory_space<vmem>> -> memref<128x128xf32, #tpu.memory_space<vmem>>
      %dma_wait3A_161 = arith.constant 0 : i32
      %dma_wait3A_162 = tpu.memref_slice %arg12[%add3A_63, %dma_wait3A_161] : memref<10112x128xf32, #tpu.memory_space<vmem_shared>> -> memref<128x128xf32, #tpu.memory_space<vmem_shared>>
      %dma_wait3A_163 = arith.constant 0 : i32
      %dma_wait3A_164 = arith.constant 0 : i32
      %dma_wait3A_165 = tpu.memref_slice %arg9[%dma_wait3A_163, %dma_wait3A_164] : memref<128x128xf32, #tpu.memory_space<vmem>> -> memref<128x128xf32, #tpu.memory_space<vmem>>
      %dma_wait3A_166 = arith.constant 0 : i32
      %dma_wait3A_167 = tpu.memref_slice %arg12[%add3A_63, %dma_wait3A_166] : memref<10112x128xf32, #tpu.memory_space<vmem_shared>> -> memref<128x128xf32, #tpu.memory_space<vmem_shared>>
      tpu.wait_dma2 semaphore(%run_scoped3A : memref<!tpu.dma_semaphore, #tpu.memory_space<semaphore_mem>>) src(%dma_wait3A_167 : memref<128x128xf32, #tpu.memory_space<vmem_shared>>) dst(%dma_wait3A_165 : memref<128x128xf32, #tpu.memory_space<vmem>>)
      tpu.yield
    }) : () -> ()
    %add3A_64 = arith.constant 256 : i32
    %add3A_65 = arith.addi %multiple_of3A_6, %add3A_64 : i32
    "tpu.region"() ({
      %run_scoped3A = tpu.sem_alloc : memref<!tpu.dma_semaphore, #tpu.memory_space<semaphore_mem>>
      %dma_start3A = arith.constant 0 : i32
      %dma_start3A_150 = arith.constant 0 : i32
      %dma_start3A_151 = tpu.memref_slice %arg9[%dma_start3A, %dma_start3A_150] : memref<128x128xf32, #tpu.memory_space<vmem>> -> memref<128x128xf32, #tpu.memory_space<vmem>>
      %dma_start3A_152 = arith.constant 0 : i32
      %dma_start3A_153 = tpu.memref_slice %arg5[%arg0, %add3A_65, %dma_start3A_152] : memref<2x10000x128xf32, #tpu.memory_space<hbm>> -> memref<1x128x128xf32, #tpu.memory_space<hbm>>
      %dma_start3A_154 = tpu.memref_squeeze %dma_start3A_153 : memref<1x128x128xf32, #tpu.memory_space<hbm>> -> memref<128x128xf32, #tpu.memory_space<hbm>>
      %dma_start3A_155 = arith.constant 0 : i32
      %dma_start3A_156 = tpu.memref_slice %arg5[%arg0, %add3A_65, %dma_start3A_155] : memref<2x10000x128xf32, #tpu.memory_space<hbm>> -> memref<1x128x128xf32, #tpu.memory_space<hbm>>
      %dma_start3A_157 = tpu.memref_squeeze %dma_start3A_156 : memref<1x128x128xf32, #tpu.memory_space<hbm>> -> memref<128x128xf32, #tpu.memory_space<hbm>>
      %dma_start3A_158 = arith.constant 0 : i32
      %dma_start3A_159 = arith.constant 0 : i32
      %dma_start3A_160 = tpu.memref_slice %arg9[%dma_start3A_158, %dma_start3A_159] : memref<128x128xf32, #tpu.memory_space<vmem>> -> memref<128x128xf32, #tpu.memory_space<vmem>>
      tpu.enqueue_dma source(%dma_start3A_160 : memref<128x128xf32, #tpu.memory_space<vmem>>) target(%dma_start3A_157 : memref<128x128xf32, #tpu.memory_space<hbm>>) target_semaphore(%run_scoped3A : memref<!tpu.dma_semaphore, #tpu.memory_space<semaphore_mem>>)
      %dma_wait3A = arith.constant 0 : i32
      %dma_wait3A_161 = arith.constant 0 : i32
      %dma_wait3A_162 = tpu.memref_slice %arg9[%dma_wait3A, %dma_wait3A_161] : memref<128x128xf32, #tpu.memory_space<vmem>> -> memref<128x128xf32, #tpu.memory_space<vmem>>
      %dma_wait3A_163 = arith.constant 0 : i32
      %dma_wait3A_164 = tpu.memref_slice %arg5[%arg0, %add3A_65, %dma_wait3A_163] : memref<2x10000x128xf32, #tpu.memory_space<hbm>> -> memref<1x128x128xf32, #tpu.memory_space<hbm>>
      %dma_wait3A_165 = tpu.memref_squeeze %dma_wait3A_164 : memref<1x128x128xf32, #tpu.memory_space<hbm>> -> memref<128x128xf32, #tpu.memory_space<hbm>>
      %dma_wait3A_166 = arith.constant 0 : i32
      %dma_wait3A_167 = tpu.memref_slice %arg5[%arg0, %add3A_65, %dma_wait3A_166] : memref<2x10000x128xf32, #tpu.memory_space<hbm>> -> memref<1x128x128xf32, #tpu.memory_space<hbm>>
      %dma_wait3A_168 = tpu.memref_squeeze %dma_wait3A_167 : memref<1x128x128xf32, #tpu.memory_space<hbm>> -> memref<128x128xf32, #tpu.memory_space<hbm>>
      %dma_wait3A_169 = arith.constant 0 : i32
      %dma_wait3A_170 = arith.constant 0 : i32
      %dma_wait3A_171 = tpu.memref_slice %arg9[%dma_wait3A_169, %dma_wait3A_170] : memref<128x128xf32, #tpu.memory_space<vmem>> -> memref<128x128xf32, #tpu.memory_space<vmem>>
      tpu.wait_dma2 semaphore(%run_scoped3A : memref<!tpu.dma_semaphore, #tpu.memory_space<semaphore_mem>>) src(%dma_wait3A_171 : memref<128x128xf32, #tpu.memory_space<vmem>>) dst(%dma_wait3A_168 : memref<128x128xf32, #tpu.memory_space<hbm>>)
      tpu.yield
    }) : () -> ()
    %add3A_66 = arith.constant 384 : i32
    %add3A_67 = arith.addi %multiple_of3A_6, %add3A_66 : i32
    "tpu.region"() ({
      %run_scoped3A = tpu.sem_alloc : memref<!tpu.dma_semaphore, #tpu.memory_space<semaphore_mem>>
      %dma_start3A = arith.constant 0 : i32
      %dma_start3A_150 = arith.constant 0 : i32
      %dma_start3A_151 = tpu.memref_slice %arg9[%dma_start3A, %dma_start3A_150] : memref<128x128xf32, #tpu.memory_space<vmem>> -> memref<128x128xf32, #tpu.memory_space<vmem>>
      %dma_start3A_152 = arith.constant 0 : i32
      %dma_start3A_153 = tpu.memref_slice %arg12[%add3A_67, %dma_start3A_152] : memref<10112x128xf32, #tpu.memory_space<vmem_shared>> -> memref<128x128xf32, #tpu.memory_space<vmem_shared>>
      %dma_start3A_154 = arith.constant 0 : i32
      %dma_start3A_155 = arith.constant 0 : i32
      %dma_start3A_156 = tpu.memref_slice %arg9[%dma_start3A_154, %dma_start3A_155] : memref<128x128xf32, #tpu.memory_space<vmem>> -> memref<128x128xf32, #tpu.memory_space<vmem>>
      %dma_start3A_157 = arith.constant 0 : i32
      %dma_start3A_158 = tpu.memref_slice %arg12[%add3A_67, %dma_start3A_157] : memref<10112x128xf32, #tpu.memory_space<vmem_shared>> -> memref<128x128xf32, #tpu.memory_space<vmem_shared>>
      tpu.enqueue_dma source(%dma_start3A_158 : memref<128x128xf32, #tpu.memory_space<vmem_shared>>) target(%dma_start3A_156 : memref<128x128xf32, #tpu.memory_space<vmem>>) target_semaphore(%run_scoped3A : memref<!tpu.dma_semaphore, #tpu.memory_space<semaphore_mem>>)
      %dma_wait3A = arith.constant 0 : i32
      %dma_wait3A_159 = arith.constant 0 : i32
      %dma_wait3A_160 = tpu.memref_slice %arg9[%dma_wait3A, %dma_wait3A_159] : memref<128x128xf32, #tpu.memory_space<vmem>> -> memref<128x128xf32, #tpu.memory_space<vmem>>
      %dma_wait3A_161 = arith.constant 0 : i32
      %dma_wait3A_162 = tpu.memref_slice %arg12[%add3A_67, %dma_wait3A_161] : memref<10112x128xf32, #tpu.memory_space<vmem_shared>> -> memref<128x128xf32, #tpu.memory_space<vmem_shared>>
      %dma_wait3A_163 = arith.constant 0 : i32
      %dma_wait3A_164 = arith.constant 0 : i32
      %dma_wait3A_165 = tpu.memref_slice %arg9[%dma_wait3A_163, %dma_wait3A_164] : memref<128x128xf32, #tpu.memory_space<vmem>> -> memref<128x128xf32, #tpu.memory_space<vmem>>
      %dma_wait3A_166 = arith.constant 0 : i32
      %dma_wait3A_167 = tpu.memref_slice %arg12[%add3A_67, %dma_wait3A_166] : memref<10112x128xf32, #tpu.memory_space<vmem_shared>> -> memref<128x128xf32, #tpu.memory_space<vmem_shared>>
      tpu.wait_dma2 semaphore(%run_scoped3A : memref<!tpu.dma_semaphore, #tpu.memory_space<semaphore_mem>>) src(%dma_wait3A_167 : memref<128x128xf32, #tpu.memory_space<vmem_shared>>) dst(%dma_wait3A_165 : memref<128x128xf32, #tpu.memory_space<vmem>>)
      tpu.yield
    }) : () -> ()
    %add3A_68 = arith.constant 384 : i32
    %add3A_69 = arith.addi %multiple_of3A_6, %add3A_68 : i32
    "tpu.region"() ({
      %run_scoped3A = tpu.sem_alloc : memref<!tpu.dma_semaphore, #tpu.memory_space<semaphore_mem>>
      %dma_start3A = arith.constant 0 : i32
      %dma_start3A_150 = arith.constant 0 : i32
      %dma_start3A_151 = tpu.memref_slice %arg9[%dma_start3A, %dma_start3A_150] : memref<128x128xf32, #tpu.memory_space<vmem>> -> memref<128x128xf32, #tpu.memory_space<vmem>>
      %dma_start3A_152 = arith.constant 0 : i32
      %dma_start3A_153 = tpu.memref_slice %arg5[%arg0, %add3A_69, %dma_start3A_152] : memref<2x10000x128xf32, #tpu.memory_space<hbm>> -> memref<1x128x128xf32, #tpu.memory_space<hbm>>
      %dma_start3A_154 = tpu.memref_squeeze %dma_start3A_153 : memref<1x128x128xf32, #tpu.memory_space<hbm>> -> memref<128x128xf32, #tpu.memory_space<hbm>>
      %dma_start3A_155 = arith.constant 0 : i32
      %dma_start3A_156 = tpu.memref_slice %arg5[%arg0, %add3A_69, %dma_start3A_155] : memref<2x10000x128xf32, #tpu.memory_space<hbm>> -> memref<1x128x128xf32, #tpu.memory_space<hbm>>
      %dma_start3A_157 = tpu.memref_squeeze %dma_start3A_156 : memref<1x128x128xf32, #tpu.memory_space<hbm>> -> memref<128x128xf32, #tpu.memory_space<hbm>>
      %dma_start3A_158 = arith.constant 0 : i32
      %dma_start3A_159 = arith.constant 0 : i32
      %dma_start3A_160 = tpu.memref_slice %arg9[%dma_start3A_158, %dma_start3A_159] : memref<128x128xf32, #tpu.memory_space<vmem>> -> memref<128x128xf32, #tpu.memory_space<vmem>>
      tpu.enqueue_dma source(%dma_start3A_160 : memref<128x128xf32, #tpu.memory_space<vmem>>) target(%dma_start3A_157 : memref<128x128xf32, #tpu.memory_space<hbm>>) target_semaphore(%run_scoped3A : memref<!tpu.dma_semaphore, #tpu.memory_space<semaphore_mem>>)
      %dma_wait3A = arith.constant 0 : i32
      %dma_wait3A_161 = arith.constant 0 : i32
      %dma_wait3A_162 = tpu.memref_slice %arg9[%dma_wait3A, %dma_wait3A_161] : memref<128x128xf32, #tpu.memory_space<vmem>> -> memref<128x128xf32, #tpu.memory_space<vmem>>
      %dma_wait3A_163 = arith.constant 0 : i32
      %dma_wait3A_164 = tpu.memref_slice %arg5[%arg0, %add3A_69, %dma_wait3A_163] : memref<2x10000x128xf32, #tpu.memory_space<hbm>> -> memref<1x128x128xf32, #tpu.memory_space<hbm>>
      %dma_wait3A_165 = tpu.memref_squeeze %dma_wait3A_164 : memref<1x128x128xf32, #tpu.memory_space<hbm>> -> memref<128x128xf32, #tpu.memory_space<hbm>>
      %dma_wait3A_166 = arith.constant 0 : i32
      %dma_wait3A_167 = tpu.memref_slice %arg5[%arg0, %add3A_69, %dma_wait3A_166] : memref<2x10000x128xf32, #tpu.memory_space<hbm>> -> memref<1x128x128xf32, #tpu.memory_space<hbm>>
      %dma_wait3A_168 = tpu.memref_squeeze %dma_wait3A_167 : memref<1x128x128xf32, #tpu.memory_space<hbm>> -> memref<128x128xf32, #tpu.memory_space<hbm>>
      %dma_wait3A_169 = arith.constant 0 : i32
      %dma_wait3A_170 = arith.constant 0 : i32
      %dma_wait3A_171 = tpu.memref_slice %arg9[%dma_wait3A_169, %dma_wait3A_170] : memref<128x128xf32, #tpu.memory_space<vmem>> -> memref<128x128xf32, #tpu.memory_space<vmem>>
      tpu.wait_dma2 semaphore(%run_scoped3A : memref<!tpu.dma_semaphore, #tpu.memory_space<semaphore_mem>>) src(%dma_wait3A_171 : memref<128x128xf32, #tpu.memory_space<vmem>>) dst(%dma_wait3A_168 : memref<128x128xf32, #tpu.memory_space<hbm>>)
      tpu.yield
    }) : () -> ()
    %add3A_70 = arith.constant 512 : i32
    %add3A_71 = arith.addi %multiple_of3A_6, %add3A_70 : i32
    "tpu.region"() ({
      %run_scoped3A = tpu.sem_alloc : memref<!tpu.dma_semaphore, #tpu.memory_space<semaphore_mem>>
      %dma_start3A = arith.constant 0 : i32
      %dma_start3A_150 = arith.constant 0 : i32
      %dma_start3A_151 = tpu.memref_slice %arg9[%dma_start3A, %dma_start3A_150] : memref<128x128xf32, #tpu.memory_space<vmem>> -> memref<120x128xf32, #tpu.memory_space<vmem>>
      %dma_start3A_152 = arith.constant 0 : i32
      %dma_start3A_153 = tpu.memref_slice %arg12[%add3A_71, %dma_start3A_152] : memref<10112x128xf32, #tpu.memory_space<vmem_shared>> -> memref<120x128xf32, #tpu.memory_space<vmem_shared>>
      %dma_start3A_154 = arith.constant 0 : i32
      %dma_start3A_155 = arith.constant 0 : i32
      %dma_start3A_156 = tpu.memref_slice %arg9[%dma_start3A_154, %dma_start3A_155] : memref<128x128xf32, #tpu.memory_space<vmem>> -> memref<120x128xf32, #tpu.memory_space<vmem>>
      %dma_start3A_157 = arith.constant 0 : i32
      %dma_start3A_158 = tpu.memref_slice %arg12[%add3A_71, %dma_start3A_157] : memref<10112x128xf32, #tpu.memory_space<vmem_shared>> -> memref<120x128xf32, #tpu.memory_space<vmem_shared>>
      tpu.enqueue_dma source(%dma_start3A_158 : memref<120x128xf32, #tpu.memory_space<vmem_shared>>) target(%dma_start3A_156 : memref<120x128xf32, #tpu.memory_space<vmem>>) target_semaphore(%run_scoped3A : memref<!tpu.dma_semaphore, #tpu.memory_space<semaphore_mem>>)
      %dma_wait3A = arith.constant 0 : i32
      %dma_wait3A_159 = arith.constant 0 : i32
      %dma_wait3A_160 = tpu.memref_slice %arg9[%dma_wait3A, %dma_wait3A_159] : memref<128x128xf32, #tpu.memory_space<vmem>> -> memref<120x128xf32, #tpu.memory_space<vmem>>
      %dma_wait3A_161 = arith.constant 0 : i32
      %dma_wait3A_162 = tpu.memref_slice %arg12[%add3A_71, %dma_wait3A_161] : memref<10112x128xf32, #tpu.memory_space<vmem_shared>> -> memref<120x128xf32, #tpu.memory_space<vmem_shared>>
      %dma_wait3A_163 = arith.constant 0 : i32
      %dma_wait3A_164 = arith.constant 0 : i32
      %dma_wait3A_165 = tpu.memref_slice %arg9[%dma_wait3A_163, %dma_wait3A_164] : memref<128x128xf32, #tpu.memory_space<vmem>> -> memref<120x128xf32, #tpu.memory_space<vmem>>
      %dma_wait3A_166 = arith.constant 0 : i32
      %dma_wait3A_167 = tpu.memref_slice %arg12[%add3A_71, %dma_wait3A_166] : memref<10112x128xf32, #tpu.memory_space<vmem_shared>> -> memref<120x128xf32, #tpu.memory_space<vmem_shared>>
      tpu.wait_dma2 semaphore(%run_scoped3A : memref<!tpu.dma_semaphore, #tpu.memory_space<semaphore_mem>>) src(%dma_wait3A_167 : memref<120x128xf32, #tpu.memory_space<vmem_shared>>) dst(%dma_wait3A_165 : memref<120x128xf32, #tpu.memory_space<vmem>>)
      tpu.yield
    }) : () -> ()
    %add3A_72 = arith.constant 512 : i32
    %add3A_73 = arith.addi %multiple_of3A_6, %add3A_72 : i32
    "tpu.region"() ({
      %run_scoped3A = tpu.sem_alloc : memref<!tpu.dma_semaphore, #tpu.memory_space<semaphore_mem>>
      %dma_start3A = arith.constant 0 : i32
      %dma_start3A_150 = arith.constant 0 : i32
      %dma_start3A_151 = tpu.memref_slice %arg9[%dma_start3A, %dma_start3A_150] : memref<128x128xf32, #tpu.memory_space<vmem>> -> memref<120x128xf32, #tpu.memory_space<vmem>>
      %dma_start3A_152 = arith.constant 0 : i32
      %dma_start3A_153 = tpu.memref_slice %arg5[%arg0, %add3A_73, %dma_start3A_152] : memref<2x10000x128xf32, #tpu.memory_space<hbm>> -> memref<1x120x128xf32, #tpu.memory_space<hbm>>
      %dma_start3A_154 = tpu.memref_squeeze %dma_start3A_153 : memref<1x120x128xf32, #tpu.memory_space<hbm>> -> memref<120x128xf32, #tpu.memory_space<hbm>>
      %dma_start3A_155 = arith.constant 0 : i32
      %dma_start3A_156 = tpu.memref_slice %arg5[%arg0, %add3A_73, %dma_start3A_155] : memref<2x10000x128xf32, #tpu.memory_space<hbm>> -> memref<1x120x128xf32, #tpu.memory_space<hbm>>
      %dma_start3A_157 = tpu.memref_squeeze %dma_start3A_156 : memref<1x120x128xf32, #tpu.memory_space<hbm>> -> memref<120x128xf32, #tpu.memory_space<hbm>>
      %dma_start3A_158 = arith.constant 0 : i32
      %dma_start3A_159 = arith.constant 0 : i32
      %dma_start3A_160 = tpu.memref_slice %arg9[%dma_start3A_158, %dma_start3A_159] : memref<128x128xf32, #tpu.memory_space<vmem>> -> memref<120x128xf32, #tpu.memory_space<vmem>>
      tpu.enqueue_dma source(%dma_start3A_160 : memref<120x128xf32, #tpu.memory_space<vmem>>) target(%dma_start3A_157 : memref<120x128xf32, #tpu.memory_space<hbm>>) target_semaphore(%run_scoped3A : memref<!tpu.dma_semaphore, #tpu.memory_space<semaphore_mem>>)
      %dma_wait3A = arith.constant 0 : i32
      %dma_wait3A_161 = arith.constant 0 : i32
      %dma_wait3A_162 = tpu.memref_slice %arg9[%dma_wait3A, %dma_wait3A_161] : memref<128x128xf32, #tpu.memory_space<vmem>> -> memref<120x128xf32, #tpu.memory_space<vmem>>
      %dma_wait3A_163 = arith.constant 0 : i32
      %dma_wait3A_164 = tpu.memref_slice %arg5[%arg0, %add3A_73, %dma_wait3A_163] : memref<2x10000x128xf32, #tpu.memory_space<hbm>> -> memref<1x120x128xf32, #tpu.memory_space<hbm>>
      %dma_wait3A_165 = tpu.memref_squeeze %dma_wait3A_164 : memref<1x120x128xf32, #tpu.memory_space<hbm>> -> memref<120x128xf32, #tpu.memory_space<hbm>>
      %dma_wait3A_166 = arith.constant 0 : i32
      %dma_wait3A_167 = tpu.memref_slice %arg5[%arg0, %add3A_73, %dma_wait3A_166] : memref<2x10000x128xf32, #tpu.memory_space<hbm>> -> memref<1x120x128xf32, #tpu.memory_space<hbm>>
      %dma_wait3A_168 = tpu.memref_squeeze %dma_wait3A_167 : memref<1x120x128xf32, #tpu.memory_space<hbm>> -> memref<120x128xf32, #tpu.memory_space<hbm>>
      %dma_wait3A_169 = arith.constant 0 : i32
      %dma_wait3A_170 = arith.constant 0 : i32
      %dma_wait3A_171 = tpu.memref_slice %arg9[%dma_wait3A_169, %dma_wait3A_170] : memref<128x128xf32, #tpu.memory_space<vmem>> -> memref<120x128xf32, #tpu.memory_space<vmem>>
      tpu.wait_dma2 semaphore(%run_scoped3A : memref<!tpu.dma_semaphore, #tpu.memory_space<semaphore_mem>>) src(%dma_wait3A_171 : memref<120x128xf32, #tpu.memory_space<vmem>>) dst(%dma_wait3A_168 : memref<120x128xf32, #tpu.memory_space<hbm>>)
      tpu.yield
    }) : () -> ()
    %barrier3A_74 = arith.constant 0 : index
    tpu.barrier barrier_id(%barrier3A_74)
    %scan3A_75 = arith.constant 0 : i32
    %scan3A_76 = arith.constant 1024 : i32
    %scan3A_77 = arith.addi %scan3A_75, %scan3A_76 : i32
    %scan3A_78 = arith.constant 1 : i32
    scf.for %scan3A_150 = %scan3A_75 to %scan3A_77 step %scan3A_78  : i32 {
      %jit3A_151 = arith.constant 8 : i32
      %div3A_152 = arith.divsi %scan3A_150, %jit3A_151 : i32
      %sign3A_153 = arith.constant 0 : i32
      %sign3A_154 = arith.cmpi sgt, %scan3A_150, %sign3A_153 : i32
      %sign3A_155 = arith.extui %sign3A_154 : i1 to i32
      %sign3A_156 = arith.constant 0 : i32
      %sign3A_157 = arith.cmpi slt, %scan3A_150, %sign3A_156 : i32
      %sign3A_158 = arith.extui %sign3A_157 : i1 to i32
      %sign3A_159 = arith.subi %sign3A_155, %sign3A_158 : i32
      %sign3A_160 = arith.constant 0 : i32
      %sign3A_161 = arith.cmpi sgt, %jit3A_151, %sign3A_160 : i32
      %sign3A_162 = arith.extui %sign3A_161 : i1 to i32
      %sign3A_163 = arith.constant 0 : i32
      %sign3A_164 = arith.cmpi slt, %jit3A_151, %sign3A_163 : i32
      %sign3A_165 = arith.extui %sign3A_164 : i1 to i32
      %sign3A_166 = arith.subi %sign3A_162, %sign3A_165 : i32
      %ne3A_167 = arith.cmpi ne, %sign3A_159, %sign3A_166 : i32
      %rem3A_168 = arith.remsi %scan3A_150, %jit3A_151 : i32
      %ne3A_169 = arith.constant 0 : i32
      %ne3A_170 = arith.cmpi ne, %rem3A_168, %ne3A_169 : i32
      %and3A_171 = arith.andi %ne3A_167, %ne3A_170 : i1
      %sub3A_172 = arith.constant 1 : i32
      %sub3A_173 = arith.subi %div3A_152, %sub3A_172 : i32
      %select_n3A_174 = arith.select %and3A_171, %sub3A_173, %div3A_152 : i32
      %jit3A_175 = arith.constant 8 : i32
      %eq3A_176 = arith.constant 0 : i32
      %eq3A_177 = arith.cmpi eq, %jit3A_175, %eq3A_176 : i32
      %jit3A_178 = arith.constant 1 : i32
      %select_n3A_179 = arith.select %eq3A_177, %jit3A_178, %jit3A_175 : i32
      %rem3A_180 = arith.remsi %scan3A_150, %select_n3A_179 : i32
      %ne3A_181 = arith.constant 0 : i32
      %ne3A_182 = arith.cmpi ne, %rem3A_180, %ne3A_181 : i32
      %lt3A = arith.constant 0 : i32
      %lt3A_183 = arith.cmpi slt, %rem3A_180, %lt3A : i32
      %lt3A_184 = arith.constant 0 : i32
      %lt3A_185 = arith.cmpi slt, %select_n3A_179, %lt3A_184 : i32
      %ne3A_186 = arith.xori %lt3A_183, %lt3A_185 : i1
      %and3A_187 = arith.andi %ne3A_186, %ne3A_182 : i1
      %add3A_188 = arith.addi %rem3A_180, %select_n3A_179 : i32
      %select_n3A_189 = arith.select %and3A_187, %add3A_188, %rem3A_180 : i32
      %broadcast_in_dim3A = arith.constant 0.000000e+00 : f32
      %broadcast_in_dim3A_190 = vector.broadcast %broadcast_in_dim3A : f32 to vector<16xf32>
      %mul3A_191 = arith.constant 16 : i32
      %mul3A_192 = arith.muli %select_n3A_189, %mul3A_191 : i32
      %swap3A = arith.index_cast %select_n3A_174 : i32 to index
      %swap3A_193 = arith.index_cast %mul3A_192 : i32 to index
      %swap3A_194 = tpu.vector_load %arg9[%swap3A, %swap3A_193] {strides = array<i32>} : memref<128x128xf32, #tpu.memory_space<vmem>>, vector<1x16xf32>,
      %swap3A_195 = vector.shape_cast %swap3A_194 : vector<1x16xf32> to vector<16xf32>
      %swap3A_196 = vector.shape_cast %broadcast_in_dim3A_190 : vector<16xf32> to vector<1x16xf32>
      tpu.vector_store %arg9[%swap3A, %swap3A_193], %swap3A_196 {strides = array<i32>} : memref<128x128xf32, #tpu.memory_space<vmem>>, vector<1x16xf32>,
    }
    %scan3A_79 = arith.constant 1024 : i32
    %add3A_80 = arith.constant 0 : i32
    %add3A_81 = arith.addi %multiple_of3A, %add3A_80 : i32
    "tpu.region"() ({
      %run_scoped3A = tpu.sem_alloc : memref<!tpu.dma_semaphore, #tpu.memory_space<semaphore_mem>>
      %dma_start3A = arith.constant 0 : i32
      %dma_start3A_150 = arith.constant 0 : i32
      %dma_start3A_151 = tpu.memref_slice %arg9[%dma_start3A, %dma_start3A_150] : memref<128x128xf32, #tpu.memory_space<vmem>> -> memref<128x128xf32, #tpu.memory_space<vmem>>
      %dma_start3A_152 = arith.constant 0 : i32
      %dma_start3A_153 = tpu.memref_slice %arg12[%add3A_81, %dma_start3A_152] : memref<10112x128xf32, #tpu.memory_space<vmem_shared>> -> memref<128x128xf32, #tpu.memory_space<vmem_shared>>
      %dma_start3A_154 = arith.constant 0 : i32
      %dma_start3A_155 = tpu.memref_slice %arg12[%add3A_81, %dma_start3A_154] : memref<10112x128xf32, #tpu.memory_space<vmem_shared>> -> memref<128x128xf32, #tpu.memory_space<vmem_shared>>
      %dma_start3A_156 = arith.constant 0 : i32
      %dma_start3A_157 = arith.constant 0 : i32
      %dma_start3A_158 = tpu.memref_slice %arg9[%dma_start3A_156, %dma_start3A_157] : memref<128x128xf32, #tpu.memory_space<vmem>> -> memref<128x128xf32, #tpu.memory_space<vmem>>
      tpu.enqueue_dma source(%dma_start3A_158 : memref<128x128xf32, #tpu.memory_space<vmem>>) target(%dma_start3A_155 : memref<128x128xf32, #tpu.memory_space<vmem_shared>>) target_semaphore(%run_scoped3A : memref<!tpu.dma_semaphore, #tpu.memory_space<semaphore_mem>>)
      %dma_wait3A = arith.constant 0 : i32
      %dma_wait3A_159 = arith.constant 0 : i32
      %dma_wait3A_160 = tpu.memref_slice %arg9[%dma_wait3A, %dma_wait3A_159] : memref<128x128xf32, #tpu.memory_space<vmem>> -> memref<128x128xf32, #tpu.memory_space<vmem>>
      %dma_wait3A_161 = arith.constant 0 : i32
      %dma_wait3A_162 = tpu.memref_slice %arg12[%add3A_81, %dma_wait3A_161] : memref<10112x128xf32, #tpu.memory_space<vmem_shared>> -> memref<128x128xf32, #tpu.memory_space<vmem_shared>>
      %dma_wait3A_163 = arith.constant 0 : i32
      %dma_wait3A_164 = tpu.memref_slice %arg12[%add3A_81, %dma_wait3A_163] : memref<10112x128xf32, #tpu.memory_space<vmem_shared>> -> memref<128x128xf32, #tpu.memory_space<vmem_shared>>
      %dma_wait3A_165 = arith.constant 0 : i32
      %dma_wait3A_166 = arith.constant 0 : i32
      %dma_wait3A_167 = tpu.memref_slice %arg9[%dma_wait3A_165, %dma_wait3A_166] : memref<128x128xf32, #tpu.memory_space<vmem>> -> memref<128x128xf32, #tpu.memory_space<vmem>>
      tpu.wait_dma2 semaphore(%run_scoped3A : memref<!tpu.dma_semaphore, #tpu.memory_space<semaphore_mem>>) src(%dma_wait3A_167 : memref<128x128xf32, #tpu.memory_space<vmem>>) dst(%dma_wait3A_164 : memref<128x128xf32, #tpu.memory_space<vmem_shared>>)
      tpu.yield
    }) : () -> ()
    %add3A_82 = arith.constant 128 : i32
    %add3A_83 = arith.addi %multiple_of3A, %add3A_82 : i32
    "tpu.region"() ({
      %run_scoped3A = tpu.sem_alloc : memref<!tpu.dma_semaphore, #tpu.memory_space<semaphore_mem>>
      %dma_start3A = arith.constant 0 : i32
      %dma_start3A_150 = arith.constant 0 : i32
      %dma_start3A_151 = tpu.memref_slice %arg9[%dma_start3A, %dma_start3A_150] : memref<128x128xf32, #tpu.memory_space<vmem>> -> memref<128x128xf32, #tpu.memory_space<vmem>>
      %dma_start3A_152 = arith.constant 0 : i32
      %dma_start3A_153 = tpu.memref_slice %arg12[%add3A_83, %dma_start3A_152] : memref<10112x128xf32, #tpu.memory_space<vmem_shared>> -> memref<128x128xf32, #tpu.memory_space<vmem_shared>>
      %dma_start3A_154 = arith.constant 0 : i32
      %dma_start3A_155 = tpu.memref_slice %arg12[%add3A_83, %dma_start3A_154] : memref<10112x128xf32, #tpu.memory_space<vmem_shared>> -> memref<128x128xf32, #tpu.memory_space<vmem_shared>>
      %dma_start3A_156 = arith.constant 0 : i32
      %dma_start3A_157 = arith.constant 0 : i32
      %dma_start3A_158 = tpu.memref_slice %arg9[%dma_start3A_156, %dma_start3A_157] : memref<128x128xf32, #tpu.memory_space<vmem>> -> memref<128x128xf32, #tpu.memory_space<vmem>>
      tpu.enqueue_dma source(%dma_start3A_158 : memref<128x128xf32, #tpu.memory_space<vmem>>) target(%dma_start3A_155 : memref<128x128xf32, #tpu.memory_space<vmem_shared>>) target_semaphore(%run_scoped3A : memref<!tpu.dma_semaphore, #tpu.memory_space<semaphore_mem>>)
      %dma_wait3A = arith.constant 0 : i32
      %dma_wait3A_159 = arith.constant 0 : i32
      %dma_wait3A_160 = tpu.memref_slice %arg9[%dma_wait3A, %dma_wait3A_159] : memref<128x128xf32, #tpu.memory_space<vmem>> -> memref<128x128xf32, #tpu.memory_space<vmem>>
      %dma_wait3A_161 = arith.constant 0 : i32
      %dma_wait3A_162 = tpu.memref_slice %arg12[%add3A_83, %dma_wait3A_161] : memref<10112x128xf32, #tpu.memory_space<vmem_shared>> -> memref<128x128xf32, #tpu.memory_space<vmem_shared>>
      %dma_wait3A_163 = arith.constant 0 : i32
      %dma_wait3A_164 = tpu.memref_slice %arg12[%add3A_83, %dma_wait3A_163] : memref<10112x128xf32, #tpu.memory_space<vmem_shared>> -> memref<128x128xf32, #tpu.memory_space<vmem_shared>>
      %dma_wait3A_165 = arith.constant 0 : i32
      %dma_wait3A_166 = arith.constant 0 : i32
      %dma_wait3A_167 = tpu.memref_slice %arg9[%dma_wait3A_165, %dma_wait3A_166] : memref<128x128xf32, #tpu.memory_space<vmem>> -> memref<128x128xf32, #tpu.memory_space<vmem>>
      tpu.wait_dma2 semaphore(%run_scoped3A : memref<!tpu.dma_semaphore, #tpu.memory_space<semaphore_mem>>) src(%dma_wait3A_167 : memref<128x128xf32, #tpu.memory_space<vmem>>) dst(%dma_wait3A_164 : memref<128x128xf32, #tpu.memory_space<vmem_shared>>)
      tpu.yield
    }) : () -> ()
    %add3A_84 = arith.constant 256 : i32
    %add3A_85 = arith.addi %multiple_of3A, %add3A_84 : i32
    "tpu.region"() ({
      %run_scoped3A = tpu.sem_alloc : memref<!tpu.dma_semaphore, #tpu.memory_space<semaphore_mem>>
      %dma_start3A = arith.constant 0 : i32
      %dma_start3A_150 = arith.constant 0 : i32
      %dma_start3A_151 = tpu.memref_slice %arg9[%dma_start3A, %dma_start3A_150] : memref<128x128xf32, #tpu.memory_space<vmem>> -> memref<128x128xf32, #tpu.memory_space<vmem>>
      %dma_start3A_152 = arith.constant 0 : i32
      %dma_start3A_153 = tpu.memref_slice %arg12[%add3A_85, %dma_start3A_152] : memref<10112x128xf32, #tpu.memory_space<vmem_shared>> -> memref<128x128xf32, #tpu.memory_space<vmem_shared>>
      %dma_start3A_154 = arith.constant 0 : i32
      %dma_start3A_155 = tpu.memref_slice %arg12[%add3A_85, %dma_start3A_154] : memref<10112x128xf32, #tpu.memory_space<vmem_shared>> -> memref<128x128xf32, #tpu.memory_space<vmem_shared>>
      %dma_start3A_156 = arith.constant 0 : i32
      %dma_start3A_157 = arith.constant 0 : i32
      %dma_start3A_158 = tpu.memref_slice %arg9[%dma_start3A_156, %dma_start3A_157] : memref<128x128xf32, #tpu.memory_space<vmem>> -> memref<128x128xf32, #tpu.memory_space<vmem>>
      tpu.enqueue_dma source(%dma_start3A_158 : memref<128x128xf32, #tpu.memory_space<vmem>>) target(%dma_start3A_155 : memref<128x128xf32, #tpu.memory_space<vmem_shared>>) target_semaphore(%run_scoped3A : memref<!tpu.dma_semaphore, #tpu.memory_space<semaphore_mem>>)
      %dma_wait3A = arith.constant 0 : i32
      %dma_wait3A_159 = arith.constant 0 : i32
      %dma_wait3A_160 = tpu.memref_slice %arg9[%dma_wait3A, %dma_wait3A_159] : memref<128x128xf32, #tpu.memory_space<vmem>> -> memref<128x128xf32, #tpu.memory_space<vmem>>
      %dma_wait3A_161 = arith.constant 0 : i32
      %dma_wait3A_162 = tpu.memref_slice %arg12[%add3A_85, %dma_wait3A_161] : memref<10112x128xf32, #tpu.memory_space<vmem_shared>> -> memref<128x128xf32, #tpu.memory_space<vmem_shared>>
      %dma_wait3A_163 = arith.constant 0 : i32
      %dma_wait3A_164 = tpu.memref_slice %arg12[%add3A_85, %dma_wait3A_163] : memref<10112x128xf32, #tpu.memory_space<vmem_shared>> -> memref<128x128xf32, #tpu.memory_space<vmem_shared>>
      %dma_wait3A_165 = arith.constant 0 : i32
      %dma_wait3A_166 = arith.constant 0 : i32
      %dma_wait3A_167 = tpu.memref_slice %arg9[%dma_wait3A_165, %dma_wait3A_166] : memref<128x128xf32, #tpu.memory_space<vmem>> -> memref<128x128xf32, #tpu.memory_space<vmem>>
      tpu.wait_dma2 semaphore(%run_scoped3A : memref<!tpu.dma_semaphore, #tpu.memory_space<semaphore_mem>>) src(%dma_wait3A_167 : memref<128x128xf32, #tpu.memory_space<vmem>>) dst(%dma_wait3A_164 : memref<128x128xf32, #tpu.memory_space<vmem_shared>>)
      tpu.yield
    }) : () -> ()
    %add3A_86 = arith.constant 384 : i32
    %add3A_87 = arith.addi %multiple_of3A, %add3A_86 : i32
    "tpu.region"() ({
      %run_scoped3A = tpu.sem_alloc : memref<!tpu.dma_semaphore, #tpu.memory_space<semaphore_mem>>
      %dma_start3A = arith.constant 0 : i32
      %dma_start3A_150 = arith.constant 0 : i32
      %dma_start3A_151 = tpu.memref_slice %arg9[%dma_start3A, %dma_start3A_150] : memref<128x128xf32, #tpu.memory_space<vmem>> -> memref<128x128xf32, #tpu.memory_space<vmem>>
      %dma_start3A_152 = arith.constant 0 : i32
      %dma_start3A_153 = tpu.memref_slice %arg12[%add3A_87, %dma_start3A_152] : memref<10112x128xf32, #tpu.memory_space<vmem_shared>> -> memref<128x128xf32, #tpu.memory_space<vmem_shared>>
      %dma_start3A_154 = arith.constant 0 : i32
      %dma_start3A_155 = tpu.memref_slice %arg12[%add3A_87, %dma_start3A_154] : memref<10112x128xf32, #tpu.memory_space<vmem_shared>> -> memref<128x128xf32, #tpu.memory_space<vmem_shared>>
      %dma_start3A_156 = arith.constant 0 : i32
      %dma_start3A_157 = arith.constant 0 : i32
      %dma_start3A_158 = tpu.memref_slice %arg9[%dma_start3A_156, %dma_start3A_157] : memref<128x128xf32, #tpu.memory_space<vmem>> -> memref<128x128xf32, #tpu.memory_space<vmem>>
      tpu.enqueue_dma source(%dma_start3A_158 : memref<128x128xf32, #tpu.memory_space<vmem>>) target(%dma_start3A_155 : memref<128x128xf32, #tpu.memory_space<vmem_shared>>) target_semaphore(%run_scoped3A : memref<!tpu.dma_semaphore, #tpu.memory_space<semaphore_mem>>)
      %dma_wait3A = arith.constant 0 : i32
      %dma_wait3A_159 = arith.constant 0 : i32
      %dma_wait3A_160 = tpu.memref_slice %arg9[%dma_wait3A, %dma_wait3A_159] : memref<128x128xf32, #tpu.memory_space<vmem>> -> memref<128x128xf32, #tpu.memory_space<vmem>>
      %dma_wait3A_161 = arith.constant 0 : i32
      %dma_wait3A_162 = tpu.memref_slice %arg12[%add3A_87, %dma_wait3A_161] : memref<10112x128xf32, #tpu.memory_space<vmem_shared>> -> memref<128x128xf32, #tpu.memory_space<vmem_shared>>
      %dma_wait3A_163 = arith.constant 0 : i32
      %dma_wait3A_164 = tpu.memref_slice %arg12[%add3A_87, %dma_wait3A_163] : memref<10112x128xf32, #tpu.memory_space<vmem_shared>> -> memref<128x128xf32, #tpu.memory_space<vmem_shared>>
      %dma_wait3A_165 = arith.constant 0 : i32
      %dma_wait3A_166 = arith.constant 0 : i32
      %dma_wait3A_167 = tpu.memref_slice %arg9[%dma_wait3A_165, %dma_wait3A_166] : memref<128x128xf32, #tpu.memory_space<vmem>> -> memref<128x128xf32, #tpu.memory_space<vmem>>
      tpu.wait_dma2 semaphore(%run_scoped3A : memref<!tpu.dma_semaphore, #tpu.memory_space<semaphore_mem>>) src(%dma_wait3A_167 : memref<128x128xf32, #tpu.memory_space<vmem>>) dst(%dma_wait3A_164 : memref<128x128xf32, #tpu.memory_space<vmem_shared>>)
      tpu.yield
    }) : () -> ()
    %add3A_88 = arith.constant 512 : i32
    %add3A_89 = arith.addi %multiple_of3A, %add3A_88 : i32
    "tpu.region"() ({
      %run_scoped3A = tpu.sem_alloc : memref<!tpu.dma_semaphore, #tpu.memory_space<semaphore_mem>>
      %dma_start3A = arith.constant 0 : i32
      %dma_start3A_150 = arith.constant 0 : i32
      %dma_start3A_151 = tpu.memref_slice %arg9[%dma_start3A, %dma_start3A_150] : memref<128x128xf32, #tpu.memory_space<vmem>> -> memref<120x128xf32, #tpu.memory_space<vmem>>
      %dma_start3A_152 = arith.constant 0 : i32
      %dma_start3A_153 = tpu.memref_slice %arg12[%add3A_89, %dma_start3A_152] : memref<10112x128xf32, #tpu.memory_space<vmem_shared>> -> memref<120x128xf32, #tpu.memory_space<vmem_shared>>
      %dma_start3A_154 = arith.constant 0 : i32
      %dma_start3A_155 = tpu.memref_slice %arg12[%add3A_89, %dma_start3A_154] : memref<10112x128xf32, #tpu.memory_space<vmem_shared>> -> memref<120x128xf32, #tpu.memory_space<vmem_shared>>
      %dma_start3A_156 = arith.constant 0 : i32
      %dma_start3A_157 = arith.constant 0 : i32
      %dma_start3A_158 = tpu.memref_slice %arg9[%dma_start3A_156, %dma_start3A_157] : memref<128x128xf32, #tpu.memory_space<vmem>> -> memref<120x128xf32, #tpu.memory_space<vmem>>
      tpu.enqueue_dma source(%dma_start3A_158 : memref<120x128xf32, #tpu.memory_space<vmem>>) target(%dma_start3A_155 : memref<120x128xf32, #tpu.memory_space<vmem_shared>>) target_semaphore(%run_scoped3A : memref<!tpu.dma_semaphore, #tpu.memory_space<semaphore_mem>>)
      %dma_wait3A = arith.constant 0 : i32
      %dma_wait3A_159 = arith.constant 0 : i32
      %dma_wait3A_160 = tpu.memref_slice %arg9[%dma_wait3A, %dma_wait3A_159] : memref<128x128xf32, #tpu.memory_space<vmem>> -> memref<120x128xf32, #tpu.memory_space<vmem>>
      %dma_wait3A_161 = arith.constant 0 : i32
      %dma_wait3A_162 = tpu.memref_slice %arg12[%add3A_89, %dma_wait3A_161] : memref<10112x128xf32, #tpu.memory_space<vmem_shared>> -> memref<120x128xf32, #tpu.memory_space<vmem_shared>>
      %dma_wait3A_163 = arith.constant 0 : i32
      %dma_wait3A_164 = tpu.memref_slice %arg12[%add3A_89, %dma_wait3A_163] : memref<10112x128xf32, #tpu.memory_space<vmem_shared>> -> memref<120x128xf32, #tpu.memory_space<vmem_shared>>
      %dma_wait3A_165 = arith.constant 0 : i32
      %dma_wait3A_166 = arith.constant 0 : i32
      %dma_wait3A_167 = tpu.memref_slice %arg9[%dma_wait3A_165, %dma_wait3A_166] : memref<128x128xf32, #tpu.memory_space<vmem>> -> memref<120x128xf32, #tpu.memory_space<vmem>>
      tpu.wait_dma2 semaphore(%run_scoped3A : memref<!tpu.dma_semaphore, #tpu.memory_space<semaphore_mem>>) src(%dma_wait3A_167 : memref<120x128xf32, #tpu.memory_space<vmem>>) dst(%dma_wait3A_164 : memref<120x128xf32, #tpu.memory_space<vmem_shared>>)
      tpu.yield
    }) : () -> ()
    %barrier3A_90 = arith.constant 0 : index
    tpu.barrier barrier_id(%barrier3A_90)
    %scan3A_91 = arith.constant 0 : i32
    %scan3A_92 = arith.constant 1024 : i32
    %scan3A_93 = arith.addi %scan3A_91, %scan3A_92 : i32
    %scan3A_94 = arith.constant 1 : i32
    scf.for %scan3A_150 = %scan3A_91 to %scan3A_93 step %scan3A_94  : i32 {
      %jit3A_151 = arith.constant 8 : i32
      %div3A_152 = arith.divsi %scan3A_150, %jit3A_151 : i32
      %sign3A_153 = arith.constant 0 : i32
      %sign3A_154 = arith.cmpi sgt, %scan3A_150, %sign3A_153 : i32
      %sign3A_155 = arith.extui %sign3A_154 : i1 to i32
      %sign3A_156 = arith.constant 0 : i32
      %sign3A_157 = arith.cmpi slt, %scan3A_150, %sign3A_156 : i32
      %sign3A_158 = arith.extui %sign3A_157 : i1 to i32
      %sign3A_159 = arith.subi %sign3A_155, %sign3A_158 : i32
      %sign3A_160 = arith.constant 0 : i32
      %sign3A_161 = arith.cmpi sgt, %jit3A_151, %sign3A_160 : i32
      %sign3A_162 = arith.extui %sign3A_161 : i1 to i32
      %sign3A_163 = arith.constant 0 : i32
      %sign3A_164 = arith.cmpi slt, %jit3A_151, %sign3A_163 : i32
      %sign3A_165 = arith.extui %sign3A_164 : i1 to i32
      %sign3A_166 = arith.subi %sign3A_162, %sign3A_165 : i32
      %ne3A_167 = arith.cmpi ne, %sign3A_159, %sign3A_166 : i32
      %rem3A_168 = arith.remsi %scan3A_150, %jit3A_151 : i32
      %ne3A_169 = arith.constant 0 : i32
      %ne3A_170 = arith.cmpi ne, %rem3A_168, %ne3A_169 : i32
      %and3A_171 = arith.andi %ne3A_167, %ne3A_170 : i1
      %sub3A_172 = arith.constant 1 : i32
      %sub3A_173 = arith.subi %div3A_152, %sub3A_172 : i32
      %select_n3A_174 = arith.select %and3A_171, %sub3A_173, %div3A_152 : i32
      %jit3A_175 = arith.constant 8 : i32
      %eq3A_176 = arith.constant 0 : i32
      %eq3A_177 = arith.cmpi eq, %jit3A_175, %eq3A_176 : i32
      %jit3A_178 = arith.constant 1 : i32
      %select_n3A_179 = arith.select %eq3A_177, %jit3A_178, %jit3A_175 : i32
      %rem3A_180 = arith.remsi %scan3A_150, %select_n3A_179 : i32
      %ne3A_181 = arith.constant 0 : i32
      %ne3A_182 = arith.cmpi ne, %rem3A_180, %ne3A_181 : i32
      %lt3A = arith.constant 0 : i32
      %lt3A_183 = arith.cmpi slt, %rem3A_180, %lt3A : i32
      %lt3A_184 = arith.constant 0 : i32
      %lt3A_185 = arith.cmpi slt, %select_n3A_179, %lt3A_184 : i32
      %ne3A_186 = arith.xori %lt3A_183, %lt3A_185 : i1
      %and3A_187 = arith.andi %ne3A_186, %ne3A_182 : i1
      %add3A_188 = arith.addi %rem3A_180, %select_n3A_179 : i32
      %select_n3A_189 = arith.select %and3A_187, %add3A_188, %rem3A_180 : i32
      %broadcast_in_dim3A = arith.constant 1.000000e+00 : f32
      %broadcast_in_dim3A_190 = vector.broadcast %broadcast_in_dim3A : f32 to vector<16xf32>
      %mul3A_191 = arith.constant 16 : i32
      %mul3A_192 = arith.muli %select_n3A_189, %mul3A_191 : i32
      %swap3A = arith.index_cast %select_n3A_174 : i32 to index
      %swap3A_193 = arith.index_cast %mul3A_192 : i32 to index
      %swap3A_194 = tpu.vector_load %arg9[%swap3A, %swap3A_193] {strides = array<i32>} : memref<128x128xf32, #tpu.memory_space<vmem>>, vector<1x16xf32>,
      %swap3A_195 = vector.shape_cast %swap3A_194 : vector<1x16xf32> to vector<16xf32>
      %swap3A_196 = vector.shape_cast %broadcast_in_dim3A_190 : vector<16xf32> to vector<1x16xf32>
      tpu.vector_store %arg9[%swap3A, %swap3A_193], %swap3A_196 {strides = array<i32>} : memref<128x128xf32, #tpu.memory_space<vmem>>, vector<1x16xf32>,
    }
    %scan3A_95 = arith.constant 1024 : i32
    %jit3A_96 = arith.constant 8 : i32
    %div3A_97 = arith.divsi %select_n3A, %jit3A_96 : i32
    %sign3A_98 = arith.constant 0 : i32
    %sign3A_99 = arith.cmpi sgt, %select_n3A, %sign3A_98 : i32
    %sign3A_100 = arith.extui %sign3A_99 : i1 to i32
    %sign3A_101 = arith.constant 0 : i32
    %sign3A_102 = arith.cmpi slt, %select_n3A, %sign3A_101 : i32
    %sign3A_103 = arith.extui %sign3A_102 : i1 to i32
    %sign3A_104 = arith.subi %sign3A_100, %sign3A_103 : i32
    %sign3A_105 = arith.constant 0 : i32
    %sign3A_106 = arith.cmpi sgt, %jit3A_96, %sign3A_105 : i32
    %sign3A_107 = arith.extui %sign3A_106 : i1 to i32
    %sign3A_108 = arith.constant 0 : i32
    %sign3A_109 = arith.cmpi slt, %jit3A_96, %sign3A_108 : i32
    %sign3A_110 = arith.extui %sign3A_109 : i1 to i32
    %sign3A_111 = arith.subi %sign3A_107, %sign3A_110 : i32
    %ne3A_112 = arith.cmpi ne, %sign3A_104, %sign3A_111 : i32
    %rem3A_113 = arith.remsi %select_n3A, %jit3A_96 : i32
    %ne3A_114 = arith.constant 0 : i32
    %ne3A_115 = arith.cmpi ne, %rem3A_113, %ne3A_114 : i32
    %and3A_116 = arith.andi %ne3A_112, %ne3A_115 : i1
    %sub3A_117 = arith.constant 1 : i32
    %sub3A_118 = arith.subi %div3A_97, %sub3A_117 : i32
    %select_n3A_119 = arith.select %and3A_116, %sub3A_118, %div3A_97 : i32
    %while3A_120 = arith.constant 0 : i32
    %while3A_121 = arith.subi %select_n3A_119, %while3A_120 : i32
    %while3A_122 = arith.addi %while3A_120, %while3A_121 : i32
    %while3A_123 = arith.constant 1 : i32
    %while3A_124 = arith.divsi %while3A_121, %while3A_123 : i32
    %while3A_125 = arith.muli %while3A_124, %while3A_123 : i32
    %while3A_126 = arith.addi %while3A_120, %while3A_125 : i32
    %while3A_127 = arith.constant 1 : i32
    scf.for %while3A_150 = %while3A_120 to %while3A_126 step %while3A_127  : i32 {
      %mul3A_151 = arith.constant 8 : i32
      %mul3A_152 = arith.muli %while3A_150, %mul3A_151 : i32
      %add3A_153 = arith.addi %add3A_12, %mul3A_152 : i32
      %multiple_of3A_154 = tpu.assume_multiple %add3A_153, 8 : i32
      "tpu.region"() ({
        %run_scoped3A = tpu.sem_alloc : memref<!tpu.dma_semaphore, #tpu.memory_space<semaphore_mem>>
        %dma_start3A_265 = arith.constant 0 : i32
        %dma_start3A_266 = tpu.memref_slice %arg4[%multiple_of3A_154, %dma_start3A_265] : memref<2560x128xi32, #tpu.memory_space<hbm>> -> memref<8x128xi32, #tpu.memory_space<hbm>>
        %dma_start3A_267 = arith.constant 0 : i32
        %dma_start3A_268 = tpu.memref_slice %arg4[%multiple_of3A_154, %dma_start3A_267] : memref<2560x128xi32, #tpu.memory_space<hbm>> -> memref<8x128xi32, #tpu.memory_space<hbm>>
        tpu.enqueue_dma source(%dma_start3A_268 : memref<8x128xi32, #tpu.memory_space<hbm>>) target(%arg8 : memref<8x128xi32, #tpu.memory_space<vmem>>) target_semaphore(%run_scoped3A : memref<!tpu.dma_semaphore, #tpu.memory_space<semaphore_mem>>)
        %dma_wait3A_269 = arith.constant 0 : i32
        %dma_wait3A_270 = tpu.memref_slice %arg4[%multiple_of3A_154, %dma_wait3A_269] : memref<2560x128xi32, #tpu.memory_space<hbm>> -> memref<8x128xi32, #tpu.memory_space<hbm>>
        %dma_wait3A_271 = arith.constant 0 : i32
        %dma_wait3A_272 = tpu.memref_slice %arg4[%multiple_of3A_154, %dma_wait3A_271] : memref<2560x128xi32, #tpu.memory_space<hbm>> -> memref<8x128xi32, #tpu.memory_space<hbm>>
        tpu.wait_dma2 semaphore(%run_scoped3A : memref<!tpu.dma_semaphore, #tpu.memory_space<semaphore_mem>>) src(%dma_wait3A_272 : memref<8x128xi32, #tpu.memory_space<hbm>>) dst(%arg8 : memref<8x128xi32, #tpu.memory_space<vmem>>)
        tpu.yield
      }) : () -> ()
      %dma_start3A = arith.constant 0 : i32
      %dma_start3A_155 = arith.constant 0 : i32
      %dma_start3A_156 = tpu.memref_slice %arg8[%dma_start3A, %dma_start3A_155] : memref<8x128xi32, #tpu.memory_space<vmem>> -> memref<1x128xi32, #tpu.memory_space<vmem>>
      %dma_start3A_157 = tpu.memref_squeeze %dma_start3A_156 : memref<1x128xi32, #tpu.memory_space<vmem>> -> memref<128xi32, #tpu.memory_space<vmem>>
      %dma_start3A_158 = arith.constant 0 : i32
      %dma_start3A_159 = arith.constant 0 : i32
      %dma_start3A_160 = tpu.memref_slice %arg12[%dma_start3A_158, %dma_start3A_159] : memref<10112x128xf32, #tpu.memory_space<vmem_shared>> -> memref<10112x128xf32, #tpu.memory_space<vmem_shared>>
      tpu.enqueue_indirect_dma source(%arg9 : memref<128x128xf32, #tpu.memory_space<vmem>>) target(%dma_start3A_160 : memref<10112x128xf32, #tpu.memory_space<vmem_shared>>) offsets(%dma_start3A_157 : memref<128xi32, #tpu.memory_space<vmem>>) semaphore(%arg10 : memref<!tpu.dma_semaphore, #tpu.memory_space<semaphore_mem>>) {add = true}
      %dma_start3A_161 = arith.constant 1 : i32
      %dma_start3A_162 = arith.constant 0 : i32
      %dma_start3A_163 = tpu.memref_slice %arg8[%dma_start3A_161, %dma_start3A_162] : memref<8x128xi32, #tpu.memory_space<vmem>> -> memref<1x128xi32, #tpu.memory_space<vmem>>
      %dma_start3A_164 = tpu.memref_squeeze %dma_start3A_163 : memref<1x128xi32, #tpu.memory_space<vmem>> -> memref<128xi32, #tpu.memory_space<vmem>>
      %dma_start3A_165 = arith.constant 0 : i32
      %dma_start3A_166 = arith.constant 0 : i32
      %dma_start3A_167 = tpu.memref_slice %arg12[%dma_start3A_165, %dma_start3A_166] : memref<10112x128xf32, #tpu.memory_space<vmem_shared>> -> memref<10112x128xf32, #tpu.memory_space<vmem_shared>>
      tpu.enqueue_indirect_dma source(%arg9 : memref<128x128xf32, #tpu.memory_space<vmem>>) target(%dma_start3A_167 : memref<10112x128xf32, #tpu.memory_space<vmem_shared>>) offsets(%dma_start3A_164 : memref<128xi32, #tpu.memory_space<vmem>>) semaphore(%arg10 : memref<!tpu.dma_semaphore, #tpu.memory_space<semaphore_mem>>) {add = true}
      %dma_start3A_168 = arith.constant 2 : i32
      %dma_start3A_169 = arith.constant 0 : i32
      %dma_start3A_170 = tpu.memref_slice %arg8[%dma_start3A_168, %dma_start3A_169] : memref<8x128xi32, #tpu.memory_space<vmem>> -> memref<1x128xi32, #tpu.memory_space<vmem>>
      %dma_start3A_171 = tpu.memref_squeeze %dma_start3A_170 : memref<1x128xi32, #tpu.memory_space<vmem>> -> memref<128xi32, #tpu.memory_space<vmem>>
      %dma_start3A_172 = arith.constant 0 : i32
      %dma_start3A_173 = arith.constant 0 : i32
      %dma_start3A_174 = tpu.memref_slice %arg12[%dma_start3A_172, %dma_start3A_173] : memref<10112x128xf32, #tpu.memory_space<vmem_shared>> -> memref<10112x128xf32, #tpu.memory_space<vmem_shared>>
      tpu.enqueue_indirect_dma source(%arg9 : memref<128x128xf32, #tpu.memory_space<vmem>>) target(%dma_start3A_174 : memref<10112x128xf32, #tpu.memory_space<vmem_shared>>) offsets(%dma_start3A_171 : memref<128xi32, #tpu.memory_space<vmem>>) semaphore(%arg10 : memref<!tpu.dma_semaphore, #tpu.memory_space<semaphore_mem>>) {add = true}
      %dma_start3A_175 = arith.constant 3 : i32
      %dma_start3A_176 = arith.constant 0 : i32
      %dma_start3A_177 = tpu.memref_slice %arg8[%dma_start3A_175, %dma_start3A_176] : memref<8x128xi32, #tpu.memory_space<vmem>> -> memref<1x128xi32, #tpu.memory_space<vmem>>
      %dma_start3A_178 = tpu.memref_squeeze %dma_start3A_177 : memref<1x128xi32, #tpu.memory_space<vmem>> -> memref<128xi32, #tpu.memory_space<vmem>>
      %dma_start3A_179 = arith.constant 0 : i32
      %dma_start3A_180 = arith.constant 0 : i32
      %dma_start3A_181 = tpu.memref_slice %arg12[%dma_start3A_179, %dma_start3A_180] : memref<10112x128xf32, #tpu.memory_space<vmem_shared>> -> memref<10112x128xf32, #tpu.memory_space<vmem_shared>>
      tpu.enqueue_indirect_dma source(%arg9 : memref<128x128xf32, #tpu.memory_space<vmem>>) target(%dma_start3A_181 : memref<10112x128xf32, #tpu.memory_space<vmem_shared>>) offsets(%dma_start3A_178 : memref<128xi32, #tpu.memory_space<vmem>>) semaphore(%arg10 : memref<!tpu.dma_semaphore, #tpu.memory_space<semaphore_mem>>) {add = true}
      %dma_start3A_182 = arith.constant 4 : i32
      %dma_start3A_183 = arith.constant 0 : i32
      %dma_start3A_184 = tpu.memref_slice %arg8[%dma_start3A_182, %dma_start3A_183] : memref<8x128xi32, #tpu.memory_space<vmem>> -> memref<1x128xi32, #tpu.memory_space<vmem>>
      %dma_start3A_185 = tpu.memref_squeeze %dma_start3A_184 : memref<1x128xi32, #tpu.memory_space<vmem>> -> memref<128xi32, #tpu.memory_space<vmem>>
      %dma_start3A_186 = arith.constant 0 : i32
      %dma_start3A_187 = arith.constant 0 : i32
      %dma_start3A_188 = tpu.memref_slice %arg12[%dma_start3A_186, %dma_start3A_187] : memref<10112x128xf32, #tpu.memory_space<vmem_shared>> -> memref<10112x128xf32, #tpu.memory_space<vmem_shared>>
      tpu.enqueue_indirect_dma source(%arg9 : memref<128x128xf32, #tpu.memory_space<vmem>>) target(%dma_start3A_188 : memref<10112x128xf32, #tpu.memory_space<vmem_shared>>) offsets(%dma_start3A_185 : memref<128xi32, #tpu.memory_space<vmem>>) semaphore(%arg10 : memref<!tpu.dma_semaphore, #tpu.memory_space<semaphore_mem>>) {add = true}
      %dma_start3A_189 = arith.constant 5 : i32
      %dma_start3A_190 = arith.constant 0 : i32
      %dma_start3A_191 = tpu.memref_slice %arg8[%dma_start3A_189, %dma_start3A_190] : memref<8x128xi32, #tpu.memory_space<vmem>> -> memref<1x128xi32, #tpu.memory_space<vmem>>
      %dma_start3A_192 = tpu.memref_squeeze %dma_start3A_191 : memref<1x128xi32, #tpu.memory_space<vmem>> -> memref<128xi32, #tpu.memory_space<vmem>>
      %dma_start3A_193 = arith.constant 0 : i32
      %dma_start3A_194 = arith.constant 0 : i32
      %dma_start3A_195 = tpu.memref_slice %arg12[%dma_start3A_193, %dma_start3A_194] : memref<10112x128xf32, #tpu.memory_space<vmem_shared>> -> memref<10112x128xf32, #tpu.memory_space<vmem_shared>>
      tpu.enqueue_indirect_dma source(%arg9 : memref<128x128xf32, #tpu.memory_space<vmem>>) target(%dma_start3A_195 : memref<10112x128xf32, #tpu.memory_space<vmem_shared>>) offsets(%dma_start3A_192 : memref<128xi32, #tpu.memory_space<vmem>>) semaphore(%arg10 : memref<!tpu.dma_semaphore, #tpu.memory_space<semaphore_mem>>) {add = true}
      %dma_start3A_196 = arith.constant 6 : i32
      %dma_start3A_197 = arith.constant 0 : i32
      %dma_start3A_198 = tpu.memref_slice %arg8[%dma_start3A_196, %dma_start3A_197] : memref<8x128xi32, #tpu.memory_space<vmem>> -> memref<1x128xi32, #tpu.memory_space<vmem>>
      %dma_start3A_199 = tpu.memref_squeeze %dma_start3A_198 : memref<1x128xi32, #tpu.memory_space<vmem>> -> memref<128xi32, #tpu.memory_space<vmem>>
      %dma_start3A_200 = arith.constant 0 : i32
      %dma_start3A_201 = arith.constant 0 : i32
      %dma_start3A_202 = tpu.memref_slice %arg12[%dma_start3A_200, %dma_start3A_201] : memref<10112x128xf32, #tpu.memory_space<vmem_shared>> -> memref<10112x128xf32, #tpu.memory_space<vmem_shared>>
      tpu.enqueue_indirect_dma source(%arg9 : memref<128x128xf32, #tpu.memory_space<vmem>>) target(%dma_start3A_202 : memref<10112x128xf32, #tpu.memory_space<vmem_shared>>) offsets(%dma_start3A_199 : memref<128xi32, #tpu.memory_space<vmem>>) semaphore(%arg10 : memref<!tpu.dma_semaphore, #tpu.memory_space<semaphore_mem>>) {add = true}
      %dma_start3A_203 = arith.constant 7 : i32
      %dma_start3A_204 = arith.constant 0 : i32
      %dma_start3A_205 = tpu.memref_slice %arg8[%dma_start3A_203, %dma_start3A_204] : memref<8x128xi32, #tpu.memory_space<vmem>> -> memref<1x128xi32, #tpu.memory_space<vmem>>
      %dma_start3A_206 = tpu.memref_squeeze %dma_start3A_205 : memref<1x128xi32, #tpu.memory_space<vmem>> -> memref<128xi32, #tpu.memory_space<vmem>>
      %dma_start3A_207 = arith.constant 0 : i32
      %dma_start3A_208 = arith.constant 0 : i32
      %dma_start3A_209 = tpu.memref_slice %arg12[%dma_start3A_207, %dma_start3A_208] : memref<10112x128xf32, #tpu.memory_space<vmem_shared>> -> memref<10112x128xf32, #tpu.memory_space<vmem_shared>>
      tpu.enqueue_indirect_dma source(%arg9 : memref<128x128xf32, #tpu.memory_space<vmem>>) target(%dma_start3A_209 : memref<10112x128xf32, #tpu.memory_space<vmem_shared>>) offsets(%dma_start3A_206 : memref<128xi32, #tpu.memory_space<vmem>>) semaphore(%arg10 : memref<!tpu.dma_semaphore, #tpu.memory_space<semaphore_mem>>) {add = true}
      %dma_wait3A = arith.constant 0 : i32
      %dma_wait3A_210 = arith.constant 0 : i32
      %dma_wait3A_211 = tpu.memref_slice %arg8[%dma_wait3A, %dma_wait3A_210] : memref<8x128xi32, #tpu.memory_space<vmem>> -> memref<1x128xi32, #tpu.memory_space<vmem>>
      %dma_wait3A_212 = tpu.memref_squeeze %dma_wait3A_211 : memref<1x128xi32, #tpu.memory_space<vmem>> -> memref<128xi32, #tpu.memory_space<vmem>>
      %dma_wait3A_213 = arith.constant 0 : i32
      %dma_wait3A_214 = arith.constant 0 : i32
      %dma_wait3A_215 = tpu.memref_slice %arg12[%dma_wait3A_213, %dma_wait3A_214] : memref<10112x128xf32, #tpu.memory_space<vmem_shared>> -> memref<10112x128xf32, #tpu.memory_space<vmem_shared>>
      tpu.wait_indirect_dma semaphore(%arg10 : memref<!tpu.dma_semaphore, #tpu.memory_space<semaphore_mem>>) src(%arg9 : memref<128x128xf32, #tpu.memory_space<vmem>>) dst(%dma_wait3A_215 : memref<10112x128xf32, #tpu.memory_space<vmem_shared>>)
      %dma_wait3A_216 = arith.constant 1 : i32
      %dma_wait3A_217 = arith.constant 0 : i32
      %dma_wait3A_218 = tpu.memref_slice %arg8[%dma_wait3A_216, %dma_wait3A_217] : memref<8x128xi32, #tpu.memory_space<vmem>> -> memref<1x128xi32, #tpu.memory_space<vmem>>
      %dma_wait3A_219 = tpu.memref_squeeze %dma_wait3A_218 : memref<1x128xi32, #tpu.memory_space<vmem>> -> memref<128xi32, #tpu.memory_space<vmem>>
      %dma_wait3A_220 = arith.constant 0 : i32
      %dma_wait3A_221 = arith.constant 0 : i32
      %dma_wait3A_222 = tpu.memref_slice %arg12[%dma_wait3A_220, %dma_wait3A_221] : memref<10112x128xf32, #tpu.memory_space<vmem_shared>> -> memref<10112x128xf32, #tpu.memory_space<vmem_shared>>
      tpu.wait_indirect_dma semaphore(%arg10 : memref<!tpu.dma_semaphore, #tpu.memory_space<semaphore_mem>>) src(%arg9 : memref<128x128xf32, #tpu.memory_space<vmem>>) dst(%dma_wait3A_222 : memref<10112x128xf32, #tpu.memory_space<vmem_shared>>)
      %dma_wait3A_223 = arith.constant 2 : i32
      %dma_wait3A_224 = arith.constant 0 : i32
      %dma_wait3A_225 = tpu.memref_slice %arg8[%dma_wait3A_223, %dma_wait3A_224] : memref<8x128xi32, #tpu.memory_space<vmem>> -> memref<1x128xi32, #tpu.memory_space<vmem>>
      %dma_wait3A_226 = tpu.memref_squeeze %dma_wait3A_225 : memref<1x128xi32, #tpu.memory_space<vmem>> -> memref<128xi32, #tpu.memory_space<vmem>>
      %dma_wait3A_227 = arith.constant 0 : i32
      %dma_wait3A_228 = arith.constant 0 : i32
      %dma_wait3A_229 = tpu.memref_slice %arg12[%dma_wait3A_227, %dma_wait3A_228] : memref<10112x128xf32, #tpu.memory_space<vmem_shared>> -> memref<10112x128xf32, #tpu.memory_space<vmem_shared>>
      tpu.wait_indirect_dma semaphore(%arg10 : memref<!tpu.dma_semaphore, #tpu.memory_space<semaphore_mem>>) src(%arg9 : memref<128x128xf32, #tpu.memory_space<vmem>>) dst(%dma_wait3A_229 : memref<10112x128xf32, #tpu.memory_space<vmem_shared>>)
      %dma_wait3A_230 = arith.constant 3 : i32
      %dma_wait3A_231 = arith.constant 0 : i32
      %dma_wait3A_232 = tpu.memref_slice %arg8[%dma_wait3A_230, %dma_wait3A_231] : memref<8x128xi32, #tpu.memory_space<vmem>> -> memref<1x128xi32, #tpu.memory_space<vmem>>
      %dma_wait3A_233 = tpu.memref_squeeze %dma_wait3A_232 : memref<1x128xi32, #tpu.memory_space<vmem>> -> memref<128xi32, #tpu.memory_space<vmem>>
      %dma_wait3A_234 = arith.constant 0 : i32
      %dma_wait3A_235 = arith.constant 0 : i32
      %dma_wait3A_236 = tpu.memref_slice %arg12[%dma_wait3A_234, %dma_wait3A_235] : memref<10112x128xf32, #tpu.memory_space<vmem_shared>> -> memref<10112x128xf32, #tpu.memory_space<vmem_shared>>
      tpu.wait_indirect_dma semaphore(%arg10 : memref<!tpu.dma_semaphore, #tpu.memory_space<semaphore_mem>>) src(%arg9 : memref<128x128xf32, #tpu.memory_space<vmem>>) dst(%dma_wait3A_236 : memref<10112x128xf32, #tpu.memory_space<vmem_shared>>)
      %dma_wait3A_237 = arith.constant 4 : i32
      %dma_wait3A_238 = arith.constant 0 : i32
      %dma_wait3A_239 = tpu.memref_slice %arg8[%dma_wait3A_237, %dma_wait3A_238] : memref<8x128xi32, #tpu.memory_space<vmem>> -> memref<1x128xi32, #tpu.memory_space<vmem>>
      %dma_wait3A_240 = tpu.memref_squeeze %dma_wait3A_239 : memref<1x128xi32, #tpu.memory_space<vmem>> -> memref<128xi32, #tpu.memory_space<vmem>>
      %dma_wait3A_241 = arith.constant 0 : i32
      %dma_wait3A_242 = arith.constant 0 : i32
      %dma_wait3A_243 = tpu.memref_slice %arg12[%dma_wait3A_241, %dma_wait3A_242] : memref<10112x128xf32, #tpu.memory_space<vmem_shared>> -> memref<10112x128xf32, #tpu.memory_space<vmem_shared>>
      tpu.wait_indirect_dma semaphore(%arg10 : memref<!tpu.dma_semaphore, #tpu.memory_space<semaphore_mem>>) src(%arg9 : memref<128x128xf32, #tpu.memory_space<vmem>>) dst(%dma_wait3A_243 : memref<10112x128xf32, #tpu.memory_space<vmem_shared>>)
      %dma_wait3A_244 = arith.constant 5 : i32
      %dma_wait3A_245 = arith.constant 0 : i32
      %dma_wait3A_246 = tpu.memref_slice %arg8[%dma_wait3A_244, %dma_wait3A_245] : memref<8x128xi32, #tpu.memory_space<vmem>> -> memref<1x128xi32, #tpu.memory_space<vmem>>
      %dma_wait3A_247 = tpu.memref_squeeze %dma_wait3A_246 : memref<1x128xi32, #tpu.memory_space<vmem>> -> memref<128xi32, #tpu.memory_space<vmem>>
      %dma_wait3A_248 = arith.constant 0 : i32
      %dma_wait3A_249 = arith.constant 0 : i32
      %dma_wait3A_250 = tpu.memref_slice %arg12[%dma_wait3A_248, %dma_wait3A_249] : memref<10112x128xf32, #tpu.memory_space<vmem_shared>> -> memref<10112x128xf32, #tpu.memory_space<vmem_shared>>
      tpu.wait_indirect_dma semaphore(%arg10 : memref<!tpu.dma_semaphore, #tpu.memory_space<semaphore_mem>>) src(%arg9 : memref<128x128xf32, #tpu.memory_space<vmem>>) dst(%dma_wait3A_250 : memref<10112x128xf32, #tpu.memory_space<vmem_shared>>)
      %dma_wait3A_251 = arith.constant 6 : i32
      %dma_wait3A_252 = arith.constant 0 : i32
      %dma_wait3A_253 = tpu.memref_slice %arg8[%dma_wait3A_251, %dma_wait3A_252] : memref<8x128xi32, #tpu.memory_space<vmem>> -> memref<1x128xi32, #tpu.memory_space<vmem>>
      %dma_wait3A_254 = tpu.memref_squeeze %dma_wait3A_253 : memref<1x128xi32, #tpu.memory_space<vmem>> -> memref<128xi32, #tpu.memory_space<vmem>>
      %dma_wait3A_255 = arith.constant 0 : i32
      %dma_wait3A_256 = arith.constant 0 : i32
      %dma_wait3A_257 = tpu.memref_slice %arg12[%dma_wait3A_255, %dma_wait3A_256] : memref<10112x128xf32, #tpu.memory_space<vmem_shared>> -> memref<10112x128xf32, #tpu.memory_space<vmem_shared>>
      tpu.wait_indirect_dma semaphore(%arg10 : memref<!tpu.dma_semaphore, #tpu.memory_space<semaphore_mem>>) src(%arg9 : memref<128x128xf32, #tpu.memory_space<vmem>>) dst(%dma_wait3A_257 : memref<10112x128xf32, #tpu.memory_space<vmem_shared>>)
      %dma_wait3A_258 = arith.constant 7 : i32
      %dma_wait3A_259 = arith.constant 0 : i32
      %dma_wait3A_260 = tpu.memref_slice %arg8[%dma_wait3A_258, %dma_wait3A_259] : memref<8x128xi32, #tpu.memory_space<vmem>> -> memref<1x128xi32, #tpu.memory_space<vmem>>
      %dma_wait3A_261 = tpu.memref_squeeze %dma_wait3A_260 : memref<1x128xi32, #tpu.memory_space<vmem>> -> memref<128xi32, #tpu.memory_space<vmem>>
      %dma_wait3A_262 = arith.constant 0 : i32
      %dma_wait3A_263 = arith.constant 0 : i32
      %dma_wait3A_264 = tpu.memref_slice %arg12[%dma_wait3A_262, %dma_wait3A_263] : memref<10112x128xf32, #tpu.memory_space<vmem_shared>> -> memref<10112x128xf32, #tpu.memory_space<vmem_shared>>
      tpu.wait_indirect_dma semaphore(%arg10 : memref<!tpu.dma_semaphore, #tpu.memory_space<semaphore_mem>>) src(%arg9 : memref<128x128xf32, #tpu.memory_space<vmem>>) dst(%dma_wait3A_264 : memref<10112x128xf32, #tpu.memory_space<vmem_shared>>)
    }
    %while3A_128 = arith.constant 1 : i32
    scf.for %while3A_150 = %while3A_126 to %while3A_122 step %while3A_128  : i32 {
      %mul3A_151 = arith.constant 8 : i32
      %mul3A_152 = arith.muli %while3A_150, %mul3A_151 : i32
      %add3A_153 = arith.addi %add3A_12, %mul3A_152 : i32
      %multiple_of3A_154 = tpu.assume_multiple %add3A_153, 8 : i32
      "tpu.region"() ({
        %run_scoped3A = tpu.sem_alloc : memref<!tpu.dma_semaphore, #tpu.memory_space<semaphore_mem>>
        %dma_start3A_265 = arith.constant 0 : i32
        %dma_start3A_266 = tpu.memref_slice %arg4[%multiple_of3A_154, %dma_start3A_265] : memref<2560x128xi32, #tpu.memory_space<hbm>> -> memref<8x128xi32, #tpu.memory_space<hbm>>
        %dma_start3A_267 = arith.constant 0 : i32
        %dma_start3A_268 = tpu.memref_slice %arg4[%multiple_of3A_154, %dma_start3A_267] : memref<2560x128xi32, #tpu.memory_space<hbm>> -> memref<8x128xi32, #tpu.memory_space<hbm>>
        tpu.enqueue_dma source(%dma_start3A_268 : memref<8x128xi32, #tpu.memory_space<hbm>>) target(%arg8 : memref<8x128xi32, #tpu.memory_space<vmem>>) target_semaphore(%run_scoped3A : memref<!tpu.dma_semaphore, #tpu.memory_space<semaphore_mem>>)
        %dma_wait3A_269 = arith.constant 0 : i32
        %dma_wait3A_270 = tpu.memref_slice %arg4[%multiple_of3A_154, %dma_wait3A_269] : memref<2560x128xi32, #tpu.memory_space<hbm>> -> memref<8x128xi32, #tpu.memory_space<hbm>>
        %dma_wait3A_271 = arith.constant 0 : i32
        %dma_wait3A_272 = tpu.memref_slice %arg4[%multiple_of3A_154, %dma_wait3A_271] : memref<2560x128xi32, #tpu.memory_space<hbm>> -> memref<8x128xi32, #tpu.memory_space<hbm>>
        tpu.wait_dma2 semaphore(%run_scoped3A : memref<!tpu.dma_semaphore, #tpu.memory_space<semaphore_mem>>) src(%dma_wait3A_272 : memref<8x128xi32, #tpu.memory_space<hbm>>) dst(%arg8 : memref<8x128xi32, #tpu.memory_space<vmem>>)
        tpu.yield
      }) : () -> ()
      %dma_start3A = arith.constant 0 : i32
      %dma_start3A_155 = arith.constant 0 : i32
      %dma_start3A_156 = tpu.memref_slice %arg8[%dma_start3A, %dma_start3A_155] : memref<8x128xi32, #tpu.memory_space<vmem>> -> memref<1x128xi32, #tpu.memory_space<vmem>>
      %dma_start3A_157 = tpu.memref_squeeze %dma_start3A_156 : memref<1x128xi32, #tpu.memory_space<vmem>> -> memref<128xi32, #tpu.memory_space<vmem>>
      %dma_start3A_158 = arith.constant 0 : i32
      %dma_start3A_159 = arith.constant 0 : i32
      %dma_start3A_160 = tpu.memref_slice %arg12[%dma_start3A_158, %dma_start3A_159] : memref<10112x128xf32, #tpu.memory_space<vmem_shared>> -> memref<10112x128xf32, #tpu.memory_space<vmem_shared>>
      tpu.enqueue_indirect_dma source(%arg9 : memref<128x128xf32, #tpu.memory_space<vmem>>) target(%dma_start3A_160 : memref<10112x128xf32, #tpu.memory_space<vmem_shared>>) offsets(%dma_start3A_157 : memref<128xi32, #tpu.memory_space<vmem>>) semaphore(%arg10 : memref<!tpu.dma_semaphore, #tpu.memory_space<semaphore_mem>>) {add = true}
      %dma_start3A_161 = arith.constant 1 : i32
      %dma_start3A_162 = arith.constant 0 : i32
      %dma_start3A_163 = tpu.memref_slice %arg8[%dma_start3A_161, %dma_start3A_162] : memref<8x128xi32, #tpu.memory_space<vmem>> -> memref<1x128xi32, #tpu.memory_space<vmem>>
      %dma_start3A_164 = tpu.memref_squeeze %dma_start3A_163 : memref<1x128xi32, #tpu.memory_space<vmem>> -> memref<128xi32, #tpu.memory_space<vmem>>
      %dma_start3A_165 = arith.constant 0 : i32
      %dma_start3A_166 = arith.constant 0 : i32
      %dma_start3A_167 = tpu.memref_slice %arg12[%dma_start3A_165, %dma_start3A_166] : memref<10112x128xf32, #tpu.memory_space<vmem_shared>> -> memref<10112x128xf32, #tpu.memory_space<vmem_shared>>
      tpu.enqueue_indirect_dma source(%arg9 : memref<128x128xf32, #tpu.memory_space<vmem>>) target(%dma_start3A_167 : memref<10112x128xf32, #tpu.memory_space<vmem_shared>>) offsets(%dma_start3A_164 : memref<128xi32, #tpu.memory_space<vmem>>) semaphore(%arg10 : memref<!tpu.dma_semaphore, #tpu.memory_space<semaphore_mem>>) {add = true}
      %dma_start3A_168 = arith.constant 2 : i32
      %dma_start3A_169 = arith.constant 0 : i32
      %dma_start3A_170 = tpu.memref_slice %arg8[%dma_start3A_168, %dma_start3A_169] : memref<8x128xi32, #tpu.memory_space<vmem>> -> memref<1x128xi32, #tpu.memory_space<vmem>>
      %dma_start3A_171 = tpu.memref_squeeze %dma_start3A_170 : memref<1x128xi32, #tpu.memory_space<vmem>> -> memref<128xi32, #tpu.memory_space<vmem>>
      %dma_start3A_172 = arith.constant 0 : i32
      %dma_start3A_173 = arith.constant 0 : i32
      %dma_start3A_174 = tpu.memref_slice %arg12[%dma_start3A_172, %dma_start3A_173] : memref<10112x128xf32, #tpu.memory_space<vmem_shared>> -> memref<10112x128xf32, #tpu.memory_space<vmem_shared>>
      tpu.enqueue_indirect_dma source(%arg9 : memref<128x128xf32, #tpu.memory_space<vmem>>) target(%dma_start3A_174 : memref<10112x128xf32, #tpu.memory_space<vmem_shared>>) offsets(%dma_start3A_171 : memref<128xi32, #tpu.memory_space<vmem>>) semaphore(%arg10 : memref<!tpu.dma_semaphore, #tpu.memory_space<semaphore_mem>>) {add = true}
      %dma_start3A_175 = arith.constant 3 : i32
      %dma_start3A_176 = arith.constant 0 : i32
      %dma_start3A_177 = tpu.memref_slice %arg8[%dma_start3A_175, %dma_start3A_176] : memref<8x128xi32, #tpu.memory_space<vmem>> -> memref<1x128xi32, #tpu.memory_space<vmem>>
      %dma_start3A_178 = tpu.memref_squeeze %dma_start3A_177 : memref<1x128xi32, #tpu.memory_space<vmem>> -> memref<128xi32, #tpu.memory_space<vmem>>
      %dma_start3A_179 = arith.constant 0 : i32
      %dma_start3A_180 = arith.constant 0 : i32
      %dma_start3A_181 = tpu.memref_slice %arg12[%dma_start3A_179, %dma_start3A_180] : memref<10112x128xf32, #tpu.memory_space<vmem_shared>> -> memref<10112x128xf32, #tpu.memory_space<vmem_shared>>
      tpu.enqueue_indirect_dma source(%arg9 : memref<128x128xf32, #tpu.memory_space<vmem>>) target(%dma_start3A_181 : memref<10112x128xf32, #tpu.memory_space<vmem_shared>>) offsets(%dma_start3A_178 : memref<128xi32, #tpu.memory_space<vmem>>) semaphore(%arg10 : memref<!tpu.dma_semaphore, #tpu.memory_space<semaphore_mem>>) {add = true}
      %dma_start3A_182 = arith.constant 4 : i32
      %dma_start3A_183 = arith.constant 0 : i32
      %dma_start3A_184 = tpu.memref_slice %arg8[%dma_start3A_182, %dma_start3A_183] : memref<8x128xi32, #tpu.memory_space<vmem>> -> memref<1x128xi32, #tpu.memory_space<vmem>>
      %dma_start3A_185 = tpu.memref_squeeze %dma_start3A_184 : memref<1x128xi32, #tpu.memory_space<vmem>> -> memref<128xi32, #tpu.memory_space<vmem>>
      %dma_start3A_186 = arith.constant 0 : i32
      %dma_start3A_187 = arith.constant 0 : i32
      %dma_start3A_188 = tpu.memref_slice %arg12[%dma_start3A_186, %dma_start3A_187] : memref<10112x128xf32, #tpu.memory_space<vmem_shared>> -> memref<10112x128xf32, #tpu.memory_space<vmem_shared>>
      tpu.enqueue_indirect_dma source(%arg9 : memref<128x128xf32, #tpu.memory_space<vmem>>) target(%dma_start3A_188 : memref<10112x128xf32, #tpu.memory_space<vmem_shared>>) offsets(%dma_start3A_185 : memref<128xi32, #tpu.memory_space<vmem>>) semaphore(%arg10 : memref<!tpu.dma_semaphore, #tpu.memory_space<semaphore_mem>>) {add = true}
      %dma_start3A_189 = arith.constant 5 : i32
      %dma_start3A_190 = arith.constant 0 : i32
      %dma_start3A_191 = tpu.memref_slice %arg8[%dma_start3A_189, %dma_start3A_190] : memref<8x128xi32, #tpu.memory_space<vmem>> -> memref<1x128xi32, #tpu.memory_space<vmem>>
      %dma_start3A_192 = tpu.memref_squeeze %dma_start3A_191 : memref<1x128xi32, #tpu.memory_space<vmem>> -> memref<128xi32, #tpu.memory_space<vmem>>
      %dma_start3A_193 = arith.constant 0 : i32
      %dma_start3A_194 = arith.constant 0 : i32
      %dma_start3A_195 = tpu.memref_slice %arg12[%dma_start3A_193, %dma_start3A_194] : memref<10112x128xf32, #tpu.memory_space<vmem_shared>> -> memref<10112x128xf32, #tpu.memory_space<vmem_shared>>
      tpu.enqueue_indirect_dma source(%arg9 : memref<128x128xf32, #tpu.memory_space<vmem>>) target(%dma_start3A_195 : memref<10112x128xf32, #tpu.memory_space<vmem_shared>>) offsets(%dma_start3A_192 : memref<128xi32, #tpu.memory_space<vmem>>) semaphore(%arg10 : memref<!tpu.dma_semaphore, #tpu.memory_space<semaphore_mem>>) {add = true}
      %dma_start3A_196 = arith.constant 6 : i32
      %dma_start3A_197 = arith.constant 0 : i32
      %dma_start3A_198 = tpu.memref_slice %arg8[%dma_start3A_196, %dma_start3A_197] : memref<8x128xi32, #tpu.memory_space<vmem>> -> memref<1x128xi32, #tpu.memory_space<vmem>>
      %dma_start3A_199 = tpu.memref_squeeze %dma_start3A_198 : memref<1x128xi32, #tpu.memory_space<vmem>> -> memref<128xi32, #tpu.memory_space<vmem>>
      %dma_start3A_200 = arith.constant 0 : i32
      %dma_start3A_201 = arith.constant 0 : i32
      %dma_start3A_202 = tpu.memref_slice %arg12[%dma_start3A_200, %dma_start3A_201] : memref<10112x128xf32, #tpu.memory_space<vmem_shared>> -> memref<10112x128xf32, #tpu.memory_space<vmem_shared>>
      tpu.enqueue_indirect_dma source(%arg9 : memref<128x128xf32, #tpu.memory_space<vmem>>) target(%dma_start3A_202 : memref<10112x128xf32, #tpu.memory_space<vmem_shared>>) offsets(%dma_start3A_199 : memref<128xi32, #tpu.memory_space<vmem>>) semaphore(%arg10 : memref<!tpu.dma_semaphore, #tpu.memory_space<semaphore_mem>>) {add = true}
      %dma_start3A_203 = arith.constant 7 : i32
      %dma_start3A_204 = arith.constant 0 : i32
      %dma_start3A_205 = tpu.memref_slice %arg8[%dma_start3A_203, %dma_start3A_204] : memref<8x128xi32, #tpu.memory_space<vmem>> -> memref<1x128xi32, #tpu.memory_space<vmem>>
      %dma_start3A_206 = tpu.memref_squeeze %dma_start3A_205 : memref<1x128xi32, #tpu.memory_space<vmem>> -> memref<128xi32, #tpu.memory_space<vmem>>
      %dma_start3A_207 = arith.constant 0 : i32
      %dma_start3A_208 = arith.constant 0 : i32
      %dma_start3A_209 = tpu.memref_slice %arg12[%dma_start3A_207, %dma_start3A_208] : memref<10112x128xf32, #tpu.memory_space<vmem_shared>> -> memref<10112x128xf32, #tpu.memory_space<vmem_shared>>
      tpu.enqueue_indirect_dma source(%arg9 : memref<128x128xf32, #tpu.memory_space<vmem>>) target(%dma_start3A_209 : memref<10112x128xf32, #tpu.memory_space<vmem_shared>>) offsets(%dma_start3A_206 : memref<128xi32, #tpu.memory_space<vmem>>) semaphore(%arg10 : memref<!tpu.dma_semaphore, #tpu.memory_space<semaphore_mem>>) {add = true}
      %dma_wait3A = arith.constant 0 : i32
      %dma_wait3A_210 = arith.constant 0 : i32
      %dma_wait3A_211 = tpu.memref_slice %arg8[%dma_wait3A, %dma_wait3A_210] : memref<8x128xi32, #tpu.memory_space<vmem>> -> memref<1x128xi32, #tpu.memory_space<vmem>>
      %dma_wait3A_212 = tpu.memref_squeeze %dma_wait3A_211 : memref<1x128xi32, #tpu.memory_space<vmem>> -> memref<128xi32, #tpu.memory_space<vmem>>
      %dma_wait3A_213 = arith.constant 0 : i32
      %dma_wait3A_214 = arith.constant 0 : i32
      %dma_wait3A_215 = tpu.memref_slice %arg12[%dma_wait3A_213, %dma_wait3A_214] : memref<10112x128xf32, #tpu.memory_space<vmem_shared>> -> memref<10112x128xf32, #tpu.memory_space<vmem_shared>>
      tpu.wait_indirect_dma semaphore(%arg10 : memref<!tpu.dma_semaphore, #tpu.memory_space<semaphore_mem>>) src(%arg9 : memref<128x128xf32, #tpu.memory_space<vmem>>) dst(%dma_wait3A_215 : memref<10112x128xf32, #tpu.memory_space<vmem_shared>>)
      %dma_wait3A_216 = arith.constant 1 : i32
      %dma_wait3A_217 = arith.constant 0 : i32
      %dma_wait3A_218 = tpu.memref_slice %arg8[%dma_wait3A_216, %dma_wait3A_217] : memref<8x128xi32, #tpu.memory_space<vmem>> -> memref<1x128xi32, #tpu.memory_space<vmem>>
      %dma_wait3A_219 = tpu.memref_squeeze %dma_wait3A_218 : memref<1x128xi32, #tpu.memory_space<vmem>> -> memref<128xi32, #tpu.memory_space<vmem>>
      %dma_wait3A_220 = arith.constant 0 : i32
      %dma_wait3A_221 = arith.constant 0 : i32
      %dma_wait3A_222 = tpu.memref_slice %arg12[%dma_wait3A_220, %dma_wait3A_221] : memref<10112x128xf32, #tpu.memory_space<vmem_shared>> -> memref<10112x128xf32, #tpu.memory_space<vmem_shared>>
      tpu.wait_indirect_dma semaphore(%arg10 : memref<!tpu.dma_semaphore, #tpu.memory_space<semaphore_mem>>) src(%arg9 : memref<128x128xf32, #tpu.memory_space<vmem>>) dst(%dma_wait3A_222 : memref<10112x128xf32, #tpu.memory_space<vmem_shared>>)
      %dma_wait3A_223 = arith.constant 2 : i32
      %dma_wait3A_224 = arith.constant 0 : i32
      %dma_wait3A_225 = tpu.memref_slice %arg8[%dma_wait3A_223, %dma_wait3A_224] : memref<8x128xi32, #tpu.memory_space<vmem>> -> memref<1x128xi32, #tpu.memory_space<vmem>>
      %dma_wait3A_226 = tpu.memref_squeeze %dma_wait3A_225 : memref<1x128xi32, #tpu.memory_space<vmem>> -> memref<128xi32, #tpu.memory_space<vmem>>
      %dma_wait3A_227 = arith.constant 0 : i32
      %dma_wait3A_228 = arith.constant 0 : i32
      %dma_wait3A_229 = tpu.memref_slice %arg12[%dma_wait3A_227, %dma_wait3A_228] : memref<10112x128xf32, #tpu.memory_space<vmem_shared>> -> memref<10112x128xf32, #tpu.memory_space<vmem_shared>>
      tpu.wait_indirect_dma semaphore(%arg10 : memref<!tpu.dma_semaphore, #tpu.memory_space<semaphore_mem>>) src(%arg9 : memref<128x128xf32, #tpu.memory_space<vmem>>) dst(%dma_wait3A_229 : memref<10112x128xf32, #tpu.memory_space<vmem_shared>>)
      %dma_wait3A_230 = arith.constant 3 : i32
      %dma_wait3A_231 = arith.constant 0 : i32
      %dma_wait3A_232 = tpu.memref_slice %arg8[%dma_wait3A_230, %dma_wait3A_231] : memref<8x128xi32, #tpu.memory_space<vmem>> -> memref<1x128xi32, #tpu.memory_space<vmem>>
      %dma_wait3A_233 = tpu.memref_squeeze %dma_wait3A_232 : memref<1x128xi32, #tpu.memory_space<vmem>> -> memref<128xi32, #tpu.memory_space<vmem>>
      %dma_wait3A_234 = arith.constant 0 : i32
      %dma_wait3A_235 = arith.constant 0 : i32
      %dma_wait3A_236 = tpu.memref_slice %arg12[%dma_wait3A_234, %dma_wait3A_235] : memref<10112x128xf32, #tpu.memory_space<vmem_shared>> -> memref<10112x128xf32, #tpu.memory_space<vmem_shared>>
      tpu.wait_indirect_dma semaphore(%arg10 : memref<!tpu.dma_semaphore, #tpu.memory_space<semaphore_mem>>) src(%arg9 : memref<128x128xf32, #tpu.memory_space<vmem>>) dst(%dma_wait3A_236 : memref<10112x128xf32, #tpu.memory_space<vmem_shared>>)
      %dma_wait3A_237 = arith.constant 4 : i32
      %dma_wait3A_238 = arith.constant 0 : i32
      %dma_wait3A_239 = tpu.memref_slice %arg8[%dma_wait3A_237, %dma_wait3A_238] : memref<8x128xi32, #tpu.memory_space<vmem>> -> memref<1x128xi32, #tpu.memory_space<vmem>>
      %dma_wait3A_240 = tpu.memref_squeeze %dma_wait3A_239 : memref<1x128xi32, #tpu.memory_space<vmem>> -> memref<128xi32, #tpu.memory_space<vmem>>
      %dma_wait3A_241 = arith.constant 0 : i32
      %dma_wait3A_242 = arith.constant 0 : i32
      %dma_wait3A_243 = tpu.memref_slice %arg12[%dma_wait3A_241, %dma_wait3A_242] : memref<10112x128xf32, #tpu.memory_space<vmem_shared>> -> memref<10112x128xf32, #tpu.memory_space<vmem_shared>>
      tpu.wait_indirect_dma semaphore(%arg10 : memref<!tpu.dma_semaphore, #tpu.memory_space<semaphore_mem>>) src(%arg9 : memref<128x128xf32, #tpu.memory_space<vmem>>) dst(%dma_wait3A_243 : memref<10112x128xf32, #tpu.memory_space<vmem_shared>>)
      %dma_wait3A_244 = arith.constant 5 : i32
      %dma_wait3A_245 = arith.constant 0 : i32
      %dma_wait3A_246 = tpu.memref_slice %arg8[%dma_wait3A_244, %dma_wait3A_245] : memref<8x128xi32, #tpu.memory_space<vmem>> -> memref<1x128xi32, #tpu.memory_space<vmem>>
      %dma_wait3A_247 = tpu.memref_squeeze %dma_wait3A_246 : memref<1x128xi32, #tpu.memory_space<vmem>> -> memref<128xi32, #tpu.memory_space<vmem>>
      %dma_wait3A_248 = arith.constant 0 : i32
      %dma_wait3A_249 = arith.constant 0 : i32
      %dma_wait3A_250 = tpu.memref_slice %arg12[%dma_wait3A_248, %dma_wait3A_249] : memref<10112x128xf32, #tpu.memory_space<vmem_shared>> -> memref<10112x128xf32, #tpu.memory_space<vmem_shared>>
      tpu.wait_indirect_dma semaphore(%arg10 : memref<!tpu.dma_semaphore, #tpu.memory_space<semaphore_mem>>) src(%arg9 : memref<128x128xf32, #tpu.memory_space<vmem>>) dst(%dma_wait3A_250 : memref<10112x128xf32, #tpu.memory_space<vmem_shared>>)
      %dma_wait3A_251 = arith.constant 6 : i32
      %dma_wait3A_252 = arith.constant 0 : i32
      %dma_wait3A_253 = tpu.memref_slice %arg8[%dma_wait3A_251, %dma_wait3A_252] : memref<8x128xi32, #tpu.memory_space<vmem>> -> memref<1x128xi32, #tpu.memory_space<vmem>>
      %dma_wait3A_254 = tpu.memref_squeeze %dma_wait3A_253 : memref<1x128xi32, #tpu.memory_space<vmem>> -> memref<128xi32, #tpu.memory_space<vmem>>
      %dma_wait3A_255 = arith.constant 0 : i32
      %dma_wait3A_256 = arith.constant 0 : i32
      %dma_wait3A_257 = tpu.memref_slice %arg12[%dma_wait3A_255, %dma_wait3A_256] : memref<10112x128xf32, #tpu.memory_space<vmem_shared>> -> memref<10112x128xf32, #tpu.memory_space<vmem_shared>>
      tpu.wait_indirect_dma semaphore(%arg10 : memref<!tpu.dma_semaphore, #tpu.memory_space<semaphore_mem>>) src(%arg9 : memref<128x128xf32, #tpu.memory_space<vmem>>) dst(%dma_wait3A_257 : memref<10112x128xf32, #tpu.memory_space<vmem_shared>>)
      %dma_wait3A_258 = arith.constant 7 : i32
      %dma_wait3A_259 = arith.constant 0 : i32
      %dma_wait3A_260 = tpu.memref_slice %arg8[%dma_wait3A_258, %dma_wait3A_259] : memref<8x128xi32, #tpu.memory_space<vmem>> -> memref<1x128xi32, #tpu.memory_space<vmem>>
      %dma_wait3A_261 = tpu.memref_squeeze %dma_wait3A_260 : memref<1x128xi32, #tpu.memory_space<vmem>> -> memref<128xi32, #tpu.memory_space<vmem>>
      %dma_wait3A_262 = arith.constant 0 : i32
      %dma_wait3A_263 = arith.constant 0 : i32
      %dma_wait3A_264 = tpu.memref_slice %arg12[%dma_wait3A_262, %dma_wait3A_263] : memref<10112x128xf32, #tpu.memory_space<vmem_shared>> -> memref<10112x128xf32, #tpu.memory_space<vmem_shared>>
      tpu.wait_indirect_dma semaphore(%arg10 : memref<!tpu.dma_semaphore, #tpu.memory_space<semaphore_mem>>) src(%arg9 : memref<128x128xf32, #tpu.memory_space<vmem>>) dst(%dma_wait3A_264 : memref<10112x128xf32, #tpu.memory_space<vmem_shared>>)
    }
    %barrier3A_129 = arith.constant 0 : index
    tpu.barrier barrier_id(%barrier3A_129)
    %add3A_130 = arith.constant 0 : i32
    %add3A_131 = arith.addi %multiple_of3A_6, %add3A_130 : i32
    "tpu.region"() ({
      %run_scoped3A = tpu.sem_alloc : memref<!tpu.dma_semaphore, #tpu.memory_space<semaphore_mem>>
      %dma_start3A = arith.constant 0 : i32
      %dma_start3A_150 = arith.constant 0 : i32
      %dma_start3A_151 = tpu.memref_slice %arg9[%dma_start3A, %dma_start3A_150] : memref<128x128xf32, #tpu.memory_space<vmem>> -> memref<128x128xf32, #tpu.memory_space<vmem>>
      %dma_start3A_152 = arith.constant 0 : i32
      %dma_start3A_153 = tpu.memref_slice %arg12[%add3A_131, %dma_start3A_152] : memref<10112x128xf32, #tpu.memory_space<vmem_shared>> -> memref<128x128xf32, #tpu.memory_space<vmem_shared>>
      %dma_start3A_154 = arith.constant 0 : i32
      %dma_start3A_155 = arith.constant 0 : i32
      %dma_start3A_156 = tpu.memref_slice %arg9[%dma_start3A_154, %dma_start3A_155] : memref<128x128xf32, #tpu.memory_space<vmem>> -> memref<128x128xf32, #tpu.memory_space<vmem>>
      %dma_start3A_157 = arith.constant 0 : i32
      %dma_start3A_158 = tpu.memref_slice %arg12[%add3A_131, %dma_start3A_157] : memref<10112x128xf32, #tpu.memory_space<vmem_shared>> -> memref<128x128xf32, #tpu.memory_space<vmem_shared>>
      tpu.enqueue_dma source(%dma_start3A_158 : memref<128x128xf32, #tpu.memory_space<vmem_shared>>) target(%dma_start3A_156 : memref<128x128xf32, #tpu.memory_space<vmem>>) target_semaphore(%run_scoped3A : memref<!tpu.dma_semaphore, #tpu.memory_space<semaphore_mem>>)
      %dma_wait3A = arith.constant 0 : i32
      %dma_wait3A_159 = arith.constant 0 : i32
      %dma_wait3A_160 = tpu.memref_slice %arg9[%dma_wait3A, %dma_wait3A_159] : memref<128x128xf32, #tpu.memory_space<vmem>> -> memref<128x128xf32, #tpu.memory_space<vmem>>
      %dma_wait3A_161 = arith.constant 0 : i32
      %dma_wait3A_162 = tpu.memref_slice %arg12[%add3A_131, %dma_wait3A_161] : memref<10112x128xf32, #tpu.memory_space<vmem_shared>> -> memref<128x128xf32, #tpu.memory_space<vmem_shared>>
      %dma_wait3A_163 = arith.constant 0 : i32
      %dma_wait3A_164 = arith.constant 0 : i32
      %dma_wait3A_165 = tpu.memref_slice %arg9[%dma_wait3A_163, %dma_wait3A_164] : memref<128x128xf32, #tpu.memory_space<vmem>> -> memref<128x128xf32, #tpu.memory_space<vmem>>
      %dma_wait3A_166 = arith.constant 0 : i32
      %dma_wait3A_167 = tpu.memref_slice %arg12[%add3A_131, %dma_wait3A_166] : memref<10112x128xf32, #tpu.memory_space<vmem_shared>> -> memref<128x128xf32, #tpu.memory_space<vmem_shared>>
      tpu.wait_dma2 semaphore(%run_scoped3A : memref<!tpu.dma_semaphore, #tpu.memory_space<semaphore_mem>>) src(%dma_wait3A_167 : memref<128x128xf32, #tpu.memory_space<vmem_shared>>) dst(%dma_wait3A_165 : memref<128x128xf32, #tpu.memory_space<vmem>>)
      tpu.yield
    }) : () -> ()
    %add3A_132 = arith.constant 0 : i32
    %add3A_133 = arith.addi %multiple_of3A_6, %add3A_132 : i32
    "tpu.region"() ({
      %run_scoped3A = tpu.sem_alloc : memref<!tpu.dma_semaphore, #tpu.memory_space<semaphore_mem>>
      %dma_start3A = arith.constant 0 : i32
      %dma_start3A_150 = arith.constant 0 : i32
      %dma_start3A_151 = tpu.memref_slice %arg9[%dma_start3A, %dma_start3A_150] : memref<128x128xf32, #tpu.memory_space<vmem>> -> memref<128x128xf32, #tpu.memory_space<vmem>>
      %dma_start3A_152 = arith.constant 0 : i32
      %dma_start3A_153 = tpu.memref_slice %arg6[%arg0, %add3A_133, %dma_start3A_152] : memref<2x10000x128xf32, #tpu.memory_space<hbm>> -> memref<1x128x128xf32, #tpu.memory_space<hbm>>
      %dma_start3A_154 = tpu.memref_squeeze %dma_start3A_153 : memref<1x128x128xf32, #tpu.memory_space<hbm>> -> memref<128x128xf32, #tpu.memory_space<hbm>>
      %dma_start3A_155 = arith.constant 0 : i32
      %dma_start3A_156 = tpu.memref_slice %arg6[%arg0, %add3A_133, %dma_start3A_155] : memref<2x10000x128xf32, #tpu.memory_space<hbm>> -> memref<1x128x128xf32, #tpu.memory_space<hbm>>
      %dma_start3A_157 = tpu.memref_squeeze %dma_start3A_156 : memref<1x128x128xf32, #tpu.memory_space<hbm>> -> memref<128x128xf32, #tpu.memory_space<hbm>>
      %dma_start3A_158 = arith.constant 0 : i32
      %dma_start3A_159 = arith.constant 0 : i32
      %dma_start3A_160 = tpu.memref_slice %arg9[%dma_start3A_158, %dma_start3A_159] : memref<128x128xf32, #tpu.memory_space<vmem>> -> memref<128x128xf32, #tpu.memory_space<vmem>>
      tpu.enqueue_dma source(%dma_start3A_160 : memref<128x128xf32, #tpu.memory_space<vmem>>) target(%dma_start3A_157 : memref<128x128xf32, #tpu.memory_space<hbm>>) target_semaphore(%run_scoped3A : memref<!tpu.dma_semaphore, #tpu.memory_space<semaphore_mem>>)
      %dma_wait3A = arith.constant 0 : i32
      %dma_wait3A_161 = arith.constant 0 : i32
      %dma_wait3A_162 = tpu.memref_slice %arg9[%dma_wait3A, %dma_wait3A_161] : memref<128x128xf32, #tpu.memory_space<vmem>> -> memref<128x128xf32, #tpu.memory_space<vmem>>
      %dma_wait3A_163 = arith.constant 0 : i32
      %dma_wait3A_164 = tpu.memref_slice %arg6[%arg0, %add3A_133, %dma_wait3A_163] : memref<2x10000x128xf32, #tpu.memory_space<hbm>> -> memref<1x128x128xf32, #tpu.memory_space<hbm>>
      %dma_wait3A_165 = tpu.memref_squeeze %dma_wait3A_164 : memref<1x128x128xf32, #tpu.memory_space<hbm>> -> memref<128x128xf32, #tpu.memory_space<hbm>>
      %dma_wait3A_166 = arith.constant 0 : i32
      %dma_wait3A_167 = tpu.memref_slice %arg6[%arg0, %add3A_133, %dma_wait3A_166] : memref<2x10000x128xf32, #tpu.memory_space<hbm>> -> memref<1x128x128xf32, #tpu.memory_space<hbm>>
      %dma_wait3A_168 = tpu.memref_squeeze %dma_wait3A_167 : memref<1x128x128xf32, #tpu.memory_space<hbm>> -> memref<128x128xf32, #tpu.memory_space<hbm>>
      %dma_wait3A_169 = arith.constant 0 : i32
      %dma_wait3A_170 = arith.constant 0 : i32
      %dma_wait3A_171 = tpu.memref_slice %arg9[%dma_wait3A_169, %dma_wait3A_170] : memref<128x128xf32, #tpu.memory_space<vmem>> -> memref<128x128xf32, #tpu.memory_space<vmem>>
      tpu.wait_dma2 semaphore(%run_scoped3A : memref<!tpu.dma_semaphore, #tpu.memory_space<semaphore_mem>>) src(%dma_wait3A_171 : memref<128x128xf32, #tpu.memory_space<vmem>>) dst(%dma_wait3A_168 : memref<128x128xf32, #tpu.memory_space<hbm>>)
      tpu.yield
    }) : () -> ()
    %add3A_134 = arith.constant 128 : i32
    %add3A_135 = arith.addi %multiple_of3A_6, %add3A_134 : i32
    "tpu.region"() ({
      %run_scoped3A = tpu.sem_alloc : memref<!tpu.dma_semaphore, #tpu.memory_space<semaphore_mem>>
      %dma_start3A = arith.constant 0 : i32
      %dma_start3A_150 = arith.constant 0 : i32
      %dma_start3A_151 = tpu.memref_slice %arg9[%dma_start3A, %dma_start3A_150] : memref<128x128xf32, #tpu.memory_space<vmem>> -> memref<128x128xf32, #tpu.memory_space<vmem>>
      %dma_start3A_152 = arith.constant 0 : i32
      %dma_start3A_153 = tpu.memref_slice %arg12[%add3A_135, %dma_start3A_152] : memref<10112x128xf32, #tpu.memory_space<vmem_shared>> -> memref<128x128xf32, #tpu.memory_space<vmem_shared>>
      %dma_start3A_154 = arith.constant 0 : i32
      %dma_start3A_155 = arith.constant 0 : i32
      %dma_start3A_156 = tpu.memref_slice %arg9[%dma_start3A_154, %dma_start3A_155] : memref<128x128xf32, #tpu.memory_space<vmem>> -> memref<128x128xf32, #tpu.memory_space<vmem>>
      %dma_start3A_157 = arith.constant 0 : i32
      %dma_start3A_158 = tpu.memref_slice %arg12[%add3A_135, %dma_start3A_157] : memref<10112x128xf32, #tpu.memory_space<vmem_shared>> -> memref<128x128xf32, #tpu.memory_space<vmem_shared>>
      tpu.enqueue_dma source(%dma_start3A_158 : memref<128x128xf32, #tpu.memory_space<vmem_shared>>) target(%dma_start3A_156 : memref<128x128xf32, #tpu.memory_space<vmem>>) target_semaphore(%run_scoped3A : memref<!tpu.dma_semaphore, #tpu.memory_space<semaphore_mem>>)
      %dma_wait3A = arith.constant 0 : i32
      %dma_wait3A_159 = arith.constant 0 : i32
      %dma_wait3A_160 = tpu.memref_slice %arg9[%dma_wait3A, %dma_wait3A_159] : memref<128x128xf32, #tpu.memory_space<vmem>> -> memref<128x128xf32, #tpu.memory_space<vmem>>
      %dma_wait3A_161 = arith.constant 0 : i32
      %dma_wait3A_162 = tpu.memref_slice %arg12[%add3A_135, %dma_wait3A_161] : memref<10112x128xf32, #tpu.memory_space<vmem_shared>> -> memref<128x128xf32, #tpu.memory_space<vmem_shared>>
      %dma_wait3A_163 = arith.constant 0 : i32
      %dma_wait3A_164 = arith.constant 0 : i32
      %dma_wait3A_165 = tpu.memref_slice %arg9[%dma_wait3A_163, %dma_wait3A_164] : memref<128x128xf32, #tpu.memory_space<vmem>> -> memref<128x128xf32, #tpu.memory_space<vmem>>
      %dma_wait3A_166 = arith.constant 0 : i32
      %dma_wait3A_167 = tpu.memref_slice %arg12[%add3A_135, %dma_wait3A_166] : memref<10112x128xf32, #tpu.memory_space<vmem_shared>> -> memref<128x128xf32, #tpu.memory_space<vmem_shared>>
      tpu.wait_dma2 semaphore(%run_scoped3A : memref<!tpu.dma_semaphore, #tpu.memory_space<semaphore_mem>>) src(%dma_wait3A_167 : memref<128x128xf32, #tpu.memory_space<vmem_shared>>) dst(%dma_wait3A_165 : memref<128x128xf32, #tpu.memory_space<vmem>>)
      tpu.yield
    }) : () -> ()
    %add3A_136 = arith.constant 128 : i32
    %add3A_137 = arith.addi %multiple_of3A_6, %add3A_136 : i32
    "tpu.region"() ({
      %run_scoped3A = tpu.sem_alloc : memref<!tpu.dma_semaphore, #tpu.memory_space<semaphore_mem>>
      %dma_start3A = arith.constant 0 : i32
      %dma_start3A_150 = arith.constant 0 : i32
      %dma_start3A_151 = tpu.memref_slice %arg9[%dma_start3A, %dma_start3A_150] : memref<128x128xf32, #tpu.memory_space<vmem>> -> memref<128x128xf32, #tpu.memory_space<vmem>>
      %dma_start3A_152 = arith.constant 0 : i32
      %dma_start3A_153 = tpu.memref_slice %arg6[%arg0, %add3A_137, %dma_start3A_152] : memref<2x10000x128xf32, #tpu.memory_space<hbm>> -> memref<1x128x128xf32, #tpu.memory_space<hbm>>
      %dma_start3A_154 = tpu.memref_squeeze %dma_start3A_153 : memref<1x128x128xf32, #tpu.memory_space<hbm>> -> memref<128x128xf32, #tpu.memory_space<hbm>>
      %dma_start3A_155 = arith.constant 0 : i32
      %dma_start3A_156 = tpu.memref_slice %arg6[%arg0, %add3A_137, %dma_start3A_155] : memref<2x10000x128xf32, #tpu.memory_space<hbm>> -> memref<1x128x128xf32, #tpu.memory_space<hbm>>
      %dma_start3A_157 = tpu.memref_squeeze %dma_start3A_156 : memref<1x128x128xf32, #tpu.memory_space<hbm>> -> memref<128x128xf32, #tpu.memory_space<hbm>>
      %dma_start3A_158 = arith.constant 0 : i32
      %dma_start3A_159 = arith.constant 0 : i32
      %dma_start3A_160 = tpu.memref_slice %arg9[%dma_start3A_158, %dma_start3A_159] : memref<128x128xf32, #tpu.memory_space<vmem>> -> memref<128x128xf32, #tpu.memory_space<vmem>>
      tpu.enqueue_dma source(%dma_start3A_160 : memref<128x128xf32, #tpu.memory_space<vmem>>) target(%dma_start3A_157 : memref<128x128xf32, #tpu.memory_space<hbm>>) target_semaphore(%run_scoped3A : memref<!tpu.dma_semaphore, #tpu.memory_space<semaphore_mem>>)
      %dma_wait3A = arith.constant 0 : i32
      %dma_wait3A_161 = arith.constant 0 : i32
      %dma_wait3A_162 = tpu.memref_slice %arg9[%dma_wait3A, %dma_wait3A_161] : memref<128x128xf32, #tpu.memory_space<vmem>> -> memref<128x128xf32, #tpu.memory_space<vmem>>
      %dma_wait3A_163 = arith.constant 0 : i32
      %dma_wait3A_164 = tpu.memref_slice %arg6[%arg0, %add3A_137, %dma_wait3A_163] : memref<2x10000x128xf32, #tpu.memory_space<hbm>> -> memref<1x128x128xf32, #tpu.memory_space<hbm>>
      %dma_wait3A_165 = tpu.memref_squeeze %dma_wait3A_164 : memref<1x128x128xf32, #tpu.memory_space<hbm>> -> memref<128x128xf32, #tpu.memory_space<hbm>>
      %dma_wait3A_166 = arith.constant 0 : i32
      %dma_wait3A_167 = tpu.memref_slice %arg6[%arg0, %add3A_137, %dma_wait3A_166] : memref<2x10000x128xf32, #tpu.memory_space<hbm>> -> memref<1x128x128xf32, #tpu.memory_space<hbm>>
      %dma_wait3A_168 = tpu.memref_squeeze %dma_wait3A_167 : memref<1x128x128xf32, #tpu.memory_space<hbm>> -> memref<128x128xf32, #tpu.memory_space<hbm>>
      %dma_wait3A_169 = arith.constant 0 : i32
      %dma_wait3A_170 = arith.constant 0 : i32
      %dma_wait3A_171 = tpu.memref_slice %arg9[%dma_wait3A_169, %dma_wait3A_170] : memref<128x128xf32, #tpu.memory_space<vmem>> -> memref<128x128xf32, #tpu.memory_space<vmem>>
      tpu.wait_dma2 semaphore(%run_scoped3A : memref<!tpu.dma_semaphore, #tpu.memory_space<semaphore_mem>>) src(%dma_wait3A_171 : memref<128x128xf32, #tpu.memory_space<vmem>>) dst(%dma_wait3A_168 : memref<128x128xf32, #tpu.memory_space<hbm>>)
      tpu.yield
    }) : () -> ()
    %add3A_138 = arith.constant 256 : i32
    %add3A_139 = arith.addi %multiple_of3A_6, %add3A_138 : i32
    "tpu.region"() ({
      %run_scoped3A = tpu.sem_alloc : memref<!tpu.dma_semaphore, #tpu.memory_space<semaphore_mem>>
      %dma_start3A = arith.constant 0 : i32
      %dma_start3A_150 = arith.constant 0 : i32
      %dma_start3A_151 = tpu.memref_slice %arg9[%dma_start3A, %dma_start3A_150] : memref<128x128xf32, #tpu.memory_space<vmem>> -> memref<128x128xf32, #tpu.memory_space<vmem>>
      %dma_start3A_152 = arith.constant 0 : i32
      %dma_start3A_153 = tpu.memref_slice %arg12[%add3A_139, %dma_start3A_152] : memref<10112x128xf32, #tpu.memory_space<vmem_shared>> -> memref<128x128xf32, #tpu.memory_space<vmem_shared>>
      %dma_start3A_154 = arith.constant 0 : i32
      %dma_start3A_155 = arith.constant 0 : i32
      %dma_start3A_156 = tpu.memref_slice %arg9[%dma_start3A_154, %dma_start3A_155] : memref<128x128xf32, #tpu.memory_space<vmem>> -> memref<128x128xf32, #tpu.memory_space<vmem>>
      %dma_start3A_157 = arith.constant 0 : i32
      %dma_start3A_158 = tpu.memref_slice %arg12[%add3A_139, %dma_start3A_157] : memref<10112x128xf32, #tpu.memory_space<vmem_shared>> -> memref<128x128xf32, #tpu.memory_space<vmem_shared>>
      tpu.enqueue_dma source(%dma_start3A_158 : memref<128x128xf32, #tpu.memory_space<vmem_shared>>) target(%dma_start3A_156 : memref<128x128xf32, #tpu.memory_space<vmem>>) target_semaphore(%run_scoped3A : memref<!tpu.dma_semaphore, #tpu.memory_space<semaphore_mem>>)
      %dma_wait3A = arith.constant 0 : i32
      %dma_wait3A_159 = arith.constant 0 : i32
      %dma_wait3A_160 = tpu.memref_slice %arg9[%dma_wait3A, %dma_wait3A_159] : memref<128x128xf32, #tpu.memory_space<vmem>> -> memref<128x128xf32, #tpu.memory_space<vmem>>
      %dma_wait3A_161 = arith.constant 0 : i32
      %dma_wait3A_162 = tpu.memref_slice %arg12[%add3A_139, %dma_wait3A_161] : memref<10112x128xf32, #tpu.memory_space<vmem_shared>> -> memref<128x128xf32, #tpu.memory_space<vmem_shared>>
      %dma_wait3A_163 = arith.constant 0 : i32
      %dma_wait3A_164 = arith.constant 0 : i32
      %dma_wait3A_165 = tpu.memref_slice %arg9[%dma_wait3A_163, %dma_wait3A_164] : memref<128x128xf32, #tpu.memory_space<vmem>> -> memref<128x128xf32, #tpu.memory_space<vmem>>
      %dma_wait3A_166 = arith.constant 0 : i32
      %dma_wait3A_167 = tpu.memref_slice %arg12[%add3A_139, %dma_wait3A_166] : memref<10112x128xf32, #tpu.memory_space<vmem_shared>> -> memref<128x128xf32, #tpu.memory_space<vmem_shared>>
      tpu.wait_dma2 semaphore(%run_scoped3A : memref<!tpu.dma_semaphore, #tpu.memory_space<semaphore_mem>>) src(%dma_wait3A_167 : memref<128x128xf32, #tpu.memory_space<vmem_shared>>) dst(%dma_wait3A_165 : memref<128x128xf32, #tpu.memory_space<vmem>>)
      tpu.yield
    }) : () -> ()
    %add3A_140 = arith.constant 256 : i32
    %add3A_141 = arith.addi %multiple_of3A_6, %add3A_140 : i32
    "tpu.region"() ({
      %run_scoped3A = tpu.sem_alloc : memref<!tpu.dma_semaphore, #tpu.memory_space<semaphore_mem>>
      %dma_start3A = arith.constant 0 : i32
      %dma_start3A_150 = arith.constant 0 : i32
      %dma_start3A_151 = tpu.memref_slice %arg9[%dma_start3A, %dma_start3A_150] : memref<128x128xf32, #tpu.memory_space<vmem>> -> memref<128x128xf32, #tpu.memory_space<vmem>>
      %dma_start3A_152 = arith.constant 0 : i32
      %dma_start3A_153 = tpu.memref_slice %arg6[%arg0, %add3A_141, %dma_start3A_152] : memref<2x10000x128xf32, #tpu.memory_space<hbm>> -> memref<1x128x128xf32, #tpu.memory_space<hbm>>
      %dma_start3A_154 = tpu.memref_squeeze %dma_start3A_153 : memref<1x128x128xf32, #tpu.memory_space<hbm>> -> memref<128x128xf32, #tpu.memory_space<hbm>>
      %dma_start3A_155 = arith.constant 0 : i32
      %dma_start3A_156 = tpu.memref_slice %arg6[%arg0, %add3A_141, %dma_start3A_155] : memref<2x10000x128xf32, #tpu.memory_space<hbm>> -> memref<1x128x128xf32, #tpu.memory_space<hbm>>
      %dma_start3A_157 = tpu.memref_squeeze %dma_start3A_156 : memref<1x128x128xf32, #tpu.memory_space<hbm>> -> memref<128x128xf32, #tpu.memory_space<hbm>>
      %dma_start3A_158 = arith.constant 0 : i32
      %dma_start3A_159 = arith.constant 0 : i32
      %dma_start3A_160 = tpu.memref_slice %arg9[%dma_start3A_158, %dma_start3A_159] : memref<128x128xf32, #tpu.memory_space<vmem>> -> memref<128x128xf32, #tpu.memory_space<vmem>>
      tpu.enqueue_dma source(%dma_start3A_160 : memref<128x128xf32, #tpu.memory_space<vmem>>) target(%dma_start3A_157 : memref<128x128xf32, #tpu.memory_space<hbm>>) target_semaphore(%run_scoped3A : memref<!tpu.dma_semaphore, #tpu.memory_space<semaphore_mem>>)
      %dma_wait3A = arith.constant 0 : i32
      %dma_wait3A_161 = arith.constant 0 : i32
      %dma_wait3A_162 = tpu.memref_slice %arg9[%dma_wait3A, %dma_wait3A_161] : memref<128x128xf32, #tpu.memory_space<vmem>> -> memref<128x128xf32, #tpu.memory_space<vmem>>
      %dma_wait3A_163 = arith.constant 0 : i32
      %dma_wait3A_164 = tpu.memref_slice %arg6[%arg0, %add3A_141, %dma_wait3A_163] : memref<2x10000x128xf32, #tpu.memory_space<hbm>> -> memref<1x128x128xf32, #tpu.memory_space<hbm>>
      %dma_wait3A_165 = tpu.memref_squeeze %dma_wait3A_164 : memref<1x128x128xf32, #tpu.memory_space<hbm>> -> memref<128x128xf32, #tpu.memory_space<hbm>>
      %dma_wait3A_166 = arith.constant 0 : i32
      %dma_wait3A_167 = tpu.memref_slice %arg6[%arg0, %add3A_141, %dma_wait3A_166] : memref<2x10000x128xf32, #tpu.memory_space<hbm>> -> memref<1x128x128xf32, #tpu.memory_space<hbm>>
      %dma_wait3A_168 = tpu.memref_squeeze %dma_wait3A_167 : memref<1x128x128xf32, #tpu.memory_space<hbm>> -> memref<128x128xf32, #tpu.memory_space<hbm>>
      %dma_wait3A_169 = arith.constant 0 : i32
      %dma_wait3A_170 = arith.constant 0 : i32
      %dma_wait3A_171 = tpu.memref_slice %arg9[%dma_wait3A_169, %dma_wait3A_170] : memref<128x128xf32, #tpu.memory_space<vmem>> -> memref<128x128xf32, #tpu.memory_space<vmem>>
      tpu.wait_dma2 semaphore(%run_scoped3A : memref<!tpu.dma_semaphore, #tpu.memory_space<semaphore_mem>>) src(%dma_wait3A_171 : memref<128x128xf32, #tpu.memory_space<vmem>>) dst(%dma_wait3A_168 : memref<128x128xf32, #tpu.memory_space<hbm>>)
      tpu.yield
    }) : () -> ()
    %add3A_142 = arith.constant 384 : i32
    %add3A_143 = arith.addi %multiple_of3A_6, %add3A_142 : i32
    "tpu.region"() ({
      %run_scoped3A = tpu.sem_alloc : memref<!tpu.dma_semaphore, #tpu.memory_space<semaphore_mem>>
      %dma_start3A = arith.constant 0 : i32
      %dma_start3A_150 = arith.constant 0 : i32
      %dma_start3A_151 = tpu.memref_slice %arg9[%dma_start3A, %dma_start3A_150] : memref<128x128xf32, #tpu.memory_space<vmem>> -> memref<128x128xf32, #tpu.memory_space<vmem>>
      %dma_start3A_152 = arith.constant 0 : i32
      %dma_start3A_153 = tpu.memref_slice %arg12[%add3A_143, %dma_start3A_152] : memref<10112x128xf32, #tpu.memory_space<vmem_shared>> -> memref<128x128xf32, #tpu.memory_space<vmem_shared>>
      %dma_start3A_154 = arith.constant 0 : i32
      %dma_start3A_155 = arith.constant 0 : i32
      %dma_start3A_156 = tpu.memref_slice %arg9[%dma_start3A_154, %dma_start3A_155] : memref<128x128xf32, #tpu.memory_space<vmem>> -> memref<128x128xf32, #tpu.memory_space<vmem>>
      %dma_start3A_157 = arith.constant 0 : i32
      %dma_start3A_158 = tpu.memref_slice %arg12[%add3A_143, %dma_start3A_157] : memref<10112x128xf32, #tpu.memory_space<vmem_shared>> -> memref<128x128xf32, #tpu.memory_space<vmem_shared>>
      tpu.enqueue_dma source(%dma_start3A_158 : memref<128x128xf32, #tpu.memory_space<vmem_shared>>) target(%dma_start3A_156 : memref<128x128xf32, #tpu.memory_space<vmem>>) target_semaphore(%run_scoped3A : memref<!tpu.dma_semaphore, #tpu.memory_space<semaphore_mem>>)
      %dma_wait3A = arith.constant 0 : i32
      %dma_wait3A_159 = arith.constant 0 : i32
      %dma_wait3A_160 = tpu.memref_slice %arg9[%dma_wait3A, %dma_wait3A_159] : memref<128x128xf32, #tpu.memory_space<vmem>> -> memref<128x128xf32, #tpu.memory_space<vmem>>
      %dma_wait3A_161 = arith.constant 0 : i32
      %dma_wait3A_162 = tpu.memref_slice %arg12[%add3A_143, %dma_wait3A_161] : memref<10112x128xf32, #tpu.memory_space<vmem_shared>> -> memref<128x128xf32, #tpu.memory_space<vmem_shared>>
      %dma_wait3A_163 = arith.constant 0 : i32
      %dma_wait3A_164 = arith.constant 0 : i32
      %dma_wait3A_165 = tpu.memref_slice %arg9[%dma_wait3A_163, %dma_wait3A_164] : memref<128x128xf32, #tpu.memory_space<vmem>> -> memref<128x128xf32, #tpu.memory_space<vmem>>
      %dma_wait3A_166 = arith.constant 0 : i32
      %dma_wait3A_167 = tpu.memref_slice %arg12[%add3A_143, %dma_wait3A_166] : memref<10112x128xf32, #tpu.memory_space<vmem_shared>> -> memref<128x128xf32, #tpu.memory_space<vmem_shared>>
      tpu.wait_dma2 semaphore(%run_scoped3A : memref<!tpu.dma_semaphore, #tpu.memory_space<semaphore_mem>>) src(%dma_wait3A_167 : memref<128x128xf32, #tpu.memory_space<vmem_shared>>) dst(%dma_wait3A_165 : memref<128x128xf32, #tpu.memory_space<vmem>>)
      tpu.yield
    }) : () -> ()
    %add3A_144 = arith.constant 384 : i32
    %add3A_145 = arith.addi %multiple_of3A_6, %add3A_144 : i32
    "tpu.region"() ({
      %run_scoped3A = tpu.sem_alloc : memref<!tpu.dma_semaphore, #tpu.memory_space<semaphore_mem>>
      %dma_start3A = arith.constant 0 : i32
      %dma_start3A_150 = arith.constant 0 : i32
      %dma_start3A_151 = tpu.memref_slice %arg9[%dma_start3A, %dma_start3A_150] : memref<128x128xf32, #tpu.memory_space<vmem>> -> memref<128x128xf32, #tpu.memory_space<vmem>>
      %dma_start3A_152 = arith.constant 0 : i32
      %dma_start3A_153 = tpu.memref_slice %arg6[%arg0, %add3A_145, %dma_start3A_152] : memref<2x10000x128xf32, #tpu.memory_space<hbm>> -> memref<1x128x128xf32, #tpu.memory_space<hbm>>
      %dma_start3A_154 = tpu.memref_squeeze %dma_start3A_153 : memref<1x128x128xf32, #tpu.memory_space<hbm>> -> memref<128x128xf32, #tpu.memory_space<hbm>>
      %dma_start3A_155 = arith.constant 0 : i32
      %dma_start3A_156 = tpu.memref_slice %arg6[%arg0, %add3A_145, %dma_start3A_155] : memref<2x10000x128xf32, #tpu.memory_space<hbm>> -> memref<1x128x128xf32, #tpu.memory_space<hbm>>
      %dma_start3A_157 = tpu.memref_squeeze %dma_start3A_156 : memref<1x128x128xf32, #tpu.memory_space<hbm>> -> memref<128x128xf32, #tpu.memory_space<hbm>>
      %dma_start3A_158 = arith.constant 0 : i32
      %dma_start3A_159 = arith.constant 0 : i32
      %dma_start3A_160 = tpu.memref_slice %arg9[%dma_start3A_158, %dma_start3A_159] : memref<128x128xf32, #tpu.memory_space<vmem>> -> memref<128x128xf32, #tpu.memory_space<vmem>>
      tpu.enqueue_dma source(%dma_start3A_160 : memref<128x128xf32, #tpu.memory_space<vmem>>) target(%dma_start3A_157 : memref<128x128xf32, #tpu.memory_space<hbm>>) target_semaphore(%run_scoped3A : memref<!tpu.dma_semaphore, #tpu.memory_space<semaphore_mem>>)
      %dma_wait3A = arith.constant 0 : i32
      %dma_wait3A_161 = arith.constant 0 : i32
      %dma_wait3A_162 = tpu.memref_slice %arg9[%dma_wait3A, %dma_wait3A_161] : memref<128x128xf32, #tpu.memory_space<vmem>> -> memref<128x128xf32, #tpu.memory_space<vmem>>
      %dma_wait3A_163 = arith.constant 0 : i32
      %dma_wait3A_164 = tpu.memref_slice %arg6[%arg0, %add3A_145, %dma_wait3A_163] : memref<2x10000x128xf32, #tpu.memory_space<hbm>> -> memref<1x128x128xf32, #tpu.memory_space<hbm>>
      %dma_wait3A_165 = tpu.memref_squeeze %dma_wait3A_164 : memref<1x128x128xf32, #tpu.memory_space<hbm>> -> memref<128x128xf32, #tpu.memory_space<hbm>>
      %dma_wait3A_166 = arith.constant 0 : i32
      %dma_wait3A_167 = tpu.memref_slice %arg6[%arg0, %add3A_145, %dma_wait3A_166] : memref<2x10000x128xf32, #tpu.memory_space<hbm>> -> memref<1x128x128xf32, #tpu.memory_space<hbm>>
      %dma_wait3A_168 = tpu.memref_squeeze %dma_wait3A_167 : memref<1x128x128xf32, #tpu.memory_space<hbm>> -> memref<128x128xf32, #tpu.memory_space<hbm>>
      %dma_wait3A_169 = arith.constant 0 : i32
      %dma_wait3A_170 = arith.constant 0 : i32
      %dma_wait3A_171 = tpu.memref_slice %arg9[%dma_wait3A_169, %dma_wait3A_170] : memref<128x128xf32, #tpu.memory_space<vmem>> -> memref<128x128xf32, #tpu.memory_space<vmem>>
      tpu.wait_dma2 semaphore(%run_scoped3A : memref<!tpu.dma_semaphore, #tpu.memory_space<semaphore_mem>>) src(%dma_wait3A_171 : memref<128x128xf32, #tpu.memory_space<vmem>>) dst(%dma_wait3A_168 : memref<128x128xf32, #tpu.memory_space<hbm>>)
      tpu.yield
    }) : () -> ()
    %add3A_146 = arith.constant 512 : i32
    %add3A_147 = arith.addi %multiple_of3A_6, %add3A_146 : i32
    "tpu.region"() ({
      %run_scoped3A = tpu.sem_alloc : memref<!tpu.dma_semaphore, #tpu.memory_space<semaphore_mem>>
      %dma_start3A = arith.constant 0 : i32
      %dma_start3A_150 = arith.constant 0 : i32
      %dma_start3A_151 = tpu.memref_slice %arg9[%dma_start3A, %dma_start3A_150] : memref<128x128xf32, #tpu.memory_space<vmem>> -> memref<120x128xf32, #tpu.memory_space<vmem>>
      %dma_start3A_152 = arith.constant 0 : i32
      %dma_start3A_153 = tpu.memref_slice %arg12[%add3A_147, %dma_start3A_152] : memref<10112x128xf32, #tpu.memory_space<vmem_shared>> -> memref<120x128xf32, #tpu.memory_space<vmem_shared>>
      %dma_start3A_154 = arith.constant 0 : i32
      %dma_start3A_155 = arith.constant 0 : i32
      %dma_start3A_156 = tpu.memref_slice %arg9[%dma_start3A_154, %dma_start3A_155] : memref<128x128xf32, #tpu.memory_space<vmem>> -> memref<120x128xf32, #tpu.memory_space<vmem>>
      %dma_start3A_157 = arith.constant 0 : i32
      %dma_start3A_158 = tpu.memref_slice %arg12[%add3A_147, %dma_start3A_157] : memref<10112x128xf32, #tpu.memory_space<vmem_shared>> -> memref<120x128xf32, #tpu.memory_space<vmem_shared>>
      tpu.enqueue_dma source(%dma_start3A_158 : memref<120x128xf32, #tpu.memory_space<vmem_shared>>) target(%dma_start3A_156 : memref<120x128xf32, #tpu.memory_space<vmem>>) target_semaphore(%run_scoped3A : memref<!tpu.dma_semaphore, #tpu.memory_space<semaphore_mem>>)
      %dma_wait3A = arith.constant 0 : i32
      %dma_wait3A_159 = arith.constant 0 : i32
      %dma_wait3A_160 = tpu.memref_slice %arg9[%dma_wait3A, %dma_wait3A_159] : memref<128x128xf32, #tpu.memory_space<vmem>> -> memref<120x128xf32, #tpu.memory_space<vmem>>
      %dma_wait3A_161 = arith.constant 0 : i32
      %dma_wait3A_162 = tpu.memref_slice %arg12[%add3A_147, %dma_wait3A_161] : memref<10112x128xf32, #tpu.memory_space<vmem_shared>> -> memref<120x128xf32, #tpu.memory_space<vmem_shared>>
      %dma_wait3A_163 = arith.constant 0 : i32
      %dma_wait3A_164 = arith.constant 0 : i32
      %dma_wait3A_165 = tpu.memref_slice %arg9[%dma_wait3A_163, %dma_wait3A_164] : memref<128x128xf32, #tpu.memory_space<vmem>> -> memref<120x128xf32, #tpu.memory_space<vmem>>
      %dma_wait3A_166 = arith.constant 0 : i32
      %dma_wait3A_167 = tpu.memref_slice %arg12[%add3A_147, %dma_wait3A_166] : memref<10112x128xf32, #tpu.memory_space<vmem_shared>> -> memref<120x128xf32, #tpu.memory_space<vmem_shared>>
      tpu.wait_dma2 semaphore(%run_scoped3A : memref<!tpu.dma_semaphore, #tpu.memory_space<semaphore_mem>>) src(%dma_wait3A_167 : memref<120x128xf32, #tpu.memory_space<vmem_shared>>) dst(%dma_wait3A_165 : memref<120x128xf32, #tpu.memory_space<vmem>>)
      tpu.yield
    }) : () -> ()
    %add3A_148 = arith.constant 512 : i32
    %add3A_149 = arith.addi %multiple_of3A_6, %add3A_148 : i32
    "tpu.region"() ({
      %run_scoped3A = tpu.sem_alloc : memref<!tpu.dma_semaphore, #tpu.memory_space<semaphore_mem>>
      %dma_start3A = arith.constant 0 : i32
      %dma_start3A_150 = arith.constant 0 : i32
      %dma_start3A_151 = tpu.memref_slice %arg9[%dma_start3A, %dma_start3A_150] : memref<128x128xf32, #tpu.memory_space<vmem>> -> memref<120x128xf32, #tpu.memory_space<vmem>>
      %dma_start3A_152 = arith.constant 0 : i32
      %dma_start3A_153 = tpu.memref_slice %arg6[%arg0, %add3A_149, %dma_start3A_152] : memref<2x10000x128xf32, #tpu.memory_space<hbm>> -> memref<1x120x128xf32, #tpu.memory_space<hbm>>
      %dma_start3A_154 = tpu.memref_squeeze %dma_start3A_153 : memref<1x120x128xf32, #tpu.memory_space<hbm>> -> memref<120x128xf32, #tpu.memory_space<hbm>>
      %dma_start3A_155 = arith.constant 0 : i32
      %dma_start3A_156 = tpu.memref_slice %arg6[%arg0, %add3A_149, %dma_start3A_155] : memref<2x10000x128xf32, #tpu.memory_space<hbm>> -> memref<1x120x128xf32, #tpu.memory_space<hbm>>
      %dma_start3A_157 = tpu.memref_squeeze %dma_start3A_156 : memref<1x120x128xf32, #tpu.memory_space<hbm>> -> memref<120x128xf32, #tpu.memory_space<hbm>>
      %dma_start3A_158 = arith.constant 0 : i32
      %dma_start3A_159 = arith.constant 0 : i32
      %dma_start3A_160 = tpu.memref_slice %arg9[%dma_start3A_158, %dma_start3A_159] : memref<128x128xf32, #tpu.memory_space<vmem>> -> memref<120x128xf32, #tpu.memory_space<vmem>>
      tpu.enqueue_dma source(%dma_start3A_160 : memref<120x128xf32, #tpu.memory_space<vmem>>) target(%dma_start3A_157 : memref<120x128xf32, #tpu.memory_space<hbm>>) target_semaphore(%run_scoped3A : memref<!tpu.dma_semaphore, #tpu.memory_space<semaphore_mem>>)
      %dma_wait3A = arith.constant 0 : i32
      %dma_wait3A_161 = arith.constant 0 : i32
      %dma_wait3A_162 = tpu.memref_slice %arg9[%dma_wait3A, %dma_wait3A_161] : memref<128x128xf32, #tpu.memory_space<vmem>> -> memref<120x128xf32, #tpu.memory_space<vmem>>
      %dma_wait3A_163 = arith.constant 0 : i32
      %dma_wait3A_164 = tpu.memref_slice %arg6[%arg0, %add3A_149, %dma_wait3A_163] : memref<2x10000x128xf32, #tpu.memory_space<hbm>> -> memref<1x120x128xf32, #tpu.memory_space<hbm>>
      %dma_wait3A_165 = tpu.memref_squeeze %dma_wait3A_164 : memref<1x120x128xf32, #tpu.memory_space<hbm>> -> memref<120x128xf32, #tpu.memory_space<hbm>>
      %dma_wait3A_166 = arith.constant 0 : i32
      %dma_wait3A_167 = tpu.memref_slice %arg6[%arg0, %add3A_149, %dma_wait3A_166] : memref<2x10000x128xf32, #tpu.memory_space<hbm>> -> memref<1x120x128xf32, #tpu.memory_space<hbm>>
      %dma_wait3A_168 = tpu.memref_squeeze %dma_wait3A_167 : memref<1x120x128xf32, #tpu.memory_space<hbm>> -> memref<120x128xf32, #tpu.memory_space<hbm>>
      %dma_wait3A_169 = arith.constant 0 : i32
      %dma_wait3A_170 = arith.constant 0 : i32
      %dma_wait3A_171 = tpu.memref_slice %arg9[%dma_wait3A_169, %dma_wait3A_170] : memref<128x128xf32, #tpu.memory_space<vmem>> -> memref<120x128xf32, #tpu.memory_space<vmem>>
      tpu.wait_dma2 semaphore(%run_scoped3A : memref<!tpu.dma_semaphore, #tpu.memory_space<semaphore_mem>>) src(%dma_wait3A_171 : memref<120x128xf32, #tpu.memory_space<vmem>>) dst(%dma_wait3A_168 : memref<120x128xf32, #tpu.memory_space<hbm>>)
      tpu.yield
    }) : () -> ()
    return
  }
}

module attributes {stable_mosaic.version = 14 : i64} {
  func.func @_tc_body(%arg0: i32, %arg1: memref<1000x128xf32, #tpu.memory_space<vmem>>, %arg2: memref<2x1000x128xf32, #tpu.memory_space<vmem>>, %arg3: memref<2x1000x128xf32, #tpu.memory_space<vmem>>, %arg4: memref<128x128xf32, #tpu.memory_space<vmem>>, %arg5: memref<128x128xf32, #tpu.memory_space<vmem>>, %arg6: memref<1x128xf32, #tpu.memory_space<vmem>>, %arg7: memref<1x128xf32, #tpu.memory_space<vmem>>, %arg8: memref<1x128xf32, #tpu.memory_space<vmem>>, %arg9: memref<1000x128xf32, #tpu.memory_space<vmem>>) attributes {dimension_semantics = [#tpu.dimension_semantics<arbitrary>], iteration_bounds = array<i64: 10>, scalar_prefetch = 0 : i64, scratch_operands = 0 : i64, tpu.core_type = #tpu.core_type<tc>, window_params = [{transform_indices = @transform_0, window_bounds = array<i64: 1000, 128>}, {transform_indices = @transform_1, window_bounds = array<i64: 2, 1000, 128>}, {transform_indices = @transform_2, window_bounds = array<i64: 2, 1000, 128>}, {pipeline_mode = #tpu.pipeline_mode<synchronous>, transform_indices = @transform_3, window_bounds = array<i64: 128, 128>}, {pipeline_mode = #tpu.pipeline_mode<synchronous>, transform_indices = @transform_4, window_bounds = array<i64: 128, 128>}, {pipeline_mode = #tpu.pipeline_mode<synchronous>, transform_indices = @transform_5, window_bounds = array<i64: 1, 128>}, {pipeline_mode = #tpu.pipeline_mode<synchronous>, transform_indices = @transform_6, window_bounds = array<i64: 1, 128>}, {pipeline_mode = #tpu.pipeline_mode<synchronous>, transform_indices = @transform_7, window_bounds = array<i64: 1, 128>}, {transform_indices = @transform_8, window_bounds = array<i64: 1000, 128>}]} {
    %get3A = arith.constant 0 : index
    %get3A_0 = arith.constant 0 : index
    %get3A_1 = arith.constant 0 : index
    %get3A_2 = vector.load %arg2[%get3A, %get3A_0, %get3A_1] : memref<2x1000x128xf32, #tpu.memory_space<vmem>>, vector<1x1000x128xf32>
    %get3A_3 = vector.shape_cast %get3A_2 : vector<1x1000x128xf32> to vector<1000x128xf32>
    %get3A_4 = arith.constant 1 : index
    %get3A_5 = arith.constant 0 : index
    %get3A_6 = arith.constant 0 : index
    %get3A_7 = vector.load %arg2[%get3A_4, %get3A_5, %get3A_6] : memref<2x1000x128xf32, #tpu.memory_space<vmem>>, vector<1x1000x128xf32>
    %get3A_8 = vector.shape_cast %get3A_7 : vector<1x1000x128xf32> to vector<1000x128xf32>
    %add3A = arith.addf %get3A_3, %get3A_8 : vector<1000x128xf32>
    %get3A_9 = arith.constant 0 : index
    %get3A_10 = arith.constant 0 : index
    %get3A_11 = arith.constant 0 : index
    %get3A_12 = vector.load %arg3[%get3A_9, %get3A_10, %get3A_11] : memref<2x1000x128xf32, #tpu.memory_space<vmem>>, vector<1x1000x1xf32>
    %get3A_13 = vector.shape_cast %get3A_12 : vector<1x1000x1xf32> to vector<1000x1xf32>
    %get3A_14 = arith.constant 1 : index
    %get3A_15 = arith.constant 0 : index
    %get3A_16 = arith.constant 0 : index
    %get3A_17 = vector.load %arg3[%get3A_14, %get3A_15, %get3A_16] : memref<2x1000x128xf32, #tpu.memory_space<vmem>>, vector<1x1000x1xf32>
    %get3A_18 = vector.shape_cast %get3A_17 : vector<1x1000x1xf32> to vector<1000x1xf32>
    %add3A_19 = arith.addf %get3A_13, %get3A_18 : vector<1000x1xf32>
    %max3A = arith.constant 1.000000e+00 : f32
    %max3A_20 = vector.broadcast %max3A : f32 to vector<1000x1xf32>
    %max3A_21 = arith.maximumf %add3A_19, %max3A_20 : vector<1000x1xf32>
    %div3A = vector.broadcast %max3A_21 : vector<1000x1xf32> to vector<1000x128xf32>
    %div3A_22 = arith.divf %add3A, %div3A : vector<1000x128xf32>
    %get3A_23 = arith.constant 0 : index
    %get3A_24 = arith.constant 0 : index
    %get3A_25 = vector.load %arg1[%get3A_23, %get3A_24] : memref<1000x128xf32, #tpu.memory_space<vmem>>, vector<1000x128xf32>
    %get3A_26 = arith.constant 0 : index
    %get3A_27 = arith.constant 0 : index
    %get3A_28 = vector.load %arg4[%get3A_26, %get3A_27] : memref<128x128xf32, #tpu.memory_space<vmem>>, vector<128x128xf32>
    %dot_general3A = arith.constant dense<0.000000e+00> : vector<1000x128xf32>
    %dot_general3A_29 = tpu.matmul %get3A_25, %get3A_28, %dot_general3A {dimension_numbers = #tpu.dot_dimension_numbers<[1], [0], [0], [1], [0, 0, 1, 1], [], []>, transpose_lhs_hint = false} : vector<1000x128xf32>, vector<128x128xf32>, vector<1000x128xf32> -> vector<1000x128xf32>
    %get3A_30 = arith.constant 0 : index
    %get3A_31 = arith.constant 0 : index
    %get3A_32 = vector.load %arg5[%get3A_30, %get3A_31] : memref<128x128xf32, #tpu.memory_space<vmem>>, vector<128x128xf32>
    %dot_general3A_33 = arith.constant dense<0.000000e+00> : vector<1000x128xf32>
    %dot_general3A_34 = tpu.matmul %div3A_22, %get3A_32, %dot_general3A_33 {dimension_numbers = #tpu.dot_dimension_numbers<[1], [0], [0], [1], [0, 0, 1, 1], [], []>, transpose_lhs_hint = false} : vector<1000x128xf32>, vector<128x128xf32>, vector<1000x128xf32> -> vector<1000x128xf32>
    %add3A_35 = arith.addf %dot_general3A_29, %dot_general3A_34 : vector<1000x128xf32>
    %get3A_36 = arith.constant 0 : index
    %get3A_37 = arith.constant 0 : index
    %get3A_38 = vector.load %arg6[%get3A_36, %get3A_37] : memref<1x128xf32, #tpu.memory_space<vmem>>, vector<1x128xf32>
    %add3A_39 = vector.broadcast %get3A_38 : vector<1x128xf32> to vector<1000x128xf32>
    %add3A_40 = arith.addf %add3A_35, %add3A_39 : vector<1000x128xf32>
    %reduce_sum3A = arith.constant dense<0.000000e+00> : vector<1000xf32>
    %reduce_sum3A_41 = vector.multi_reduction <add>, %add3A_40, %reduce_sum3A [1] : vector<1000x128xf32> to vector<1000xf32>
    %broadcast_in_dim3A = vector.shape_cast %reduce_sum3A_41 : vector<1000xf32> to vector<1000x1xf32>
    %div3A_42 = arith.constant 1.280000e+02 : f32
    %div3A_43 = vector.broadcast %div3A_42 : f32 to vector<1000x1xf32>
    %div3A_44 = arith.divf %broadcast_in_dim3A, %div3A_43 : vector<1000x1xf32>
    %sub3A = vector.broadcast %div3A_44 : vector<1000x1xf32> to vector<1000x128xf32>
    %sub3A_45 = arith.subf %add3A_40, %sub3A : vector<1000x128xf32>
    %integer_pow3A = arith.mulf %sub3A_45, %sub3A_45 : vector<1000x128xf32>
    %reduce_sum3A_46 = arith.constant dense<0.000000e+00> : vector<1000xf32>
    %reduce_sum3A_47 = vector.multi_reduction <add>, %integer_pow3A, %reduce_sum3A_46 [1] : vector<1000x128xf32> to vector<1000xf32>
    %broadcast_in_dim3A_48 = vector.shape_cast %reduce_sum3A_47 : vector<1000xf32> to vector<1000x1xf32>
    %div3A_49 = arith.constant 1.280000e+02 : f32
    %div3A_50 = vector.broadcast %div3A_49 : f32 to vector<1000x1xf32>
    %div3A_51 = arith.divf %broadcast_in_dim3A_48, %div3A_50 : vector<1000x1xf32>
    %sub3A_52 = vector.broadcast %div3A_44 : vector<1000x1xf32> to vector<1000x128xf32>
    %sub3A_53 = arith.subf %add3A_40, %sub3A_52 : vector<1000x128xf32>
    %add3A_54 = arith.constant 9.99999974E-6 : f32
    %add3A_55 = vector.broadcast %add3A_54 : f32 to vector<1000x1xf32>
    %add3A_56 = arith.addf %div3A_51, %add3A_55 : vector<1000x1xf32>
    %rsqrt3A = math.rsqrt %add3A_56 : vector<1000x1xf32>
    %mul3A = vector.broadcast %rsqrt3A : vector<1000x1xf32> to vector<1000x128xf32>
    %mul3A_57 = arith.mulf %sub3A_53, %mul3A : vector<1000x128xf32>
    %get3A_58 = arith.constant 0 : index
    %get3A_59 = arith.constant 0 : index
    %get3A_60 = vector.load %arg7[%get3A_58, %get3A_59] : memref<1x128xf32, #tpu.memory_space<vmem>>, vector<1x128xf32>
    %mul3A_61 = vector.broadcast %get3A_60 : vector<1x128xf32> to vector<1000x128xf32>
    %mul3A_62 = arith.mulf %mul3A_57, %mul3A_61 : vector<1000x128xf32>
    %get3A_63 = arith.constant 0 : index
    %get3A_64 = arith.constant 0 : index
    %get3A_65 = vector.load %arg8[%get3A_63, %get3A_64] : memref<1x128xf32, #tpu.memory_space<vmem>>, vector<1x128xf32>
    %add3A_66 = vector.broadcast %get3A_65 : vector<1x128xf32> to vector<1000x128xf32>
    %add3A_67 = arith.addf %mul3A_62, %add3A_66 : vector<1000x128xf32>
    %max3A_68 = arith.constant 0.000000e+00 : f32
    %max3A_69 = vector.broadcast %max3A_68 : f32 to vector<1000x128xf32>
    %max3A_70 = arith.maximumf %add3A_67, %max3A_69 : vector<1000x128xf32>
    %swap3A = arith.constant 0 : index
    %swap3A_71 = arith.constant 0 : index
    %swap3A_72 = vector.load %arg9[%swap3A, %swap3A_71] : memref<1000x128xf32, #tpu.memory_space<vmem>>, vector<1000x128xf32>
    tpu.vector_store %arg9[%swap3A, %swap3A_71], %max3A_70 {strides = array<i32>} : memref<1000x128xf32, #tpu.memory_space<vmem>>, vector<1000x128xf32>,
    return
  }
  func.func @transform_0(%arg0: i32) -> (i32, i32) {
    %c0_i32 = arith.constant 0 : i32
    %c0_i32_0 = arith.constant 0 : i32
    return %arg0, %c0_i32 : i32, i32
  }
  func.func @transform_1(%arg0: i32) -> (i32, i32, i32) {
    %c0_i32 = arith.constant 0 : i32
    %c0_i32_0 = arith.constant 0 : i32
    %c0_i32_1 = arith.constant 0 : i32
    return %c0_i32, %arg0, %c0_i32_0 : i32, i32, i32
  }
  func.func @transform_2(%arg0: i32) -> (i32, i32, i32) {
    %c0_i32 = arith.constant 0 : i32
    %c0_i32_0 = arith.constant 0 : i32
    %c0_i32_1 = arith.constant 0 : i32
    return %c0_i32, %arg0, %c0_i32_0 : i32, i32, i32
  }
  func.func @transform_3(%arg0: i32) -> (i32, i32) {
    %c0_i32 = arith.constant 0 : i32
    %c0_i32_0 = arith.constant 0 : i32
    %c0_i32_1 = arith.constant 0 : i32
    return %c0_i32, %c0_i32_0 : i32, i32
  }
  func.func @transform_4(%arg0: i32) -> (i32, i32) {
    %c0_i32 = arith.constant 0 : i32
    %c0_i32_0 = arith.constant 0 : i32
    %c0_i32_1 = arith.constant 0 : i32
    return %c0_i32, %c0_i32_0 : i32, i32
  }
  func.func @transform_5(%arg0: i32) -> (i32, i32) {
    %c0_i32 = arith.constant 0 : i32
    %c0_i32_0 = arith.constant 0 : i32
    %c0_i32_1 = arith.constant 0 : i32
    return %c0_i32, %c0_i32_0 : i32, i32
  }
  func.func @transform_6(%arg0: i32) -> (i32, i32) {
    %c0_i32 = arith.constant 0 : i32
    %c0_i32_0 = arith.constant 0 : i32
    %c0_i32_1 = arith.constant 0 : i32
    return %c0_i32, %c0_i32_0 : i32, i32
  }
  func.func @transform_7(%arg0: i32) -> (i32, i32) {
    %c0_i32 = arith.constant 0 : i32
    %c0_i32_0 = arith.constant 0 : i32
    %c0_i32_1 = arith.constant 0 : i32
    return %c0_i32, %c0_i32_0 : i32, i32
  }
  func.func @transform_8(%arg0: i32) -> (i32, i32) {
    %c0_i32 = arith.constant 0 : i32
    %c0_i32_0 = arith.constant 0 : i32
    return %arg0, %c0_i32 : i32, i32
  }
}

</mosaic_0001>

<sc_bundles>
// kernel: kernel.4.cloned.1.call-start
scs
__scs_entry_jumppad:
0x0: {  	(pc) =	sbr.rel $0x88, $3  }
0x1: {  	(tag) =	ssettag $0x0;
	lr =	simm.s32 $0x1  }
0x2: {  	[smem:$0x3F99] =	sst lr;
	_ =	strace $0xD0000000  }
0x3: {  	_ = 	snop  }
0x4: {  	_ = 	snop  }
0x5: {  	_ = 	snop  }
0x6: {  	_ = 	snop  }
0x7: {  	_ = 	snop  }
__scs_overlays_trampoline_lowered:
0x8: {  	[smem:$0x3FA8] =	sst s0  }
0x9: {  	[smem:$0x3FA9] =	sst s1  }
0xa: {  	[smem:$0x3FAA] =	sst s2  }
0xb: {  	[smem:$0x3FAB] =	sst s3  }
0xc: {  	[smem:$0x3FAC] =	sst s4  }
0xd: {  	[smem:$0x3FAD] =	sst s5  }
0xe: {  	[smem:$0x3FAE] =	sst s6  }
0xf: {  	[smem:$0x3FAF] =	sst s7  }
0x10: {  	[smem:$0x3FB0] =	sst s8  }
0x11: {  	[smem:$0x3FB1] =	sst s9;
	s0 =	simm.s32 @!p0 $0x0  }
0x12: {  	s1 =	sld [smem:$0x3F97];
	s0 =	simm.s32 @p0 $0x1  }
0x13: {  	[smem:$0x3FB2] =	sst s0;
	s0 =	simm.s32 @!p1 $0x0  }
0x14: {  	s2 =	sld [smem:$0x3F96];
	s0 =	simm.s32 @p1 $0x1  }
0x15: {  	[smem:$0x3FB3] =	sst s0;
	s0 =	simm.s32 @!p2 $0x0  }
0x16: {  	s3 =	sld [smem:$0x3FDB];
	s0 =	simm.s32 @p2 $0x1  }
0x17: {  	s4 =	simm.s32 $0x1BF5;
	[smem:$0x3FB5] =	sst s0  }
0x18: {  	s0 =	sld [smem:$0x3F98];
	_ =	swait.ge [sflag:s4], $0x0  }
0x19: {  	s7 =	sld [smem:$0x3F99]  }
0x1a: {  	s8 =	sadd.s32 $0xFFFFE003, lr  }
0x1b: {  	s9 =	sadd.s32 $0xFFFFFEF7, lr;
	s5 =	simm.s32 $0xFFFFFFFF;
	p2 =	slt.u32 s8, $0xFFFFF086  }
0x1c: {  	p1 =	slt.u32 s9, $0xF7A;
	s5 =	simm.s32 @!p2 $0x0  }
0x1d: {  	s5 =	simm.s32 @p1 $0x1;
	p0 =	seq.s32 s7, s2  }
0x1e: {  	s7 =	smul.u32 @!p0 $0xF7A, s2;
	p2 =	seq.s32 @!p0 s5, $0x0  }
0x1f: {  	s9 =	smul.u32 $0xF7A, s1;
	s8 =	simm.s32 @!p0 $0x1BF5;
	p2 =	por !p2, p0  }
0x20: {  	[sflag:s8] =	ssyncset.s32 @!p0 $0xFFFFF086;
	s6 =	sadd.s32 @!p0 s3, s7;
	s7 =	simm.s32 @!p0 $0x108  }
0x21: {  	s3 =	sadd.s32 s3, s9;
	s6 =	sadd.s32 @!p0 $0x88, s6;
	s7 =	simm.s32 @p2 $0x1082  }
0x22: {  	[simem:s7], [sflag:s8] =	dma.local @!p0 [hbm:s6], $0xF7A  }
0x23: {  	s9 =	sor.u32 $0xD0000000, s2;
	s6 =	simm.s32 $0x108;
	_ =	swait.ge @!p0 [sflag:s8], $0x0  }
0x24: {  	s3 =	sadd.s32 $0x88, s3;
	s6 =	simm.s32 @!p1 $0x1082;
	[sflag:s4] =	ssyncset.s32 $0xFFFFF086  }
0x25: {  	[simem:s6], [sflag:s4] =	dma.local [hbm:s3], $0xF7A  }
0x26: {  	[smem:$0x3F99] =	sst s1;
	(tag) =	ssettag s2;
	_ =	strace s9  }
0x27: {  	s1 =	sld [smem:$0x3FA9]  }
0x28: {  	s2 =	sld [smem:$0x3FAA]  }
0x29: {  	s4 =	sld [smem:$0x3FAC]  }
0x2a: {  	p0 =	seq.s32 s5, $0x0;
	s5 =	sld [smem:$0x3FAD]  }
0x2b: {  	s6 =	sld [smem:$0x3FAE]  }
0x2c: {  	s7 =	sld [smem:$0x3FAF]  }
0x2d: {  	s3 =	simm.s32 $0x108;
	s8 =	sld [smem:$0x3FB0]  }
0x2e: {  	s3 =	simm.s32 @!p0 $0x1082;
	s9 =	sld [smem:$0x3FB1]  }
0x2f: {  	lr =	sadd.s32 s0, s3;
	s0 =	sld [smem:$0x3FA8]  }
0x30: {  	s3 =	sld [smem:$0x3FAB]  }
0x31: {  	[smem:$0x3FB4] =	sst s10  }
0x32: {  	s10 =	sld [smem:$0x3FB2];
	_ =	sdelay $0x3  }
0x33: {  	p0 =	seq.s32 s10, $0x1;
	s10 =	sld [smem:$0x3FB4];
	_ =	sdelay $0x3  }
0x34: {  	[smem:$0x3FB4] =	sst s10  }
0x35: {  	s10 =	sld [smem:$0x3FB3];
	_ =	sdelay $0x3  }
0x36: {  	p1 =	seq.s32 s10, $0x1;
	s10 =	sld [smem:$0x3FB4];
	_ =	sdelay $0x3  }
0x37: {  	[smem:$0x3FB4] =	sst s10  }
0x38: {  	s10 =	sld [smem:$0x3FB5]  }
0x39: {  	_ = 	snop;
	(pc) =	sbr.ind lr, $3  }
0x3a: {  	_ = 	snop  }
0x3b: {  	_ = 	snop  }
0x3c: {  	p2 =	seq.s32 s10, $0x1;
	s10 =	sld [smem:$0x3FB4]  }
0x3d: {  	_ =	shalt  }
0x3e: {  	_ =	shalt  }
0x3f: {  	_ =	shalt  }
0x40: {  	_ =	shalt  }
0x41: {  	_ =	shalt  }
0x42: {  	_ =	shalt  }
0x43: {  	_ =	shalt  }
0x44: {  	_ =	shalt  }
0x45: {  	_ =	shalt  }
0x46: {  	_ =	shalt  }
0x47: {  	_ =	shalt  }
0x48: {  	_ =	shalt  }
0x49: {  	_ =	shalt  }
0x4a: {  	_ =	shalt  }
0x4b: {  	_ =	shalt  }
0x4c: {  	_ =	shalt  }
0x4d: {  	_ =	shalt  }
0x4e: {  	_ =	shalt  }
0x4f: {  	_ =	shalt  }
0x50: {  	_ =	shalt  }
0x51: {  	_ =	shalt  }
0x52: {  	_ =	shalt  }
0x53: {  	_ =	shalt  }
0x54: {  	_ =	shalt  }
0x55: {  	_ =	shalt  }
0x56: {  	_ =	shalt  }
0x57: {  	_ =	shalt  }
0x58: {  	_ =	shalt  }
0x59: {  	_ =	shalt  }
0x5a: {  	_ =	shalt  }
0x5b: {  	_ =	shalt  }
0x5c: {  	_ =	shalt  }
0x5d: {  	_ =	shalt  }
0x5e: {  	_ =	shalt  }
0x5f: {  	_ =	shalt  }
0x60: {  	_ =	shalt  }
0x61: {  	_ =	shalt  }
0x62: {  	_ =	shalt  }
0x63: {  	_ =	shalt  }
0x64: {  	_ =	shalt  }
0x65: {  	_ =	shalt  }
0x66: {  	_ =	shalt  }
0x67: {  	_ =	shalt  }
0x68: {  	_ =	shalt  }
0x69: {  	_ =	shalt  }
0x6a: {  	_ =	shalt  }
0x6b: {  	_ =	shalt  }
0x6c: {  	_ =	shalt  }
0x6d: {  	_ =	shalt  }
0x6e: {  	_ =	shalt  }
0x6f: {  	_ =	shalt  }
0x70: {  	_ =	shalt  }
0x71: {  	_ =	shalt  }
0x72: {  	_ =	shalt  }
0x73: {  	_ =	shalt  }
0x74: {  	_ =	shalt  }
0x75: {  	_ =	shalt  }
0x76: {  	_ =	shalt  }
0x77: {  	_ =	shalt  }
0x78: {  	_ =	shalt  }
0x79: {  	_ =	shalt  }
0x7a: {  	_ =	shalt  }
0x7b: {  	_ =	shalt  }
0x7c: {  	_ =	shalt  }
0x7d: {  	_ =	shalt  }
0x7e: {  	_ =	shalt  }
0x7f: {  	_ =	shalt  }
0x80: {  	_ =	shalt  }
0x81: {  	_ =	shalt  }
0x82: {  	_ =	shalt  }
0x83: {  	_ =	shalt  }
0x84: {  	_ =	shalt  }
0x85: {  	_ =	shalt  }
0x86: {  	_ =	shalt  }
0x87: {  	_ =	shalt  }
.Lfunc_end0:
.L_simem_size_0:
called_computation_lowered:
.L_overlay_start_0:
0x88: {  	s2 =	sld [smem:$0x3FD9]  }
0x89: {  	s3 =	sld [smem:$0x3FFE];
	_ =	sdelay $0x1  }
0x8a: {  	s1 =	srdreg.scid  }
0x8b: {  	s0 =	sand.u32 $0x1, s1  }
0x8c: {  	s17 =	sshll.u32 s0, $0xA;
	s2 =	sadd.s32 s3, s2  }
0x8d: {  	s2 =	sadd.s32 s2, s17  }
0x8e: {  	[smem:$0x3FC0] =	sst s2  }
0x8f: {  	_ = 	snop  }
0x90: {  	s2 =	sld [smem:$0x3FC9]  }
0x91: {  	s18 =	sld [smem:$0x3FD0];
	(tm) =	ssettm $0x1  }
0x92: {  	s4 =	sld [smem:$0x3FFB];
	_ =	sdelay $0x3  }
0x93: {  	_ =	strace s4  }
0x94: {  	s4 =	sld [smem:$0x3FFC];
	_ =	sdelay $0x3  }
0x95: {  	_ =	strace s4  }
0x96: {  	s4 =	sld [smem:$0x3FFD];
	_ =	sdelay $0x3  }
0x97: {  	_ =	strace s4  }
0x98: {  	_ =	strace $0x8FFFFFFF  }
0x99: {  	s19 =	sld [smem:$0x3FDB];
	_ =	sdelay $0x1  }
0x9a: {  	s5 =	simm.s32 $_scs_section_size  }
0x9b: {  	s6 =	simm.s32 $_size__tile_overlayer_lowered;
	s7 =	simm.s32 $_tile_overlayer_lowered  }
0x9c: {  	s22 =	simm.s32 $0x1BFF;
	s21 =	sshll.u32 s7, $0x1;
	s4 =	sadd.s32 s5, s19  }
0x9d: {  	s8 =	simm.s32 $0x0;
	s20 =	sshll.u32 s6, $0x1;
	s6 =	sadd.s32 s21, s4  }
0x9e: {  	[timem:s8], [sflag:s22] =	dma.local [hbm:s6], s20  }
0x9f: {  	_ =	swait.ge [sflag:s22], s20  }
0xa0: {  	s5 =	ssub.s32 $0x0, s20;
	[sflag:s22] =	ssyncset.done $0x0  }
0xa1: {  	[sflag:s22] =	ssyncadd.s32 s5;
	_ =	sdelay $0x1  }
0xa2: {  	s23 =	simm.s32 $0x1B8B  }
0xa3: {  	_ =	swait.ge [sflag:s23], $0x1  }
0xa4: {  	[sflag:s23] =	ssyncset.done $0x0  }
0xa5: {  	s25 =	simm.s32 $0x1B8E;
	s24 =	sld [smem:$0x3FFE];
	[sflag:s23] =	ssyncadd.s32 $0xFFFFFFFF  }
0xa6: {  	s26 =	simm.s32 $execute0_lowered;
	[smem:$0x3FD2] =	sst s25  }
0xa7: {  	s6 =	sshll.u32 s26, $0x1;
	_ =	strace $0x80000046;
	[dreg:$0x1] =	wrdreg $0xFFFFFFFF  }
0xa8: {  	s28 =	simm.s32 $_size_execute0_lowered;
	s4 =	sadd.s32 s4, s6;
	[dreg:$0x0] =	wrdreg $0x0  }
0xa9: {  	s6 =	sshll.u32 s28, $0x1;
	[dreg:$0x2] =	wrdreg s4  }
0xaa: {  	[dreg:$0x3] =	wrdreg s6  }
0xab: {  	[dreg:$0x4] =	wrdreg $0xC0  }
0xac: {  	_ =	task [dreg:s8], $0x5FFFF  }
0xad: {  	[dreg:$0x1] =	wrdreg $0xFFFFFFFF  }
0xae: {  	[dreg:$0x0] =	wrdreg $0x60  }
0xaf: {  	[dreg:$0x2] =	wrdreg s2  }
0xb0: {  	[dreg:$0x3] =	wrdreg s24  }
0xb1: {  	[dreg:$0x4] =	wrdreg s18  }
0xb2: {  	[dreg:$0x5] =	wrdreg $0x48000  }
0xb3: {  	[dreg:$0x6] =	wrdreg $0x9  }
0xb4: {  	_ =	task.clear_ibuf [dreg:s8], $0x7FFFF;
	_ =	strace $0x90000046  }
0xb5: {  	s29 =	simm.s32 $0x9;
	_ =	strace $0x80000048  }
0xb6: {  	_ =	swait.ge [sflag:s29], $0x1  }
0xb7: {  	[sflag:s29] =	ssyncadd.s32 $0xFFFFFFFF  }
0xb8: {  	_ =	strace $0x90000048  }
0xb9: {  	_ =	sfence  }
0xba: {  	s30 =	sld [smem:$0x0];
	_ =	sdelay $0x2  }
0xbb: {  	s31 =	sshll.u32 s1, $0xD;
	s1 =	sshrl.u32 s1, $0x2  }
0xbc: {  	s3 =	sand.u32 $0x4000, s31;
	s1 =	sadd.s32 s1, s30  }
0xbd: {  	s0 =	sor.u32 s3, s0;
	s1 =	sshll.u32 s1, $0x11  }
0xbe: {  	s0 =	sor.u32 s1, s0  }
0xbf: {  	s0 =	sadd.s32 $0x8F2B, s0  }
0xc0: {  	[sflag:s0] =	ssyncadd.remote.s32 $0x1  }
0xc1: {  	_ =	sfence.sel $0xFFFF  }
0xc2: {  	[dreg:$0x0] =	wrdreg $0xFFFFFFFF;
	(pc) =	sbr.abs _section_cstart, $3  }
0xc3: {  	[dreg:$0x1] =	wrdreg $0xFFFFFFFF  }
0xc4: {  	_ =	task.clear_ibuf [dreg:s8], $0x2FFFF;
	_ =	strace $0x9FFFFFFF  }
0xc5: {  	(tm) =	ssettm $0x7FFFFFFF  }
tec
execute0_lowered:
.L_overlay_start_1:
0x0: {  	(tag) =	ssettag $0x1  }
0x1: {  	s1 =	rddreg [dreg:$0x0]  }
0x2: {  	s5 =	rddreg [dreg:$0x1]  }
0x3: {  	s2 =	rddreg [dreg:$0x2]  }
0x4: {  	s3 =	rddreg [dreg:$0x3]  }
0x5: {  	s0 =	srdreg.scid;
	s21 =	stileid.u32;
	s4 =	simm.s32 $0x0  }
0x6: {  	s20 =	simm.s32 $0x440;
	s22 =	simm.s32 $0xC0;
	s23 =	simm.s32 $0x100  }
0x7: {  	s24 =	simm.s32 $0x4C0;
	s25 =	simm.s32 $0x140;
	[smem:$0x7FF] =	sst s4  }
0x8: {  	s26 =	simm.s32 $0x180;
	_ =	strace $0x80000047;
	[dreg:$0x5] =	wrdreg s20  }
0x9: {  	s30 =	simm.s32 $0x800;
	s31 =	simm.s32 $0x3;
	[dreg:$0x6] =	wrdreg s22  }
0xa: {  	s6 =	sand.u32 $0x1, s0;
	s0 =	simm.s32 $0x88;
	[dreg:$0x7] =	wrdreg s23  }
0xb: {  	s9 =	smul.u32 $0x278, s21;
	s13 =	sadd.s32 $0x59800, s5;
	[dreg:$0x8] =	wrdreg s24  }
0xc: {  	p0 =	seq.s32 s6, $0x0;
	s7 =	smul.u32 $0x880, s6;
	[dreg:$0x9] =	wrdreg s25  }
0xd: {  	s10 =	ssub.s32 $0x2, s6;
	s12 =	smul.u32 $0x138800, s6;
	[dreg:$0xa] =	wrdreg s26  }
0xe: {  	s23 =	simm.s32 $0x1C0;
	s24 =	simm.s32 $0x200;
	s25 =	simm.s32 $0x5C0  }
0xf: {  	s26 =	smul.u32 $0x4F000, s21;
	s0 =	simm.s32 @!p0 $0x18;
	[dreg:$0xc] =	wrdreg s23  }
0x10: {  	s11 =	sshrl.u32 s10, $0x1;
	s9 =	smin.u32 s9, $0x2498;
	[dreg:$0xd] =	wrdreg s24  }
0x11: {  	[dreg:$0xe] =	wrdreg s25;
	s8 =	smul.u32 s21, s0;
	s9 =	sshll.u32 s9, $0x7  }
0x12: {  	s6 =	ssub.s32 s10, s11;
	s0 =	sshrl.u32 s0, $0x3;
	s17 =	sadd.s32 s12, s9  }
0x13: {  	s11 =	sadd.s32 $0x4000, s9;
	s14 =	sadd.s32 $0x8000, s9;
	s20 =	sadd.s32 $0x10000, s9  }
0x14: {  	[smem:$0x7F3] =	sst s0;
	s7 =	sadd.s32 s7, s8;
	s8 =	sadd.s32 $0xB600, s5  }
0x15: {  	s10 =	sshrl.u32 s17, $0x3;
	s15 =	sadd.s32 s12, s11;
	s21 =	sadd.s32 s20, s3  }
0x16: {  	s16 =	sadd.s32 s12, s14;
	s17 =	sadd.s32 s8, s10;
	[smem:$0x7F8] =	sst s21  }
0x17: {  	s15 =	sshrl.u32 s15, $0x3;
	s10 =	sadd.s32 s13, s10;
	[dreg:$0x13] =	wrdreg s17  }
0x18: {  	s16 =	sshrl.u32 s16, $0x3;
	s18 =	sadd.s32 s8, s15;
	[dreg:$0x18] =	wrdreg s10  }
0x19: {  	s28 =	simm.s32 $0x0;
	s19 =	sadd.s32 s8, s16;
	[dreg:$0x14] =	wrdreg s18  }
0x1a: {  	s7 =	sshll.u32 s7, $0x4;
	s15 =	sadd.s32 s13, s15;
	[dreg:$0x15] =	wrdreg s19  }
0x1b: {  	s16 =	sadd.s32 s13, s16;
	s5 =	sadd.s32 s7, s5;
	[dreg:$0x19] =	wrdreg s15  }
0x1c: {  	s25 =	sadd.s32 s7, s2;
	s7 =	simm.s32 $0x280;
	[dreg:$0x1a] =	wrdreg s16  }
0x1d: {  	s0 =	simm.s32 $0x400;
	s21 =	simm.s32 $0x740;
	[dreg:$0x10] =	wrdreg s7  }
0x1e: {  	s10 =	sshrl.u32 s26, $0x2;
	s16 =	sadd.s32 s9, s3;
	[dreg:$0x1d] =	wrdreg s25  }
0x1f: {  	s2 =	simm.s32 $0x40;
	s23 =	sadd.s32 $0x1600, s5;
	[smem:$0x7F4] =	sst s16  }
0x20: {  	s19 =	sadd.s32 $0xC000, s9;
	s7 =	sadd.s32 s10, s3;
	[smem:$0x7FA] =	sst s23  }
0x21: {  	s5 =	simm.s32 $0x1;
	s15 =	sadd.s32 $0x4000, s7;
	[dreg:$0x1e] =	wrdreg s7  }
0x22: {  	s18 =	sadd.s32 s12, s19;
	s19 =	sadd.s32 s19, s3;
	[dreg:$0x1f] =	wrdreg s15  }
0x23: {  	s12 =	sadd.s32 s12, s20;
	s24 =	sadd.s32 $0x8000, s7;
	[smem:$0x7F7] =	sst s19  }
0x24: {  	s26 =	sadd.s32 $0xC000, s7;
	s18 =	sshrl.u32 s18, $0x3;
	[smem:$0x7FB] =	sst s24  }
0x25: {  	s12 =	sshrl.u32 s12, $0x3;
	[smem:$0x7FC] =	sst s26;
	s29 =	sadd.s32 s8, s18  }
0x26: {  	s9 =	simm.s32 $0x480;
	s8 =	sadd.s32 s8, s12;
	[dreg:$0x16] =	wrdreg s29  }
0x27: {  	s10 =	simm.s32 $0x500;
	s17 =	sadd.s32 s13, s18;
	[dreg:$0x17] =	wrdreg s8  }
0x28: {  	s20 =	simm.s32 $0x380;
	s22 =	sadd.s32 s13, s12;
	[dreg:$0x1b] =	wrdreg s17  }
0x29: {  	s23 =	simm.s32 $0x780;
	s18 =	simm.s32 $0x540;
	[dreg:$0x1c] =	wrdreg s22  }
0x2a: {  	s24 =	simm.s32 $0x6C0;
	s12 =	simm.s32 $0x640;
	[dreg:$0xb] =	wrdreg s18  }
0x2b: {  	s19 =	simm.s32 $0x700;
	s13 =	simm.s32 $0x2C0;
	[dreg:$0x11] =	wrdreg s12  }
0x2c: {  	s26 =	simm.s32 $0x7C0;
	s29 =	simm.s32 $0x240;
	[dreg:$0x12] =	wrdreg s13  }
0x2d: {  	s17 =	sadd.s32 s11, s3;
	s18 =	sadd.s32 s14, s3;
	s22 =	smax.u32 s6, $0x1  }
0x2e: {  	s6 =	simm.s32 $0x2800;
	s8 =	simm.s32 $0x80;
	[dreg:$0xf] =	wrdreg s29  }
0x2f: {  	s11 =	simm.s32 $0x580;
	s12 =	simm.s32 $0x600;
	[smem:$0x7F5] =	sst s17  }
0x30: {  	s13 =	simm.s32 $0x680;
	s14 =	simm.s32 $0x300;
	[smem:$0x7F6] =	sst s18  }
0x31: {  	[smem:$0x7F9] =	sst s22;
	s29 =	sadd.s32 $0x10000, s7;
	s7 =	simm.s32 $0x2  }
0x32: {  	v0 =	vimm.f32 $0.0e+00;
	v1 =	vimm.f32 $1.000000000e+00;
	s17 =	simm.s32 $0x340;
	s22 =	simm.s32 $0x3C0;
	[smem:$0x7FD] =	sst s29  }
.LBB2_1:
0x33: {  	s15 =	sand.u32 $0xFE00, s4  }
0x34: {  	s16 =	sand.u32 $0x70, s4;
	s29 =	sshrl.u32 s15, $0x2  }
0x35: {  	s15 =	simm.s32 $0x40;
	s29 =	sor.u32 s16, s29;
	s16 =	simm.s32 $0x0  }
.LBB2_2:
0x36: {  	p0 =	sne.s32 s15, $0xFFC0  }
0x37: {  	[tilespmem:s29+$0x800] =	vst v0;
	s16 =	sadd.s32 $0x10, s16;
	s29 =	smov.u32 s15;
	s15 =	sadd.s32 $0x40, s15  }
.Ltmp0:
0x38: {  	(pc) =	sbr.rel @p0 .LBB2_2-.Ltmp0, $4  }
0x39: {  	_ = 	snop  }
0x3a: {  	s29 =	sand.u32 $0xFE00, s29  }
0x3b: {  	s18 =	sand.u32 $0x70, s16;
	s29 =	sshrl.u32 s29, $0x2  }
0x3c: {  	s29 =	sor.u32 s18, s29  }
0x3d: {  	[tilespmem:s29+$0x800] =	vst v0;
	s15 =	rddreg [dreg:$0x1e]  }
0x3e: {  	[spmem:s15] =	stream.linear.scatter [tilespmem:s30], [sflag:$0x3], $0x4000, $0x38;
	[tilespmem:$0x18400] =	vst v63  }
0x3f: {  	_ =	swait.ge [sflag:s31], $0x4000  }
0x40: {  	[sflag:s31] =	ssyncset.done $0x0  }
0x41: {  	s16 =	rddreg [dreg:$0x1f];
	[sflag:s31] =	ssyncadd.s32 $0xFFFFC000  }
0x42: {  	[spmem:s16] =	stream.linear.scatter [tilespmem:s30], [sflag:$0x3], $0x4000, $0x38;
	[tilespmem:$0x18400] =	vst v63  }
0x43: {  	_ =	swait.ge [sflag:s31], $0x4000  }
0x44: {  	s18 =	sld [smem:$0x7FB]  }
0x45: {  	[sflag:s31] =	ssyncset.done $0x0  }
0x46: {  	[sflag:s31] =	ssyncadd.s32 $0xFFFFC000  }
0x47: {  	[spmem:s18] =	stream.linear.scatter [tilespmem:s30], [sflag:$0x3], $0x4000, $0x38;
	[tilespmem:$0x18400] =	vst v63  }
0x48: {  	_ =	swait.ge [sflag:s31], $0x4000  }
0x49: {  	s16 =	sld [smem:$0x7FC]  }
0x4a: {  	[sflag:s31] =	ssyncset.done $0x0  }
0x4b: {  	[sflag:s31] =	ssyncadd.s32 $0xFFFFC000  }
0x4c: {  	[spmem:s16] =	stream.linear.scatter [tilespmem:s30], [sflag:$0x3], $0x4000, $0x38;
	[tilespmem:$0x18400] =	vst v63  }
0x4d: {  	_ =	swait.ge [sflag:s31], $0x4000  }
0x4e: {  	s18 =	sld [smem:$0x7FD]  }
0x4f: {  	[sflag:s31] =	ssyncset.done $0x0  }
0x50: {  	[sflag:s31] =	ssyncadd.s32 $0xFFFFC000  }
0x51: {  	[spmem:s18] =	stream.linear.scatter [tilespmem:s30], [sflag:$0x3], $0x3C00, $0x38;
	[tilespmem:$0x18400] =	vst v63  }
0x52: {  	_ =	swait.ge [sflag:s31], $0x3C00  }
0x53: {  	[sflag:s31] =	ssyncset.done $0x0  }
0x54: {  	[sflag:s31] =	ssyncadd.s32 $0xFFFFC400  }
0x55: {  	[bflag:$0x0] =	sbarrier.arrive $0xFFFF  }
0x56: {  	s18 =	sld [smem:$0x7FA];
	_ =	sdelay $0x2  }
0x57: {  	[tilespmem:s4], [sflag:$0x3] =	stream.linear.gather [hbm4b:s18+s4], $0x400, $0x38;
	[tilespmem:$0x18400] =	vst v63  }
0x58: {  	_ =	swait.ge [sflag:s31], $0x400  }
0x59: {  	[sflag:s31] =	ssyncset.done $0x0  }
0x5a: {  	[sflag:s31] =	ssyncadd.s32 $0xFFFFFC00  }
0x5b: {  	[tilespmem:s0], [sflag:$0x3] =	stream.linear.gather [hbm4b:s25+s4], $0x400, $0x38;
	[tilespmem:$0x18400] =	vst v63  }
0x5c: {  	_ =	swait.ge [sflag:s31], $0x400  }
0x5d: {  	[sflag:s31] =	ssyncset.done $0x0  }
0x5e: {  	[sflag:s31] =	ssyncadd.s32 $0xFFFFFC00  }
0x5f: {  	[tilespmem:s30], [sflag:$0x1] =	stream.indirect.gather [hbm4b:s1+s2], $0x80, s4, s2, $0xb8;
	[tilespmem:$0x18400] =	vst v63  }
0x60: {  	_ =	swait.ge [sflag:s5], $0x2000  }
0x61: {  	[sflag:s5] =	ssyncset.done $0x0  }
0x62: {  	[sflag:s5] =	ssyncadd.s32 $0xFFFFE000  }
0x63: {  	[tilespmem:s6], [sflag:$0x2] =	stream.indirect.gather [hbm4b:s1+s2], $0x80, s2, s2, $0xb8;
	[tilespmem:$0x18400] =	vst v63  }
0x64: {  	_ = 	snop  }
0x65: {  	[spmem:s3] =	stream.indirect.scatter.add.f32 [tilespmem:s30], [sflag:$0x3], $0x80, s0, s2, $0xb8;
	[tilespmem:$0x18400] =	vst v63  }
0x66: {  	_ =	swait.ge [sflag:s31], $0x2000  }
0x67: {  	[sflag:s31] =	ssyncset.done $0x0  }
0x68: {  	[sflag:s31] =	ssyncadd.s32 $0xFFFFE000  }
0x69: {  	_ =	swait.ge [sflag:s7], $0x2000  }
0x6a: {  	[sflag:s7] =	ssyncset.done $0x0  }
0x6b: {  	[sflag:s7] =	ssyncadd.s32 $0xFFFFE000  }
0x6c: {  	[tilespmem:s30], [sflag:$0x1] =	stream.indirect.gather [hbm4b:s1+s2], $0x80, s8, s2, $0xb8;
	[tilespmem:$0x18400] =	vst v63  }
0x6d: {  	s16 =	rddreg [dreg:$0x5]  }
0x6e: {  	[spmem:s3] =	stream.indirect.scatter.add.f32 [tilespmem:s6], [sflag:$0x3], $0x80, s16, s2, $0xb8;
	[tilespmem:$0x18400] =	vst v63  }
0x6f: {  	_ =	swait.ge [sflag:s31], $0x2000  }
0x70: {  	[sflag:s31] =	ssyncset.done $0x0  }
0x71: {  	[sflag:s31] =	ssyncadd.s32 $0xFFFFE000  }
0x72: {  	_ =	swait.ge [sflag:s5], $0x2000  }
0x73: {  	[sflag:s5] =	ssyncset.done $0x0  }
0x74: {  	s16 =	rddreg [dreg:$0x6];
	[sflag:s5] =	ssyncadd.s32 $0xFFFFE000  }
0x75: {  	[tilespmem:s6], [sflag:$0x2] =	stream.indirect.gather [hbm4b:s1+s2], $0x80, s16, s2, $0xb8;
	[tilespmem:$0x18400] =	vst v63  }
0x76: {  	_ = 	snop  }
0x77: {  	[spmem:s3] =	stream.indirect.scatter.add.f32 [tilespmem:s30], [sflag:$0x3], $0x80, s9, s2, $0xb8;
	[tilespmem:$0x18400] =	vst v63  }
0x78: {  	_ =	swait.ge [sflag:s31], $0x2000  }
0x79: {  	[sflag:s31] =	ssyncset.done $0x0  }
0x7a: {  	[sflag:s31] =	ssyncadd.s32 $0xFFFFE000  }
0x7b: {  	_ =	swait.ge [sflag:s7], $0x2000  }
0x7c: {  	[sflag:s7] =	ssyncset.done $0x0  }
0x7d: {  	s15 =	rddreg [dreg:$0x7];
	[sflag:s7] =	ssyncadd.s32 $0xFFFFE000  }
0x7e: {  	[tilespmem:s30], [sflag:$0x1] =	stream.indirect.gather [hbm4b:s1+s2], $0x80, s15, s2, $0xb8;
	[tilespmem:$0x18400] =	vst v63  }
0x7f: {  	s16 =	rddreg [dreg:$0x8]  }
0x80: {  	[spmem:s3] =	stream.indirect.scatter.add.f32 [tilespmem:s6], [sflag:$0x3], $0x80, s16, s2, $0xb8;
	[tilespmem:$0x18400] =	vst v63  }
0x81: {  	_ =	swait.ge [sflag:s31], $0x2000  }
0x82: {  	[sflag:s31] =	ssyncset.done $0x0  }
0x83: {  	[sflag:s31] =	ssyncadd.s32 $0xFFFFE000  }
0x84: {  	_ =	swait.ge [sflag:s5], $0x2000  }
0x85: {  	[sflag:s5] =	ssyncset.done $0x0  }
0x86: {  	s16 =	rddreg [dreg:$0x9];
	[sflag:s5] =	ssyncadd.s32 $0xFFFFE000  }
0x87: {  	[tilespmem:s6], [sflag:$0x2] =	stream.indirect.gather [hbm4b:s1+s2], $0x80, s16, s2, $0xb8;
	[tilespmem:$0x18400] =	vst v63  }
0x88: {  	_ = 	snop  }
0x89: {  	[spmem:s3] =	stream.indirect.scatter.add.f32 [tilespmem:s30], [sflag:$0x3], $0x80, s10, s2, $0xb8;
	[tilespmem:$0x18400] =	vst v63  }
0x8a: {  	_ =	swait.ge [sflag:s31], $0x2000  }
0x8b: {  	[sflag:s31] =	ssyncset.done $0x0  }
0x8c: {  	[sflag:s31] =	ssyncadd.s32 $0xFFFFE000  }
0x8d: {  	_ =	swait.ge [sflag:s7], $0x2000  }
0x8e: {  	[sflag:s7] =	ssyncset.done $0x0  }
0x8f: {  	s15 =	rddreg [dreg:$0xa];
	[sflag:s7] =	ssyncadd.s32 $0xFFFFE000  }
0x90: {  	[tilespmem:s30], [sflag:$0x1] =	stream.indirect.gather [hbm4b:s1+s2], $0x80, s15, s2, $0xb8;
	[tilespmem:$0x18400] =	vst v63  }
0x91: {  	s16 =	rddreg [dreg:$0xb]  }
0x92: {  	[spmem:s3] =	stream.indirect.scatter.add.f32 [tilespmem:s6], [sflag:$0x3], $0x80, s16, s2, $0xb8;
	[tilespmem:$0x18400] =	vst v63  }
0x93: {  	_ =	swait.ge [sflag:s31], $0x2000  }
0x94: {  	[sflag:s31] =	ssyncset.done $0x0  }
0x95: {  	[sflag:s31] =	ssyncadd.s32 $0xFFFFE000  }
0x96: {  	_ =	swait.ge [sflag:s5], $0x2000  }
0x97: {  	[sflag:s5] =	ssyncset.done $0x0  }
0x98: {  	s16 =	rddreg [dreg:$0xc];
	[sflag:s5] =	ssyncadd.s32 $0xFFFFE000  }
0x99: {  	[tilespmem:s6], [sflag:$0x2] =	stream.indirect.gather [hbm4b:s1+s2], $0x80, s16, s2, $0xb8;
	[tilespmem:$0x18400] =	vst v63  }
0x9a: {  	_ = 	snop  }
0x9b: {  	[spmem:s3] =	stream.indirect.scatter.add.f32 [tilespmem:s30], [sflag:$0x3], $0x80, s11, s2, $0xb8;
	[tilespmem:$0x18400] =	vst v63  }
0x9c: {  	_ =	swait.ge [sflag:s31], $0x2000  }
0x9d: {  	[sflag:s31] =	ssyncset.done $0x0  }
0x9e: {  	[sflag:s31] =	ssyncadd.s32 $0xFFFFE000  }
0x9f: {  	_ =	swait.ge [sflag:s7], $0x2000  }
0xa0: {  	[sflag:s7] =	ssyncset.done $0x0  }
0xa1: {  	s15 =	rddreg [dreg:$0xd];
	[sflag:s7] =	ssyncadd.s32 $0xFFFFE000  }
0xa2: {  	[tilespmem:s30], [sflag:$0x1] =	stream.indirect.gather [hbm4b:s1+s2], $0x80, s15, s2, $0xb8;
	[tilespmem:$0x18400] =	vst v63  }
0xa3: {  	s16 =	rddreg [dreg:$0xe]  }
0xa4: {  	[spmem:s3] =	stream.indirect.scatter.add.f32 [tilespmem:s6], [sflag:$0x3], $0x80, s16, s2, $0xb8;
	[tilespmem:$0x18400] =	vst v63  }
0xa5: {  	_ =	swait.ge [sflag:s31], $0x2000  }
0xa6: {  	[sflag:s31] =	ssyncset.done $0x0  }
0xa7: {  	[sflag:s31] =	ssyncadd.s32 $0xFFFFE000  }
0xa8: {  	_ =	swait.ge [sflag:s5], $0x2000  }
0xa9: {  	[sflag:s5] =	ssyncset.done $0x0  }
0xaa: {  	s16 =	rddreg [dreg:$0xf];
	[sflag:s5] =	ssyncadd.s32 $0xFFFFE000  }
0xab: {  	[tilespmem:s6], [sflag:$0x2] =	stream.indirect.gather [hbm4b:s1+s2], $0x80, s16, s2, $0xb8;
	[tilespmem:$0x18400] =	vst v63  }
0xac: {  	_ = 	snop  }
0xad: {  	[spmem:s3] =	stream.indirect.scatter.add.f32 [tilespmem:s30], [sflag:$0x3], $0x80, s12, s2, $0xb8;
	[tilespmem:$0x18400] =	vst v63  }
0xae: {  	_ =	swait.ge [sflag:s31], $0x2000  }
0xaf: {  	[sflag:s31] =	ssyncset.done $0x0  }
0xb0: {  	[sflag:s31] =	ssyncadd.s32 $0xFFFFE000  }
0xb1: {  	_ =	swait.ge [sflag:s7], $0x2000  }
0xb2: {  	[sflag:s7] =	ssyncset.done $0x0  }
0xb3: {  	s15 =	rddreg [dreg:$0x10];
	[sflag:s7] =	ssyncadd.s32 $0xFFFFE000  }
0xb4: {  	[tilespmem:s30], [sflag:$0x1] =	stream.indirect.gather [hbm4b:s1+s2], $0x80, s15, s2, $0xb8;
	[tilespmem:$0x18400] =	vst v63  }
0xb5: {  	s16 =	rddreg [dreg:$0x11]  }
0xb6: {  	[spmem:s3] =	stream.indirect.scatter.add.f32 [tilespmem:s6], [sflag:$0x3], $0x80, s16, s2, $0xb8;
	[tilespmem:$0x18400] =	vst v63  }
0xb7: {  	_ =	swait.ge [sflag:s31], $0x2000  }
0xb8: {  	[sflag:s31] =	ssyncset.done $0x0  }
0xb9: {  	[sflag:s31] =	ssyncadd.s32 $0xFFFFE000  }
0xba: {  	_ =	swait.ge [sflag:s5], $0x2000  }
0xbb: {  	[sflag:s5] =	ssyncset.done $0x0  }
0xbc: {  	s16 =	rddreg [dreg:$0x12];
	[sflag:s5] =	ssyncadd.s32 $0xFFFFE000  }
0xbd: {  	[tilespmem:s6], [sflag:$0x2] =	stream.indirect.gather [hbm4b:s1+s2], $0x80, s16, s2, $0xb8;
	[tilespmem:$0x18400] =	vst v63  }
0xbe: {  	_ = 	snop  }
0xbf: {  	[spmem:s3] =	stream.indirect.scatter.add.f32 [tilespmem:s30], [sflag:$0x3], $0x80, s13, s2, $0xb8;
	[tilespmem:$0x18400] =	vst v63  }
0xc0: {  	_ =	swait.ge [sflag:s31], $0x2000  }
0xc1: {  	[sflag:s31] =	ssyncset.done $0x0  }
0xc2: {  	[sflag:s31] =	ssyncadd.s32 $0xFFFFE000  }
0xc3: {  	_ =	swait.ge [sflag:s7], $0x2000  }
0xc4: {  	[sflag:s7] =	ssyncset.done $0x0  }
0xc5: {  	[sflag:s7] =	ssyncadd.s32 $0xFFFFE000  }
0xc6: {  	[tilespmem:s30], [sflag:$0x1] =	stream.indirect.gather [hbm4b:s1+s2], $0x80, s14, s2, $0xb8;
	[tilespmem:$0x18400] =	vst v63  }
0xc7: {  	_ = 	snop  }
0xc8: {  	[spmem:s3] =	stream.indirect.scatter.add.f32 [tilespmem:s6], [sflag:$0x3], $0x80, s24, s2, $0xb8;
	[tilespmem:$0x18400] =	vst v63  }
0xc9: {  	_ =	swait.ge [sflag:s31], $0x2000  }
0xca: {  	[sflag:s31] =	ssyncset.done $0x0  }
0xcb: {  	[sflag:s31] =	ssyncadd.s32 $0xFFFFE000  }
0xcc: {  	_ =	swait.ge [sflag:s5], $0x2000  }
0xcd: {  	[sflag:s5] =	ssyncset.done $0x0  }
0xce: {  	[sflag:s5] =	ssyncadd.s32 $0xFFFFE000  }
0xcf: {  	[tilespmem:s6], [sflag:$0x2] =	stream.indirect.gather [hbm4b:s1+s2], $0x80, s17, s2, $0xb8;
	[tilespmem:$0x18400] =	vst v63  }
0xd0: {  	_ = 	snop  }
0xd1: {  	[spmem:s3] =	stream.indirect.scatter.add.f32 [tilespmem:s30], [sflag:$0x3], $0x80, s19, s2, $0xb8;
	[tilespmem:$0x18400] =	vst v63  }
0xd2: {  	_ =	swait.ge [sflag:s31], $0x2000  }
0xd3: {  	[sflag:s31] =	ssyncset.done $0x0  }
0xd4: {  	[sflag:s31] =	ssyncadd.s32 $0xFFFFE000  }
0xd5: {  	_ =	swait.ge [sflag:s7], $0x2000  }
0xd6: {  	[sflag:s7] =	ssyncset.done $0x0  }
0xd7: {  	[sflag:s7] =	ssyncadd.s32 $0xFFFFE000  }
0xd8: {  	[tilespmem:s30], [sflag:$0x1] =	stream.indirect.gather [hbm4b:s1+s2], $0x80, s20, s2, $0xb8;
	[tilespmem:$0x18400] =	vst v63  }
0xd9: {  	_ = 	snop  }
0xda: {  	[spmem:s3] =	stream.indirect.scatter.add.f32 [tilespmem:s6], [sflag:$0x3], $0x80, s21, s2, $0xb8;
	[tilespmem:$0x18400] =	vst v63  }
0xdb: {  	_ =	swait.ge [sflag:s31], $0x2000  }
0xdc: {  	[sflag:s31] =	ssyncset.done $0x0  }
0xdd: {  	[sflag:s31] =	ssyncadd.s32 $0xFFFFE000  }
0xde: {  	_ =	swait.ge [sflag:s5], $0x2000  }
0xdf: {  	[sflag:s5] =	ssyncset.done $0x0  }
0xe0: {  	[sflag:s5] =	ssyncadd.s32 $0xFFFFE000  }
0xe1: {  	[tilespmem:s6], [sflag:$0x2] =	stream.indirect.gather [hbm4b:s1+s2], $0x80, s22, s2, $0xb8;
	[tilespmem:$0x18400] =	vst v63  }
0xe2: {  	_ = 	snop  }
0xe3: {  	[spmem:s3] =	stream.indirect.scatter.add.f32 [tilespmem:s30], [sflag:$0x3], $0x80, s23, s2, $0xb8;
	[tilespmem:$0x18400] =	vst v63  }
0xe4: {  	_ =	swait.ge [sflag:s31], $0x2000  }
0xe5: {  	[sflag:s31] =	ssyncset.done $0x0  }
0xe6: {  	[sflag:s31] =	ssyncadd.s32 $0xFFFFE000  }
0xe7: {  	_ =	swait.ge [sflag:s7], $0x2000  }
0xe8: {  	s16 =	sld [smem:$0x7F3];
	_ =	sdelay $0x2  }
0xe9: {  	p0 =	sne.s32 s16, $0x1  }
.Ltmp1:
0xea: {  	[sflag:s7] =	ssyncset.done $0x0;
	(pc) =	sbr.rel @!p0 .LBB2_5-.Ltmp1, $4  }
0xeb: {  	[sflag:s7] =	ssyncadd.s32 $0xFFFFE000  }
0xec: {  	[spmem:s3] =	stream.indirect.scatter.add.f32 [tilespmem:s6], [sflag:$0x3], $0x80, s26, s2, $0xb8;
	[tilespmem:$0x18400] =	vst v63  }
0xed: {  	s15 =	smov.u32 s25;
	_ =	swait.ge [sflag:s31], $0x2000  }
0xee: {  	s29 =	sadd.s32 $0xFFFFFFFF, s16;
	s16 =	smov.u32 s18;
	[sflag:s31] =	ssyncset.done $0x0  }
.LBB2_4:
0xef: {  	[sflag:s31] =	ssyncadd.s32 $0xFFFFE000;
	s16 =	sadd.s32 $0x80, s16  }
0xf0: {  	[tilespmem:s4], [sflag:$0x3] =	stream.linear.gather [hbm4b:s16+s4], $0x400, $0x38;
	[tilespmem:$0x18400] =	vst v63  }
0xf1: {  	_ =	swait.ge [sflag:s31], $0x400  }
0xf2: {  	[sflag:s31] =	ssyncset.done $0x0  }
0xf3: {  	s15 =	sadd.s32 $0x80, s15;
	[sflag:s31] =	ssyncadd.s32 $0xFFFFFC00  }
0xf4: {  	[tilespmem:s0], [sflag:$0x3] =	stream.linear.gather [hbm4b:s15+s4], $0x400, $0x38;
	[tilespmem:$0x18400] =	vst v63  }
0xf5: {  	_ =	swait.ge [sflag:s31], $0x400  }
0xf6: {  	[sflag:s31] =	ssyncset.done $0x0  }
0xf7: {  	[sflag:s31] =	ssyncadd.s32 $0xFFFFFC00  }
0xf8: {  	[tilespmem:s30], [sflag:$0x1] =	stream.indirect.gather [hbm4b:s1+s2], $0x80, s4, s2, $0xb8;
	[tilespmem:$0x18400] =	vst v63  }
0xf9: {  	_ =	swait.ge [sflag:s5], $0x2000  }
0xfa: {  	[sflag:s5] =	ssyncset.done $0x0  }
0xfb: {  	[sflag:s5] =	ssyncadd.s32 $0xFFFFE000  }
0xfc: {  	[tilespmem:s6], [sflag:$0x2] =	stream.indirect.gather [hbm4b:s1+s2], $0x80, s2, s2, $0xb8;
	[tilespmem:$0x18400] =	vst v63  }
0xfd: {  	_ = 	snop  }
0xfe: {  	[spmem:s3] =	stream.indirect.scatter.add.f32 [tilespmem:s30], [sflag:$0x3], $0x80, s0, s2, $0xb8;
	[tilespmem:$0x18400] =	vst v63  }
0xff: {  	_ =	swait.ge [sflag:s31], $0x2000  }
0x100: {  	[sflag:s31] =	ssyncset.done $0x0  }
0x101: {  	[sflag:s31] =	ssyncadd.s32 $0xFFFFE000  }
0x102: {  	_ =	swait.ge [sflag:s7], $0x2000  }
0x103: {  	[sflag:s7] =	ssyncset.done $0x0  }
0x104: {  	[sflag:s7] =	ssyncadd.s32 $0xFFFFE000  }
0x105: {  	[tilespmem:s30], [sflag:$0x1] =	stream.indirect.gather [hbm4b:s1+s2], $0x80, s8, s2, $0xb8;
	[tilespmem:$0x18400] =	vst v63  }
0x106: {  	s18 =	rddreg [dreg:$0x5]  }
0x107: {  	[spmem:s3] =	stream.indirect.scatter.add.f32 [tilespmem:s6], [sflag:$0x3], $0x80, s18, s2, $0xb8;
	[tilespmem:$0x18400] =	vst v63  }
0x108: {  	_ =	swait.ge [sflag:s31], $0x2000  }
0x109: {  	[sflag:s31] =	ssyncset.done $0x0  }
0x10a: {  	[sflag:s31] =	ssyncadd.s32 $0xFFFFE000  }
0x10b: {  	_ =	swait.ge [sflag:s5], $0x2000  }
0x10c: {  	[sflag:s5] =	ssyncset.done $0x0  }
0x10d: {  	s25 =	rddreg [dreg:$0x6];
	[sflag:s5] =	ssyncadd.s32 $0xFFFFE000  }
0x10e: {  	[tilespmem:s6], [sflag:$0x2] =	stream.indirect.gather [hbm4b:s1+s2], $0x80, s25, s2, $0xb8;
	[tilespmem:$0x18400] =	vst v63  }
0x10f: {  	_ = 	snop  }
0x110: {  	[spmem:s3] =	stream.indirect.scatter.add.f32 [tilespmem:s30], [sflag:$0x3], $0x80, s9, s2, $0xb8;
	[tilespmem:$0x18400] =	vst v63  }
0x111: {  	_ =	swait.ge [sflag:s31], $0x2000  }
0x112: {  	[sflag:s31] =	ssyncset.done $0x0  }
0x113: {  	[sflag:s31] =	ssyncadd.s32 $0xFFFFE000  }
0x114: {  	_ =	swait.ge [sflag:s7], $0x2000  }
0x115: {  	[sflag:s7] =	ssyncset.done $0x0  }
0x116: {  	s18 =	rddreg [dreg:$0x7];
	[sflag:s7] =	ssyncadd.s32 $0xFFFFE000  }
0x117: {  	[tilespmem:s30], [sflag:$0x1] =	stream.indirect.gather [hbm4b:s1+s2], $0x80, s18, s2, $0xb8;
	[tilespmem:$0x18400] =	vst v63  }
0x118: {  	s25 =	rddreg [dreg:$0x8]  }
0x119: {  	[spmem:s3] =	stream.indirect.scatter.add.f32 [tilespmem:s6], [sflag:$0x3], $0x80, s25, s2, $0xb8;
	[tilespmem:$0x18400] =	vst v63  }
0x11a: {  	_ =	swait.ge [sflag:s31], $0x2000  }
0x11b: {  	[sflag:s31] =	ssyncset.done $0x0  }
0x11c: {  	[sflag:s31] =	ssyncadd.s32 $0xFFFFE000  }
0x11d: {  	_ =	swait.ge [sflag:s5], $0x2000  }
0x11e: {  	[sflag:s5] =	ssyncset.done $0x0  }
0x11f: {  	s25 =	rddreg [dreg:$0x9];
	[sflag:s5] =	ssyncadd.s32 $0xFFFFE000  }
0x120: {  	[tilespmem:s6], [sflag:$0x2] =	stream.indirect.gather [hbm4b:s1+s2], $0x80, s25, s2, $0xb8;
	[tilespmem:$0x18400] =	vst v63  }
0x121: {  	_ = 	snop  }
0x122: {  	[spmem:s3] =	stream.indirect.scatter.add.f32 [tilespmem:s30], [sflag:$0x3], $0x80, s10, s2, $0xb8;
	[tilespmem:$0x18400] =	vst v63  }
0x123: {  	_ =	swait.ge [sflag:s31], $0x2000  }
0x124: {  	[sflag:s31] =	ssyncset.done $0x0  }
0x125: {  	[sflag:s31] =	ssyncadd.s32 $0xFFFFE000  }
0x126: {  	_ =	swait.ge [sflag:s7], $0x2000  }
0x127: {  	[sflag:s7] =	ssyncset.done $0x0  }
0x128: {  	s18 =	rddreg [dreg:$0xa];
	[sflag:s7] =	ssyncadd.s32 $0xFFFFE000  }
0x129: {  	[tilespmem:s30], [sflag:$0x1] =	stream.indirect.gather [hbm4b:s1+s2], $0x80, s18, s2, $0xb8;
	[tilespmem:$0x18400] =	vst v63  }
0x12a: {  	s25 =	rddreg [dreg:$0xb]  }
0x12b: {  	[spmem:s3] =	stream.indirect.scatter.add.f32 [tilespmem:s6], [sflag:$0x3], $0x80, s25, s2, $0xb8;
	[tilespmem:$0x18400] =	vst v63  }
0x12c: {  	_ =	swait.ge [sflag:s31], $0x2000  }
0x12d: {  	[sflag:s31] =	ssyncset.done $0x0  }
0x12e: {  	[sflag:s31] =	ssyncadd.s32 $0xFFFFE000  }
0x12f: {  	_ =	swait.ge [sflag:s5], $0x2000  }
0x130: {  	[sflag:s5] =	ssyncset.done $0x0  }
0x131: {  	s25 =	rddreg [dreg:$0xc];
	[sflag:s5] =	ssyncadd.s32 $0xFFFFE000  }
0x132: {  	[tilespmem:s6], [sflag:$0x2] =	stream.indirect.gather [hbm4b:s1+s2], $0x80, s25, s2, $0xb8;
	[tilespmem:$0x18400] =	vst v63  }
0x133: {  	_ = 	snop  }
0x134: {  	[spmem:s3] =	stream.indirect.scatter.add.f32 [tilespmem:s30], [sflag:$0x3], $0x80, s11, s2, $0xb8;
	[tilespmem:$0x18400] =	vst v63  }
0x135: {  	_ =	swait.ge [sflag:s31], $0x2000  }
0x136: {  	[sflag:s31] =	ssyncset.done $0x0  }
0x137: {  	[sflag:s31] =	ssyncadd.s32 $0xFFFFE000  }
0x138: {  	_ =	swait.ge [sflag:s7], $0x2000  }
0x139: {  	[sflag:s7] =	ssyncset.done $0x0  }
0x13a: {  	s18 =	rddreg [dreg:$0xd];
	[sflag:s7] =	ssyncadd.s32 $0xFFFFE000  }
0x13b: {  	[tilespmem:s30], [sflag:$0x1] =	stream.indirect.gather [hbm4b:s1+s2], $0x80, s18, s2, $0xb8;
	[tilespmem:$0x18400] =	vst v63  }
0x13c: {  	s25 =	rddreg [dreg:$0xe]  }
0x13d: {  	[spmem:s3] =	stream.indirect.scatter.add.f32 [tilespmem:s6], [sflag:$0x3], $0x80, s25, s2, $0xb8;
	[tilespmem:$0x18400] =	vst v63  }
0x13e: {  	_ =	swait.ge [sflag:s31], $0x2000  }
0x13f: {  	[sflag:s31] =	ssyncset.done $0x0  }
0x140: {  	[sflag:s31] =	ssyncadd.s32 $0xFFFFE000  }
0x141: {  	_ =	swait.ge [sflag:s5], $0x2000  }
0x142: {  	[sflag:s5] =	ssyncset.done $0x0  }
0x143: {  	s25 =	rddreg [dreg:$0xf];
	[sflag:s5] =	ssyncadd.s32 $0xFFFFE000  }
0x144: {  	[tilespmem:s6], [sflag:$0x2] =	stream.indirect.gather [hbm4b:s1+s2], $0x80, s25, s2, $0xb8;
	[tilespmem:$0x18400] =	vst v63  }
0x145: {  	_ = 	snop  }
0x146: {  	[spmem:s3] =	stream.indirect.scatter.add.f32 [tilespmem:s30], [sflag:$0x3], $0x80, s12, s2, $0xb8;
	[tilespmem:$0x18400] =	vst v63  }
0x147: {  	_ =	swait.ge [sflag:s31], $0x2000  }
0x148: {  	[sflag:s31] =	ssyncset.done $0x0  }
0x149: {  	[sflag:s31] =	ssyncadd.s32 $0xFFFFE000  }
0x14a: {  	_ =	swait.ge [sflag:s7], $0x2000  }
0x14b: {  	[sflag:s7] =	ssyncset.done $0x0  }
0x14c: {  	s18 =	rddreg [dreg:$0x10];
	[sflag:s7] =	ssyncadd.s32 $0xFFFFE000  }
0x14d: {  	[tilespmem:s30], [sflag:$0x1] =	stream.indirect.gather [hbm4b:s1+s2], $0x80, s18, s2, $0xb8;
	[tilespmem:$0x18400] =	vst v63  }
0x14e: {  	s25 =	rddreg [dreg:$0x11]  }
0x14f: {  	[spmem:s3] =	stream.indirect.scatter.add.f32 [tilespmem:s6], [sflag:$0x3], $0x80, s25, s2, $0xb8;
	[tilespmem:$0x18400] =	vst v63  }
0x150: {  	_ =	swait.ge [sflag:s31], $0x2000  }
0x151: {  	[sflag:s31] =	ssyncset.done $0x0  }
0x152: {  	[sflag:s31] =	ssyncadd.s32 $0xFFFFE000  }
0x153: {  	_ =	swait.ge [sflag:s5], $0x2000  }
0x154: {  	[sflag:s5] =	ssyncset.done $0x0  }
0x155: {  	s25 =	rddreg [dreg:$0x12];
	[sflag:s5] =	ssyncadd.s32 $0xFFFFE000  }
0x156: {  	[tilespmem:s6], [sflag:$0x2] =	stream.indirect.gather [hbm4b:s1+s2], $0x80, s25, s2, $0xb8;
	[tilespmem:$0x18400] =	vst v63  }
0x157: {  	_ = 	snop  }
0x158: {  	[spmem:s3] =	stream.indirect.scatter.add.f32 [tilespmem:s30], [sflag:$0x3], $0x80, s13, s2, $0xb8;
	[tilespmem:$0x18400] =	vst v63  }
0x159: {  	_ =	swait.ge [sflag:s31], $0x2000  }
0x15a: {  	[sflag:s31] =	ssyncset.done $0x0  }
0x15b: {  	[sflag:s31] =	ssyncadd.s32 $0xFFFFE000  }
0x15c: {  	_ =	swait.ge [sflag:s7], $0x2000  }
0x15d: {  	[sflag:s7] =	ssyncset.done $0x0  }
0x15e: {  	[sflag:s7] =	ssyncadd.s32 $0xFFFFE000  }
0x15f: {  	[tilespmem:s30], [sflag:$0x1] =	stream.indirect.gather [hbm4b:s1+s2], $0x80, s14, s2, $0xb8;
	[tilespmem:$0x18400] =	vst v63  }
0x160: {  	_ = 	snop  }
0x161: {  	[spmem:s3] =	stream.indirect.scatter.add.f32 [tilespmem:s6], [sflag:$0x3], $0x80, s24, s2, $0xb8;
	[tilespmem:$0x18400] =	vst v63  }
0x162: {  	_ =	swait.ge [sflag:s31], $0x2000  }
0x163: {  	[sflag:s31] =	ssyncset.done $0x0  }
0x164: {  	[sflag:s31] =	ssyncadd.s32 $0xFFFFE000  }
0x165: {  	_ =	swait.ge [sflag:s5], $0x2000  }
0x166: {  	[sflag:s5] =	ssyncset.done $0x0  }
0x167: {  	[sflag:s5] =	ssyncadd.s32 $0xFFFFE000  }
0x168: {  	[tilespmem:s6], [sflag:$0x2] =	stream.indirect.gather [hbm4b:s1+s2], $0x80, s17, s2, $0xb8;
	[tilespmem:$0x18400] =	vst v63  }
0x169: {  	_ = 	snop  }
0x16a: {  	[spmem:s3] =	stream.indirect.scatter.add.f32 [tilespmem:s30], [sflag:$0x3], $0x80, s19, s2, $0xb8;
	[tilespmem:$0x18400] =	vst v63  }
0x16b: {  	_ =	swait.ge [sflag:s31], $0x2000  }
0x16c: {  	[sflag:s31] =	ssyncset.done $0x0  }
0x16d: {  	[sflag:s31] =	ssyncadd.s32 $0xFFFFE000  }
0x16e: {  	_ =	swait.ge [sflag:s7], $0x2000  }
0x16f: {  	[sflag:s7] =	ssyncset.done $0x0  }
0x170: {  	[sflag:s7] =	ssyncadd.s32 $0xFFFFE000  }
0x171: {  	[tilespmem:s30], [sflag:$0x1] =	stream.indirect.gather [hbm4b:s1+s2], $0x80, s20, s2, $0xb8;
	[tilespmem:$0x18400] =	vst v63  }
0x172: {  	_ = 	snop  }
0x173: {  	[spmem:s3] =	stream.indirect.scatter.add.f32 [tilespmem:s6], [sflag:$0x3], $0x80, s21, s2, $0xb8;
	[tilespmem:$0x18400] =	vst v63  }
0x174: {  	_ =	swait.ge [sflag:s31], $0x2000  }
0x175: {  	[sflag:s31] =	ssyncset.done $0x0  }
0x176: {  	[sflag:s31] =	ssyncadd.s32 $0xFFFFE000  }
0x177: {  	_ =	swait.ge [sflag:s5], $0x2000  }
0x178: {  	[sflag:s5] =	ssyncset.done $0x0  }
0x179: {  	[sflag:s5] =	ssyncadd.s32 $0xFFFFE000  }
0x17a: {  	[tilespmem:s6], [sflag:$0x2] =	stream.indirect.gather [hbm4b:s1+s2], $0x80, s22, s2, $0xb8;
	[tilespmem:$0x18400] =	vst v63  }
0x17b: {  	_ = 	snop  }
0x17c: {  	[spmem:s3] =	stream.indirect.scatter.add.f32 [tilespmem:s30], [sflag:$0x3], $0x80, s23, s2, $0xb8;
	[tilespmem:$0x18400] =	vst v63  }
0x17d: {  	_ =	swait.ge [sflag:s31], $0x2000  }
0x17e: {  	[sflag:s31] =	ssyncset.done $0x0  }
0x17f: {  	[sflag:s31] =	ssyncadd.s32 $0xFFFFE000  }
0x180: {  	p1 =	sne.s32 s29, $0x1;
	_ =	swait.ge [sflag:s7], $0x2000  }
.Ltmp2:
0x181: {  	[sflag:s7] =	ssyncset.done $0x0;
	(pc) =	sbr.rel @p1 .LBB2_4-.Ltmp2, $4  }
0x182: {  	[sflag:s7] =	ssyncadd.s32 $0xFFFFE000  }
0x183: {  	[spmem:s3] =	stream.indirect.scatter.add.f32 [tilespmem:s6], [sflag:$0x3], $0x80, s26, s2, $0xb8;
	[tilespmem:$0x18400] =	vst v63  }
0x184: {  	_ =	swait.ge [sflag:s31], $0x2000  }
0x185: {  	s29 =	sadd.s32 $0xFFFFFFFF, s29;
	[sflag:s31] =	ssyncset.done $0x0  }
.LBB2_5:
0x186: {  	[sflag:s31] =	ssyncadd.s32 $0xFFFFE000  }
0x187: {  	[bflag:$0x0] =	sbarrier.arrive $0xFFFF  }
0x188: {  	s15 =	sld [smem:$0x7F4];
	_ =	sdelay $0x2  }
0x189: {  	[tilespmem:s30], [sflag:$0x3] =	stream.linear.gather [spmem:s15], $0x4000, $0x38;
	[tilespmem:$0x18400] =	vst v63  }
0x18a: {  	_ =	swait.ge [sflag:s31], $0x4000  }
0x18b: {  	[sflag:s31] =	ssyncset.done $0x0  }
0x18c: {  	s15 =	simm.s32 $0x0;
	s16 =	rddreg [dreg:$0x13];
	[sflag:s31] =	ssyncadd.s32 $0xFFFFC000  }
0x18d: {  	[hbm4b:s16+s15] =	stream.linear.scatter [tilespmem:s30], [sflag:$0x3], $0x4000, $0x38;
	[tilespmem:$0x18400] =	vst v63  }
0x18e: {  	_ =	swait.ge [sflag:s31], $0x4000  }
0x18f: {  	s25 =	sld [smem:$0x7F5]  }
0x190: {  	[sflag:s31] =	ssyncset.done $0x0  }
0x191: {  	[sflag:s31] =	ssyncadd.s32 $0xFFFFC000  }
0x192: {  	[tilespmem:s30], [sflag:$0x3] =	stream.linear.gather [spmem:s25], $0x4000, $0x38;
	[tilespmem:$0x18400] =	vst v63  }
0x193: {  	_ =	swait.ge [sflag:s31], $0x4000  }
0x194: {  	[sflag:s31] =	ssyncset.done $0x0  }
0x195: {  	s18 =	rddreg [dreg:$0x14];
	[sflag:s31] =	ssyncadd.s32 $0xFFFFC000  }
0x196: {  	[hbm4b:s18+s15] =	stream.linear.scatter [tilespmem:s30], [sflag:$0x3], $0x4000, $0x38;
	[tilespmem:$0x18400] =	vst v63  }
0x197: {  	_ =	swait.ge [sflag:s31], $0x4000  }
0x198: {  	s25 =	sld [smem:$0x7F6]  }
0x199: {  	[sflag:s31] =	ssyncset.done $0x0  }
0x19a: {  	[sflag:s31] =	ssyncadd.s32 $0xFFFFC000  }
0x19b: {  	[tilespmem:s30], [sflag:$0x3] =	stream.linear.gather [spmem:s25], $0x4000, $0x38;
	[tilespmem:$0x18400] =	vst v63  }
0x19c: {  	_ =	swait.ge [sflag:s31], $0x4000  }
0x19d: {  	[sflag:s31] =	ssyncset.done $0x0  }
0x19e: {  	s18 =	rddreg [dreg:$0x15];
	[sflag:s31] =	ssyncadd.s32 $0xFFFFC000  }
0x19f: {  	[hbm4b:s18+s15] =	stream.linear.scatter [tilespmem:s30], [sflag:$0x3], $0x4000, $0x38;
	[tilespmem:$0x18400] =	vst v63  }
0x1a0: {  	_ =	swait.ge [sflag:s31], $0x4000  }
0x1a1: {  	s25 =	sld [smem:$0x7F7]  }
0x1a2: {  	[sflag:s31] =	ssyncset.done $0x0  }
0x1a3: {  	[sflag:s31] =	ssyncadd.s32 $0xFFFFC000  }
0x1a4: {  	[tilespmem:s30], [sflag:$0x3] =	stream.linear.gather [spmem:s25], $0x4000, $0x38;
	[tilespmem:$0x18400] =	vst v63  }
0x1a5: {  	_ =	swait.ge [sflag:s31], $0x4000  }
0x1a6: {  	[sflag:s31] =	ssyncset.done $0x0  }
0x1a7: {  	s18 =	rddreg [dreg:$0x16];
	[sflag:s31] =	ssyncadd.s32 $0xFFFFC000  }
0x1a8: {  	[hbm4b:s18+s15] =	stream.linear.scatter [tilespmem:s30], [sflag:$0x3], $0x4000, $0x38;
	[tilespmem:$0x18400] =	vst v63  }
0x1a9: {  	_ =	swait.ge [sflag:s31], $0x4000  }
0x1aa: {  	s25 =	sld [smem:$0x7F8]  }
0x1ab: {  	[sflag:s31] =	ssyncset.done $0x0  }
0x1ac: {  	[sflag:s31] =	ssyncadd.s32 $0xFFFFC000  }
0x1ad: {  	[tilespmem:s30], [sflag:$0x3] =	stream.linear.gather [spmem:s25], $0x3C00, $0x38;
	[tilespmem:$0x18400] =	vst v63  }
0x1ae: {  	_ =	swait.ge [sflag:s31], $0x3C00  }
0x1af: {  	[sflag:s31] =	ssyncset.done $0x0  }
0x1b0: {  	s18 =	rddreg [dreg:$0x17];
	[sflag:s31] =	ssyncadd.s32 $0xFFFFC400  }
0x1b1: {  	[hbm4b:s18+s15] =	stream.linear.scatter [tilespmem:s30], [sflag:$0x3], $0x3C00, $0x38;
	[tilespmem:$0x18400] =	vst v63  }
0x1b2: {  	_ =	swait.ge [sflag:s31], $0x3C00  }
0x1b3: {  	s25 =	sand.u32 $0xFE00, s15;
	[sflag:s31] =	ssyncset.done $0x0  }
0x1b4: {  	s25 =	sshrl.u32 s25, $0x2;
	s18 =	sand.u32 $0x70, s15;
	[sflag:s31] =	ssyncadd.s32 $0xFFFFC400  }
0x1b5: {  	s16 =	simm.s32 $0x40;
	s29 =	sor.u32 s18, s25;
	[bflag:$0x0] =	sbarrier.arrive $0xFFFF  }
.LBB2_6:
0x1b6: {  	p1 =	sne.s32 s16, $0xFFC0  }
0x1b7: {  	[tilespmem:s29+$0x800] =	vst v0;
	s15 =	sadd.s32 $0x10, s15;
	s18 =	smov.u32 s16;
	s16 =	sadd.s32 $0x40, s16  }
.Ltmp3:
0x1b8: {  	(pc) =	sbr.rel @p1 .LBB2_6-.Ltmp3, $4  }
0x1b9: {  	_ = 	snop  }
0x1ba: {  	s18 =	sand.u32 $0xFE00, s18  }
0x1bb: {  	s25 =	sand.u32 $0x70, s15;
	s18 =	sshrl.u32 s18, $0x2  }
0x1bc: {  	s29 =	sor.u32 s25, s18  }
0x1bd: {  	[tilespmem:s29+$0x800] =	vst v0;
	s15 =	rddreg [dreg:$0x1e]  }
0x1be: {  	[spmem:s15] =	stream.linear.scatter [tilespmem:s30], [sflag:$0x3], $0x4000, $0x38;
	[tilespmem:$0x18400] =	vst v63  }
0x1bf: {  	_ =	swait.ge [sflag:s31], $0x4000  }
0x1c0: {  	[sflag:s31] =	ssyncset.done $0x0  }
0x1c1: {  	s25 =	rddreg [dreg:$0x1f];
	[sflag:s31] =	ssyncadd.s32 $0xFFFFC000  }
0x1c2: {  	[spmem:s25] =	stream.linear.scatter [tilespmem:s30], [sflag:$0x3], $0x4000, $0x38;
	[tilespmem:$0x18400] =	vst v63  }
0x1c3: {  	_ =	swait.ge [sflag:s31], $0x4000  }
0x1c4: {  	s16 =	sld [smem:$0x7FB]  }
0x1c5: {  	[sflag:s31] =	ssyncset.done $0x0  }
0x1c6: {  	[sflag:s31] =	ssyncadd.s32 $0xFFFFC000  }
0x1c7: {  	[spmem:s16] =	stream.linear.scatter [tilespmem:s30], [sflag:$0x3], $0x4000, $0x38;
	[tilespmem:$0x18400] =	vst v63  }
0x1c8: {  	_ =	swait.ge [sflag:s31], $0x4000  }
0x1c9: {  	s18 =	sld [smem:$0x7FC]  }
0x1ca: {  	[sflag:s31] =	ssyncset.done $0x0  }
0x1cb: {  	[sflag:s31] =	ssyncadd.s32 $0xFFFFC000  }
0x1cc: {  	[spmem:s18] =	stream.linear.scatter [tilespmem:s30], [sflag:$0x3], $0x4000, $0x38;
	[tilespmem:$0x18400] =	vst v63  }
0x1cd: {  	_ =	swait.ge [sflag:s31], $0x4000  }
0x1ce: {  	s25 =	sld [smem:$0x7FD]  }
0x1cf: {  	[sflag:s31] =	ssyncset.done $0x0  }
0x1d0: {  	[sflag:s31] =	ssyncadd.s32 $0xFFFFC000  }
0x1d1: {  	[spmem:s25] =	stream.linear.scatter [tilespmem:s30], [sflag:$0x3], $0x3C00, $0x38;
	[tilespmem:$0x18400] =	vst v63  }
0x1d2: {  	s15 =	simm.s32 $0x0;
	_ =	swait.ge [sflag:s31], $0x3C00  }
0x1d3: {  	s16 =	sand.u32 $0xFE00, s15;
	[sflag:s31] =	ssyncset.done $0x0  }
0x1d4: {  	s18 =	sand.u32 $0x70, s15;
	s25 =	sshrl.u32 s16, $0x2;
	[sflag:s31] =	ssyncadd.s32 $0xFFFFC400  }
0x1d5: {  	s16 =	simm.s32 $0x40;
	s29 =	sor.u32 s18, s25;
	[bflag:$0x0] =	sbarrier.arrive $0xFFFF  }
.LBB2_8:
0x1d6: {  	p1 =	sne.s32 s16, $0xFFC0  }
0x1d7: {  	[tilespmem:s29+$0x800] =	vst v1;
	s15 =	sadd.s32 $0x10, s15;
	s18 =	smov.u32 s16;
	s16 =	sadd.s32 $0x40, s16  }
.Ltmp4:
0x1d8: {  	(pc) =	sbr.rel @p1 .LBB2_8-.Ltmp4, $4  }
0x1d9: {  	_ = 	snop  }
0x1da: {  	s18 =	sand.u32 $0xFE00, s18  }
0x1db: {  	s25 =	sand.u32 $0x70, s15;
	s18 =	sshrl.u32 s18, $0x2  }
0x1dc: {  	s29 =	sor.u32 s25, s18  }
0x1dd: {  	[tilespmem:s29+$0x800] =	vst v1;
	s25 =	rddreg [dreg:$0x1d]  }
0x1de: {  	[tilespmem:s0], [sflag:$0x3] =	stream.linear.gather [hbm4b:s25+s4], $0x400, $0x38;
	[tilespmem:$0x18400] =	vst v63  }
0x1df: {  	_ =	swait.ge [sflag:s31], $0x400  }
0x1e0: {  	[sflag:s31] =	ssyncset.done $0x0  }
0x1e1: {  	[sflag:s31] =	ssyncadd.s32 $0xFFFFFC00  }
0x1e2: {  	[spmem:s3] =	stream.indirect.scatter.add.f32 [tilespmem:s30], [sflag:$0x1], $0x80, s0, s8, $0xb8;
	[tilespmem:$0x18400] =	vst v63  }
0x1e3: {  	_ = 	snop  }
0x1e4: {  	[spmem:s3] =	stream.indirect.scatter.add.f32 [tilespmem:s30], [sflag:$0x1], $0x80, s9, s8, $0xb8;
	[tilespmem:$0x18400] =	vst v63  }
0x1e5: {  	_ = 	snop  }
0x1e6: {  	[spmem:s3] =	stream.indirect.scatter.add.f32 [tilespmem:s30], [sflag:$0x1], $0x80, s10, s8, $0xb8;
	[tilespmem:$0x18400] =	vst v63  }
0x1e7: {  	_ = 	snop  }
0x1e8: {  	[spmem:s3] =	stream.indirect.scatter.add.f32 [tilespmem:s30], [sflag:$0x1], $0x80, s11, s8, $0xb8;
	[tilespmem:$0x18400] =	vst v63  }
0x1e9: {  	_ = 	snop  }
0x1ea: {  	[spmem:s3] =	stream.indirect.scatter.add.f32 [tilespmem:s30], [sflag:$0x1], $0x80, s12, s8, $0xb8;
	[tilespmem:$0x18400] =	vst v63  }
0x1eb: {  	_ = 	snop  }
0x1ec: {  	[spmem:s3] =	stream.indirect.scatter.add.f32 [tilespmem:s30], [sflag:$0x1], $0x80, s13, s8, $0xb8;
	[tilespmem:$0x18400] =	vst v63  }
0x1ed: {  	_ = 	snop  }
0x1ee: {  	[spmem:s3] =	stream.indirect.scatter.add.f32 [tilespmem:s30], [sflag:$0x1], $0x80, s19, s8, $0xb8;
	[tilespmem:$0x18400] =	vst v63  }
0x1ef: {  	_ = 	snop  }
0x1f0: {  	[spmem:s3] =	stream.indirect.scatter.add.f32 [tilespmem:s30], [sflag:$0x1], $0x80, s23, s8, $0xb8;
	[tilespmem:$0x18400] =	vst v63  }
0x1f1: {  	_ =	swait.ge [sflag:s5], $0x4000  }
0x1f2: {  	[sflag:s5] =	ssyncset.done $0x0  }
0x1f3: {  	[sflag:s5] =	ssyncadd.s32 $0xFFFFC000  }
0x1f4: {  	_ =	swait.ge [sflag:s5], $0x4000  }
0x1f5: {  	[sflag:s5] =	ssyncset.done $0x0  }
0x1f6: {  	[sflag:s5] =	ssyncadd.s32 $0xFFFFC000  }
0x1f7: {  	_ =	swait.ge [sflag:s5], $0x4000  }
0x1f8: {  	[sflag:s5] =	ssyncset.done $0x0  }
0x1f9: {  	[sflag:s5] =	ssyncadd.s32 $0xFFFFC000  }
0x1fa: {  	_ =	swait.ge [sflag:s5], $0x4000  }
0x1fb: {  	[sflag:s5] =	ssyncset.done $0x0  }
0x1fc: {  	[sflag:s5] =	ssyncadd.s32 $0xFFFFC000  }
0x1fd: {  	_ =	swait.ge [sflag:s5], $0x4000  }
0x1fe: {  	[sflag:s5] =	ssyncset.done $0x0  }
0x1ff: {  	[sflag:s5] =	ssyncadd.s32 $0xFFFFC000  }
0x200: {  	_ =	swait.ge [sflag:s5], $0x4000  }
0x201: {  	[sflag:s5] =	ssyncset.done $0x0  }
0x202: {  	[sflag:s5] =	ssyncadd.s32 $0xFFFFC000  }
0x203: {  	_ =	swait.ge [sflag:s5], $0x4000  }
0x204: {  	[sflag:s5] =	ssyncset.done $0x0  }
0x205: {  	[sflag:s5] =	ssyncadd.s32 $0xFFFFC000  }
.Ltmp5:
0x206: {  	_ =	swait.ge [sflag:s5], $0x4000;
	(pc) =	sbr.rel @!p0 .LBB2_11-.Ltmp5, $2  }
0x207: {  	s15 =	sld [smem:$0x7F3];
	_ =	sdelay $0x2  }
0x208: {  	s16 =	smov.u32 s25;
	[sflag:s5] =	ssyncset.done $0x0;
	s15 =	sadd.s32 $0xFFFFFFFF, s15  }
.LBB2_10:
0x209: {  	p0 =	sne.s32 s15, $0x1;
	[sflag:s5] =	ssyncadd.s32 $0xFFFFC000;
	s16 =	sadd.s32 $0x80, s16  }
0x20a: {  	[tilespmem:s0], [sflag:$0x3] =	stream.linear.gather [hbm4b:s16+s4], $0x400, $0x38;
	[tilespmem:$0x18400] =	vst v63  }
0x20b: {  	s15 =	sadd.s32 $0xFFFFFFFF, s15;
	_ =	swait.ge [sflag:s31], $0x400  }
0x20c: {  	[sflag:s31] =	ssyncset.done $0x0  }
0x20d: {  	[sflag:s31] =	ssyncadd.s32 $0xFFFFFC00  }
0x20e: {  	[spmem:s3] =	stream.indirect.scatter.add.f32 [tilespmem:s30], [sflag:$0x1], $0x80, s0, s8, $0xb8;
	[tilespmem:$0x18400] =	vst v63  }
0x20f: {  	_ = 	snop  }
0x210: {  	[spmem:s3] =	stream.indirect.scatter.add.f32 [tilespmem:s30], [sflag:$0x1], $0x80, s9, s8, $0xb8;
	[tilespmem:$0x18400] =	vst v63  }
0x211: {  	_ = 	snop  }
0x212: {  	[spmem:s3] =	stream.indirect.scatter.add.f32 [tilespmem:s30], [sflag:$0x1], $0x80, s10, s8, $0xb8;
	[tilespmem:$0x18400] =	vst v63  }
0x213: {  	_ = 	snop  }
0x214: {  	[spmem:s3] =	stream.indirect.scatter.add.f32 [tilespmem:s30], [sflag:$0x1], $0x80, s11, s8, $0xb8;
	[tilespmem:$0x18400] =	vst v63  }
0x215: {  	_ = 	snop  }
0x216: {  	[spmem:s3] =	stream.indirect.scatter.add.f32 [tilespmem:s30], [sflag:$0x1], $0x80, s12, s8, $0xb8;
	[tilespmem:$0x18400] =	vst v63  }
0x217: {  	_ = 	snop  }
0x218: {  	[spmem:s3] =	stream.indirect.scatter.add.f32 [tilespmem:s30], [sflag:$0x1], $0x80, s13, s8, $0xb8;
	[tilespmem:$0x18400] =	vst v63  }
0x219: {  	_ = 	snop  }
0x21a: {  	[spmem:s3] =	stream.indirect.scatter.add.f32 [tilespmem:s30], [sflag:$0x1], $0x80, s19, s8, $0xb8;
	[tilespmem:$0x18400] =	vst v63  }
0x21b: {  	_ = 	snop  }
0x21c: {  	[spmem:s3] =	stream.indirect.scatter.add.f32 [tilespmem:s30], [sflag:$0x1], $0x80, s23, s8, $0xb8;
	[tilespmem:$0x18400] =	vst v63  }
0x21d: {  	_ =	swait.ge [sflag:s5], $0x4000  }
0x21e: {  	[sflag:s5] =	ssyncset.done $0x0  }
0x21f: {  	[sflag:s5] =	ssyncadd.s32 $0xFFFFC000  }
0x220: {  	_ =	swait.ge [sflag:s5], $0x4000  }
0x221: {  	[sflag:s5] =	ssyncset.done $0x0  }
0x222: {  	[sflag:s5] =	ssyncadd.s32 $0xFFFFC000  }
0x223: {  	_ =	swait.ge [sflag:s5], $0x4000  }
0x224: {  	[sflag:s5] =	ssyncset.done $0x0  }
0x225: {  	[sflag:s5] =	ssyncadd.s32 $0xFFFFC000  }
0x226: {  	_ =	swait.ge [sflag:s5], $0x4000  }
0x227: {  	[sflag:s5] =	ssyncset.done $0x0  }
0x228: {  	[sflag:s5] =	ssyncadd.s32 $0xFFFFC000  }
0x229: {  	_ =	swait.ge [sflag:s5], $0x4000  }
0x22a: {  	[sflag:s5] =	ssyncset.done $0x0  }
0x22b: {  	[sflag:s5] =	ssyncadd.s32 $0xFFFFC000  }
0x22c: {  	_ =	swait.ge [sflag:s5], $0x4000  }
0x22d: {  	[sflag:s5] =	ssyncset.done $0x0  }
0x22e: {  	[sflag:s5] =	ssyncadd.s32 $0xFFFFC000  }
.Ltmp6:
0x22f: {  	_ =	swait.ge [sflag:s5], $0x4000;
	(pc) =	sbr.rel @p0 .LBB2_10-.Ltmp6, $4  }
0x230: {  	[sflag:s5] =	ssyncset.done $0x0  }
0x231: {  	[sflag:s5] =	ssyncadd.s32 $0xFFFFC000  }
0x232: {  	_ =	swait.ge [sflag:s5], $0x4000  }
0x233: {  	[sflag:s5] =	ssyncset.done $0x0  }
.LBB2_11:
0x234: {  	[sflag:s5] =	ssyncadd.s32 $0xFFFFC000  }
0x235: {  	[bflag:$0x0] =	sbarrier.arrive $0xFFFF  }
0x236: {  	s15 =	sld [smem:$0x7F4];
	_ =	sdelay $0x2  }
0x237: {  	[tilespmem:s30], [sflag:$0x3] =	stream.linear.gather [spmem:s15], $0x4000, $0x38;
	[tilespmem:$0x18400] =	vst v63  }
0x238: {  	_ =	swait.ge [sflag:s31], $0x4000  }
0x239: {  	[sflag:s31] =	ssyncset.done $0x0  }
0x23a: {  	s29 =	rddreg [dreg:$0x18];
	[sflag:s31] =	ssyncadd.s32 $0xFFFFC000  }
0x23b: {  	[hbm4b:s29+s4] =	stream.linear.scatter [tilespmem:s30], [sflag:$0x3], $0x4000, $0x38;
	[tilespmem:$0x18400] =	vst v63  }
0x23c: {  	_ =	swait.ge [sflag:s31], $0x4000  }
0x23d: {  	s16 =	sld [smem:$0x7F5]  }
0x23e: {  	[sflag:s31] =	ssyncset.done $0x0  }
0x23f: {  	[sflag:s31] =	ssyncadd.s32 $0xFFFFC000  }
0x240: {  	[tilespmem:s30], [sflag:$0x3] =	stream.linear.gather [spmem:s16], $0x4000, $0x38;
	[tilespmem:$0x18400] =	vst v63  }
0x241: {  	_ =	swait.ge [sflag:s31], $0x4000  }
0x242: {  	[sflag:s31] =	ssyncset.done $0x0  }
0x243: {  	s18 =	rddreg [dreg:$0x19];
	[sflag:s31] =	ssyncadd.s32 $0xFFFFC000  }
0x244: {  	[hbm4b:s18+s4] =	stream.linear.scatter [tilespmem:s30], [sflag:$0x3], $0x4000, $0x38;
	[tilespmem:$0x18400] =	vst v63  }
0x245: {  	_ =	swait.ge [sflag:s31], $0x4000  }
0x246: {  	s29 =	sld [smem:$0x7F6]  }
0x247: {  	[sflag:s31] =	ssyncset.done $0x0  }
0x248: {  	[sflag:s31] =	ssyncadd.s32 $0xFFFFC000  }
0x249: {  	[tilespmem:s30], [sflag:$0x3] =	stream.linear.gather [spmem:s29], $0x4000, $0x38;
	[tilespmem:$0x18400] =	vst v63  }
0x24a: {  	_ =	swait.ge [sflag:s31], $0x4000  }
0x24b: {  	[sflag:s31] =	ssyncset.done $0x0  }
0x24c: {  	s16 =	rddreg [dreg:$0x1a];
	[sflag:s31] =	ssyncadd.s32 $0xFFFFC000  }
0x24d: {  	[hbm4b:s16+s4] =	stream.linear.scatter [tilespmem:s30], [sflag:$0x3], $0x4000, $0x38;
	[tilespmem:$0x18400] =	vst v63  }
0x24e: {  	_ =	swait.ge [sflag:s31], $0x4000  }
0x24f: {  	s18 =	sld [smem:$0x7F7]  }
0x250: {  	[sflag:s31] =	ssyncset.done $0x0  }
0x251: {  	[sflag:s31] =	ssyncadd.s32 $0xFFFFC000  }
0x252: {  	[tilespmem:s30], [sflag:$0x3] =	stream.linear.gather [spmem:s18], $0x4000, $0x38;
	[tilespmem:$0x18400] =	vst v63  }
0x253: {  	_ =	swait.ge [sflag:s31], $0x4000  }
0x254: {  	[sflag:s31] =	ssyncset.done $0x0  }
0x255: {  	s29 =	rddreg [dreg:$0x1b];
	[sflag:s31] =	ssyncadd.s32 $0xFFFFC000  }
0x256: {  	[hbm4b:s29+s4] =	stream.linear.scatter [tilespmem:s30], [sflag:$0x3], $0x4000, $0x38;
	[tilespmem:$0x18400] =	vst v63  }
0x257: {  	_ =	swait.ge [sflag:s31], $0x4000  }
0x258: {  	s16 =	sld [smem:$0x7F8]  }
0x259: {  	[sflag:s31] =	ssyncset.done $0x0  }
0x25a: {  	[sflag:s31] =	ssyncadd.s32 $0xFFFFC000  }
0x25b: {  	[tilespmem:s30], [sflag:$0x3] =	stream.linear.gather [spmem:s16], $0x3C00, $0x38;
	[tilespmem:$0x18400] =	vst v63  }
0x25c: {  	_ =	swait.ge [sflag:s31], $0x3C00  }
0x25d: {  	[sflag:s31] =	ssyncset.done $0x0  }
0x25e: {  	s18 =	rddreg [dreg:$0x1c];
	[sflag:s31] =	ssyncadd.s32 $0xFFFFC400  }
0x25f: {  	[hbm4b:s18+s4] =	stream.linear.scatter [tilespmem:s30], [sflag:$0x3], $0x3C00, $0x38;
	[tilespmem:$0x18400] =	vst v63  }
0x260: {  	_ =	swait.ge [sflag:s31], $0x3C00  }
0x261: {  	s29 =	sld [smem:$0x7F9];
	_ =	sdelay $0x1  }
0x262: {  	s28 =	sadd.s32 $0x1, s28  }
0x263: {  	p0 =	sne.s32 s28, s29  }
.Ltmp7:
0x264: {  	_ = 	snop;
	(pc) =	sbr.rel @p0 .LBB2_1-.Ltmp7, $3  }
0x265: {  	_ =	sdelay $0x1  }
0x266: {  	[sflag:s31] =	ssyncset.done $0x0  }
0x267: {  	[sflag:s31] =	ssyncadd.s32 $0xFFFFC400  }
0x268: {  	_ =	sfence.sel $0x180000  }
0x269: {  	[bflag:$0x0] =	sbarrier.arrive $0xFFFF  }
0x26a: {  	_ =	strace $0x90000047  }
0x26b: {  	s0 =	stileid.u32;
	[bflag:$0x2] =	sbarrier.arrive $0xFFFF  }
0x26c: {  	p0 =	sne.s32 s0, $0x0;
	s0 =	rddreg [dreg:$0x4]  }
0x26d: {  	s0 =	sadd.s32 @!p0 $0x100000, s0  }
0x26e: {  	[sflag:s0] =	ssyncadd.tile.s32 @!p0 $0x1;
	_ =	shalt  }
.Lfunc_end2:
_tile_overlayer_lowered:
.L_overlay_start_2:
0x26f: {  	(tag) =	ssettag $0x2  }
0x270: {  	s0 =	rddreg [dreg:$0x0];
	s2 =	stileid.u32  }
0x271: {  	s1 =	rddreg [dreg:$0x1];
	p0 =	sne.s32 s2, $0x0  }
0x272: {  	s3 =	rddreg [dreg:$0x2];
	[bflag:$0x3] =	sbarrier.arrive $0xFFFF;
	s2 =	simm.s32 @!p0 $0x1C03  }
0x273: {  	[timem:s3], [sflag:s2] =	dma.local @!p0 [hbm:s0], s1  }
0x274: {  	s0 =	simm.s32 @!p0 $0x3  }
0x275: {  	_ =	swait.ge @!p0 [sflag:s0], s1  }
0x276: {  	s1 =	ssub.s32 @!p0 $0x0, s1;
	[sflag:s0] =	ssyncset.done @!p0 $0x0  }
0x277: {  	[sflag:s0] =	ssyncadd.s32 @!p0 s1  }
0x278: {  	[bflag:$0x3] =	sbarrier.arrive $0xFFFF  }
0x279: {  	_ =	shalt  }

</sc_bundles>
